<compile_context>
chip_gen: v7x
topology: tpu7x:2x2x1
jax: 0.10.2.dev20260603
libtpu: 0.0.44.dev20260713+nightly
codegen_flags: <defaults>
</compile_context>

<pallas_src>
import functools

import jax
import jax.numpy as jnp
from jax import lax
from jax.experimental import pallas as pl
from jax.experimental.pallas import tpu as pltpu
from jax.experimental.pallas import tpu_sc as plsc

N = 10000
E = 320000
D_IN = 128
D_HID = 32
D_OUT = 128

NPAD = 10240
NC = 2
NS = 16
NW = NC * NS
BLK = 128
EBLK = E // BLK
EB_LO = EBLK // NW
EB_HI = EB_LO + 1
EXTRA = EBLK - EB_LO * NW
NBUF = 8
LAG = 3
ROWS = NPAD // NS
NROW4 = N // 4
NPAD4 = NPAD // 4

_MESH = plsc.VectorSubcoreMesh(
    core_axis_name="c", subcore_axis_name="s", num_cores=NC, num_subcores=NS
)
_SC_PARAMS = pltpu.CompilerParams(
    use_tc_tiling_on_sc=False, needs_layout_passes=False
)


@functools.partial(
    pl.kernel,
    out_type=jax.ShapeDtypeStruct((NC, NPAD, D_HID), jnp.float32),
    mesh=_MESH,
    scratch_types=[
        pltpu.VMEM((EB_HI, BLK), jnp.int32),
        pltpu.VMEM((BLK,), jnp.float32),
        pltpu.VMEM((ROWS,), jnp.float32),
        pltpu.VMEM((ROWS, D_HID), jnp.float32),
        pltpu.VMEM_SHARED((NPAD,), jnp.float32),
        pltpu.SemaphoreType.DMA,
    ],
    compiler_params=_SC_PARAMS,
)
def _deg_call(edge_hbm, deg_out, dst_v, ones_v, obuf_v, dex_v, deg_sh, sem):
    c = lax.axis_index("c")
    s = lax.axis_index("s")
    w = s * NC + c
    nrow = jnp.where(w < EXTRA, EB_HI, EB_LO)
    base = EB_LO * w + jnp.minimum(w, EXTRA)
    one = jnp.ones((16,), jnp.float32)
    for i in range(BLK // 16):
        ones_v[pl.ds(i * 16, 16)] = one

    def fill(i, carry):
        obuf_v[pl.ds(i * 16, 16)] = one
        return carry

    lax.fori_loop(0, ROWS // 16, fill, 0)
    r0 = s * ROWS
    pltpu.sync_copy(obuf_v, deg_sh.at[pl.ds(r0, ROWS)])
    pltpu.sync_copy(edge_hbm.at[1, pl.ds(base, EB_LO)],
                    dst_v.at[pl.ds(0, EB_LO)])

    @pl.when(w < EXTRA)
    def _():
        pltpu.sync_copy(edge_hbm.at[1, pl.ds(base + EB_LO, 1)],
                        dst_v.at[pl.ds(EB_LO, 1)])

    plsc.subcore_barrier()

    def step(i, carry):
        pltpu.async_copy(ones_v, deg_sh.at[dst_v.at[i]], sem, add=True)
        return carry

    lax.fori_loop(0, nrow, step, 0)

    def drain(i, carry):
        pltpu.make_async_copy(edge_hbm.at[1, pl.ds(0, 1)],
                              dst_v.at[pl.ds(0, 1)], sem).wait()
        return carry

    lax.fori_loop(0, nrow, drain, 0)
    plsc.subcore_barrier()
    pltpu.sync_copy(deg_sh.at[pl.ds(r0, ROWS)], obuf_v)

    def expand(i, carry):
        v = plsc.load_gather(obuf_v, [jnp.full((16,), i, jnp.int32)])
        dex_v[i, pl.ds(0, 16)] = v
        dex_v[i, pl.ds(16, 16)] = v
        return carry

    lax.fori_loop(0, ROWS, expand, 0)
    pltpu.sync_copy(dex_v, deg_out.at[c, pl.ds(r0, ROWS)])


@functools.partial(
    pl.kernel,
    out_type=jax.ShapeDtypeStruct((NC, NPAD, D_HID), jnp.float32),
    mesh=_MESH,
    scratch_types=[
        pltpu.VMEM((EB_HI, BLK), jnp.int32),
        pltpu.VMEM((EB_HI, BLK), jnp.int32),
        pltpu.VMEM((NBUF, BLK, D_HID), jnp.float32),
        pltpu.VMEM_SHARED((NPAD, D_HID), jnp.float32),
        pltpu.VMEM_SHARED((NPAD, D_HID), jnp.float32),
        pltpu.SemaphoreType.DMA((NBUF,)),
        pltpu.SemaphoreType.DMA((NBUF,)),
    ],
    compiler_params=_SC_PARAMS,
)
def _prop_call(edge_hbm, y_hbm, z_out, src_v, dst_v, rows_v, z_sh, y_sh,
               gsem, ssem):
    c = lax.axis_index("c")
    s = lax.axis_index("s")
    w = s * NC + c
    nrow = jnp.where(w < EXTRA, EB_HI, EB_LO)
    base = EB_LO * w + jnp.minimum(w, EXTRA)
    r0 = s * ROWS
    d1 = pltpu.async_copy(y_hbm.at[pl.ds(r0, ROWS)], y_sh.at[pl.ds(r0, ROWS)],
                          gsem.at[0])
    d2 = pltpu.async_copy(y_hbm.at[pl.ds(r0, ROWS)], z_sh.at[pl.ds(r0, ROWS)],
                          gsem.at[1])
    d3 = pltpu.async_copy(edge_hbm.at[0, pl.ds(base, EB_LO)],
                          src_v.at[pl.ds(0, EB_LO)], gsem.at[2])
    d4 = pltpu.async_copy(edge_hbm.at[1, pl.ds(base, EB_LO)],
                          dst_v.at[pl.ds(0, EB_LO)], gsem.at[3])

    @pl.when(w < EXTRA)
    def _():
        pltpu.sync_copy(edge_hbm.at[0, pl.ds(base + EB_LO, 1)],
                        src_v.at[pl.ds(EB_LO, 1)])
        pltpu.sync_copy(edge_hbm.at[1, pl.ds(base + EB_LO, 1)],
                        dst_v.at[pl.ds(EB_LO, 1)])

    d1.wait()
    d2.wait()
    d3.wait()
    d4.wait()
    plsc.subcore_barrier()

    def gather(g):
        p = lax.rem(g, NBUF)
        pltpu.async_copy(y_sh.at[src_v.at[g]], rows_v.at[p], gsem.at[p])

    def scatter(g):
        q = lax.rem(g, NBUF)
        pltpu.make_async_copy(
            y_hbm.at[pl.ds(0, BLK)], rows_v.at[q], gsem.at[q]
        ).wait()
        pltpu.async_copy(
            rows_v.at[q], z_sh.at[dst_v.at[g]], ssem.at[q], add=True
        )

    def step(g, carry):
        @pl.when(g >= NBUF)
        def _():
            p = lax.rem(g, NBUF)
            pltpu.make_async_copy(
                y_hbm.at[pl.ds(0, BLK)], rows_v.at[p], ssem.at[p]
            ).wait()

        gather(g)

        @pl.when(g >= LAG)
        def _():
            scatter(g - LAG)

        return carry

    lax.fori_loop(0, nrow, step, 0)

    def tail(g, carry):
        scatter(g)
        return carry

    lax.fori_loop(nrow - LAG, nrow, tail, 0)
    for b in range(NBUF):
        pltpu.make_async_copy(
            y_hbm.at[pl.ds(0, BLK)], rows_v.at[b], ssem.at[b]
        ).wait()
    plsc.subcore_barrier()
    pltpu.sync_copy(z_sh.at[pl.ds(r0, ROWS)], z_out.at[c, pl.ds(r0, ROWS)])


def _k0_body(x4_ref, w_ref, b_ref, deg_ref, y_ref, dinv_ref):
    dinv = lax.rsqrt(deg_ref[0] + deg_ref[1] - 1.0)
    dinv_ref[...] = dinv
    h = jnp.dot(x4_ref[...], w_ref[...], preferred_element_type=jnp.float32)
    y_ref[0:NROW4, :] = (h + b_ref[...]) * dinv[0:NROW4, :]
    y_ref[NROW4:NPAD4, :] = jnp.zeros((NPAD4 - NROW4, D_IN), jnp.float32)


_k0 = pl.pallas_call(
    _k0_body,
    out_shape=(
        jax.ShapeDtypeStruct((NPAD4, D_IN), jnp.float32),
        jax.ShapeDtypeStruct((NPAD4, D_IN), jnp.float32),
    ),
)


def _kmid_body(z_ref, y_ref, dinv_ref, w_ref, b_ref, out_ref):
    dinv = dinv_ref[...]
    t = (z_ref[0] + z_ref[1] - y_ref[...]) * dinv
    h = jnp.dot(t, w_ref[...], preferred_element_type=jnp.float32) + b_ref[...]
    out_ref[...] = jnp.maximum(h, 0.0) * dinv


_kmid = pl.pallas_call(
    _kmid_body,
    out_shape=jax.ShapeDtypeStruct((NPAD4, D_IN), jnp.float32),
)


def _k3_body(z_ref, y_ref, dinv_ref, w3_ref, b3_ref, w4_ref, b4_ref, out_ref):
    t = (z_ref[0] + z_ref[1] - y_ref[...]) * dinv_ref[...]
    h = jnp.dot(t, w3_ref[...], preferred_element_type=jnp.float32) + b3_ref[...]
    h = jnp.maximum(h, 0.0)
    out_ref[...] = (
        jnp.dot(h[0:NROW4, :], w4_ref[...], preferred_element_type=jnp.float32)
        + b4_ref[...]
    )


_k3 = pl.pallas_call(
    _k3_body,
    out_shape=jax.ShapeDtypeStruct((NROW4, 4 * D_OUT), jnp.float32),
)


def kernel(x, edge_index, W0, b0, W1, b1, W2, b2, W3, b3, W4, b4):
    edge_r = edge_index.reshape(2, EBLK, BLK)
    deg = _deg_call(edge_r).reshape(NC, NPAD4, D_IN)
    x4 = x.reshape(NROW4, 4 * D_IN)
    eye4 = jnp.eye(4, dtype=jnp.float32)
    w0b = jnp.kron(eye4, W0)
    w1b = jnp.kron(eye4, W1)
    w2b = jnp.kron(eye4, W2)
    w3b = jnp.kron(eye4, W3)
    w4b = jnp.kron(eye4, W4)
    b0t = jnp.tile(b0, 4)[None, :]
    b1t = jnp.tile(b1, 4)[None, :]
    b2t = jnp.tile(b2, 4)[None, :]
    b3t = jnp.tile(b3, 4)[None, :]
    b4t = jnp.tile(b4, 4)[None, :]

    y0, dinv = _k0(x4, w0b, b0t, deg)
    z = _prop_call(edge_r, y0.reshape(NPAD, D_HID)).reshape(NC, NPAD4, D_IN)
    y1 = _kmid(z, y0, dinv, w1b, b1t)
    z = _prop_call(edge_r, y1.reshape(NPAD, D_HID)).reshape(NC, NPAD4, D_IN)
    y2 = _kmid(z, y1, dinv, w2b, b2t)
    z = _prop_call(edge_r, y2.reshape(NPAD, D_HID)).reshape(NC, NPAD4, D_IN)
    out4 = _k3(z, y2, dinv, w3b, b3t, w4b, b4t)
    return out4.reshape(N, D_OUT)

# --- scband reference (transcript-rebuilt; emitter-appended) ---
"""Pipeline reference for scband-sg4-3496103379564 (READ-ONLY COPY).

The authoritative reference and input builder live on the scoring server;
editing this copy changes nothing except your own understanding.
"""

import jax, jax.numpy as jnp
import numpy as np

N = 10000
E = 320000
D_IN = 128
D_HID = 32
D_OUT = 128


def setup_inputs(seed: int = 0):
    key = jax.random.key(seed)
    ks = jax.random.split(key, 12)
    x = jax.random.normal(ks[0], (N, D_IN), dtype=jnp.float32)
    edge_index = jax.random.randint(ks[1], (2, E), 0, N, dtype=jnp.int32)
    W0 = jax.random.normal(ks[2], (D_IN, D_HID), dtype=jnp.float32) * (1.0 / np.sqrt(D_IN))
    b0 = jnp.zeros((D_HID,), dtype=jnp.float32)
    W1 = jax.random.normal(ks[3], (D_HID, D_HID), dtype=jnp.float32) * (1.0 / np.sqrt(D_HID))
    b1 = jnp.zeros((D_HID,), dtype=jnp.float32)
    W2 = jax.random.normal(ks[4], (D_HID, D_HID), dtype=jnp.float32) * (1.0 / np.sqrt(D_HID))
    b2 = jnp.zeros((D_HID,), dtype=jnp.float32)
    W3 = jax.random.normal(ks[5], (D_HID, D_HID), dtype=jnp.float32) * (1.0 / np.sqrt(D_HID))
    b3 = jnp.zeros((D_HID,), dtype=jnp.float32)
    W4 = jax.random.normal(ks[6], (D_HID, D_OUT), dtype=jnp.float32) * (1.0 / np.sqrt(D_HID))
    b4 = jnp.zeros((D_OUT,), dtype=jnp.float32)
    return {"x": x, "edge_index": edge_index, "W0": W0, "b0": b0, "W1": W1, "b1": b1, "W2": W2, "b2": b2, "W3": W3, "b3": b3, "W4": W4, "b4": b4}


def _gcn_propagate(x, src, dst, n):
    # symmetric gcn normalization with self-loops already appended to src/dst
    ones = jnp.ones(src.shape[0], dtype=x.dtype)
    deg = jax.ops.segment_sum(ones, dst, num_segments=n)
    dinv = jnp.where(deg > 0, 1.0 / jnp.sqrt(deg), 0.0)
    norm = dinv[src] * dinv[dst]
    msg = x[src] * norm[:, None]
    return jax.ops.segment_sum(msg, dst, num_segments=n)


def reference(x, edge_index, W0, b0, W1, b1, W2, b2, W3, b3, W4, b4):
    n = x.shape[0]
    loop = jnp.arange(n, dtype=edge_index.dtype)
    src = jnp.concatenate([edge_index[0], loop])
    dst = jnp.concatenate([edge_index[1], loop])
    x0 = x @ W0 + b0
    x1 = jax.nn.relu(_gcn_propagate(x0, src, dst, n) @ W1 + b1)
    x2 = jax.nn.relu(_gcn_propagate(x1, src, dst, n) @ W2 + b2)
    x3 = jax.nn.relu(_gcn_propagate(x2, src, dst, n) @ W3 + b3)
    x4 = x3 @ W4 + b4
    return x4

if __name__ == "__main__":
    import jax
    _d = setup_inputs()
    print(jax.jit(kernel)(*tuple(_d.values())))

</pallas_src>

<mosaic_0001>
#map = affine_map<(d0, d1) -> (0, 0, 0)>
module attributes {stable_mosaic.version = 14 : i64} {
  func.func @_deg_call(%arg0: i32, %arg1: i32, %arg2: memref<2x2500x128xi32, #tpu.memory_space<hbm>>, %arg3: memref<2x10240x32xf32, #tpu.memory_space<hbm>>, %arg4: memref<79x128xi32, #tpu.memory_space<vmem>>, %arg5: memref<128xf32, #tpu.memory_space<vmem>>, %arg6: memref<640xf32, #tpu.memory_space<vmem>>, %arg7: memref<640x32xf32, #tpu.memory_space<vmem>>, %arg8: memref<10240xf32, #tpu.memory_space<vmem_shared>>, %arg9: memref<!tpu.dma_semaphore, #tpu.memory_space<semaphore_mem>>) attributes {dimension_semantics = [#tpu.dimension_semantics<core_parallel>, #tpu.dimension_semantics<subcore_parallel>], iteration_bounds = array<i64: 2, 16>, scalar_prefetch = 0 : i64, scratch_operands = 6 : i64, tpu.core_type = #tpu.core_type<sc_vector_subcore>, window_params = [{transform_indices = #map}, {transform_indices = #map}]} {
    %mul3A = arith.constant 2 : i32
    %mul3A_0 = arith.muli %arg1, %mul3A : i32
    %add3A = arith.addi %mul3A_0, %arg0 : i32
    %lt3A = arith.constant 4 : i32
    %lt3A_1 = arith.cmpi slt, %add3A, %lt3A : i32
    %jit3A = arith.constant 79 : i32
    %jit3A_2 = arith.constant 78 : i32
    %select_n3A = arith.select %lt3A_1, %jit3A, %jit3A_2 : i32
    %mul3A_3 = arith.constant 78 : i32
    %mul3A_4 = arith.muli %mul3A_3, %add3A : i32
    %min3A = arith.constant 4 : i32
    %min3A_5 = arith.minsi %add3A, %min3A : i32
    %add3A_6 = arith.addi %mul3A_4, %min3A_5 : i32
    %broadcast_in_dim3A = arith.constant 1.000000e+00 : f32
    %broadcast_in_dim3A_7 = vector.broadcast %broadcast_in_dim3A : f32 to vector<16xf32>
    %swap3A = arith.constant 0 : index
    %swap3A_8 = tpu.vector_load %arg5[%swap3A] {strides = array<i32>} : memref<128xf32, #tpu.memory_space<vmem>>, vector<16xf32>,
    tpu.vector_store %arg5[%swap3A], %broadcast_in_dim3A_7 {strides = array<i32>} : memref<128xf32, #tpu.memory_space<vmem>>, vector<16xf32>,
    %swap3A_9 = arith.constant 16 : index
    %swap3A_10 = tpu.vector_load %arg5[%swap3A_9] {strides = array<i32>} : memref<128xf32, #tpu.memory_space<vmem>>, vector<16xf32>,
    tpu.vector_store %arg5[%swap3A_9], %broadcast_in_dim3A_7 {strides = array<i32>} : memref<128xf32, #tpu.memory_space<vmem>>, vector<16xf32>,
    %swap3A_11 = arith.constant 32 : index
    %swap3A_12 = tpu.vector_load %arg5[%swap3A_11] {strides = array<i32>} : memref<128xf32, #tpu.memory_space<vmem>>, vector<16xf32>,
    tpu.vector_store %arg5[%swap3A_11], %broadcast_in_dim3A_7 {strides = array<i32>} : memref<128xf32, #tpu.memory_space<vmem>>, vector<16xf32>,
    %swap3A_13 = arith.constant 48 : index
    %swap3A_14 = tpu.vector_load %arg5[%swap3A_13] {strides = array<i32>} : memref<128xf32, #tpu.memory_space<vmem>>, vector<16xf32>,
    tpu.vector_store %arg5[%swap3A_13], %broadcast_in_dim3A_7 {strides = array<i32>} : memref<128xf32, #tpu.memory_space<vmem>>, vector<16xf32>,
    %swap3A_15 = arith.constant 64 : index
    %swap3A_16 = tpu.vector_load %arg5[%swap3A_15] {strides = array<i32>} : memref<128xf32, #tpu.memory_space<vmem>>, vector<16xf32>,
    tpu.vector_store %arg5[%swap3A_15], %broadcast_in_dim3A_7 {strides = array<i32>} : memref<128xf32, #tpu.memory_space<vmem>>, vector<16xf32>,
    %swap3A_17 = arith.constant 80 : index
    %swap3A_18 = tpu.vector_load %arg5[%swap3A_17] {strides = array<i32>} : memref<128xf32, #tpu.memory_space<vmem>>, vector<16xf32>,
    tpu.vector_store %arg5[%swap3A_17], %broadcast_in_dim3A_7 {strides = array<i32>} : memref<128xf32, #tpu.memory_space<vmem>>, vector<16xf32>,
    %swap3A_19 = arith.constant 96 : index
    %swap3A_20 = tpu.vector_load %arg5[%swap3A_19] {strides = array<i32>} : memref<128xf32, #tpu.memory_space<vmem>>, vector<16xf32>,
    tpu.vector_store %arg5[%swap3A_19], %broadcast_in_dim3A_7 {strides = array<i32>} : memref<128xf32, #tpu.memory_space<vmem>>, vector<16xf32>,
    %swap3A_21 = arith.constant 112 : index
    %swap3A_22 = tpu.vector_load %arg5[%swap3A_21] {strides = array<i32>} : memref<128xf32, #tpu.memory_space<vmem>>, vector<16xf32>,
    tpu.vector_store %arg5[%swap3A_21], %broadcast_in_dim3A_7 {strides = array<i32>} : memref<128xf32, #tpu.memory_space<vmem>>, vector<16xf32>,
    %scan3A = arith.constant 0 : i32
    %scan3A_23 = arith.constant 0 : i32
    %scan3A_24 = arith.constant 40 : i32
    %scan3A_25 = arith.addi %scan3A_23, %scan3A_24 : i32
    %scan3A_26 = arith.constant 1 : i32
    scf.for %scan3A_59 = %scan3A_23 to %scan3A_25 step %scan3A_26  : i32 {
      %mul3A_60 = arith.constant 16 : i32
      %mul3A_61 = arith.muli %scan3A_59, %mul3A_60 : i32
      %swap3A_62 = arith.index_cast %mul3A_61 : i32 to index
      %swap3A_63 = tpu.vector_load %arg6[%swap3A_62] {strides = array<i32>} : memref<640xf32, #tpu.memory_space<vmem>>, vector<16xf32>,
      tpu.vector_store %arg6[%swap3A_62], %broadcast_in_dim3A_7 {strides = array<i32>} : memref<640xf32, #tpu.memory_space<vmem>>, vector<16xf32>,
    }
    %scan3A_27 = arith.constant 40 : i32
    %mul3A_28 = arith.constant 640 : i32
    %mul3A_29 = arith.muli %arg1, %mul3A_28 : i32
    "tpu.region"() ({
      %run_scoped3A_59 = tpu.sem_alloc : memref<!tpu.dma_semaphore, #tpu.memory_space<semaphore_mem>>
      %dma_start3A = tpu.memref_slice %arg8[%mul3A_29] : memref<10240xf32, #tpu.memory_space<vmem_shared>> -> memref<640xf32, #tpu.memory_space<vmem_shared>>
      %dma_start3A_60 = tpu.memref_slice %arg8[%mul3A_29] : memref<10240xf32, #tpu.memory_space<vmem_shared>> -> memref<640xf32, #tpu.memory_space<vmem_shared>>
      tpu.enqueue_dma source(%arg6 : memref<640xf32, #tpu.memory_space<vmem>>) target(%dma_start3A_60 : memref<640xf32, #tpu.memory_space<vmem_shared>>) target_semaphore(%run_scoped3A_59 : memref<!tpu.dma_semaphore, #tpu.memory_space<semaphore_mem>>)
      %dma_wait3A = tpu.memref_slice %arg8[%mul3A_29] : memref<10240xf32, #tpu.memory_space<vmem_shared>> -> memref<640xf32, #tpu.memory_space<vmem_shared>>
      %dma_wait3A_61 = tpu.memref_slice %arg8[%mul3A_29] : memref<10240xf32, #tpu.memory_space<vmem_shared>> -> memref<640xf32, #tpu.memory_space<vmem_shared>>
      tpu.wait_dma2 semaphore(%run_scoped3A_59 : memref<!tpu.dma_semaphore, #tpu.memory_space<semaphore_mem>>) src(%arg6 : memref<640xf32, #tpu.memory_space<vmem>>) dst(%dma_wait3A_61 : memref<640xf32, #tpu.memory_space<vmem_shared>>)
      tpu.yield
    }) : () -> ()
    %run_scoped3A = arith.constant 1 : i32
    "tpu.region"() ({
      %run_scoped3A_59 = tpu.sem_alloc : memref<!tpu.dma_semaphore, #tpu.memory_space<semaphore_mem>>
      %dma_start3A = arith.constant 0 : i32
      %dma_start3A_60 = arith.constant 0 : i32
      %dma_start3A_61 = tpu.memref_slice %arg4[%dma_start3A, %dma_start3A_60] : memref<79x128xi32, #tpu.memory_space<vmem>> -> memref<78x128xi32, #tpu.memory_space<vmem>>
      %dma_start3A_62 = arith.constant 0 : i32
      %dma_start3A_63 = tpu.memref_slice %arg2[%run_scoped3A, %add3A_6, %dma_start3A_62] : memref<2x2500x128xi32, #tpu.memory_space<hbm>> -> memref<1x78x128xi32, #tpu.memory_space<hbm>>
      %dma_start3A_64 = tpu.memref_squeeze %dma_start3A_63 : memref<1x78x128xi32, #tpu.memory_space<hbm>> -> memref<78x128xi32, #tpu.memory_space<hbm>>
      %dma_start3A_65 = arith.constant 0 : i32
      %dma_start3A_66 = arith.constant 0 : i32
      %dma_start3A_67 = tpu.memref_slice %arg4[%dma_start3A_65, %dma_start3A_66] : memref<79x128xi32, #tpu.memory_space<vmem>> -> memref<78x128xi32, #tpu.memory_space<vmem>>
      %dma_start3A_68 = arith.constant 0 : i32
      %dma_start3A_69 = tpu.memref_slice %arg2[%run_scoped3A, %add3A_6, %dma_start3A_68] : memref<2x2500x128xi32, #tpu.memory_space<hbm>> -> memref<1x78x128xi32, #tpu.memory_space<hbm>>
      %dma_start3A_70 = tpu.memref_squeeze %dma_start3A_69 : memref<1x78x128xi32, #tpu.memory_space<hbm>> -> memref<78x128xi32, #tpu.memory_space<hbm>>
      tpu.enqueue_dma source(%dma_start3A_70 : memref<78x128xi32, #tpu.memory_space<hbm>>) target(%dma_start3A_67 : memref<78x128xi32, #tpu.memory_space<vmem>>) target_semaphore(%run_scoped3A_59 : memref<!tpu.dma_semaphore, #tpu.memory_space<semaphore_mem>>)
      %dma_wait3A = arith.constant 0 : i32
      %dma_wait3A_71 = arith.constant 0 : i32
      %dma_wait3A_72 = tpu.memref_slice %arg4[%dma_wait3A, %dma_wait3A_71] : memref<79x128xi32, #tpu.memory_space<vmem>> -> memref<78x128xi32, #tpu.memory_space<vmem>>
      %dma_wait3A_73 = arith.constant 0 : i32
      %dma_wait3A_74 = tpu.memref_slice %arg2[%run_scoped3A, %add3A_6, %dma_wait3A_73] : memref<2x2500x128xi32, #tpu.memory_space<hbm>> -> memref<1x78x128xi32, #tpu.memory_space<hbm>>
      %dma_wait3A_75 = tpu.memref_squeeze %dma_wait3A_74 : memref<1x78x128xi32, #tpu.memory_space<hbm>> -> memref<78x128xi32, #tpu.memory_space<hbm>>
      %dma_wait3A_76 = arith.constant 0 : i32
      %dma_wait3A_77 = arith.constant 0 : i32
      %dma_wait3A_78 = tpu.memref_slice %arg4[%dma_wait3A_76, %dma_wait3A_77] : memref<79x128xi32, #tpu.memory_space<vmem>> -> memref<78x128xi32, #tpu.memory_space<vmem>>
      %dma_wait3A_79 = arith.constant 0 : i32
      %dma_wait3A_80 = tpu.memref_slice %arg2[%run_scoped3A, %add3A_6, %dma_wait3A_79] : memref<2x2500x128xi32, #tpu.memory_space<hbm>> -> memref<1x78x128xi32, #tpu.memory_space<hbm>>
      %dma_wait3A_81 = tpu.memref_squeeze %dma_wait3A_80 : memref<1x78x128xi32, #tpu.memory_space<hbm>> -> memref<78x128xi32, #tpu.memory_space<hbm>>
      tpu.wait_dma2 semaphore(%run_scoped3A_59 : memref<!tpu.dma_semaphore, #tpu.memory_space<semaphore_mem>>) src(%dma_wait3A_81 : memref<78x128xi32, #tpu.memory_space<hbm>>) dst(%dma_wait3A_78 : memref<78x128xi32, #tpu.memory_space<vmem>>)
      tpu.yield
    }) : () -> ()
    %lt3A_30 = arith.constant 4 : i32
    %lt3A_31 = arith.cmpi slt, %add3A, %lt3A_30 : i32
    %convert_element_type3A = arith.extui %lt3A_31 : i1 to i32
    %cond3A = arith.constant 0 : i32
    %cond3A_32 = arith.cmpi ne, %convert_element_type3A, %cond3A : i32
    scf.if %cond3A_32 {
      %add3A_59 = arith.constant 78 : i32
      %add3A_60 = arith.addi %add3A_6, %add3A_59 : i32
      %run_scoped3A_61 = arith.constant 1 : i32
      "tpu.region"() ({
        %run_scoped3A_62 = tpu.sem_alloc : memref<!tpu.dma_semaphore, #tpu.memory_space<semaphore_mem>>
        %dma_start3A = arith.constant 78 : i32
        %dma_start3A_63 = arith.constant 0 : i32
        %dma_start3A_64 = tpu.memref_slice %arg4[%dma_start3A, %dma_start3A_63] : memref<79x128xi32, #tpu.memory_space<vmem>> -> memref<1x128xi32, #tpu.memory_space<vmem>>
        %dma_start3A_65 = arith.constant 0 : i32
        %dma_start3A_66 = tpu.memref_slice %arg2[%run_scoped3A_61, %add3A_60, %dma_start3A_65] : memref<2x2500x128xi32, #tpu.memory_space<hbm>> -> memref<1x1x128xi32, #tpu.memory_space<hbm>>
        %dma_start3A_67 = tpu.memref_squeeze %dma_start3A_66 : memref<1x1x128xi32, #tpu.memory_space<hbm>> -> memref<1x128xi32, #tpu.memory_space<hbm>>
        %dma_start3A_68 = arith.constant 78 : i32
        %dma_start3A_69 = arith.constant 0 : i32
        %dma_start3A_70 = tpu.memref_slice %arg4[%dma_start3A_68, %dma_start3A_69] : memref<79x128xi32, #tpu.memory_space<vmem>> -> memref<1x128xi32, #tpu.memory_space<vmem>>
        %dma_start3A_71 = arith.constant 0 : i32
        %dma_start3A_72 = tpu.memref_slice %arg2[%run_scoped3A_61, %add3A_60, %dma_start3A_71] : memref<2x2500x128xi32, #tpu.memory_space<hbm>> -> memref<1x1x128xi32, #tpu.memory_space<hbm>>
        %dma_start3A_73 = tpu.memref_squeeze %dma_start3A_72 : memref<1x1x128xi32, #tpu.memory_space<hbm>> -> memref<1x128xi32, #tpu.memory_space<hbm>>
        tpu.enqueue_dma source(%dma_start3A_73 : memref<1x128xi32, #tpu.memory_space<hbm>>) target(%dma_start3A_70 : memref<1x128xi32, #tpu.memory_space<vmem>>) target_semaphore(%run_scoped3A_62 : memref<!tpu.dma_semaphore, #tpu.memory_space<semaphore_mem>>)
        %dma_wait3A = arith.constant 78 : i32
        %dma_wait3A_74 = arith.constant 0 : i32
        %dma_wait3A_75 = tpu.memref_slice %arg4[%dma_wait3A, %dma_wait3A_74] : memref<79x128xi32, #tpu.memory_space<vmem>> -> memref<1x128xi32, #tpu.memory_space<vmem>>
        %dma_wait3A_76 = arith.constant 0 : i32
        %dma_wait3A_77 = tpu.memref_slice %arg2[%run_scoped3A_61, %add3A_60, %dma_wait3A_76] : memref<2x2500x128xi32, #tpu.memory_space<hbm>> -> memref<1x1x128xi32, #tpu.memory_space<hbm>>
        %dma_wait3A_78 = tpu.memref_squeeze %dma_wait3A_77 : memref<1x1x128xi32, #tpu.memory_space<hbm>> -> memref<1x128xi32, #tpu.memory_space<hbm>>
        %dma_wait3A_79 = arith.constant 78 : i32
        %dma_wait3A_80 = arith.constant 0 : i32
        %dma_wait3A_81 = tpu.memref_slice %arg4[%dma_wait3A_79, %dma_wait3A_80] : memref<79x128xi32, #tpu.memory_space<vmem>> -> memref<1x128xi32, #tpu.memory_space<vmem>>
        %dma_wait3A_82 = arith.constant 0 : i32
        %dma_wait3A_83 = tpu.memref_slice %arg2[%run_scoped3A_61, %add3A_60, %dma_wait3A_82] : memref<2x2500x128xi32, #tpu.memory_space<hbm>> -> memref<1x1x128xi32, #tpu.memory_space<hbm>>
        %dma_wait3A_84 = tpu.memref_squeeze %dma_wait3A_83 : memref<1x1x128xi32, #tpu.memory_space<hbm>> -> memref<1x128xi32, #tpu.memory_space<hbm>>
        tpu.wait_dma2 semaphore(%run_scoped3A_62 : memref<!tpu.dma_semaphore, #tpu.memory_space<semaphore_mem>>) src(%dma_wait3A_84 : memref<1x128xi32, #tpu.memory_space<hbm>>) dst(%dma_wait3A_81 : memref<1x128xi32, #tpu.memory_space<vmem>>)
        tpu.yield
      }) : () -> ()
    } else {
    }
    %barrier3A = arith.constant 0 : index
    tpu.barrier barrier_id(%barrier3A)
    %while3A = arith.constant 0 : i32
    %while3A_33 = arith.constant 0 : i32
    %while3A_34 = arith.subi %select_n3A, %while3A_33 : i32
    %while3A_35 = arith.addi %while3A_33, %while3A_34 : i32
    %while3A_36 = arith.constant 1 : i32
    %while3A_37 = arith.divsi %while3A_34, %while3A_36 : i32
    %while3A_38 = arith.muli %while3A_37, %while3A_36 : i32
    %while3A_39 = arith.addi %while3A_33, %while3A_38 : i32
    %while3A_40 = arith.constant 1 : i32
    scf.for %while3A_59 = %while3A_33 to %while3A_39 step %while3A_40  : i32 {
      %dma_start3A = arith.constant 0 : i32
      %dma_start3A_60 = tpu.memref_slice %arg4[%while3A_59, %dma_start3A] : memref<79x128xi32, #tpu.memory_space<vmem>> -> memref<1x128xi32, #tpu.memory_space<vmem>>
      %dma_start3A_61 = tpu.memref_squeeze %dma_start3A_60 : memref<1x128xi32, #tpu.memory_space<vmem>> -> memref<128xi32, #tpu.memory_space<vmem>>
      %dma_start3A_62 = arith.constant 0 : i32
      %dma_start3A_63 = tpu.memref_slice %arg8[%dma_start3A_62] : memref<10240xf32, #tpu.memory_space<vmem_shared>> -> memref<10240xf32, #tpu.memory_space<vmem_shared>>
      tpu.enqueue_indirect_dma source(%arg5 : memref<128xf32, #tpu.memory_space<vmem>>) target(%dma_start3A_63 : memref<10240xf32, #tpu.memory_space<vmem_shared>>) offsets(%dma_start3A_61 : memref<128xi32, #tpu.memory_space<vmem>>) semaphore(%arg9 : memref<!tpu.dma_semaphore, #tpu.memory_space<semaphore_mem>>) {add = true}
    }
    %while3A_41 = arith.constant 1 : i32
    scf.for %while3A_59 = %while3A_39 to %while3A_35 step %while3A_41  : i32 {
      %dma_start3A = arith.constant 0 : i32
      %dma_start3A_60 = tpu.memref_slice %arg4[%while3A_59, %dma_start3A] : memref<79x128xi32, #tpu.memory_space<vmem>> -> memref<1x128xi32, #tpu.memory_space<vmem>>
      %dma_start3A_61 = tpu.memref_squeeze %dma_start3A_60 : memref<1x128xi32, #tpu.memory_space<vmem>> -> memref<128xi32, #tpu.memory_space<vmem>>
      %dma_start3A_62 = arith.constant 0 : i32
      %dma_start3A_63 = tpu.memref_slice %arg8[%dma_start3A_62] : memref<10240xf32, #tpu.memory_space<vmem_shared>> -> memref<10240xf32, #tpu.memory_space<vmem_shared>>
      tpu.enqueue_indirect_dma source(%arg5 : memref<128xf32, #tpu.memory_space<vmem>>) target(%dma_start3A_63 : memref<10240xf32, #tpu.memory_space<vmem_shared>>) offsets(%dma_start3A_61 : memref<128xi32, #tpu.memory_space<vmem>>) semaphore(%arg9 : memref<!tpu.dma_semaphore, #tpu.memory_space<semaphore_mem>>) {add = true}
    }
    %while3A_42 = arith.constant 0 : i32
    %while3A_43 = arith.constant 0 : i32
    %while3A_44 = arith.subi %select_n3A, %while3A_43 : i32
    %while3A_45 = arith.addi %while3A_43, %while3A_44 : i32
    %while3A_46 = arith.constant 1 : i32
    %while3A_47 = arith.divsi %while3A_44, %while3A_46 : i32
    %while3A_48 = arith.muli %while3A_47, %while3A_46 : i32
    %while3A_49 = arith.addi %while3A_43, %while3A_48 : i32
    %while3A_50 = arith.constant 1 : i32
    scf.for %while3A_59 = %while3A_43 to %while3A_49 step %while3A_50  : i32 {
      %dma_wait3A = arith.constant 1 : i32
      %dma_wait3A_60 = arith.constant 0 : i32
      %dma_wait3A_61 = arith.constant 0 : i32
      %dma_wait3A_62 = tpu.memref_slice %arg4[%dma_wait3A_60, %dma_wait3A_61] : memref<79x128xi32, #tpu.memory_space<vmem>> -> memref<1x128xi32, #tpu.memory_space<vmem>>
      %dma_wait3A_63 = arith.constant 0 : i32
      %dma_wait3A_64 = arith.constant 0 : i32
      %dma_wait3A_65 = tpu.memref_slice %arg2[%dma_wait3A, %dma_wait3A_63, %dma_wait3A_64] : memref<2x2500x128xi32, #tpu.memory_space<hbm>> -> memref<1x1x128xi32, #tpu.memory_space<hbm>>
      %dma_wait3A_66 = tpu.memref_squeeze %dma_wait3A_65 : memref<1x1x128xi32, #tpu.memory_space<hbm>> -> memref<1x128xi32, #tpu.memory_space<hbm>>
      %dma_wait3A_67 = arith.constant 0 : i32
      %dma_wait3A_68 = arith.constant 0 : i32
      %dma_wait3A_69 = tpu.memref_slice %arg4[%dma_wait3A_67, %dma_wait3A_68] : memref<79x128xi32, #tpu.memory_space<vmem>> -> memref<1x128xi32, #tpu.memory_space<vmem>>
      %dma_wait3A_70 = arith.constant 0 : i32
      %dma_wait3A_71 = arith.constant 0 : i32
      %dma_wait3A_72 = tpu.memref_slice %arg2[%dma_wait3A, %dma_wait3A_70, %dma_wait3A_71] : memref<2x2500x128xi32, #tpu.memory_space<hbm>> -> memref<1x1x128xi32, #tpu.memory_space<hbm>>
      %dma_wait3A_73 = tpu.memref_squeeze %dma_wait3A_72 : memref<1x1x128xi32, #tpu.memory_space<hbm>> -> memref<1x128xi32, #tpu.memory_space<hbm>>
      tpu.wait_dma2 semaphore(%arg9 : memref<!tpu.dma_semaphore, #tpu.memory_space<semaphore_mem>>) src(%dma_wait3A_73 : memref<1x128xi32, #tpu.memory_space<hbm>>) dst(%dma_wait3A_69 : memref<1x128xi32, #tpu.memory_space<vmem>>)
    }
    %while3A_51 = arith.constant 1 : i32
    scf.for %while3A_59 = %while3A_49 to %while3A_45 step %while3A_51  : i32 {
      %dma_wait3A = arith.constant 1 : i32
      %dma_wait3A_60 = arith.constant 0 : i32
      %dma_wait3A_61 = arith.constant 0 : i32
      %dma_wait3A_62 = tpu.memref_slice %arg4[%dma_wait3A_60, %dma_wait3A_61] : memref<79x128xi32, #tpu.memory_space<vmem>> -> memref<1x128xi32, #tpu.memory_space<vmem>>
      %dma_wait3A_63 = arith.constant 0 : i32
      %dma_wait3A_64 = arith.constant 0 : i32
      %dma_wait3A_65 = tpu.memref_slice %arg2[%dma_wait3A, %dma_wait3A_63, %dma_wait3A_64] : memref<2x2500x128xi32, #tpu.memory_space<hbm>> -> memref<1x1x128xi32, #tpu.memory_space<hbm>>
      %dma_wait3A_66 = tpu.memref_squeeze %dma_wait3A_65 : memref<1x1x128xi32, #tpu.memory_space<hbm>> -> memref<1x128xi32, #tpu.memory_space<hbm>>
      %dma_wait3A_67 = arith.constant 0 : i32
      %dma_wait3A_68 = arith.constant 0 : i32
      %dma_wait3A_69 = tpu.memref_slice %arg4[%dma_wait3A_67, %dma_wait3A_68] : memref<79x128xi32, #tpu.memory_space<vmem>> -> memref<1x128xi32, #tpu.memory_space<vmem>>
      %dma_wait3A_70 = arith.constant 0 : i32
      %dma_wait3A_71 = arith.constant 0 : i32
      %dma_wait3A_72 = tpu.memref_slice %arg2[%dma_wait3A, %dma_wait3A_70, %dma_wait3A_71] : memref<2x2500x128xi32, #tpu.memory_space<hbm>> -> memref<1x1x128xi32, #tpu.memory_space<hbm>>
      %dma_wait3A_73 = tpu.memref_squeeze %dma_wait3A_72 : memref<1x1x128xi32, #tpu.memory_space<hbm>> -> memref<1x128xi32, #tpu.memory_space<hbm>>
      tpu.wait_dma2 semaphore(%arg9 : memref<!tpu.dma_semaphore, #tpu.memory_space<semaphore_mem>>) src(%dma_wait3A_73 : memref<1x128xi32, #tpu.memory_space<hbm>>) dst(%dma_wait3A_69 : memref<1x128xi32, #tpu.memory_space<vmem>>)
    }
    %barrier3A_52 = arith.constant 0 : index
    tpu.barrier barrier_id(%barrier3A_52)
    "tpu.region"() ({
      %run_scoped3A_59 = tpu.sem_alloc : memref<!tpu.dma_semaphore, #tpu.memory_space<semaphore_mem>>
      %dma_start3A = tpu.memref_slice %arg8[%mul3A_29] : memref<10240xf32, #tpu.memory_space<vmem_shared>> -> memref<640xf32, #tpu.memory_space<vmem_shared>>
      %dma_start3A_60 = tpu.memref_slice %arg8[%mul3A_29] : memref<10240xf32, #tpu.memory_space<vmem_shared>> -> memref<640xf32, #tpu.memory_space<vmem_shared>>
      tpu.enqueue_dma source(%dma_start3A_60 : memref<640xf32, #tpu.memory_space<vmem_shared>>) target(%arg6 : memref<640xf32, #tpu.memory_space<vmem>>) target_semaphore(%run_scoped3A_59 : memref<!tpu.dma_semaphore, #tpu.memory_space<semaphore_mem>>)
      %dma_wait3A = tpu.memref_slice %arg8[%mul3A_29] : memref<10240xf32, #tpu.memory_space<vmem_shared>> -> memref<640xf32, #tpu.memory_space<vmem_shared>>
      %dma_wait3A_61 = tpu.memref_slice %arg8[%mul3A_29] : memref<10240xf32, #tpu.memory_space<vmem_shared>> -> memref<640xf32, #tpu.memory_space<vmem_shared>>
      tpu.wait_dma2 semaphore(%run_scoped3A_59 : memref<!tpu.dma_semaphore, #tpu.memory_space<semaphore_mem>>) src(%dma_wait3A_61 : memref<640xf32, #tpu.memory_space<vmem_shared>>) dst(%arg6 : memref<640xf32, #tpu.memory_space<vmem>>)
      tpu.yield
    }) : () -> ()
    %scan3A_53 = arith.constant 0 : i32
    %scan3A_54 = arith.constant 0 : i32
    %scan3A_55 = arith.constant 640 : i32
    %scan3A_56 = arith.addi %scan3A_54, %scan3A_55 : i32
    %scan3A_57 = arith.constant 1 : i32
    scf.for %scan3A_59 = %scan3A_54 to %scan3A_56 step %scan3A_57  : i32 {
      %broadcast_in_dim3A_60 = vector.broadcast %scan3A_59 : i32 to vector<16xi32>
      %gather3A = tpu.vector_load_idx %arg6[%broadcast_in_dim3A_60] : memref<640xf32, #tpu.memory_space<vmem>>[vector<16xi32>], vector<16xf32>,
      %swap3A_61 = arith.index_cast %scan3A_59 : i32 to index
      %swap3A_62 = arith.constant 0 : index
      %swap3A_63 = tpu.vector_load %arg7[%swap3A_61, %swap3A_62] {strides = array<i32>} : memref<640x32xf32, #tpu.memory_space<vmem>>, vector<16xf32>,
      tpu.vector_store %arg7[%swap3A_61, %swap3A_62], %gather3A {strides = array<i32>} : memref<640x32xf32, #tpu.memory_space<vmem>>, vector<16xf32>,
      %swap3A_64 = arith.index_cast %scan3A_59 : i32 to index
      %swap3A_65 = arith.constant 16 : index
      %swap3A_66 = tpu.vector_load %arg7[%swap3A_64, %swap3A_65] {strides = array<i32>} : memref<640x32xf32, #tpu.memory_space<vmem>>, vector<16xf32>,
      tpu.vector_store %arg7[%swap3A_64, %swap3A_65], %gather3A {strides = array<i32>} : memref<640x32xf32, #tpu.memory_space<vmem>>, vector<16xf32>,
    }
    %scan3A_58 = arith.constant 640 : i32
    "tpu.region"() ({
      %run_scoped3A_59 = tpu.sem_alloc : memref<!tpu.dma_semaphore, #tpu.memory_space<semaphore_mem>>
      %dma_start3A = arith.constant 0 : i32
      %dma_start3A_60 = tpu.memref_slice %arg3[%arg0, %mul3A_29, %dma_start3A] : memref<2x10240x32xf32, #tpu.memory_space<hbm>> -> memref<1x640x32xf32, #tpu.memory_space<hbm>>
      %dma_start3A_61 = tpu.memref_squeeze %dma_start3A_60 : memref<1x640x32xf32, #tpu.memory_space<hbm>> -> memref<640x32xf32, #tpu.memory_space<hbm>>
      %dma_start3A_62 = arith.constant 0 : i32
      %dma_start3A_63 = tpu.memref_slice %arg3[%arg0, %mul3A_29, %dma_start3A_62] : memref<2x10240x32xf32, #tpu.memory_space<hbm>> -> memref<1x640x32xf32, #tpu.memory_space<hbm>>
      %dma_start3A_64 = tpu.memref_squeeze %dma_start3A_63 : memref<1x640x32xf32, #tpu.memory_space<hbm>> -> memref<640x32xf32, #tpu.memory_space<hbm>>
      tpu.enqueue_dma source(%arg7 : memref<640x32xf32, #tpu.memory_space<vmem>>) target(%dma_start3A_64 : memref<640x32xf32, #tpu.memory_space<hbm>>) target_semaphore(%run_scoped3A_59 : memref<!tpu.dma_semaphore, #tpu.memory_space<semaphore_mem>>)
      %dma_wait3A = arith.constant 0 : i32
      %dma_wait3A_65 = tpu.memref_slice %arg3[%arg0, %mul3A_29, %dma_wait3A] : memref<2x10240x32xf32, #tpu.memory_space<hbm>> -> memref<1x640x32xf32, #tpu.memory_space<hbm>>
      %dma_wait3A_66 = tpu.memref_squeeze %dma_wait3A_65 : memref<1x640x32xf32, #tpu.memory_space<hbm>> -> memref<640x32xf32, #tpu.memory_space<hbm>>
      %dma_wait3A_67 = arith.constant 0 : i32
      %dma_wait3A_68 = tpu.memref_slice %arg3[%arg0, %mul3A_29, %dma_wait3A_67] : memref<2x10240x32xf32, #tpu.memory_space<hbm>> -> memref<1x640x32xf32, #tpu.memory_space<hbm>>
      %dma_wait3A_69 = tpu.memref_squeeze %dma_wait3A_68 : memref<1x640x32xf32, #tpu.memory_space<hbm>> -> memref<640x32xf32, #tpu.memory_space<hbm>>
      tpu.wait_dma2 semaphore(%run_scoped3A_59 : memref<!tpu.dma_semaphore, #tpu.memory_space<semaphore_mem>>) src(%arg7 : memref<640x32xf32, #tpu.memory_space<vmem>>) dst(%dma_wait3A_69 : memref<640x32xf32, #tpu.memory_space<hbm>>)
      tpu.yield
    }) : () -> ()
    return
  }
}

#map = affine_map<(d0, d1) -> (0, 0, 0)>
#map1 = affine_map<(d0, d1) -> (0, 0)>
module attributes {stable_mosaic.version = 14 : i64} {
  func.func @_prop_call(%arg0: i32, %arg1: i32, %arg2: memref<2x2500x128xi32, #tpu.memory_space<hbm>>, %arg3: memref<10240x32xf32, #tpu.memory_space<hbm>>, %arg4: memref<2x10240x32xf32, #tpu.memory_space<hbm>>, %arg5: memref<79x128xi32, #tpu.memory_space<vmem>>, %arg6: memref<79x128xi32, #tpu.memory_space<vmem>>, %arg7: memref<8x128x32xf32, #tpu.memory_space<vmem>>, %arg8: memref<10240x32xf32, #tpu.memory_space<vmem_shared>>, %arg9: memref<10240x32xf32, #tpu.memory_space<vmem_shared>>, %arg10: memref<8x!tpu.dma_semaphore, #tpu.memory_space<semaphore_mem>>, %arg11: memref<8x!tpu.dma_semaphore, #tpu.memory_space<semaphore_mem>>) attributes {dimension_semantics = [#tpu.dimension_semantics<core_parallel>, #tpu.dimension_semantics<subcore_parallel>], iteration_bounds = array<i64: 2, 16>, scalar_prefetch = 0 : i64, scratch_operands = 7 : i64, tpu.core_type = #tpu.core_type<sc_vector_subcore>, window_params = [{transform_indices = #map}, {transform_indices = #map1}, {transform_indices = #map}]} {
    %mul3A = arith.constant 2 : i32
    %mul3A_0 = arith.muli %arg1, %mul3A : i32
    %add3A = arith.addi %mul3A_0, %arg0 : i32
    %lt3A = arith.constant 4 : i32
    %lt3A_1 = arith.cmpi slt, %add3A, %lt3A : i32
    %jit3A = arith.constant 79 : i32
    %jit3A_2 = arith.constant 78 : i32
    %select_n3A = arith.select %lt3A_1, %jit3A, %jit3A_2 : i32
    %mul3A_3 = arith.constant 78 : i32
    %mul3A_4 = arith.muli %mul3A_3, %add3A : i32
    %min3A = arith.constant 4 : i32
    %min3A_5 = arith.minsi %add3A, %min3A : i32
    %add3A_6 = arith.addi %mul3A_4, %min3A_5 : i32
    %mul3A_7 = arith.constant 640 : i32
    %mul3A_8 = arith.muli %arg1, %mul3A_7 : i32
    %dma_start3A = arith.constant 0 : i32
    %dma_start3A_9 = tpu.memref_slice %arg10[%dma_start3A] : memref<8x!tpu.dma_semaphore, #tpu.memory_space<semaphore_mem>> -> memref<1x!tpu.dma_semaphore, #tpu.memory_space<semaphore_mem>>
    %dma_start3A_10 = tpu.memref_squeeze %dma_start3A_9 : memref<1x!tpu.dma_semaphore, #tpu.memory_space<semaphore_mem>> -> memref<!tpu.dma_semaphore, #tpu.memory_space<semaphore_mem>>
    %dma_start3A_11 = arith.constant 0 : i32
    %dma_start3A_12 = tpu.memref_slice %arg9[%mul3A_8, %dma_start3A_11] : memref<10240x32xf32, #tpu.memory_space<vmem_shared>> -> memref<640x32xf32, #tpu.memory_space<vmem_shared>>
    %dma_start3A_13 = arith.constant 0 : i32
    %dma_start3A_14 = tpu.memref_slice %arg3[%mul3A_8, %dma_start3A_13] : memref<10240x32xf32, #tpu.memory_space<hbm>> -> memref<640x32xf32, #tpu.memory_space<hbm>>
    tpu.enqueue_dma source(%dma_start3A_14 : memref<640x32xf32, #tpu.memory_space<hbm>>) target(%dma_start3A_12 : memref<640x32xf32, #tpu.memory_space<vmem_shared>>) target_semaphore(%dma_start3A_10 : memref<!tpu.dma_semaphore, #tpu.memory_space<semaphore_mem>>)
    %dma_start3A_15 = arith.constant 1 : i32
    %dma_start3A_16 = tpu.memref_slice %arg10[%dma_start3A_15] : memref<8x!tpu.dma_semaphore, #tpu.memory_space<semaphore_mem>> -> memref<1x!tpu.dma_semaphore, #tpu.memory_space<semaphore_mem>>
    %dma_start3A_17 = tpu.memref_squeeze %dma_start3A_16 : memref<1x!tpu.dma_semaphore, #tpu.memory_space<semaphore_mem>> -> memref<!tpu.dma_semaphore, #tpu.memory_space<semaphore_mem>>
    %dma_start3A_18 = arith.constant 0 : i32
    %dma_start3A_19 = tpu.memref_slice %arg8[%mul3A_8, %dma_start3A_18] : memref<10240x32xf32, #tpu.memory_space<vmem_shared>> -> memref<640x32xf32, #tpu.memory_space<vmem_shared>>
    %dma_start3A_20 = arith.constant 0 : i32
    %dma_start3A_21 = tpu.memref_slice %arg3[%mul3A_8, %dma_start3A_20] : memref<10240x32xf32, #tpu.memory_space<hbm>> -> memref<640x32xf32, #tpu.memory_space<hbm>>
    tpu.enqueue_dma source(%dma_start3A_21 : memref<640x32xf32, #tpu.memory_space<hbm>>) target(%dma_start3A_19 : memref<640x32xf32, #tpu.memory_space<vmem_shared>>) target_semaphore(%dma_start3A_17 : memref<!tpu.dma_semaphore, #tpu.memory_space<semaphore_mem>>)
    %dma_start3A_22 = arith.constant 0 : i32
    %dma_start3A_23 = arith.constant 2 : i32
    %dma_start3A_24 = arith.constant 0 : i32
    %dma_start3A_25 = arith.constant 0 : i32
    %dma_start3A_26 = tpu.memref_slice %arg5[%dma_start3A_24, %dma_start3A_25] : memref<79x128xi32, #tpu.memory_space<vmem>> -> memref<78x128xi32, #tpu.memory_space<vmem>>
    %dma_start3A_27 = arith.constant 0 : i32
    %dma_start3A_28 = tpu.memref_slice %arg2[%dma_start3A_22, %add3A_6, %dma_start3A_27] : memref<2x2500x128xi32, #tpu.memory_space<hbm>> -> memref<1x78x128xi32, #tpu.memory_space<hbm>>
    %dma_start3A_29 = tpu.memref_squeeze %dma_start3A_28 : memref<1x78x128xi32, #tpu.memory_space<hbm>> -> memref<78x128xi32, #tpu.memory_space<hbm>>
    %dma_start3A_30 = tpu.memref_slice %arg10[%dma_start3A_23] : memref<8x!tpu.dma_semaphore, #tpu.memory_space<semaphore_mem>> -> memref<1x!tpu.dma_semaphore, #tpu.memory_space<semaphore_mem>>
    %dma_start3A_31 = tpu.memref_squeeze %dma_start3A_30 : memref<1x!tpu.dma_semaphore, #tpu.memory_space<semaphore_mem>> -> memref<!tpu.dma_semaphore, #tpu.memory_space<semaphore_mem>>
    %dma_start3A_32 = arith.constant 0 : i32
    %dma_start3A_33 = arith.constant 0 : i32
    %dma_start3A_34 = tpu.memref_slice %arg5[%dma_start3A_32, %dma_start3A_33] : memref<79x128xi32, #tpu.memory_space<vmem>> -> memref<78x128xi32, #tpu.memory_space<vmem>>
    %dma_start3A_35 = arith.constant 0 : i32
    %dma_start3A_36 = tpu.memref_slice %arg2[%dma_start3A_22, %add3A_6, %dma_start3A_35] : memref<2x2500x128xi32, #tpu.memory_space<hbm>> -> memref<1x78x128xi32, #tpu.memory_space<hbm>>
    %dma_start3A_37 = tpu.memref_squeeze %dma_start3A_36 : memref<1x78x128xi32, #tpu.memory_space<hbm>> -> memref<78x128xi32, #tpu.memory_space<hbm>>
    tpu.enqueue_dma source(%dma_start3A_37 : memref<78x128xi32, #tpu.memory_space<hbm>>) target(%dma_start3A_34 : memref<78x128xi32, #tpu.memory_space<vmem>>) target_semaphore(%dma_start3A_31 : memref<!tpu.dma_semaphore, #tpu.memory_space<semaphore_mem>>)
    %dma_start3A_38 = arith.constant 1 : i32
    %dma_start3A_39 = arith.constant 3 : i32
    %dma_start3A_40 = arith.constant 0 : i32
    %dma_start3A_41 = arith.constant 0 : i32
    %dma_start3A_42 = tpu.memref_slice %arg6[%dma_start3A_40, %dma_start3A_41] : memref<79x128xi32, #tpu.memory_space<vmem>> -> memref<78x128xi32, #tpu.memory_space<vmem>>
    %dma_start3A_43 = arith.constant 0 : i32
    %dma_start3A_44 = tpu.memref_slice %arg2[%dma_start3A_38, %add3A_6, %dma_start3A_43] : memref<2x2500x128xi32, #tpu.memory_space<hbm>> -> memref<1x78x128xi32, #tpu.memory_space<hbm>>
    %dma_start3A_45 = tpu.memref_squeeze %dma_start3A_44 : memref<1x78x128xi32, #tpu.memory_space<hbm>> -> memref<78x128xi32, #tpu.memory_space<hbm>>
    %dma_start3A_46 = tpu.memref_slice %arg10[%dma_start3A_39] : memref<8x!tpu.dma_semaphore, #tpu.memory_space<semaphore_mem>> -> memref<1x!tpu.dma_semaphore, #tpu.memory_space<semaphore_mem>>
    %dma_start3A_47 = tpu.memref_squeeze %dma_start3A_46 : memref<1x!tpu.dma_semaphore, #tpu.memory_space<semaphore_mem>> -> memref<!tpu.dma_semaphore, #tpu.memory_space<semaphore_mem>>
    %dma_start3A_48 = arith.constant 0 : i32
    %dma_start3A_49 = arith.constant 0 : i32
    %dma_start3A_50 = tpu.memref_slice %arg6[%dma_start3A_48, %dma_start3A_49] : memref<79x128xi32, #tpu.memory_space<vmem>> -> memref<78x128xi32, #tpu.memory_space<vmem>>
    %dma_start3A_51 = arith.constant 0 : i32
    %dma_start3A_52 = tpu.memref_slice %arg2[%dma_start3A_38, %add3A_6, %dma_start3A_51] : memref<2x2500x128xi32, #tpu.memory_space<hbm>> -> memref<1x78x128xi32, #tpu.memory_space<hbm>>
    %dma_start3A_53 = tpu.memref_squeeze %dma_start3A_52 : memref<1x78x128xi32, #tpu.memory_space<hbm>> -> memref<78x128xi32, #tpu.memory_space<hbm>>
    tpu.enqueue_dma source(%dma_start3A_53 : memref<78x128xi32, #tpu.memory_space<hbm>>) target(%dma_start3A_50 : memref<78x128xi32, #tpu.memory_space<vmem>>) target_semaphore(%dma_start3A_47 : memref<!tpu.dma_semaphore, #tpu.memory_space<semaphore_mem>>)
    %lt3A_54 = arith.constant 4 : i32
    %lt3A_55 = arith.cmpi slt, %add3A, %lt3A_54 : i32
    %convert_element_type3A = arith.extui %lt3A_55 : i1 to i32
    %cond3A = arith.constant 0 : i32
    %cond3A_56 = arith.cmpi ne, %convert_element_type3A, %cond3A : i32
    scf.if %cond3A_56 {
      %add3A_266 = arith.constant 78 : i32
      %add3A_267 = arith.addi %add3A_6, %add3A_266 : i32
      %run_scoped3A = arith.constant 0 : i32
      "tpu.region"() ({
        %run_scoped3A_271 = tpu.sem_alloc : memref<!tpu.dma_semaphore, #tpu.memory_space<semaphore_mem>>
        %dma_start3A_272 = arith.constant 78 : i32
        %dma_start3A_273 = arith.constant 0 : i32
        %dma_start3A_274 = tpu.memref_slice %arg5[%dma_start3A_272, %dma_start3A_273] : memref<79x128xi32, #tpu.memory_space<vmem>> -> memref<1x128xi32, #tpu.memory_space<vmem>>
        %dma_start3A_275 = arith.constant 0 : i32
        %dma_start3A_276 = tpu.memref_slice %arg2[%run_scoped3A, %add3A_267, %dma_start3A_275] : memref<2x2500x128xi32, #tpu.memory_space<hbm>> -> memref<1x1x128xi32, #tpu.memory_space<hbm>>
        %dma_start3A_277 = tpu.memref_squeeze %dma_start3A_276 : memref<1x1x128xi32, #tpu.memory_space<hbm>> -> memref<1x128xi32, #tpu.memory_space<hbm>>
        %dma_start3A_278 = arith.constant 78 : i32
        %dma_start3A_279 = arith.constant 0 : i32
        %dma_start3A_280 = tpu.memref_slice %arg5[%dma_start3A_278, %dma_start3A_279] : memref<79x128xi32, #tpu.memory_space<vmem>> -> memref<1x128xi32, #tpu.memory_space<vmem>>
        %dma_start3A_281 = arith.constant 0 : i32
        %dma_start3A_282 = tpu.memref_slice %arg2[%run_scoped3A, %add3A_267, %dma_start3A_281] : memref<2x2500x128xi32, #tpu.memory_space<hbm>> -> memref<1x1x128xi32, #tpu.memory_space<hbm>>
        %dma_start3A_283 = tpu.memref_squeeze %dma_start3A_282 : memref<1x1x128xi32, #tpu.memory_space<hbm>> -> memref<1x128xi32, #tpu.memory_space<hbm>>
        tpu.enqueue_dma source(%dma_start3A_283 : memref<1x128xi32, #tpu.memory_space<hbm>>) target(%dma_start3A_280 : memref<1x128xi32, #tpu.memory_space<vmem>>) target_semaphore(%run_scoped3A_271 : memref<!tpu.dma_semaphore, #tpu.memory_space<semaphore_mem>>)
        %dma_wait3A_284 = arith.constant 78 : i32
        %dma_wait3A_285 = arith.constant 0 : i32
        %dma_wait3A_286 = tpu.memref_slice %arg5[%dma_wait3A_284, %dma_wait3A_285] : memref<79x128xi32, #tpu.memory_space<vmem>> -> memref<1x128xi32, #tpu.memory_space<vmem>>
        %dma_wait3A_287 = arith.constant 0 : i32
        %dma_wait3A_288 = tpu.memref_slice %arg2[%run_scoped3A, %add3A_267, %dma_wait3A_287] : memref<2x2500x128xi32, #tpu.memory_space<hbm>> -> memref<1x1x128xi32, #tpu.memory_space<hbm>>
        %dma_wait3A_289 = tpu.memref_squeeze %dma_wait3A_288 : memref<1x1x128xi32, #tpu.memory_space<hbm>> -> memref<1x128xi32, #tpu.memory_space<hbm>>
        %dma_wait3A_290 = arith.constant 78 : i32
        %dma_wait3A_291 = arith.constant 0 : i32
        %dma_wait3A_292 = tpu.memref_slice %arg5[%dma_wait3A_290, %dma_wait3A_291] : memref<79x128xi32, #tpu.memory_space<vmem>> -> memref<1x128xi32, #tpu.memory_space<vmem>>
        %dma_wait3A_293 = arith.constant 0 : i32
        %dma_wait3A_294 = tpu.memref_slice %arg2[%run_scoped3A, %add3A_267, %dma_wait3A_293] : memref<2x2500x128xi32, #tpu.memory_space<hbm>> -> memref<1x1x128xi32, #tpu.memory_space<hbm>>
        %dma_wait3A_295 = tpu.memref_squeeze %dma_wait3A_294 : memref<1x1x128xi32, #tpu.memory_space<hbm>> -> memref<1x128xi32, #tpu.memory_space<hbm>>
        tpu.wait_dma2 semaphore(%run_scoped3A_271 : memref<!tpu.dma_semaphore, #tpu.memory_space<semaphore_mem>>) src(%dma_wait3A_295 : memref<1x128xi32, #tpu.memory_space<hbm>>) dst(%dma_wait3A_292 : memref<1x128xi32, #tpu.memory_space<vmem>>)
        tpu.yield
      }) : () -> ()
      %add3A_268 = arith.constant 78 : i32
      %add3A_269 = arith.addi %add3A_6, %add3A_268 : i32
      %run_scoped3A_270 = arith.constant 1 : i32
      "tpu.region"() ({
        %run_scoped3A_271 = tpu.sem_alloc : memref<!tpu.dma_semaphore, #tpu.memory_space<semaphore_mem>>
        %dma_start3A_272 = arith.constant 78 : i32
        %dma_start3A_273 = arith.constant 0 : i32
        %dma_start3A_274 = tpu.memref_slice %arg6[%dma_start3A_272, %dma_start3A_273] : memref<79x128xi32, #tpu.memory_space<vmem>> -> memref<1x128xi32, #tpu.memory_space<vmem>>
        %dma_start3A_275 = arith.constant 0 : i32
        %dma_start3A_276 = tpu.memref_slice %arg2[%run_scoped3A_270, %add3A_269, %dma_start3A_275] : memref<2x2500x128xi32, #tpu.memory_space<hbm>> -> memref<1x1x128xi32, #tpu.memory_space<hbm>>
        %dma_start3A_277 = tpu.memref_squeeze %dma_start3A_276 : memref<1x1x128xi32, #tpu.memory_space<hbm>> -> memref<1x128xi32, #tpu.memory_space<hbm>>
        %dma_start3A_278 = arith.constant 78 : i32
        %dma_start3A_279 = arith.constant 0 : i32
        %dma_start3A_280 = tpu.memref_slice %arg6[%dma_start3A_278, %dma_start3A_279] : memref<79x128xi32, #tpu.memory_space<vmem>> -> memref<1x128xi32, #tpu.memory_space<vmem>>
        %dma_start3A_281 = arith.constant 0 : i32
        %dma_start3A_282 = tpu.memref_slice %arg2[%run_scoped3A_270, %add3A_269, %dma_start3A_281] : memref<2x2500x128xi32, #tpu.memory_space<hbm>> -> memref<1x1x128xi32, #tpu.memory_space<hbm>>
        %dma_start3A_283 = tpu.memref_squeeze %dma_start3A_282 : memref<1x1x128xi32, #tpu.memory_space<hbm>> -> memref<1x128xi32, #tpu.memory_space<hbm>>
        tpu.enqueue_dma source(%dma_start3A_283 : memref<1x128xi32, #tpu.memory_space<hbm>>) target(%dma_start3A_280 : memref<1x128xi32, #tpu.memory_space<vmem>>) target_semaphore(%run_scoped3A_271 : memref<!tpu.dma_semaphore, #tpu.memory_space<semaphore_mem>>)
        %dma_wait3A_284 = arith.constant 78 : i32
        %dma_wait3A_285 = arith.constant 0 : i32
        %dma_wait3A_286 = tpu.memref_slice %arg6[%dma_wait3A_284, %dma_wait3A_285] : memref<79x128xi32, #tpu.memory_space<vmem>> -> memref<1x128xi32, #tpu.memory_space<vmem>>
        %dma_wait3A_287 = arith.constant 0 : i32
        %dma_wait3A_288 = tpu.memref_slice %arg2[%run_scoped3A_270, %add3A_269, %dma_wait3A_287] : memref<2x2500x128xi32, #tpu.memory_space<hbm>> -> memref<1x1x128xi32, #tpu.memory_space<hbm>>
        %dma_wait3A_289 = tpu.memref_squeeze %dma_wait3A_288 : memref<1x1x128xi32, #tpu.memory_space<hbm>> -> memref<1x128xi32, #tpu.memory_space<hbm>>
        %dma_wait3A_290 = arith.constant 78 : i32
        %dma_wait3A_291 = arith.constant 0 : i32
        %dma_wait3A_292 = tpu.memref_slice %arg6[%dma_wait3A_290, %dma_wait3A_291] : memref<79x128xi32, #tpu.memory_space<vmem>> -> memref<1x128xi32, #tpu.memory_space<vmem>>
        %dma_wait3A_293 = arith.constant 0 : i32
        %dma_wait3A_294 = tpu.memref_slice %arg2[%run_scoped3A_270, %add3A_269, %dma_wait3A_293] : memref<2x2500x128xi32, #tpu.memory_space<hbm>> -> memref<1x1x128xi32, #tpu.memory_space<hbm>>
        %dma_wait3A_295 = tpu.memref_squeeze %dma_wait3A_294 : memref<1x1x128xi32, #tpu.memory_space<hbm>> -> memref<1x128xi32, #tpu.memory_space<hbm>>
        tpu.wait_dma2 semaphore(%run_scoped3A_271 : memref<!tpu.dma_semaphore, #tpu.memory_space<semaphore_mem>>) src(%dma_wait3A_295 : memref<1x128xi32, #tpu.memory_space<hbm>>) dst(%dma_wait3A_292 : memref<1x128xi32, #tpu.memory_space<vmem>>)
        tpu.yield
      }) : () -> ()
    } else {
    }
    %dma_wait3A = arith.constant 0 : i32
    %dma_wait3A_57 = tpu.memref_slice %arg10[%dma_wait3A] : memref<8x!tpu.dma_semaphore, #tpu.memory_space<semaphore_mem>> -> memref<1x!tpu.dma_semaphore, #tpu.memory_space<semaphore_mem>>
    %dma_wait3A_58 = tpu.memref_squeeze %dma_wait3A_57 : memref<1x!tpu.dma_semaphore, #tpu.memory_space<semaphore_mem>> -> memref<!tpu.dma_semaphore, #tpu.memory_space<semaphore_mem>>
    %dma_wait3A_59 = arith.constant 0 : i32
    %dma_wait3A_60 = tpu.memref_slice %arg9[%mul3A_8, %dma_wait3A_59] : memref<10240x32xf32, #tpu.memory_space<vmem_shared>> -> memref<640x32xf32, #tpu.memory_space<vmem_shared>>
    %dma_wait3A_61 = arith.constant 0 : i32
    %dma_wait3A_62 = tpu.memref_slice %arg3[%mul3A_8, %dma_wait3A_61] : memref<10240x32xf32, #tpu.memory_space<hbm>> -> memref<640x32xf32, #tpu.memory_space<hbm>>
    tpu.wait_dma2 semaphore(%dma_wait3A_58 : memref<!tpu.dma_semaphore, #tpu.memory_space<semaphore_mem>>) src(%dma_wait3A_62 : memref<640x32xf32, #tpu.memory_space<hbm>>) dst(%dma_wait3A_60 : memref<640x32xf32, #tpu.memory_space<vmem_shared>>)
    %dma_wait3A_63 = arith.constant 1 : i32
    %dma_wait3A_64 = tpu.memref_slice %arg10[%dma_wait3A_63] : memref<8x!tpu.dma_semaphore, #tpu.memory_space<semaphore_mem>> -> memref<1x!tpu.dma_semaphore, #tpu.memory_space<semaphore_mem>>
    %dma_wait3A_65 = tpu.memref_squeeze %dma_wait3A_64 : memref<1x!tpu.dma_semaphore, #tpu.memory_space<semaphore_mem>> -> memref<!tpu.dma_semaphore, #tpu.memory_space<semaphore_mem>>
    %dma_wait3A_66 = arith.constant 0 : i32
    %dma_wait3A_67 = tpu.memref_slice %arg8[%mul3A_8, %dma_wait3A_66] : memref<10240x32xf32, #tpu.memory_space<vmem_shared>> -> memref<640x32xf32, #tpu.memory_space<vmem_shared>>
    %dma_wait3A_68 = arith.constant 0 : i32
    %dma_wait3A_69 = tpu.memref_slice %arg3[%mul3A_8, %dma_wait3A_68] : memref<10240x32xf32, #tpu.memory_space<hbm>> -> memref<640x32xf32, #tpu.memory_space<hbm>>
    tpu.wait_dma2 semaphore(%dma_wait3A_65 : memref<!tpu.dma_semaphore, #tpu.memory_space<semaphore_mem>>) src(%dma_wait3A_69 : memref<640x32xf32, #tpu.memory_space<hbm>>) dst(%dma_wait3A_67 : memref<640x32xf32, #tpu.memory_space<vmem_shared>>)
    %dma_wait3A_70 = arith.constant 0 : i32
    %dma_wait3A_71 = arith.constant 2 : i32
    %dma_wait3A_72 = arith.constant 0 : i32
    %dma_wait3A_73 = arith.constant 0 : i32
    %dma_wait3A_74 = tpu.memref_slice %arg5[%dma_wait3A_72, %dma_wait3A_73] : memref<79x128xi32, #tpu.memory_space<vmem>> -> memref<78x128xi32, #tpu.memory_space<vmem>>
    %dma_wait3A_75 = arith.constant 0 : i32
    %dma_wait3A_76 = tpu.memref_slice %arg2[%dma_wait3A_70, %add3A_6, %dma_wait3A_75] : memref<2x2500x128xi32, #tpu.memory_space<hbm>> -> memref<1x78x128xi32, #tpu.memory_space<hbm>>
    %dma_wait3A_77 = tpu.memref_squeeze %dma_wait3A_76 : memref<1x78x128xi32, #tpu.memory_space<hbm>> -> memref<78x128xi32, #tpu.memory_space<hbm>>
    %dma_wait3A_78 = tpu.memref_slice %arg10[%dma_wait3A_71] : memref<8x!tpu.dma_semaphore, #tpu.memory_space<semaphore_mem>> -> memref<1x!tpu.dma_semaphore, #tpu.memory_space<semaphore_mem>>
    %dma_wait3A_79 = tpu.memref_squeeze %dma_wait3A_78 : memref<1x!tpu.dma_semaphore, #tpu.memory_space<semaphore_mem>> -> memref<!tpu.dma_semaphore, #tpu.memory_space<semaphore_mem>>
    %dma_wait3A_80 = arith.constant 0 : i32
    %dma_wait3A_81 = arith.constant 0 : i32
    %dma_wait3A_82 = tpu.memref_slice %arg5[%dma_wait3A_80, %dma_wait3A_81] : memref<79x128xi32, #tpu.memory_space<vmem>> -> memref<78x128xi32, #tpu.memory_space<vmem>>
    %dma_wait3A_83 = arith.constant 0 : i32
    %dma_wait3A_84 = tpu.memref_slice %arg2[%dma_wait3A_70, %add3A_6, %dma_wait3A_83] : memref<2x2500x128xi32, #tpu.memory_space<hbm>> -> memref<1x78x128xi32, #tpu.memory_space<hbm>>
    %dma_wait3A_85 = tpu.memref_squeeze %dma_wait3A_84 : memref<1x78x128xi32, #tpu.memory_space<hbm>> -> memref<78x128xi32, #tpu.memory_space<hbm>>
    tpu.wait_dma2 semaphore(%dma_wait3A_79 : memref<!tpu.dma_semaphore, #tpu.memory_space<semaphore_mem>>) src(%dma_wait3A_85 : memref<78x128xi32, #tpu.memory_space<hbm>>) dst(%dma_wait3A_82 : memref<78x128xi32, #tpu.memory_space<vmem>>)
    %dma_wait3A_86 = arith.constant 1 : i32
    %dma_wait3A_87 = arith.constant 3 : i32
    %dma_wait3A_88 = arith.constant 0 : i32
    %dma_wait3A_89 = arith.constant 0 : i32
    %dma_wait3A_90 = tpu.memref_slice %arg6[%dma_wait3A_88, %dma_wait3A_89] : memref<79x128xi32, #tpu.memory_space<vmem>> -> memref<78x128xi32, #tpu.memory_space<vmem>>
    %dma_wait3A_91 = arith.constant 0 : i32
    %dma_wait3A_92 = tpu.memref_slice %arg2[%dma_wait3A_86, %add3A_6, %dma_wait3A_91] : memref<2x2500x128xi32, #tpu.memory_space<hbm>> -> memref<1x78x128xi32, #tpu.memory_space<hbm>>
    %dma_wait3A_93 = tpu.memref_squeeze %dma_wait3A_92 : memref<1x78x128xi32, #tpu.memory_space<hbm>> -> memref<78x128xi32, #tpu.memory_space<hbm>>
    %dma_wait3A_94 = tpu.memref_slice %arg10[%dma_wait3A_87] : memref<8x!tpu.dma_semaphore, #tpu.memory_space<semaphore_mem>> -> memref<1x!tpu.dma_semaphore, #tpu.memory_space<semaphore_mem>>
    %dma_wait3A_95 = tpu.memref_squeeze %dma_wait3A_94 : memref<1x!tpu.dma_semaphore, #tpu.memory_space<semaphore_mem>> -> memref<!tpu.dma_semaphore, #tpu.memory_space<semaphore_mem>>
    %dma_wait3A_96 = arith.constant 0 : i32
    %dma_wait3A_97 = arith.constant 0 : i32
    %dma_wait3A_98 = tpu.memref_slice %arg6[%dma_wait3A_96, %dma_wait3A_97] : memref<79x128xi32, #tpu.memory_space<vmem>> -> memref<78x128xi32, #tpu.memory_space<vmem>>
    %dma_wait3A_99 = arith.constant 0 : i32
    %dma_wait3A_100 = tpu.memref_slice %arg2[%dma_wait3A_86, %add3A_6, %dma_wait3A_99] : memref<2x2500x128xi32, #tpu.memory_space<hbm>> -> memref<1x78x128xi32, #tpu.memory_space<hbm>>
    %dma_wait3A_101 = tpu.memref_squeeze %dma_wait3A_100 : memref<1x78x128xi32, #tpu.memory_space<hbm>> -> memref<78x128xi32, #tpu.memory_space<hbm>>
    tpu.wait_dma2 semaphore(%dma_wait3A_95 : memref<!tpu.dma_semaphore, #tpu.memory_space<semaphore_mem>>) src(%dma_wait3A_101 : memref<78x128xi32, #tpu.memory_space<hbm>>) dst(%dma_wait3A_98 : memref<78x128xi32, #tpu.memory_space<vmem>>)
    %barrier3A = arith.constant 0 : index
    tpu.barrier barrier_id(%barrier3A)
    %while3A = arith.constant 0 : i32
    %while3A_102 = arith.constant 0 : i32
    %while3A_103 = arith.subi %select_n3A, %while3A_102 : i32
    %while3A_104 = arith.addi %while3A_102, %while3A_103 : i32
    %while3A_105 = arith.constant 1 : i32
    %while3A_106 = arith.divsi %while3A_103, %while3A_105 : i32
    %while3A_107 = arith.muli %while3A_106, %while3A_105 : i32
    %while3A_108 = arith.addi %while3A_102, %while3A_107 : i32
    %while3A_109 = arith.constant 1 : i32
    scf.for %while3A_266 = %while3A_102 to %while3A_108 step %while3A_109  : i32 {
      %ge3A = arith.constant 8 : i32
      %ge3A_267 = arith.cmpi sge, %while3A_266, %ge3A : i32
      %convert_element_type3A_268 = arith.extui %ge3A_267 : i1 to i32
      %cond3A_269 = arith.constant 0 : i32
      %cond3A_270 = arith.cmpi ne, %convert_element_type3A_268, %cond3A_269 : i32
      scf.if %cond3A_270 {
        %rem3A_289 = arith.constant 8 : i32
        %rem3A_290 = arith.remsi %while3A_266, %rem3A_289 : i32
        %dma_wait3A_291 = arith.constant 0 : i32
        %dma_wait3A_292 = arith.constant 0 : i32
        %dma_wait3A_293 = tpu.memref_slice %arg7[%rem3A_290, %dma_wait3A_291, %dma_wait3A_292] : memref<8x128x32xf32, #tpu.memory_space<vmem>> -> memref<1x128x32xf32, #tpu.memory_space<vmem>>
        %dma_wait3A_294 = tpu.memref_squeeze %dma_wait3A_293 : memref<1x128x32xf32, #tpu.memory_space<vmem>> -> memref<128x32xf32, #tpu.memory_space<vmem>>
        %dma_wait3A_295 = arith.constant 0 : i32
        %dma_wait3A_296 = arith.constant 0 : i32
        %dma_wait3A_297 = tpu.memref_slice %arg3[%dma_wait3A_295, %dma_wait3A_296] : memref<10240x32xf32, #tpu.memory_space<hbm>> -> memref<128x32xf32, #tpu.memory_space<hbm>>
        %dma_wait3A_298 = tpu.memref_slice %arg11[%rem3A_290] : memref<8x!tpu.dma_semaphore, #tpu.memory_space<semaphore_mem>> -> memref<1x!tpu.dma_semaphore, #tpu.memory_space<semaphore_mem>>
        %dma_wait3A_299 = tpu.memref_squeeze %dma_wait3A_298 : memref<1x!tpu.dma_semaphore, #tpu.memory_space<semaphore_mem>> -> memref<!tpu.dma_semaphore, #tpu.memory_space<semaphore_mem>>
        %dma_wait3A_300 = arith.constant 0 : i32
        %dma_wait3A_301 = arith.constant 0 : i32
        %dma_wait3A_302 = tpu.memref_slice %arg7[%rem3A_290, %dma_wait3A_300, %dma_wait3A_301] : memref<8x128x32xf32, #tpu.memory_space<vmem>> -> memref<1x128x32xf32, #tpu.memory_space<vmem>>
        %dma_wait3A_303 = tpu.memref_squeeze %dma_wait3A_302 : memref<1x128x32xf32, #tpu.memory_space<vmem>> -> memref<128x32xf32, #tpu.memory_space<vmem>>
        %dma_wait3A_304 = arith.constant 0 : i32
        %dma_wait3A_305 = arith.constant 0 : i32
        %dma_wait3A_306 = tpu.memref_slice %arg3[%dma_wait3A_304, %dma_wait3A_305] : memref<10240x32xf32, #tpu.memory_space<hbm>> -> memref<128x32xf32, #tpu.memory_space<hbm>>
        tpu.wait_dma2 semaphore(%dma_wait3A_299 : memref<!tpu.dma_semaphore, #tpu.memory_space<semaphore_mem>>) src(%dma_wait3A_306 : memref<128x32xf32, #tpu.memory_space<hbm>>) dst(%dma_wait3A_303 : memref<128x32xf32, #tpu.memory_space<vmem>>)
      } else {
      }
      %rem3A = arith.constant 8 : i32
      %rem3A_271 = arith.remsi %while3A_266, %rem3A : i32
      %dma_start3A_272 = arith.constant 0 : i32
      %dma_start3A_273 = arith.constant 0 : i32
      %dma_start3A_274 = tpu.memref_slice %arg7[%rem3A_271, %dma_start3A_272, %dma_start3A_273] : memref<8x128x32xf32, #tpu.memory_space<vmem>> -> memref<1x128x32xf32, #tpu.memory_space<vmem>>
      %dma_start3A_275 = tpu.memref_squeeze %dma_start3A_274 : memref<1x128x32xf32, #tpu.memory_space<vmem>> -> memref<128x32xf32, #tpu.memory_space<vmem>>
      %dma_start3A_276 = arith.constant 0 : i32
      %dma_start3A_277 = tpu.memref_slice %arg5[%while3A_266, %dma_start3A_276] : memref<79x128xi32, #tpu.memory_space<vmem>> -> memref<1x128xi32, #tpu.memory_space<vmem>>
      %dma_start3A_278 = tpu.memref_squeeze %dma_start3A_277 : memref<1x128xi32, #tpu.memory_space<vmem>> -> memref<128xi32, #tpu.memory_space<vmem>>
      %dma_start3A_279 = arith.constant 0 : i32
      %dma_start3A_280 = arith.constant 0 : i32
      %dma_start3A_281 = tpu.memref_slice %arg9[%dma_start3A_279, %dma_start3A_280] : memref<10240x32xf32, #tpu.memory_space<vmem_shared>> -> memref<10240x32xf32, #tpu.memory_space<vmem_shared>>
      %dma_start3A_282 = tpu.memref_slice %arg10[%rem3A_271] : memref<8x!tpu.dma_semaphore, #tpu.memory_space<semaphore_mem>> -> memref<1x!tpu.dma_semaphore, #tpu.memory_space<semaphore_mem>>
      %dma_start3A_283 = tpu.memref_squeeze %dma_start3A_282 : memref<1x!tpu.dma_semaphore, #tpu.memory_space<semaphore_mem>> -> memref<!tpu.dma_semaphore, #tpu.memory_space<semaphore_mem>>
      tpu.enqueue_indirect_dma source(%dma_start3A_281 : memref<10240x32xf32, #tpu.memory_space<vmem_shared>>) target(%dma_start3A_275 : memref<128x32xf32, #tpu.memory_space<vmem>>) offsets(%dma_start3A_278 : memref<128xi32, #tpu.memory_space<vmem>>) semaphore(%dma_start3A_283 : memref<!tpu.dma_semaphore, #tpu.memory_space<semaphore_mem>>)
      %ge3A_284 = arith.constant 3 : i32
      %ge3A_285 = arith.cmpi sge, %while3A_266, %ge3A_284 : i32
      %convert_element_type3A_286 = arith.extui %ge3A_285 : i1 to i32
      %cond3A_287 = arith.constant 0 : i32
      %cond3A_288 = arith.cmpi ne, %convert_element_type3A_286, %cond3A_287 : i32
      scf.if %cond3A_288 {
        %sub3A_289 = arith.constant 3 : i32
        %sub3A_290 = arith.subi %while3A_266, %sub3A_289 : i32
        %rem3A_291 = arith.constant 8 : i32
        %rem3A_292 = arith.remsi %sub3A_290, %rem3A_291 : i32
        %dma_wait3A_293 = arith.constant 0 : i32
        %dma_wait3A_294 = arith.constant 0 : i32
        %dma_wait3A_295 = tpu.memref_slice %arg7[%rem3A_292, %dma_wait3A_293, %dma_wait3A_294] : memref<8x128x32xf32, #tpu.memory_space<vmem>> -> memref<1x128x32xf32, #tpu.memory_space<vmem>>
        %dma_wait3A_296 = tpu.memref_squeeze %dma_wait3A_295 : memref<1x128x32xf32, #tpu.memory_space<vmem>> -> memref<128x32xf32, #tpu.memory_space<vmem>>
        %dma_wait3A_297 = arith.constant 0 : i32
        %dma_wait3A_298 = arith.constant 0 : i32
        %dma_wait3A_299 = tpu.memref_slice %arg3[%dma_wait3A_297, %dma_wait3A_298] : memref<10240x32xf32, #tpu.memory_space<hbm>> -> memref<128x32xf32, #tpu.memory_space<hbm>>
        %dma_wait3A_300 = tpu.memref_slice %arg10[%rem3A_292] : memref<8x!tpu.dma_semaphore, #tpu.memory_space<semaphore_mem>> -> memref<1x!tpu.dma_semaphore, #tpu.memory_space<semaphore_mem>>
        %dma_wait3A_301 = tpu.memref_squeeze %dma_wait3A_300 : memref<1x!tpu.dma_semaphore, #tpu.memory_space<semaphore_mem>> -> memref<!tpu.dma_semaphore, #tpu.memory_space<semaphore_mem>>
        %dma_wait3A_302 = arith.constant 0 : i32
        %dma_wait3A_303 = arith.constant 0 : i32
        %dma_wait3A_304 = tpu.memref_slice %arg7[%rem3A_292, %dma_wait3A_302, %dma_wait3A_303] : memref<8x128x32xf32, #tpu.memory_space<vmem>> -> memref<1x128x32xf32, #tpu.memory_space<vmem>>
        %dma_wait3A_305 = tpu.memref_squeeze %dma_wait3A_304 : memref<1x128x32xf32, #tpu.memory_space<vmem>> -> memref<128x32xf32, #tpu.memory_space<vmem>>
        %dma_wait3A_306 = arith.constant 0 : i32
        %dma_wait3A_307 = arith.constant 0 : i32
        %dma_wait3A_308 = tpu.memref_slice %arg3[%dma_wait3A_306, %dma_wait3A_307] : memref<10240x32xf32, #tpu.memory_space<hbm>> -> memref<128x32xf32, #tpu.memory_space<hbm>>
        tpu.wait_dma2 semaphore(%dma_wait3A_301 : memref<!tpu.dma_semaphore, #tpu.memory_space<semaphore_mem>>) src(%dma_wait3A_308 : memref<128x32xf32, #tpu.memory_space<hbm>>) dst(%dma_wait3A_305 : memref<128x32xf32, #tpu.memory_space<vmem>>)
        %dma_start3A_309 = arith.constant 0 : i32
        %dma_start3A_310 = arith.constant 0 : i32
        %dma_start3A_311 = tpu.memref_slice %arg7[%rem3A_292, %dma_start3A_309, %dma_start3A_310] : memref<8x128x32xf32, #tpu.memory_space<vmem>> -> memref<1x128x32xf32, #tpu.memory_space<vmem>>
        %dma_start3A_312 = tpu.memref_squeeze %dma_start3A_311 : memref<1x128x32xf32, #tpu.memory_space<vmem>> -> memref<128x32xf32, #tpu.memory_space<vmem>>
        %dma_start3A_313 = arith.constant 0 : i32
        %dma_start3A_314 = tpu.memref_slice %arg6[%sub3A_290, %dma_start3A_313] : memref<79x128xi32, #tpu.memory_space<vmem>> -> memref<1x128xi32, #tpu.memory_space<vmem>>
        %dma_start3A_315 = tpu.memref_squeeze %dma_start3A_314 : memref<1x128xi32, #tpu.memory_space<vmem>> -> memref<128xi32, #tpu.memory_space<vmem>>
        %dma_start3A_316 = arith.constant 0 : i32
        %dma_start3A_317 = arith.constant 0 : i32
        %dma_start3A_318 = tpu.memref_slice %arg8[%dma_start3A_316, %dma_start3A_317] : memref<10240x32xf32, #tpu.memory_space<vmem_shared>> -> memref<10240x32xf32, #tpu.memory_space<vmem_shared>>
        %dma_start3A_319 = tpu.memref_slice %arg11[%rem3A_292] : memref<8x!tpu.dma_semaphore, #tpu.memory_space<semaphore_mem>> -> memref<1x!tpu.dma_semaphore, #tpu.memory_space<semaphore_mem>>
        %dma_start3A_320 = tpu.memref_squeeze %dma_start3A_319 : memref<1x!tpu.dma_semaphore, #tpu.memory_space<semaphore_mem>> -> memref<!tpu.dma_semaphore, #tpu.memory_space<semaphore_mem>>
        tpu.enqueue_indirect_dma source(%dma_start3A_312 : memref<128x32xf32, #tpu.memory_space<vmem>>) target(%dma_start3A_318 : memref<10240x32xf32, #tpu.memory_space<vmem_shared>>) offsets(%dma_start3A_315 : memref<128xi32, #tpu.memory_space<vmem>>) semaphore(%dma_start3A_320 : memref<!tpu.dma_semaphore, #tpu.memory_space<semaphore_mem>>) {add = true}
      } else {
      }
    }
    %while3A_110 = arith.constant 1 : i32
    scf.for %while3A_266 = %while3A_108 to %while3A_104 step %while3A_110  : i32 {
      %ge3A = arith.constant 8 : i32
      %ge3A_267 = arith.cmpi sge, %while3A_266, %ge3A : i32
      %convert_element_type3A_268 = arith.extui %ge3A_267 : i1 to i32
      %cond3A_269 = arith.constant 0 : i32
      %cond3A_270 = arith.cmpi ne, %convert_element_type3A_268, %cond3A_269 : i32
      scf.if %cond3A_270 {
        %rem3A_289 = arith.constant 8 : i32
        %rem3A_290 = arith.remsi %while3A_266, %rem3A_289 : i32
        %dma_wait3A_291 = arith.constant 0 : i32
        %dma_wait3A_292 = arith.constant 0 : i32
        %dma_wait3A_293 = tpu.memref_slice %arg7[%rem3A_290, %dma_wait3A_291, %dma_wait3A_292] : memref<8x128x32xf32, #tpu.memory_space<vmem>> -> memref<1x128x32xf32, #tpu.memory_space<vmem>>
        %dma_wait3A_294 = tpu.memref_squeeze %dma_wait3A_293 : memref<1x128x32xf32, #tpu.memory_space<vmem>> -> memref<128x32xf32, #tpu.memory_space<vmem>>
        %dma_wait3A_295 = arith.constant 0 : i32
        %dma_wait3A_296 = arith.constant 0 : i32
        %dma_wait3A_297 = tpu.memref_slice %arg3[%dma_wait3A_295, %dma_wait3A_296] : memref<10240x32xf32, #tpu.memory_space<hbm>> -> memref<128x32xf32, #tpu.memory_space<hbm>>
        %dma_wait3A_298 = tpu.memref_slice %arg11[%rem3A_290] : memref<8x!tpu.dma_semaphore, #tpu.memory_space<semaphore_mem>> -> memref<1x!tpu.dma_semaphore, #tpu.memory_space<semaphore_mem>>
        %dma_wait3A_299 = tpu.memref_squeeze %dma_wait3A_298 : memref<1x!tpu.dma_semaphore, #tpu.memory_space<semaphore_mem>> -> memref<!tpu.dma_semaphore, #tpu.memory_space<semaphore_mem>>
        %dma_wait3A_300 = arith.constant 0 : i32
        %dma_wait3A_301 = arith.constant 0 : i32
        %dma_wait3A_302 = tpu.memref_slice %arg7[%rem3A_290, %dma_wait3A_300, %dma_wait3A_301] : memref<8x128x32xf32, #tpu.memory_space<vmem>> -> memref<1x128x32xf32, #tpu.memory_space<vmem>>
        %dma_wait3A_303 = tpu.memref_squeeze %dma_wait3A_302 : memref<1x128x32xf32, #tpu.memory_space<vmem>> -> memref<128x32xf32, #tpu.memory_space<vmem>>
        %dma_wait3A_304 = arith.constant 0 : i32
        %dma_wait3A_305 = arith.constant 0 : i32
        %dma_wait3A_306 = tpu.memref_slice %arg3[%dma_wait3A_304, %dma_wait3A_305] : memref<10240x32xf32, #tpu.memory_space<hbm>> -> memref<128x32xf32, #tpu.memory_space<hbm>>
        tpu.wait_dma2 semaphore(%dma_wait3A_299 : memref<!tpu.dma_semaphore, #tpu.memory_space<semaphore_mem>>) src(%dma_wait3A_306 : memref<128x32xf32, #tpu.memory_space<hbm>>) dst(%dma_wait3A_303 : memref<128x32xf32, #tpu.memory_space<vmem>>)
      } else {
      }
      %rem3A = arith.constant 8 : i32
      %rem3A_271 = arith.remsi %while3A_266, %rem3A : i32
      %dma_start3A_272 = arith.constant 0 : i32
      %dma_start3A_273 = arith.constant 0 : i32
      %dma_start3A_274 = tpu.memref_slice %arg7[%rem3A_271, %dma_start3A_272, %dma_start3A_273] : memref<8x128x32xf32, #tpu.memory_space<vmem>> -> memref<1x128x32xf32, #tpu.memory_space<vmem>>
      %dma_start3A_275 = tpu.memref_squeeze %dma_start3A_274 : memref<1x128x32xf32, #tpu.memory_space<vmem>> -> memref<128x32xf32, #tpu.memory_space<vmem>>
      %dma_start3A_276 = arith.constant 0 : i32
      %dma_start3A_277 = tpu.memref_slice %arg5[%while3A_266, %dma_start3A_276] : memref<79x128xi32, #tpu.memory_space<vmem>> -> memref<1x128xi32, #tpu.memory_space<vmem>>
      %dma_start3A_278 = tpu.memref_squeeze %dma_start3A_277 : memref<1x128xi32, #tpu.memory_space<vmem>> -> memref<128xi32, #tpu.memory_space<vmem>>
      %dma_start3A_279 = arith.constant 0 : i32
      %dma_start3A_280 = arith.constant 0 : i32
      %dma_start3A_281 = tpu.memref_slice %arg9[%dma_start3A_279, %dma_start3A_280] : memref<10240x32xf32, #tpu.memory_space<vmem_shared>> -> memref<10240x32xf32, #tpu.memory_space<vmem_shared>>
      %dma_start3A_282 = tpu.memref_slice %arg10[%rem3A_271] : memref<8x!tpu.dma_semaphore, #tpu.memory_space<semaphore_mem>> -> memref<1x!tpu.dma_semaphore, #tpu.memory_space<semaphore_mem>>
      %dma_start3A_283 = tpu.memref_squeeze %dma_start3A_282 : memref<1x!tpu.dma_semaphore, #tpu.memory_space<semaphore_mem>> -> memref<!tpu.dma_semaphore, #tpu.memory_space<semaphore_mem>>
      tpu.enqueue_indirect_dma source(%dma_start3A_281 : memref<10240x32xf32, #tpu.memory_space<vmem_shared>>) target(%dma_start3A_275 : memref<128x32xf32, #tpu.memory_space<vmem>>) offsets(%dma_start3A_278 : memref<128xi32, #tpu.memory_space<vmem>>) semaphore(%dma_start3A_283 : memref<!tpu.dma_semaphore, #tpu.memory_space<semaphore_mem>>)
      %ge3A_284 = arith.constant 3 : i32
      %ge3A_285 = arith.cmpi sge, %while3A_266, %ge3A_284 : i32
      %convert_element_type3A_286 = arith.extui %ge3A_285 : i1 to i32
      %cond3A_287 = arith.constant 0 : i32
      %cond3A_288 = arith.cmpi ne, %convert_element_type3A_286, %cond3A_287 : i32
      scf.if %cond3A_288 {
        %sub3A_289 = arith.constant 3 : i32
        %sub3A_290 = arith.subi %while3A_266, %sub3A_289 : i32
        %rem3A_291 = arith.constant 8 : i32
        %rem3A_292 = arith.remsi %sub3A_290, %rem3A_291 : i32
        %dma_wait3A_293 = arith.constant 0 : i32
        %dma_wait3A_294 = arith.constant 0 : i32
        %dma_wait3A_295 = tpu.memref_slice %arg7[%rem3A_292, %dma_wait3A_293, %dma_wait3A_294] : memref<8x128x32xf32, #tpu.memory_space<vmem>> -> memref<1x128x32xf32, #tpu.memory_space<vmem>>
        %dma_wait3A_296 = tpu.memref_squeeze %dma_wait3A_295 : memref<1x128x32xf32, #tpu.memory_space<vmem>> -> memref<128x32xf32, #tpu.memory_space<vmem>>
        %dma_wait3A_297 = arith.constant 0 : i32
        %dma_wait3A_298 = arith.constant 0 : i32
        %dma_wait3A_299 = tpu.memref_slice %arg3[%dma_wait3A_297, %dma_wait3A_298] : memref<10240x32xf32, #tpu.memory_space<hbm>> -> memref<128x32xf32, #tpu.memory_space<hbm>>
        %dma_wait3A_300 = tpu.memref_slice %arg10[%rem3A_292] : memref<8x!tpu.dma_semaphore, #tpu.memory_space<semaphore_mem>> -> memref<1x!tpu.dma_semaphore, #tpu.memory_space<semaphore_mem>>
        %dma_wait3A_301 = tpu.memref_squeeze %dma_wait3A_300 : memref<1x!tpu.dma_semaphore, #tpu.memory_space<semaphore_mem>> -> memref<!tpu.dma_semaphore, #tpu.memory_space<semaphore_mem>>
        %dma_wait3A_302 = arith.constant 0 : i32
        %dma_wait3A_303 = arith.constant 0 : i32
        %dma_wait3A_304 = tpu.memref_slice %arg7[%rem3A_292, %dma_wait3A_302, %dma_wait3A_303] : memref<8x128x32xf32, #tpu.memory_space<vmem>> -> memref<1x128x32xf32, #tpu.memory_space<vmem>>
        %dma_wait3A_305 = tpu.memref_squeeze %dma_wait3A_304 : memref<1x128x32xf32, #tpu.memory_space<vmem>> -> memref<128x32xf32, #tpu.memory_space<vmem>>
        %dma_wait3A_306 = arith.constant 0 : i32
        %dma_wait3A_307 = arith.constant 0 : i32
        %dma_wait3A_308 = tpu.memref_slice %arg3[%dma_wait3A_306, %dma_wait3A_307] : memref<10240x32xf32, #tpu.memory_space<hbm>> -> memref<128x32xf32, #tpu.memory_space<hbm>>
        tpu.wait_dma2 semaphore(%dma_wait3A_301 : memref<!tpu.dma_semaphore, #tpu.memory_space<semaphore_mem>>) src(%dma_wait3A_308 : memref<128x32xf32, #tpu.memory_space<hbm>>) dst(%dma_wait3A_305 : memref<128x32xf32, #tpu.memory_space<vmem>>)
        %dma_start3A_309 = arith.constant 0 : i32
        %dma_start3A_310 = arith.constant 0 : i32
        %dma_start3A_311 = tpu.memref_slice %arg7[%rem3A_292, %dma_start3A_309, %dma_start3A_310] : memref<8x128x32xf32, #tpu.memory_space<vmem>> -> memref<1x128x32xf32, #tpu.memory_space<vmem>>
        %dma_start3A_312 = tpu.memref_squeeze %dma_start3A_311 : memref<1x128x32xf32, #tpu.memory_space<vmem>> -> memref<128x32xf32, #tpu.memory_space<vmem>>
        %dma_start3A_313 = arith.constant 0 : i32
        %dma_start3A_314 = tpu.memref_slice %arg6[%sub3A_290, %dma_start3A_313] : memref<79x128xi32, #tpu.memory_space<vmem>> -> memref<1x128xi32, #tpu.memory_space<vmem>>
        %dma_start3A_315 = tpu.memref_squeeze %dma_start3A_314 : memref<1x128xi32, #tpu.memory_space<vmem>> -> memref<128xi32, #tpu.memory_space<vmem>>
        %dma_start3A_316 = arith.constant 0 : i32
        %dma_start3A_317 = arith.constant 0 : i32
        %dma_start3A_318 = tpu.memref_slice %arg8[%dma_start3A_316, %dma_start3A_317] : memref<10240x32xf32, #tpu.memory_space<vmem_shared>> -> memref<10240x32xf32, #tpu.memory_space<vmem_shared>>
        %dma_start3A_319 = tpu.memref_slice %arg11[%rem3A_292] : memref<8x!tpu.dma_semaphore, #tpu.memory_space<semaphore_mem>> -> memref<1x!tpu.dma_semaphore, #tpu.memory_space<semaphore_mem>>
        %dma_start3A_320 = tpu.memref_squeeze %dma_start3A_319 : memref<1x!tpu.dma_semaphore, #tpu.memory_space<semaphore_mem>> -> memref<!tpu.dma_semaphore, #tpu.memory_space<semaphore_mem>>
        tpu.enqueue_indirect_dma source(%dma_start3A_312 : memref<128x32xf32, #tpu.memory_space<vmem>>) target(%dma_start3A_318 : memref<10240x32xf32, #tpu.memory_space<vmem_shared>>) offsets(%dma_start3A_315 : memref<128xi32, #tpu.memory_space<vmem>>) semaphore(%dma_start3A_320 : memref<!tpu.dma_semaphore, #tpu.memory_space<semaphore_mem>>) {add = true}
      } else {
      }
    }
    %sub3A = arith.constant 3 : i32
    %sub3A_111 = arith.subi %select_n3A, %sub3A : i32
    %while3A_112 = arith.constant 0 : i32
    %while3A_113 = arith.subi %select_n3A, %sub3A_111 : i32
    %while3A_114 = arith.addi %sub3A_111, %while3A_113 : i32
    %while3A_115 = arith.constant 1 : i32
    %while3A_116 = arith.divsi %while3A_113, %while3A_115 : i32
    %while3A_117 = arith.muli %while3A_116, %while3A_115 : i32
    %while3A_118 = arith.addi %sub3A_111, %while3A_117 : i32
    %while3A_119 = arith.constant 1 : i32
    scf.for %while3A_266 = %sub3A_111 to %while3A_118 step %while3A_119  : i32 {
      %rem3A = arith.constant 8 : i32
      %rem3A_267 = arith.remsi %while3A_266, %rem3A : i32
      %dma_wait3A_268 = arith.constant 0 : i32
      %dma_wait3A_269 = arith.constant 0 : i32
      %dma_wait3A_270 = tpu.memref_slice %arg7[%rem3A_267, %dma_wait3A_268, %dma_wait3A_269] : memref<8x128x32xf32, #tpu.memory_space<vmem>> -> memref<1x128x32xf32, #tpu.memory_space<vmem>>
      %dma_wait3A_271 = tpu.memref_squeeze %dma_wait3A_270 : memref<1x128x32xf32, #tpu.memory_space<vmem>> -> memref<128x32xf32, #tpu.memory_space<vmem>>
      %dma_wait3A_272 = arith.constant 0 : i32
      %dma_wait3A_273 = arith.constant 0 : i32
      %dma_wait3A_274 = tpu.memref_slice %arg3[%dma_wait3A_272, %dma_wait3A_273] : memref<10240x32xf32, #tpu.memory_space<hbm>> -> memref<128x32xf32, #tpu.memory_space<hbm>>
      %dma_wait3A_275 = tpu.memref_slice %arg10[%rem3A_267] : memref<8x!tpu.dma_semaphore, #tpu.memory_space<semaphore_mem>> -> memref<1x!tpu.dma_semaphore, #tpu.memory_space<semaphore_mem>>
      %dma_wait3A_276 = tpu.memref_squeeze %dma_wait3A_275 : memref<1x!tpu.dma_semaphore, #tpu.memory_space<semaphore_mem>> -> memref<!tpu.dma_semaphore, #tpu.memory_space<semaphore_mem>>
      %dma_wait3A_277 = arith.constant 0 : i32
      %dma_wait3A_278 = arith.constant 0 : i32
      %dma_wait3A_279 = tpu.memref_slice %arg7[%rem3A_267, %dma_wait3A_277, %dma_wait3A_278] : memref<8x128x32xf32, #tpu.memory_space<vmem>> -> memref<1x128x32xf32, #tpu.memory_space<vmem>>
      %dma_wait3A_280 = tpu.memref_squeeze %dma_wait3A_279 : memref<1x128x32xf32, #tpu.memory_space<vmem>> -> memref<128x32xf32, #tpu.memory_space<vmem>>
      %dma_wait3A_281 = arith.constant 0 : i32
      %dma_wait3A_282 = arith.constant 0 : i32
      %dma_wait3A_283 = tpu.memref_slice %arg3[%dma_wait3A_281, %dma_wait3A_282] : memref<10240x32xf32, #tpu.memory_space<hbm>> -> memref<128x32xf32, #tpu.memory_space<hbm>>
      tpu.wait_dma2 semaphore(%dma_wait3A_276 : memref<!tpu.dma_semaphore, #tpu.memory_space<semaphore_mem>>) src(%dma_wait3A_283 : memref<128x32xf32, #tpu.memory_space<hbm>>) dst(%dma_wait3A_280 : memref<128x32xf32, #tpu.memory_space<vmem>>)
      %dma_start3A_284 = arith.constant 0 : i32
      %dma_start3A_285 = arith.constant 0 : i32
      %dma_start3A_286 = tpu.memref_slice %arg7[%rem3A_267, %dma_start3A_284, %dma_start3A_285] : memref<8x128x32xf32, #tpu.memory_space<vmem>> -> memref<1x128x32xf32, #tpu.memory_space<vmem>>
      %dma_start3A_287 = tpu.memref_squeeze %dma_start3A_286 : memref<1x128x32xf32, #tpu.memory_space<vmem>> -> memref<128x32xf32, #tpu.memory_space<vmem>>
      %dma_start3A_288 = arith.constant 0 : i32
      %dma_start3A_289 = tpu.memref_slice %arg6[%while3A_266, %dma_start3A_288] : memref<79x128xi32, #tpu.memory_space<vmem>> -> memref<1x128xi32, #tpu.memory_space<vmem>>
      %dma_start3A_290 = tpu.memref_squeeze %dma_start3A_289 : memref<1x128xi32, #tpu.memory_space<vmem>> -> memref<128xi32, #tpu.memory_space<vmem>>
      %dma_start3A_291 = arith.constant 0 : i32
      %dma_start3A_292 = arith.constant 0 : i32
      %dma_start3A_293 = tpu.memref_slice %arg8[%dma_start3A_291, %dma_start3A_292] : memref<10240x32xf32, #tpu.memory_space<vmem_shared>> -> memref<10240x32xf32, #tpu.memory_space<vmem_shared>>
      %dma_start3A_294 = tpu.memref_slice %arg11[%rem3A_267] : memref<8x!tpu.dma_semaphore, #tpu.memory_space<semaphore_mem>> -> memref<1x!tpu.dma_semaphore, #tpu.memory_space<semaphore_mem>>
      %dma_start3A_295 = tpu.memref_squeeze %dma_start3A_294 : memref<1x!tpu.dma_semaphore, #tpu.memory_space<semaphore_mem>> -> memref<!tpu.dma_semaphore, #tpu.memory_space<semaphore_mem>>
      tpu.enqueue_indirect_dma source(%dma_start3A_287 : memref<128x32xf32, #tpu.memory_space<vmem>>) target(%dma_start3A_293 : memref<10240x32xf32, #tpu.memory_space<vmem_shared>>) offsets(%dma_start3A_290 : memref<128xi32, #tpu.memory_space<vmem>>) semaphore(%dma_start3A_295 : memref<!tpu.dma_semaphore, #tpu.memory_space<semaphore_mem>>) {add = true}
    }
    %while3A_120 = arith.constant 1 : i32
    scf.for %while3A_266 = %while3A_118 to %while3A_114 step %while3A_120  : i32 {
      %rem3A = arith.constant 8 : i32
      %rem3A_267 = arith.remsi %while3A_266, %rem3A : i32
      %dma_wait3A_268 = arith.constant 0 : i32
      %dma_wait3A_269 = arith.constant 0 : i32
      %dma_wait3A_270 = tpu.memref_slice %arg7[%rem3A_267, %dma_wait3A_268, %dma_wait3A_269] : memref<8x128x32xf32, #tpu.memory_space<vmem>> -> memref<1x128x32xf32, #tpu.memory_space<vmem>>
      %dma_wait3A_271 = tpu.memref_squeeze %dma_wait3A_270 : memref<1x128x32xf32, #tpu.memory_space<vmem>> -> memref<128x32xf32, #tpu.memory_space<vmem>>
      %dma_wait3A_272 = arith.constant 0 : i32
      %dma_wait3A_273 = arith.constant 0 : i32
      %dma_wait3A_274 = tpu.memref_slice %arg3[%dma_wait3A_272, %dma_wait3A_273] : memref<10240x32xf32, #tpu.memory_space<hbm>> -> memref<128x32xf32, #tpu.memory_space<hbm>>
      %dma_wait3A_275 = tpu.memref_slice %arg10[%rem3A_267] : memref<8x!tpu.dma_semaphore, #tpu.memory_space<semaphore_mem>> -> memref<1x!tpu.dma_semaphore, #tpu.memory_space<semaphore_mem>>
      %dma_wait3A_276 = tpu.memref_squeeze %dma_wait3A_275 : memref<1x!tpu.dma_semaphore, #tpu.memory_space<semaphore_mem>> -> memref<!tpu.dma_semaphore, #tpu.memory_space<semaphore_mem>>
      %dma_wait3A_277 = arith.constant 0 : i32
      %dma_wait3A_278 = arith.constant 0 : i32
      %dma_wait3A_279 = tpu.memref_slice %arg7[%rem3A_267, %dma_wait3A_277, %dma_wait3A_278] : memref<8x128x32xf32, #tpu.memory_space<vmem>> -> memref<1x128x32xf32, #tpu.memory_space<vmem>>
      %dma_wait3A_280 = tpu.memref_squeeze %dma_wait3A_279 : memref<1x128x32xf32, #tpu.memory_space<vmem>> -> memref<128x32xf32, #tpu.memory_space<vmem>>
      %dma_wait3A_281 = arith.constant 0 : i32
      %dma_wait3A_282 = arith.constant 0 : i32
      %dma_wait3A_283 = tpu.memref_slice %arg3[%dma_wait3A_281, %dma_wait3A_282] : memref<10240x32xf32, #tpu.memory_space<hbm>> -> memref<128x32xf32, #tpu.memory_space<hbm>>
      tpu.wait_dma2 semaphore(%dma_wait3A_276 : memref<!tpu.dma_semaphore, #tpu.memory_space<semaphore_mem>>) src(%dma_wait3A_283 : memref<128x32xf32, #tpu.memory_space<hbm>>) dst(%dma_wait3A_280 : memref<128x32xf32, #tpu.memory_space<vmem>>)
      %dma_start3A_284 = arith.constant 0 : i32
      %dma_start3A_285 = arith.constant 0 : i32
      %dma_start3A_286 = tpu.memref_slice %arg7[%rem3A_267, %dma_start3A_284, %dma_start3A_285] : memref<8x128x32xf32, #tpu.memory_space<vmem>> -> memref<1x128x32xf32, #tpu.memory_space<vmem>>
      %dma_start3A_287 = tpu.memref_squeeze %dma_start3A_286 : memref<1x128x32xf32, #tpu.memory_space<vmem>> -> memref<128x32xf32, #tpu.memory_space<vmem>>
      %dma_start3A_288 = arith.constant 0 : i32
      %dma_start3A_289 = tpu.memref_slice %arg6[%while3A_266, %dma_start3A_288] : memref<79x128xi32, #tpu.memory_space<vmem>> -> memref<1x128xi32, #tpu.memory_space<vmem>>
      %dma_start3A_290 = tpu.memref_squeeze %dma_start3A_289 : memref<1x128xi32, #tpu.memory_space<vmem>> -> memref<128xi32, #tpu.memory_space<vmem>>
      %dma_start3A_291 = arith.constant 0 : i32
      %dma_start3A_292 = arith.constant 0 : i32
      %dma_start3A_293 = tpu.memref_slice %arg8[%dma_start3A_291, %dma_start3A_292] : memref<10240x32xf32, #tpu.memory_space<vmem_shared>> -> memref<10240x32xf32, #tpu.memory_space<vmem_shared>>
      %dma_start3A_294 = tpu.memref_slice %arg11[%rem3A_267] : memref<8x!tpu.dma_semaphore, #tpu.memory_space<semaphore_mem>> -> memref<1x!tpu.dma_semaphore, #tpu.memory_space<semaphore_mem>>
      %dma_start3A_295 = tpu.memref_squeeze %dma_start3A_294 : memref<1x!tpu.dma_semaphore, #tpu.memory_space<semaphore_mem>> -> memref<!tpu.dma_semaphore, #tpu.memory_space<semaphore_mem>>
      tpu.enqueue_indirect_dma source(%dma_start3A_287 : memref<128x32xf32, #tpu.memory_space<vmem>>) target(%dma_start3A_293 : memref<10240x32xf32, #tpu.memory_space<vmem_shared>>) offsets(%dma_start3A_290 : memref<128xi32, #tpu.memory_space<vmem>>) semaphore(%dma_start3A_295 : memref<!tpu.dma_semaphore, #tpu.memory_space<semaphore_mem>>) {add = true}
    }
    %dma_wait3A_121 = arith.constant 0 : i32
    %dma_wait3A_122 = arith.constant 0 : i32
    %dma_wait3A_123 = arith.constant 0 : i32
    %dma_wait3A_124 = arith.constant 0 : i32
    %dma_wait3A_125 = tpu.memref_slice %arg7[%dma_wait3A_121, %dma_wait3A_123, %dma_wait3A_124] : memref<8x128x32xf32, #tpu.memory_space<vmem>> -> memref<1x128x32xf32, #tpu.memory_space<vmem>>
    %dma_wait3A_126 = tpu.memref_squeeze %dma_wait3A_125 : memref<1x128x32xf32, #tpu.memory_space<vmem>> -> memref<128x32xf32, #tpu.memory_space<vmem>>
    %dma_wait3A_127 = arith.constant 0 : i32
    %dma_wait3A_128 = arith.constant 0 : i32
    %dma_wait3A_129 = tpu.memref_slice %arg3[%dma_wait3A_127, %dma_wait3A_128] : memref<10240x32xf32, #tpu.memory_space<hbm>> -> memref<128x32xf32, #tpu.memory_space<hbm>>
    %dma_wait3A_130 = tpu.memref_slice %arg11[%dma_wait3A_122] : memref<8x!tpu.dma_semaphore, #tpu.memory_space<semaphore_mem>> -> memref<1x!tpu.dma_semaphore, #tpu.memory_space<semaphore_mem>>
    %dma_wait3A_131 = tpu.memref_squeeze %dma_wait3A_130 : memref<1x!tpu.dma_semaphore, #tpu.memory_space<semaphore_mem>> -> memref<!tpu.dma_semaphore, #tpu.memory_space<semaphore_mem>>
    %dma_wait3A_132 = arith.constant 0 : i32
    %dma_wait3A_133 = arith.constant 0 : i32
    %dma_wait3A_134 = tpu.memref_slice %arg7[%dma_wait3A_121, %dma_wait3A_132, %dma_wait3A_133] : memref<8x128x32xf32, #tpu.memory_space<vmem>> -> memref<1x128x32xf32, #tpu.memory_space<vmem>>
    %dma_wait3A_135 = tpu.memref_squeeze %dma_wait3A_134 : memref<1x128x32xf32, #tpu.memory_space<vmem>> -> memref<128x32xf32, #tpu.memory_space<vmem>>
    %dma_wait3A_136 = arith.constant 0 : i32
    %dma_wait3A_137 = arith.constant 0 : i32
    %dma_wait3A_138 = tpu.memref_slice %arg3[%dma_wait3A_136, %dma_wait3A_137] : memref<10240x32xf32, #tpu.memory_space<hbm>> -> memref<128x32xf32, #tpu.memory_space<hbm>>
    tpu.wait_dma2 semaphore(%dma_wait3A_131 : memref<!tpu.dma_semaphore, #tpu.memory_space<semaphore_mem>>) src(%dma_wait3A_138 : memref<128x32xf32, #tpu.memory_space<hbm>>) dst(%dma_wait3A_135 : memref<128x32xf32, #tpu.memory_space<vmem>>)
    %dma_wait3A_139 = arith.constant 1 : i32
    %dma_wait3A_140 = arith.constant 1 : i32
    %dma_wait3A_141 = arith.constant 0 : i32
    %dma_wait3A_142 = arith.constant 0 : i32
    %dma_wait3A_143 = tpu.memref_slice %arg7[%dma_wait3A_139, %dma_wait3A_141, %dma_wait3A_142] : memref<8x128x32xf32, #tpu.memory_space<vmem>> -> memref<1x128x32xf32, #tpu.memory_space<vmem>>
    %dma_wait3A_144 = tpu.memref_squeeze %dma_wait3A_143 : memref<1x128x32xf32, #tpu.memory_space<vmem>> -> memref<128x32xf32, #tpu.memory_space<vmem>>
    %dma_wait3A_145 = arith.constant 0 : i32
    %dma_wait3A_146 = arith.constant 0 : i32
    %dma_wait3A_147 = tpu.memref_slice %arg3[%dma_wait3A_145, %dma_wait3A_146] : memref<10240x32xf32, #tpu.memory_space<hbm>> -> memref<128x32xf32, #tpu.memory_space<hbm>>
    %dma_wait3A_148 = tpu.memref_slice %arg11[%dma_wait3A_140] : memref<8x!tpu.dma_semaphore, #tpu.memory_space<semaphore_mem>> -> memref<1x!tpu.dma_semaphore, #tpu.memory_space<semaphore_mem>>
    %dma_wait3A_149 = tpu.memref_squeeze %dma_wait3A_148 : memref<1x!tpu.dma_semaphore, #tpu.memory_space<semaphore_mem>> -> memref<!tpu.dma_semaphore, #tpu.memory_space<semaphore_mem>>
    %dma_wait3A_150 = arith.constant 0 : i32
    %dma_wait3A_151 = arith.constant 0 : i32
    %dma_wait3A_152 = tpu.memref_slice %arg7[%dma_wait3A_139, %dma_wait3A_150, %dma_wait3A_151] : memref<8x128x32xf32, #tpu.memory_space<vmem>> -> memref<1x128x32xf32, #tpu.memory_space<vmem>>
    %dma_wait3A_153 = tpu.memref_squeeze %dma_wait3A_152 : memref<1x128x32xf32, #tpu.memory_space<vmem>> -> memref<128x32xf32, #tpu.memory_space<vmem>>
    %dma_wait3A_154 = arith.constant 0 : i32
    %dma_wait3A_155 = arith.constant 0 : i32
    %dma_wait3A_156 = tpu.memref_slice %arg3[%dma_wait3A_154, %dma_wait3A_155] : memref<10240x32xf32, #tpu.memory_space<hbm>> -> memref<128x32xf32, #tpu.memory_space<hbm>>
    tpu.wait_dma2 semaphore(%dma_wait3A_149 : memref<!tpu.dma_semaphore, #tpu.memory_space<semaphore_mem>>) src(%dma_wait3A_156 : memref<128x32xf32, #tpu.memory_space<hbm>>) dst(%dma_wait3A_153 : memref<128x32xf32, #tpu.memory_space<vmem>>)
    %dma_wait3A_157 = arith.constant 2 : i32
    %dma_wait3A_158 = arith.constant 2 : i32
    %dma_wait3A_159 = arith.constant 0 : i32
    %dma_wait3A_160 = arith.constant 0 : i32
    %dma_wait3A_161 = tpu.memref_slice %arg7[%dma_wait3A_157, %dma_wait3A_159, %dma_wait3A_160] : memref<8x128x32xf32, #tpu.memory_space<vmem>> -> memref<1x128x32xf32, #tpu.memory_space<vmem>>
    %dma_wait3A_162 = tpu.memref_squeeze %dma_wait3A_161 : memref<1x128x32xf32, #tpu.memory_space<vmem>> -> memref<128x32xf32, #tpu.memory_space<vmem>>
    %dma_wait3A_163 = arith.constant 0 : i32
    %dma_wait3A_164 = arith.constant 0 : i32
    %dma_wait3A_165 = tpu.memref_slice %arg3[%dma_wait3A_163, %dma_wait3A_164] : memref<10240x32xf32, #tpu.memory_space<hbm>> -> memref<128x32xf32, #tpu.memory_space<hbm>>
    %dma_wait3A_166 = tpu.memref_slice %arg11[%dma_wait3A_158] : memref<8x!tpu.dma_semaphore, #tpu.memory_space<semaphore_mem>> -> memref<1x!tpu.dma_semaphore, #tpu.memory_space<semaphore_mem>>
    %dma_wait3A_167 = tpu.memref_squeeze %dma_wait3A_166 : memref<1x!tpu.dma_semaphore, #tpu.memory_space<semaphore_mem>> -> memref<!tpu.dma_semaphore, #tpu.memory_space<semaphore_mem>>
    %dma_wait3A_168 = arith.constant 0 : i32
    %dma_wait3A_169 = arith.constant 0 : i32
    %dma_wait3A_170 = tpu.memref_slice %arg7[%dma_wait3A_157, %dma_wait3A_168, %dma_wait3A_169] : memref<8x128x32xf32, #tpu.memory_space<vmem>> -> memref<1x128x32xf32, #tpu.memory_space<vmem>>
    %dma_wait3A_171 = tpu.memref_squeeze %dma_wait3A_170 : memref<1x128x32xf32, #tpu.memory_space<vmem>> -> memref<128x32xf32, #tpu.memory_space<vmem>>
    %dma_wait3A_172 = arith.constant 0 : i32
    %dma_wait3A_173 = arith.constant 0 : i32
    %dma_wait3A_174 = tpu.memref_slice %arg3[%dma_wait3A_172, %dma_wait3A_173] : memref<10240x32xf32, #tpu.memory_space<hbm>> -> memref<128x32xf32, #tpu.memory_space<hbm>>
    tpu.wait_dma2 semaphore(%dma_wait3A_167 : memref<!tpu.dma_semaphore, #tpu.memory_space<semaphore_mem>>) src(%dma_wait3A_174 : memref<128x32xf32, #tpu.memory_space<hbm>>) dst(%dma_wait3A_171 : memref<128x32xf32, #tpu.memory_space<vmem>>)
    %dma_wait3A_175 = arith.constant 3 : i32
    %dma_wait3A_176 = arith.constant 3 : i32
    %dma_wait3A_177 = arith.constant 0 : i32
    %dma_wait3A_178 = arith.constant 0 : i32
    %dma_wait3A_179 = tpu.memref_slice %arg7[%dma_wait3A_175, %dma_wait3A_177, %dma_wait3A_178] : memref<8x128x32xf32, #tpu.memory_space<vmem>> -> memref<1x128x32xf32, #tpu.memory_space<vmem>>
    %dma_wait3A_180 = tpu.memref_squeeze %dma_wait3A_179 : memref<1x128x32xf32, #tpu.memory_space<vmem>> -> memref<128x32xf32, #tpu.memory_space<vmem>>
    %dma_wait3A_181 = arith.constant 0 : i32
    %dma_wait3A_182 = arith.constant 0 : i32
    %dma_wait3A_183 = tpu.memref_slice %arg3[%dma_wait3A_181, %dma_wait3A_182] : memref<10240x32xf32, #tpu.memory_space<hbm>> -> memref<128x32xf32, #tpu.memory_space<hbm>>
    %dma_wait3A_184 = tpu.memref_slice %arg11[%dma_wait3A_176] : memref<8x!tpu.dma_semaphore, #tpu.memory_space<semaphore_mem>> -> memref<1x!tpu.dma_semaphore, #tpu.memory_space<semaphore_mem>>
    %dma_wait3A_185 = tpu.memref_squeeze %dma_wait3A_184 : memref<1x!tpu.dma_semaphore, #tpu.memory_space<semaphore_mem>> -> memref<!tpu.dma_semaphore, #tpu.memory_space<semaphore_mem>>
    %dma_wait3A_186 = arith.constant 0 : i32
    %dma_wait3A_187 = arith.constant 0 : i32
    %dma_wait3A_188 = tpu.memref_slice %arg7[%dma_wait3A_175, %dma_wait3A_186, %dma_wait3A_187] : memref<8x128x32xf32, #tpu.memory_space<vmem>> -> memref<1x128x32xf32, #tpu.memory_space<vmem>>
    %dma_wait3A_189 = tpu.memref_squeeze %dma_wait3A_188 : memref<1x128x32xf32, #tpu.memory_space<vmem>> -> memref<128x32xf32, #tpu.memory_space<vmem>>
    %dma_wait3A_190 = arith.constant 0 : i32
    %dma_wait3A_191 = arith.constant 0 : i32
    %dma_wait3A_192 = tpu.memref_slice %arg3[%dma_wait3A_190, %dma_wait3A_191] : memref<10240x32xf32, #tpu.memory_space<hbm>> -> memref<128x32xf32, #tpu.memory_space<hbm>>
    tpu.wait_dma2 semaphore(%dma_wait3A_185 : memref<!tpu.dma_semaphore, #tpu.memory_space<semaphore_mem>>) src(%dma_wait3A_192 : memref<128x32xf32, #tpu.memory_space<hbm>>) dst(%dma_wait3A_189 : memref<128x32xf32, #tpu.memory_space<vmem>>)
    %dma_wait3A_193 = arith.constant 4 : i32
    %dma_wait3A_194 = arith.constant 4 : i32
    %dma_wait3A_195 = arith.constant 0 : i32
    %dma_wait3A_196 = arith.constant 0 : i32
    %dma_wait3A_197 = tpu.memref_slice %arg7[%dma_wait3A_193, %dma_wait3A_195, %dma_wait3A_196] : memref<8x128x32xf32, #tpu.memory_space<vmem>> -> memref<1x128x32xf32, #tpu.memory_space<vmem>>
    %dma_wait3A_198 = tpu.memref_squeeze %dma_wait3A_197 : memref<1x128x32xf32, #tpu.memory_space<vmem>> -> memref<128x32xf32, #tpu.memory_space<vmem>>
    %dma_wait3A_199 = arith.constant 0 : i32
    %dma_wait3A_200 = arith.constant 0 : i32
    %dma_wait3A_201 = tpu.memref_slice %arg3[%dma_wait3A_199, %dma_wait3A_200] : memref<10240x32xf32, #tpu.memory_space<hbm>> -> memref<128x32xf32, #tpu.memory_space<hbm>>
    %dma_wait3A_202 = tpu.memref_slice %arg11[%dma_wait3A_194] : memref<8x!tpu.dma_semaphore, #tpu.memory_space<semaphore_mem>> -> memref<1x!tpu.dma_semaphore, #tpu.memory_space<semaphore_mem>>
    %dma_wait3A_203 = tpu.memref_squeeze %dma_wait3A_202 : memref<1x!tpu.dma_semaphore, #tpu.memory_space<semaphore_mem>> -> memref<!tpu.dma_semaphore, #tpu.memory_space<semaphore_mem>>
    %dma_wait3A_204 = arith.constant 0 : i32
    %dma_wait3A_205 = arith.constant 0 : i32
    %dma_wait3A_206 = tpu.memref_slice %arg7[%dma_wait3A_193, %dma_wait3A_204, %dma_wait3A_205] : memref<8x128x32xf32, #tpu.memory_space<vmem>> -> memref<1x128x32xf32, #tpu.memory_space<vmem>>
    %dma_wait3A_207 = tpu.memref_squeeze %dma_wait3A_206 : memref<1x128x32xf32, #tpu.memory_space<vmem>> -> memref<128x32xf32, #tpu.memory_space<vmem>>
    %dma_wait3A_208 = arith.constant 0 : i32
    %dma_wait3A_209 = arith.constant 0 : i32
    %dma_wait3A_210 = tpu.memref_slice %arg3[%dma_wait3A_208, %dma_wait3A_209] : memref<10240x32xf32, #tpu.memory_space<hbm>> -> memref<128x32xf32, #tpu.memory_space<hbm>>
    tpu.wait_dma2 semaphore(%dma_wait3A_203 : memref<!tpu.dma_semaphore, #tpu.memory_space<semaphore_mem>>) src(%dma_wait3A_210 : memref<128x32xf32, #tpu.memory_space<hbm>>) dst(%dma_wait3A_207 : memref<128x32xf32, #tpu.memory_space<vmem>>)
    %dma_wait3A_211 = arith.constant 5 : i32
    %dma_wait3A_212 = arith.constant 5 : i32
    %dma_wait3A_213 = arith.constant 0 : i32
    %dma_wait3A_214 = arith.constant 0 : i32
    %dma_wait3A_215 = tpu.memref_slice %arg7[%dma_wait3A_211, %dma_wait3A_213, %dma_wait3A_214] : memref<8x128x32xf32, #tpu.memory_space<vmem>> -> memref<1x128x32xf32, #tpu.memory_space<vmem>>
    %dma_wait3A_216 = tpu.memref_squeeze %dma_wait3A_215 : memref<1x128x32xf32, #tpu.memory_space<vmem>> -> memref<128x32xf32, #tpu.memory_space<vmem>>
    %dma_wait3A_217 = arith.constant 0 : i32
    %dma_wait3A_218 = arith.constant 0 : i32
    %dma_wait3A_219 = tpu.memref_slice %arg3[%dma_wait3A_217, %dma_wait3A_218] : memref<10240x32xf32, #tpu.memory_space<hbm>> -> memref<128x32xf32, #tpu.memory_space<hbm>>
    %dma_wait3A_220 = tpu.memref_slice %arg11[%dma_wait3A_212] : memref<8x!tpu.dma_semaphore, #tpu.memory_space<semaphore_mem>> -> memref<1x!tpu.dma_semaphore, #tpu.memory_space<semaphore_mem>>
    %dma_wait3A_221 = tpu.memref_squeeze %dma_wait3A_220 : memref<1x!tpu.dma_semaphore, #tpu.memory_space<semaphore_mem>> -> memref<!tpu.dma_semaphore, #tpu.memory_space<semaphore_mem>>
    %dma_wait3A_222 = arith.constant 0 : i32
    %dma_wait3A_223 = arith.constant 0 : i32
    %dma_wait3A_224 = tpu.memref_slice %arg7[%dma_wait3A_211, %dma_wait3A_222, %dma_wait3A_223] : memref<8x128x32xf32, #tpu.memory_space<vmem>> -> memref<1x128x32xf32, #tpu.memory_space<vmem>>
    %dma_wait3A_225 = tpu.memref_squeeze %dma_wait3A_224 : memref<1x128x32xf32, #tpu.memory_space<vmem>> -> memref<128x32xf32, #tpu.memory_space<vmem>>
    %dma_wait3A_226 = arith.constant 0 : i32
    %dma_wait3A_227 = arith.constant 0 : i32
    %dma_wait3A_228 = tpu.memref_slice %arg3[%dma_wait3A_226, %dma_wait3A_227] : memref<10240x32xf32, #tpu.memory_space<hbm>> -> memref<128x32xf32, #tpu.memory_space<hbm>>
    tpu.wait_dma2 semaphore(%dma_wait3A_221 : memref<!tpu.dma_semaphore, #tpu.memory_space<semaphore_mem>>) src(%dma_wait3A_228 : memref<128x32xf32, #tpu.memory_space<hbm>>) dst(%dma_wait3A_225 : memref<128x32xf32, #tpu.memory_space<vmem>>)
    %dma_wait3A_229 = arith.constant 6 : i32
    %dma_wait3A_230 = arith.constant 6 : i32
    %dma_wait3A_231 = arith.constant 0 : i32
    %dma_wait3A_232 = arith.constant 0 : i32
    %dma_wait3A_233 = tpu.memref_slice %arg7[%dma_wait3A_229, %dma_wait3A_231, %dma_wait3A_232] : memref<8x128x32xf32, #tpu.memory_space<vmem>> -> memref<1x128x32xf32, #tpu.memory_space<vmem>>
    %dma_wait3A_234 = tpu.memref_squeeze %dma_wait3A_233 : memref<1x128x32xf32, #tpu.memory_space<vmem>> -> memref<128x32xf32, #tpu.memory_space<vmem>>
    %dma_wait3A_235 = arith.constant 0 : i32
    %dma_wait3A_236 = arith.constant 0 : i32
    %dma_wait3A_237 = tpu.memref_slice %arg3[%dma_wait3A_235, %dma_wait3A_236] : memref<10240x32xf32, #tpu.memory_space<hbm>> -> memref<128x32xf32, #tpu.memory_space<hbm>>
    %dma_wait3A_238 = tpu.memref_slice %arg11[%dma_wait3A_230] : memref<8x!tpu.dma_semaphore, #tpu.memory_space<semaphore_mem>> -> memref<1x!tpu.dma_semaphore, #tpu.memory_space<semaphore_mem>>
    %dma_wait3A_239 = tpu.memref_squeeze %dma_wait3A_238 : memref<1x!tpu.dma_semaphore, #tpu.memory_space<semaphore_mem>> -> memref<!tpu.dma_semaphore, #tpu.memory_space<semaphore_mem>>
    %dma_wait3A_240 = arith.constant 0 : i32
    %dma_wait3A_241 = arith.constant 0 : i32
    %dma_wait3A_242 = tpu.memref_slice %arg7[%dma_wait3A_229, %dma_wait3A_240, %dma_wait3A_241] : memref<8x128x32xf32, #tpu.memory_space<vmem>> -> memref<1x128x32xf32, #tpu.memory_space<vmem>>
    %dma_wait3A_243 = tpu.memref_squeeze %dma_wait3A_242 : memref<1x128x32xf32, #tpu.memory_space<vmem>> -> memref<128x32xf32, #tpu.memory_space<vmem>>
    %dma_wait3A_244 = arith.constant 0 : i32
    %dma_wait3A_245 = arith.constant 0 : i32
    %dma_wait3A_246 = tpu.memref_slice %arg3[%dma_wait3A_244, %dma_wait3A_245] : memref<10240x32xf32, #tpu.memory_space<hbm>> -> memref<128x32xf32, #tpu.memory_space<hbm>>
    tpu.wait_dma2 semaphore(%dma_wait3A_239 : memref<!tpu.dma_semaphore, #tpu.memory_space<semaphore_mem>>) src(%dma_wait3A_246 : memref<128x32xf32, #tpu.memory_space<hbm>>) dst(%dma_wait3A_243 : memref<128x32xf32, #tpu.memory_space<vmem>>)
    %dma_wait3A_247 = arith.constant 7 : i32
    %dma_wait3A_248 = arith.constant 7 : i32
    %dma_wait3A_249 = arith.constant 0 : i32
    %dma_wait3A_250 = arith.constant 0 : i32
    %dma_wait3A_251 = tpu.memref_slice %arg7[%dma_wait3A_247, %dma_wait3A_249, %dma_wait3A_250] : memref<8x128x32xf32, #tpu.memory_space<vmem>> -> memref<1x128x32xf32, #tpu.memory_space<vmem>>
    %dma_wait3A_252 = tpu.memref_squeeze %dma_wait3A_251 : memref<1x128x32xf32, #tpu.memory_space<vmem>> -> memref<128x32xf32, #tpu.memory_space<vmem>>
    %dma_wait3A_253 = arith.constant 0 : i32
    %dma_wait3A_254 = arith.constant 0 : i32
    %dma_wait3A_255 = tpu.memref_slice %arg3[%dma_wait3A_253, %dma_wait3A_254] : memref<10240x32xf32, #tpu.memory_space<hbm>> -> memref<128x32xf32, #tpu.memory_space<hbm>>
    %dma_wait3A_256 = tpu.memref_slice %arg11[%dma_wait3A_248] : memref<8x!tpu.dma_semaphore, #tpu.memory_space<semaphore_mem>> -> memref<1x!tpu.dma_semaphore, #tpu.memory_space<semaphore_mem>>
    %dma_wait3A_257 = tpu.memref_squeeze %dma_wait3A_256 : memref<1x!tpu.dma_semaphore, #tpu.memory_space<semaphore_mem>> -> memref<!tpu.dma_semaphore, #tpu.memory_space<semaphore_mem>>
    %dma_wait3A_258 = arith.constant 0 : i32
    %dma_wait3A_259 = arith.constant 0 : i32
    %dma_wait3A_260 = tpu.memref_slice %arg7[%dma_wait3A_247, %dma_wait3A_258, %dma_wait3A_259] : memref<8x128x32xf32, #tpu.memory_space<vmem>> -> memref<1x128x32xf32, #tpu.memory_space<vmem>>
    %dma_wait3A_261 = tpu.memref_squeeze %dma_wait3A_260 : memref<1x128x32xf32, #tpu.memory_space<vmem>> -> memref<128x32xf32, #tpu.memory_space<vmem>>
    %dma_wait3A_262 = arith.constant 0 : i32
    %dma_wait3A_263 = arith.constant 0 : i32
    %dma_wait3A_264 = tpu.memref_slice %arg3[%dma_wait3A_262, %dma_wait3A_263] : memref<10240x32xf32, #tpu.memory_space<hbm>> -> memref<128x32xf32, #tpu.memory_space<hbm>>
    tpu.wait_dma2 semaphore(%dma_wait3A_257 : memref<!tpu.dma_semaphore, #tpu.memory_space<semaphore_mem>>) src(%dma_wait3A_264 : memref<128x32xf32, #tpu.memory_space<hbm>>) dst(%dma_wait3A_261 : memref<128x32xf32, #tpu.memory_space<vmem>>)
    %barrier3A_265 = arith.constant 0 : index
    tpu.barrier barrier_id(%barrier3A_265)
    "tpu.region"() ({
      %run_scoped3A = tpu.sem_alloc : memref<!tpu.dma_semaphore, #tpu.memory_space<semaphore_mem>>
      %dma_start3A_266 = arith.constant 0 : i32
      %dma_start3A_267 = tpu.memref_slice %arg4[%arg0, %mul3A_8, %dma_start3A_266] : memref<2x10240x32xf32, #tpu.memory_space<hbm>> -> memref<1x640x32xf32, #tpu.memory_space<hbm>>
      %dma_start3A_268 = tpu.memref_squeeze %dma_start3A_267 : memref<1x640x32xf32, #tpu.memory_space<hbm>> -> memref<640x32xf32, #tpu.memory_space<hbm>>
      %dma_start3A_269 = arith.constant 0 : i32
      %dma_start3A_270 = tpu.memref_slice %arg8[%mul3A_8, %dma_start3A_269] : memref<10240x32xf32, #tpu.memory_space<vmem_shared>> -> memref<640x32xf32, #tpu.memory_space<vmem_shared>>
      tpu.enqueue_dma source(%dma_start3A_270 : memref<640x32xf32, #tpu.memory_space<vmem_shared>>) target(%dma_start3A_268 : memref<640x32xf32, #tpu.memory_space<hbm>>) target_semaphore(%run_scoped3A : memref<!tpu.dma_semaphore, #tpu.memory_space<semaphore_mem>>)
      %dma_wait3A_271 = arith.constant 0 : i32
      %dma_wait3A_272 = tpu.memref_slice %arg4[%arg0, %mul3A_8, %dma_wait3A_271] : memref<2x10240x32xf32, #tpu.memory_space<hbm>> -> memref<1x640x32xf32, #tpu.memory_space<hbm>>
      %dma_wait3A_273 = tpu.memref_squeeze %dma_wait3A_272 : memref<1x640x32xf32, #tpu.memory_space<hbm>> -> memref<640x32xf32, #tpu.memory_space<hbm>>
      %dma_wait3A_274 = arith.constant 0 : i32
      %dma_wait3A_275 = tpu.memref_slice %arg8[%mul3A_8, %dma_wait3A_274] : memref<10240x32xf32, #tpu.memory_space<vmem_shared>> -> memref<640x32xf32, #tpu.memory_space<vmem_shared>>
      tpu.wait_dma2 semaphore(%run_scoped3A : memref<!tpu.dma_semaphore, #tpu.memory_space<semaphore_mem>>) src(%dma_wait3A_275 : memref<640x32xf32, #tpu.memory_space<vmem_shared>>) dst(%dma_wait3A_273 : memref<640x32xf32, #tpu.memory_space<hbm>>)
      tpu.yield
    }) : () -> ()
    return
  }
}

#map = affine_map<(d0, d1) -> (0, 0, 0)>
#map1 = affine_map<(d0, d1) -> (0, 0)>
module attributes {stable_mosaic.version = 14 : i64} {
  func.func @_prop_call(%arg0: i32, %arg1: i32, %arg2: memref<2x2500x128xi32, #tpu.memory_space<hbm>>, %arg3: memref<10240x32xf32, #tpu.memory_space<hbm>>, %arg4: memref<2x10240x32xf32, #tpu.memory_space<hbm>>, %arg5: memref<79x128xi32, #tpu.memory_space<vmem>>, %arg6: memref<79x128xi32, #tpu.memory_space<vmem>>, %arg7: memref<8x128x32xf32, #tpu.memory_space<vmem>>, %arg8: memref<10240x32xf32, #tpu.memory_space<vmem_shared>>, %arg9: memref<10240x32xf32, #tpu.memory_space<vmem_shared>>, %arg10: memref<8x!tpu.dma_semaphore, #tpu.memory_space<semaphore_mem>>, %arg11: memref<8x!tpu.dma_semaphore, #tpu.memory_space<semaphore_mem>>) attributes {dimension_semantics = [#tpu.dimension_semantics<core_parallel>, #tpu.dimension_semantics<subcore_parallel>], iteration_bounds = array<i64: 2, 16>, scalar_prefetch = 0 : i64, scratch_operands = 7 : i64, tpu.core_type = #tpu.core_type<sc_vector_subcore>, window_params = [{transform_indices = #map}, {transform_indices = #map1}, {transform_indices = #map}]} {
    %mul3A = arith.constant 2 : i32
    %mul3A_0 = arith.muli %arg1, %mul3A : i32
    %add3A = arith.addi %mul3A_0, %arg0 : i32
    %lt3A = arith.constant 4 : i32
    %lt3A_1 = arith.cmpi slt, %add3A, %lt3A : i32
    %jit3A = arith.constant 79 : i32
    %jit3A_2 = arith.constant 78 : i32
    %select_n3A = arith.select %lt3A_1, %jit3A, %jit3A_2 : i32
    %mul3A_3 = arith.constant 78 : i32
    %mul3A_4 = arith.muli %mul3A_3, %add3A : i32
    %min3A = arith.constant 4 : i32
    %min3A_5 = arith.minsi %add3A, %min3A : i32
    %add3A_6 = arith.addi %mul3A_4, %min3A_5 : i32
    %mul3A_7 = arith.constant 640 : i32
    %mul3A_8 = arith.muli %arg1, %mul3A_7 : i32
    %dma_start3A = arith.constant 0 : i32
    %dma_start3A_9 = tpu.memref_slice %arg10[%dma_start3A] : memref<8x!tpu.dma_semaphore, #tpu.memory_space<semaphore_mem>> -> memref<1x!tpu.dma_semaphore, #tpu.memory_space<semaphore_mem>>
    %dma_start3A_10 = tpu.memref_squeeze %dma_start3A_9 : memref<1x!tpu.dma_semaphore, #tpu.memory_space<semaphore_mem>> -> memref<!tpu.dma_semaphore, #tpu.memory_space<semaphore_mem>>
    %dma_start3A_11 = arith.constant 0 : i32
    %dma_start3A_12 = tpu.memref_slice %arg9[%mul3A_8, %dma_start3A_11] : memref<10240x32xf32, #tpu.memory_space<vmem_shared>> -> memref<640x32xf32, #tpu.memory_space<vmem_shared>>
    %dma_start3A_13 = arith.constant 0 : i32
    %dma_start3A_14 = tpu.memref_slice %arg3[%mul3A_8, %dma_start3A_13] : memref<10240x32xf32, #tpu.memory_space<hbm>> -> memref<640x32xf32, #tpu.memory_space<hbm>>
    tpu.enqueue_dma source(%dma_start3A_14 : memref<640x32xf32, #tpu.memory_space<hbm>>) target(%dma_start3A_12 : memref<640x32xf32, #tpu.memory_space<vmem_shared>>) target_semaphore(%dma_start3A_10 : memref<!tpu.dma_semaphore, #tpu.memory_space<semaphore_mem>>)
    %dma_start3A_15 = arith.constant 1 : i32
    %dma_start3A_16 = tpu.memref_slice %arg10[%dma_start3A_15] : memref<8x!tpu.dma_semaphore, #tpu.memory_space<semaphore_mem>> -> memref<1x!tpu.dma_semaphore, #tpu.memory_space<semaphore_mem>>
    %dma_start3A_17 = tpu.memref_squeeze %dma_start3A_16 : memref<1x!tpu.dma_semaphore, #tpu.memory_space<semaphore_mem>> -> memref<!tpu.dma_semaphore, #tpu.memory_space<semaphore_mem>>
    %dma_start3A_18 = arith.constant 0 : i32
    %dma_start3A_19 = tpu.memref_slice %arg8[%mul3A_8, %dma_start3A_18] : memref<10240x32xf32, #tpu.memory_space<vmem_shared>> -> memref<640x32xf32, #tpu.memory_space<vmem_shared>>
    %dma_start3A_20 = arith.constant 0 : i32
    %dma_start3A_21 = tpu.memref_slice %arg3[%mul3A_8, %dma_start3A_20] : memref<10240x32xf32, #tpu.memory_space<hbm>> -> memref<640x32xf32, #tpu.memory_space<hbm>>
    tpu.enqueue_dma source(%dma_start3A_21 : memref<640x32xf32, #tpu.memory_space<hbm>>) target(%dma_start3A_19 : memref<640x32xf32, #tpu.memory_space<vmem_shared>>) target_semaphore(%dma_start3A_17 : memref<!tpu.dma_semaphore, #tpu.memory_space<semaphore_mem>>)
    %dma_start3A_22 = arith.constant 0 : i32
    %dma_start3A_23 = arith.constant 2 : i32
    %dma_start3A_24 = arith.constant 0 : i32
    %dma_start3A_25 = arith.constant 0 : i32
    %dma_start3A_26 = tpu.memref_slice %arg5[%dma_start3A_24, %dma_start3A_25] : memref<79x128xi32, #tpu.memory_space<vmem>> -> memref<78x128xi32, #tpu.memory_space<vmem>>
    %dma_start3A_27 = arith.constant 0 : i32
    %dma_start3A_28 = tpu.memref_slice %arg2[%dma_start3A_22, %add3A_6, %dma_start3A_27] : memref<2x2500x128xi32, #tpu.memory_space<hbm>> -> memref<1x78x128xi32, #tpu.memory_space<hbm>>
    %dma_start3A_29 = tpu.memref_squeeze %dma_start3A_28 : memref<1x78x128xi32, #tpu.memory_space<hbm>> -> memref<78x128xi32, #tpu.memory_space<hbm>>
    %dma_start3A_30 = tpu.memref_slice %arg10[%dma_start3A_23] : memref<8x!tpu.dma_semaphore, #tpu.memory_space<semaphore_mem>> -> memref<1x!tpu.dma_semaphore, #tpu.memory_space<semaphore_mem>>
    %dma_start3A_31 = tpu.memref_squeeze %dma_start3A_30 : memref<1x!tpu.dma_semaphore, #tpu.memory_space<semaphore_mem>> -> memref<!tpu.dma_semaphore, #tpu.memory_space<semaphore_mem>>
    %dma_start3A_32 = arith.constant 0 : i32
    %dma_start3A_33 = arith.constant 0 : i32
    %dma_start3A_34 = tpu.memref_slice %arg5[%dma_start3A_32, %dma_start3A_33] : memref<79x128xi32, #tpu.memory_space<vmem>> -> memref<78x128xi32, #tpu.memory_space<vmem>>
    %dma_start3A_35 = arith.constant 0 : i32
    %dma_start3A_36 = tpu.memref_slice %arg2[%dma_start3A_22, %add3A_6, %dma_start3A_35] : memref<2x2500x128xi32, #tpu.memory_space<hbm>> -> memref<1x78x128xi32, #tpu.memory_space<hbm>>
    %dma_start3A_37 = tpu.memref_squeeze %dma_start3A_36 : memref<1x78x128xi32, #tpu.memory_space<hbm>> -> memref<78x128xi32, #tpu.memory_space<hbm>>
    tpu.enqueue_dma source(%dma_start3A_37 : memref<78x128xi32, #tpu.memory_space<hbm>>) target(%dma_start3A_34 : memref<78x128xi32, #tpu.memory_space<vmem>>) target_semaphore(%dma_start3A_31 : memref<!tpu.dma_semaphore, #tpu.memory_space<semaphore_mem>>)
    %dma_start3A_38 = arith.constant 1 : i32
    %dma_start3A_39 = arith.constant 3 : i32
    %dma_start3A_40 = arith.constant 0 : i32
    %dma_start3A_41 = arith.constant 0 : i32
    %dma_start3A_42 = tpu.memref_slice %arg6[%dma_start3A_40, %dma_start3A_41] : memref<79x128xi32, #tpu.memory_space<vmem>> -> memref<78x128xi32, #tpu.memory_space<vmem>>
    %dma_start3A_43 = arith.constant 0 : i32
    %dma_start3A_44 = tpu.memref_slice %arg2[%dma_start3A_38, %add3A_6, %dma_start3A_43] : memref<2x2500x128xi32, #tpu.memory_space<hbm>> -> memref<1x78x128xi32, #tpu.memory_space<hbm>>
    %dma_start3A_45 = tpu.memref_squeeze %dma_start3A_44 : memref<1x78x128xi32, #tpu.memory_space<hbm>> -> memref<78x128xi32, #tpu.memory_space<hbm>>
    %dma_start3A_46 = tpu.memref_slice %arg10[%dma_start3A_39] : memref<8x!tpu.dma_semaphore, #tpu.memory_space<semaphore_mem>> -> memref<1x!tpu.dma_semaphore, #tpu.memory_space<semaphore_mem>>
    %dma_start3A_47 = tpu.memref_squeeze %dma_start3A_46 : memref<1x!tpu.dma_semaphore, #tpu.memory_space<semaphore_mem>> -> memref<!tpu.dma_semaphore, #tpu.memory_space<semaphore_mem>>
    %dma_start3A_48 = arith.constant 0 : i32
    %dma_start3A_49 = arith.constant 0 : i32
    %dma_start3A_50 = tpu.memref_slice %arg6[%dma_start3A_48, %dma_start3A_49] : memref<79x128xi32, #tpu.memory_space<vmem>> -> memref<78x128xi32, #tpu.memory_space<vmem>>
    %dma_start3A_51 = arith.constant 0 : i32
    %dma_start3A_52 = tpu.memref_slice %arg2[%dma_start3A_38, %add3A_6, %dma_start3A_51] : memref<2x2500x128xi32, #tpu.memory_space<hbm>> -> memref<1x78x128xi32, #tpu.memory_space<hbm>>
    %dma_start3A_53 = tpu.memref_squeeze %dma_start3A_52 : memref<1x78x128xi32, #tpu.memory_space<hbm>> -> memref<78x128xi32, #tpu.memory_space<hbm>>
    tpu.enqueue_dma source(%dma_start3A_53 : memref<78x128xi32, #tpu.memory_space<hbm>>) target(%dma_start3A_50 : memref<78x128xi32, #tpu.memory_space<vmem>>) target_semaphore(%dma_start3A_47 : memref<!tpu.dma_semaphore, #tpu.memory_space<semaphore_mem>>)
    %lt3A_54 = arith.constant 4 : i32
    %lt3A_55 = arith.cmpi slt, %add3A, %lt3A_54 : i32
    %convert_element_type3A = arith.extui %lt3A_55 : i1 to i32
    %cond3A = arith.constant 0 : i32
    %cond3A_56 = arith.cmpi ne, %convert_element_type3A, %cond3A : i32
    scf.if %cond3A_56 {
      %add3A_266 = arith.constant 78 : i32
      %add3A_267 = arith.addi %add3A_6, %add3A_266 : i32
      %run_scoped3A = arith.constant 0 : i32
      "tpu.region"() ({
        %run_scoped3A_271 = tpu.sem_alloc : memref<!tpu.dma_semaphore, #tpu.memory_space<semaphore_mem>>
        %dma_start3A_272 = arith.constant 78 : i32
        %dma_start3A_273 = arith.constant 0 : i32
        %dma_start3A_274 = tpu.memref_slice %arg5[%dma_start3A_272, %dma_start3A_273] : memref<79x128xi32, #tpu.memory_space<vmem>> -> memref<1x128xi32, #tpu.memory_space<vmem>>
        %dma_start3A_275 = arith.constant 0 : i32
        %dma_start3A_276 = tpu.memref_slice %arg2[%run_scoped3A, %add3A_267, %dma_start3A_275] : memref<2x2500x128xi32, #tpu.memory_space<hbm>> -> memref<1x1x128xi32, #tpu.memory_space<hbm>>
        %dma_start3A_277 = tpu.memref_squeeze %dma_start3A_276 : memref<1x1x128xi32, #tpu.memory_space<hbm>> -> memref<1x128xi32, #tpu.memory_space<hbm>>
        %dma_start3A_278 = arith.constant 78 : i32
        %dma_start3A_279 = arith.constant 0 : i32
        %dma_start3A_280 = tpu.memref_slice %arg5[%dma_start3A_278, %dma_start3A_279] : memref<79x128xi32, #tpu.memory_space<vmem>> -> memref<1x128xi32, #tpu.memory_space<vmem>>
        %dma_start3A_281 = arith.constant 0 : i32
        %dma_start3A_282 = tpu.memref_slice %arg2[%run_scoped3A, %add3A_267, %dma_start3A_281] : memref<2x2500x128xi32, #tpu.memory_space<hbm>> -> memref<1x1x128xi32, #tpu.memory_space<hbm>>
        %dma_start3A_283 = tpu.memref_squeeze %dma_start3A_282 : memref<1x1x128xi32, #tpu.memory_space<hbm>> -> memref<1x128xi32, #tpu.memory_space<hbm>>
        tpu.enqueue_dma source(%dma_start3A_283 : memref<1x128xi32, #tpu.memory_space<hbm>>) target(%dma_start3A_280 : memref<1x128xi32, #tpu.memory_space<vmem>>) target_semaphore(%run_scoped3A_271 : memref<!tpu.dma_semaphore, #tpu.memory_space<semaphore_mem>>)
        %dma_wait3A_284 = arith.constant 78 : i32
        %dma_wait3A_285 = arith.constant 0 : i32
        %dma_wait3A_286 = tpu.memref_slice %arg5[%dma_wait3A_284, %dma_wait3A_285] : memref<79x128xi32, #tpu.memory_space<vmem>> -> memref<1x128xi32, #tpu.memory_space<vmem>>
        %dma_wait3A_287 = arith.constant 0 : i32
        %dma_wait3A_288 = tpu.memref_slice %arg2[%run_scoped3A, %add3A_267, %dma_wait3A_287] : memref<2x2500x128xi32, #tpu.memory_space<hbm>> -> memref<1x1x128xi32, #tpu.memory_space<hbm>>
        %dma_wait3A_289 = tpu.memref_squeeze %dma_wait3A_288 : memref<1x1x128xi32, #tpu.memory_space<hbm>> -> memref<1x128xi32, #tpu.memory_space<hbm>>
        %dma_wait3A_290 = arith.constant 78 : i32
        %dma_wait3A_291 = arith.constant 0 : i32
        %dma_wait3A_292 = tpu.memref_slice %arg5[%dma_wait3A_290, %dma_wait3A_291] : memref<79x128xi32, #tpu.memory_space<vmem>> -> memref<1x128xi32, #tpu.memory_space<vmem>>
        %dma_wait3A_293 = arith.constant 0 : i32
        %dma_wait3A_294 = tpu.memref_slice %arg2[%run_scoped3A, %add3A_267, %dma_wait3A_293] : memref<2x2500x128xi32, #tpu.memory_space<hbm>> -> memref<1x1x128xi32, #tpu.memory_space<hbm>>
        %dma_wait3A_295 = tpu.memref_squeeze %dma_wait3A_294 : memref<1x1x128xi32, #tpu.memory_space<hbm>> -> memref<1x128xi32, #tpu.memory_space<hbm>>
        tpu.wait_dma2 semaphore(%run_scoped3A_271 : memref<!tpu.dma_semaphore, #tpu.memory_space<semaphore_mem>>) src(%dma_wait3A_295 : memref<1x128xi32, #tpu.memory_space<hbm>>) dst(%dma_wait3A_292 : memref<1x128xi32, #tpu.memory_space<vmem>>)
        tpu.yield
      }) : () -> ()
      %add3A_268 = arith.constant 78 : i32
      %add3A_269 = arith.addi %add3A_6, %add3A_268 : i32
      %run_scoped3A_270 = arith.constant 1 : i32
      "tpu.region"() ({
        %run_scoped3A_271 = tpu.sem_alloc : memref<!tpu.dma_semaphore, #tpu.memory_space<semaphore_mem>>
        %dma_start3A_272 = arith.constant 78 : i32
        %dma_start3A_273 = arith.constant 0 : i32
        %dma_start3A_274 = tpu.memref_slice %arg6[%dma_start3A_272, %dma_start3A_273] : memref<79x128xi32, #tpu.memory_space<vmem>> -> memref<1x128xi32, #tpu.memory_space<vmem>>
        %dma_start3A_275 = arith.constant 0 : i32
        %dma_start3A_276 = tpu.memref_slice %arg2[%run_scoped3A_270, %add3A_269, %dma_start3A_275] : memref<2x2500x128xi32, #tpu.memory_space<hbm>> -> memref<1x1x128xi32, #tpu.memory_space<hbm>>
        %dma_start3A_277 = tpu.memref_squeeze %dma_start3A_276 : memref<1x1x128xi32, #tpu.memory_space<hbm>> -> memref<1x128xi32, #tpu.memory_space<hbm>>
        %dma_start3A_278 = arith.constant 78 : i32
        %dma_start3A_279 = arith.constant 0 : i32
        %dma_start3A_280 = tpu.memref_slice %arg6[%dma_start3A_278, %dma_start3A_279] : memref<79x128xi32, #tpu.memory_space<vmem>> -> memref<1x128xi32, #tpu.memory_space<vmem>>
        %dma_start3A_281 = arith.constant 0 : i32
        %dma_start3A_282 = tpu.memref_slice %arg2[%run_scoped3A_270, %add3A_269, %dma_start3A_281] : memref<2x2500x128xi32, #tpu.memory_space<hbm>> -> memref<1x1x128xi32, #tpu.memory_space<hbm>>
        %dma_start3A_283 = tpu.memref_squeeze %dma_start3A_282 : memref<1x1x128xi32, #tpu.memory_space<hbm>> -> memref<1x128xi32, #tpu.memory_space<hbm>>
        tpu.enqueue_dma source(%dma_start3A_283 : memref<1x128xi32, #tpu.memory_space<hbm>>) target(%dma_start3A_280 : memref<1x128xi32, #tpu.memory_space<vmem>>) target_semaphore(%run_scoped3A_271 : memref<!tpu.dma_semaphore, #tpu.memory_space<semaphore_mem>>)
        %dma_wait3A_284 = arith.constant 78 : i32
        %dma_wait3A_285 = arith.constant 0 : i32
        %dma_wait3A_286 = tpu.memref_slice %arg6[%dma_wait3A_284, %dma_wait3A_285] : memref<79x128xi32, #tpu.memory_space<vmem>> -> memref<1x128xi32, #tpu.memory_space<vmem>>
        %dma_wait3A_287 = arith.constant 0 : i32
        %dma_wait3A_288 = tpu.memref_slice %arg2[%run_scoped3A_270, %add3A_269, %dma_wait3A_287] : memref<2x2500x128xi32, #tpu.memory_space<hbm>> -> memref<1x1x128xi32, #tpu.memory_space<hbm>>
        %dma_wait3A_289 = tpu.memref_squeeze %dma_wait3A_288 : memref<1x1x128xi32, #tpu.memory_space<hbm>> -> memref<1x128xi32, #tpu.memory_space<hbm>>
        %dma_wait3A_290 = arith.constant 78 : i32
        %dma_wait3A_291 = arith.constant 0 : i32
        %dma_wait3A_292 = tpu.memref_slice %arg6[%dma_wait3A_290, %dma_wait3A_291] : memref<79x128xi32, #tpu.memory_space<vmem>> -> memref<1x128xi32, #tpu.memory_space<vmem>>
        %dma_wait3A_293 = arith.constant 0 : i32
        %dma_wait3A_294 = tpu.memref_slice %arg2[%run_scoped3A_270, %add3A_269, %dma_wait3A_293] : memref<2x2500x128xi32, #tpu.memory_space<hbm>> -> memref<1x1x128xi32, #tpu.memory_space<hbm>>
        %dma_wait3A_295 = tpu.memref_squeeze %dma_wait3A_294 : memref<1x1x128xi32, #tpu.memory_space<hbm>> -> memref<1x128xi32, #tpu.memory_space<hbm>>
        tpu.wait_dma2 semaphore(%run_scoped3A_271 : memref<!tpu.dma_semaphore, #tpu.memory_space<semaphore_mem>>) src(%dma_wait3A_295 : memref<1x128xi32, #tpu.memory_space<hbm>>) dst(%dma_wait3A_292 : memref<1x128xi32, #tpu.memory_space<vmem>>)
        tpu.yield
      }) : () -> ()
    } else {
    }
    %dma_wait3A = arith.constant 0 : i32
    %dma_wait3A_57 = tpu.memref_slice %arg10[%dma_wait3A] : memref<8x!tpu.dma_semaphore, #tpu.memory_space<semaphore_mem>> -> memref<1x!tpu.dma_semaphore, #tpu.memory_space<semaphore_mem>>
    %dma_wait3A_58 = tpu.memref_squeeze %dma_wait3A_57 : memref<1x!tpu.dma_semaphore, #tpu.memory_space<semaphore_mem>> -> memref<!tpu.dma_semaphore, #tpu.memory_space<semaphore_mem>>
    %dma_wait3A_59 = arith.constant 0 : i32
    %dma_wait3A_60 = tpu.memref_slice %arg9[%mul3A_8, %dma_wait3A_59] : memref<10240x32xf32, #tpu.memory_space<vmem_shared>> -> memref<640x32xf32, #tpu.memory_space<vmem_shared>>
    %dma_wait3A_61 = arith.constant 0 : i32
    %dma_wait3A_62 = tpu.memref_slice %arg3[%mul3A_8, %dma_wait3A_61] : memref<10240x32xf32, #tpu.memory_space<hbm>> -> memref<640x32xf32, #tpu.memory_space<hbm>>
    tpu.wait_dma2 semaphore(%dma_wait3A_58 : memref<!tpu.dma_semaphore, #tpu.memory_space<semaphore_mem>>) src(%dma_wait3A_62 : memref<640x32xf32, #tpu.memory_space<hbm>>) dst(%dma_wait3A_60 : memref<640x32xf32, #tpu.memory_space<vmem_shared>>)
    %dma_wait3A_63 = arith.constant 1 : i32
    %dma_wait3A_64 = tpu.memref_slice %arg10[%dma_wait3A_63] : memref<8x!tpu.dma_semaphore, #tpu.memory_space<semaphore_mem>> -> memref<1x!tpu.dma_semaphore, #tpu.memory_space<semaphore_mem>>
    %dma_wait3A_65 = tpu.memref_squeeze %dma_wait3A_64 : memref<1x!tpu.dma_semaphore, #tpu.memory_space<semaphore_mem>> -> memref<!tpu.dma_semaphore, #tpu.memory_space<semaphore_mem>>
    %dma_wait3A_66 = arith.constant 0 : i32
    %dma_wait3A_67 = tpu.memref_slice %arg8[%mul3A_8, %dma_wait3A_66] : memref<10240x32xf32, #tpu.memory_space<vmem_shared>> -> memref<640x32xf32, #tpu.memory_space<vmem_shared>>
    %dma_wait3A_68 = arith.constant 0 : i32
    %dma_wait3A_69 = tpu.memref_slice %arg3[%mul3A_8, %dma_wait3A_68] : memref<10240x32xf32, #tpu.memory_space<hbm>> -> memref<640x32xf32, #tpu.memory_space<hbm>>
    tpu.wait_dma2 semaphore(%dma_wait3A_65 : memref<!tpu.dma_semaphore, #tpu.memory_space<semaphore_mem>>) src(%dma_wait3A_69 : memref<640x32xf32, #tpu.memory_space<hbm>>) dst(%dma_wait3A_67 : memref<640x32xf32, #tpu.memory_space<vmem_shared>>)
    %dma_wait3A_70 = arith.constant 0 : i32
    %dma_wait3A_71 = arith.constant 2 : i32
    %dma_wait3A_72 = arith.constant 0 : i32
    %dma_wait3A_73 = arith.constant 0 : i32
    %dma_wait3A_74 = tpu.memref_slice %arg5[%dma_wait3A_72, %dma_wait3A_73] : memref<79x128xi32, #tpu.memory_space<vmem>> -> memref<78x128xi32, #tpu.memory_space<vmem>>
    %dma_wait3A_75 = arith.constant 0 : i32
    %dma_wait3A_76 = tpu.memref_slice %arg2[%dma_wait3A_70, %add3A_6, %dma_wait3A_75] : memref<2x2500x128xi32, #tpu.memory_space<hbm>> -> memref<1x78x128xi32, #tpu.memory_space<hbm>>
    %dma_wait3A_77 = tpu.memref_squeeze %dma_wait3A_76 : memref<1x78x128xi32, #tpu.memory_space<hbm>> -> memref<78x128xi32, #tpu.memory_space<hbm>>
    %dma_wait3A_78 = tpu.memref_slice %arg10[%dma_wait3A_71] : memref<8x!tpu.dma_semaphore, #tpu.memory_space<semaphore_mem>> -> memref<1x!tpu.dma_semaphore, #tpu.memory_space<semaphore_mem>>
    %dma_wait3A_79 = tpu.memref_squeeze %dma_wait3A_78 : memref<1x!tpu.dma_semaphore, #tpu.memory_space<semaphore_mem>> -> memref<!tpu.dma_semaphore, #tpu.memory_space<semaphore_mem>>
    %dma_wait3A_80 = arith.constant 0 : i32
    %dma_wait3A_81 = arith.constant 0 : i32
    %dma_wait3A_82 = tpu.memref_slice %arg5[%dma_wait3A_80, %dma_wait3A_81] : memref<79x128xi32, #tpu.memory_space<vmem>> -> memref<78x128xi32, #tpu.memory_space<vmem>>
    %dma_wait3A_83 = arith.constant 0 : i32
    %dma_wait3A_84 = tpu.memref_slice %arg2[%dma_wait3A_70, %add3A_6, %dma_wait3A_83] : memref<2x2500x128xi32, #tpu.memory_space<hbm>> -> memref<1x78x128xi32, #tpu.memory_space<hbm>>
    %dma_wait3A_85 = tpu.memref_squeeze %dma_wait3A_84 : memref<1x78x128xi32, #tpu.memory_space<hbm>> -> memref<78x128xi32, #tpu.memory_space<hbm>>
    tpu.wait_dma2 semaphore(%dma_wait3A_79 : memref<!tpu.dma_semaphore, #tpu.memory_space<semaphore_mem>>) src(%dma_wait3A_85 : memref<78x128xi32, #tpu.memory_space<hbm>>) dst(%dma_wait3A_82 : memref<78x128xi32, #tpu.memory_space<vmem>>)
    %dma_wait3A_86 = arith.constant 1 : i32
    %dma_wait3A_87 = arith.constant 3 : i32
    %dma_wait3A_88 = arith.constant 0 : i32
    %dma_wait3A_89 = arith.constant 0 : i32
    %dma_wait3A_90 = tpu.memref_slice %arg6[%dma_wait3A_88, %dma_wait3A_89] : memref<79x128xi32, #tpu.memory_space<vmem>> -> memref<78x128xi32, #tpu.memory_space<vmem>>
    %dma_wait3A_91 = arith.constant 0 : i32
    %dma_wait3A_92 = tpu.memref_slice %arg2[%dma_wait3A_86, %add3A_6, %dma_wait3A_91] : memref<2x2500x128xi32, #tpu.memory_space<hbm>> -> memref<1x78x128xi32, #tpu.memory_space<hbm>>
    %dma_wait3A_93 = tpu.memref_squeeze %dma_wait3A_92 : memref<1x78x128xi32, #tpu.memory_space<hbm>> -> memref<78x128xi32, #tpu.memory_space<hbm>>
    %dma_wait3A_94 = tpu.memref_slice %arg10[%dma_wait3A_87] : memref<8x!tpu.dma_semaphore, #tpu.memory_space<semaphore_mem>> -> memref<1x!tpu.dma_semaphore, #tpu.memory_space<semaphore_mem>>
    %dma_wait3A_95 = tpu.memref_squeeze %dma_wait3A_94 : memref<1x!tpu.dma_semaphore, #tpu.memory_space<semaphore_mem>> -> memref<!tpu.dma_semaphore, #tpu.memory_space<semaphore_mem>>
    %dma_wait3A_96 = arith.constant 0 : i32
    %dma_wait3A_97 = arith.constant 0 : i32
    %dma_wait3A_98 = tpu.memref_slice %arg6[%dma_wait3A_96, %dma_wait3A_97] : memref<79x128xi32, #tpu.memory_space<vmem>> -> memref<78x128xi32, #tpu.memory_space<vmem>>
    %dma_wait3A_99 = arith.constant 0 : i32
    %dma_wait3A_100 = tpu.memref_slice %arg2[%dma_wait3A_86, %add3A_6, %dma_wait3A_99] : memref<2x2500x128xi32, #tpu.memory_space<hbm>> -> memref<1x78x128xi32, #tpu.memory_space<hbm>>
    %dma_wait3A_101 = tpu.memref_squeeze %dma_wait3A_100 : memref<1x78x128xi32, #tpu.memory_space<hbm>> -> memref<78x128xi32, #tpu.memory_space<hbm>>
    tpu.wait_dma2 semaphore(%dma_wait3A_95 : memref<!tpu.dma_semaphore, #tpu.memory_space<semaphore_mem>>) src(%dma_wait3A_101 : memref<78x128xi32, #tpu.memory_space<hbm>>) dst(%dma_wait3A_98 : memref<78x128xi32, #tpu.memory_space<vmem>>)
    %barrier3A = arith.constant 0 : index
    tpu.barrier barrier_id(%barrier3A)
    %while3A = arith.constant 0 : i32
    %while3A_102 = arith.constant 0 : i32
    %while3A_103 = arith.subi %select_n3A, %while3A_102 : i32
    %while3A_104 = arith.addi %while3A_102, %while3A_103 : i32
    %while3A_105 = arith.constant 1 : i32
    %while3A_106 = arith.divsi %while3A_103, %while3A_105 : i32
    %while3A_107 = arith.muli %while3A_106, %while3A_105 : i32
    %while3A_108 = arith.addi %while3A_102, %while3A_107 : i32
    %while3A_109 = arith.constant 1 : i32
    scf.for %while3A_266 = %while3A_102 to %while3A_108 step %while3A_109  : i32 {
      %ge3A = arith.constant 8 : i32
      %ge3A_267 = arith.cmpi sge, %while3A_266, %ge3A : i32
      %convert_element_type3A_268 = arith.extui %ge3A_267 : i1 to i32
      %cond3A_269 = arith.constant 0 : i32
      %cond3A_270 = arith.cmpi ne, %convert_element_type3A_268, %cond3A_269 : i32
      scf.if %cond3A_270 {
        %rem3A_289 = arith.constant 8 : i32
        %rem3A_290 = arith.remsi %while3A_266, %rem3A_289 : i32
        %dma_wait3A_291 = arith.constant 0 : i32
        %dma_wait3A_292 = arith.constant 0 : i32
        %dma_wait3A_293 = tpu.memref_slice %arg7[%rem3A_290, %dma_wait3A_291, %dma_wait3A_292] : memref<8x128x32xf32, #tpu.memory_space<vmem>> -> memref<1x128x32xf32, #tpu.memory_space<vmem>>
        %dma_wait3A_294 = tpu.memref_squeeze %dma_wait3A_293 : memref<1x128x32xf32, #tpu.memory_space<vmem>> -> memref<128x32xf32, #tpu.memory_space<vmem>>
        %dma_wait3A_295 = arith.constant 0 : i32
        %dma_wait3A_296 = arith.constant 0 : i32
        %dma_wait3A_297 = tpu.memref_slice %arg3[%dma_wait3A_295, %dma_wait3A_296] : memref<10240x32xf32, #tpu.memory_space<hbm>> -> memref<128x32xf32, #tpu.memory_space<hbm>>
        %dma_wait3A_298 = tpu.memref_slice %arg11[%rem3A_290] : memref<8x!tpu.dma_semaphore, #tpu.memory_space<semaphore_mem>> -> memref<1x!tpu.dma_semaphore, #tpu.memory_space<semaphore_mem>>
        %dma_wait3A_299 = tpu.memref_squeeze %dma_wait3A_298 : memref<1x!tpu.dma_semaphore, #tpu.memory_space<semaphore_mem>> -> memref<!tpu.dma_semaphore, #tpu.memory_space<semaphore_mem>>
        %dma_wait3A_300 = arith.constant 0 : i32
        %dma_wait3A_301 = arith.constant 0 : i32
        %dma_wait3A_302 = tpu.memref_slice %arg7[%rem3A_290, %dma_wait3A_300, %dma_wait3A_301] : memref<8x128x32xf32, #tpu.memory_space<vmem>> -> memref<1x128x32xf32, #tpu.memory_space<vmem>>
        %dma_wait3A_303 = tpu.memref_squeeze %dma_wait3A_302 : memref<1x128x32xf32, #tpu.memory_space<vmem>> -> memref<128x32xf32, #tpu.memory_space<vmem>>
        %dma_wait3A_304 = arith.constant 0 : i32
        %dma_wait3A_305 = arith.constant 0 : i32
        %dma_wait3A_306 = tpu.memref_slice %arg3[%dma_wait3A_304, %dma_wait3A_305] : memref<10240x32xf32, #tpu.memory_space<hbm>> -> memref<128x32xf32, #tpu.memory_space<hbm>>
        tpu.wait_dma2 semaphore(%dma_wait3A_299 : memref<!tpu.dma_semaphore, #tpu.memory_space<semaphore_mem>>) src(%dma_wait3A_306 : memref<128x32xf32, #tpu.memory_space<hbm>>) dst(%dma_wait3A_303 : memref<128x32xf32, #tpu.memory_space<vmem>>)
      } else {
      }
      %rem3A = arith.constant 8 : i32
      %rem3A_271 = arith.remsi %while3A_266, %rem3A : i32
      %dma_start3A_272 = arith.constant 0 : i32
      %dma_start3A_273 = arith.constant 0 : i32
      %dma_start3A_274 = tpu.memref_slice %arg7[%rem3A_271, %dma_start3A_272, %dma_start3A_273] : memref<8x128x32xf32, #tpu.memory_space<vmem>> -> memref<1x128x32xf32, #tpu.memory_space<vmem>>
      %dma_start3A_275 = tpu.memref_squeeze %dma_start3A_274 : memref<1x128x32xf32, #tpu.memory_space<vmem>> -> memref<128x32xf32, #tpu.memory_space<vmem>>
      %dma_start3A_276 = arith.constant 0 : i32
      %dma_start3A_277 = tpu.memref_slice %arg5[%while3A_266, %dma_start3A_276] : memref<79x128xi32, #tpu.memory_space<vmem>> -> memref<1x128xi32, #tpu.memory_space<vmem>>
      %dma_start3A_278 = tpu.memref_squeeze %dma_start3A_277 : memref<1x128xi32, #tpu.memory_space<vmem>> -> memref<128xi32, #tpu.memory_space<vmem>>
      %dma_start3A_279 = arith.constant 0 : i32
      %dma_start3A_280 = arith.constant 0 : i32
      %dma_start3A_281 = tpu.memref_slice %arg9[%dma_start3A_279, %dma_start3A_280] : memref<10240x32xf32, #tpu.memory_space<vmem_shared>> -> memref<10240x32xf32, #tpu.memory_space<vmem_shared>>
      %dma_start3A_282 = tpu.memref_slice %arg10[%rem3A_271] : memref<8x!tpu.dma_semaphore, #tpu.memory_space<semaphore_mem>> -> memref<1x!tpu.dma_semaphore, #tpu.memory_space<semaphore_mem>>
      %dma_start3A_283 = tpu.memref_squeeze %dma_start3A_282 : memref<1x!tpu.dma_semaphore, #tpu.memory_space<semaphore_mem>> -> memref<!tpu.dma_semaphore, #tpu.memory_space<semaphore_mem>>
      tpu.enqueue_indirect_dma source(%dma_start3A_281 : memref<10240x32xf32, #tpu.memory_space<vmem_shared>>) target(%dma_start3A_275 : memref<128x32xf32, #tpu.memory_space<vmem>>) offsets(%dma_start3A_278 : memref<128xi32, #tpu.memory_space<vmem>>) semaphore(%dma_start3A_283 : memref<!tpu.dma_semaphore, #tpu.memory_space<semaphore_mem>>)
      %ge3A_284 = arith.constant 3 : i32
      %ge3A_285 = arith.cmpi sge, %while3A_266, %ge3A_284 : i32
      %convert_element_type3A_286 = arith.extui %ge3A_285 : i1 to i32
      %cond3A_287 = arith.constant 0 : i32
      %cond3A_288 = arith.cmpi ne, %convert_element_type3A_286, %cond3A_287 : i32
      scf.if %cond3A_288 {
        %sub3A_289 = arith.constant 3 : i32
        %sub3A_290 = arith.subi %while3A_266, %sub3A_289 : i32
        %rem3A_291 = arith.constant 8 : i32
        %rem3A_292 = arith.remsi %sub3A_290, %rem3A_291 : i32
        %dma_wait3A_293 = arith.constant 0 : i32
        %dma_wait3A_294 = arith.constant 0 : i32
        %dma_wait3A_295 = tpu.memref_slice %arg7[%rem3A_292, %dma_wait3A_293, %dma_wait3A_294] : memref<8x128x32xf32, #tpu.memory_space<vmem>> -> memref<1x128x32xf32, #tpu.memory_space<vmem>>
        %dma_wait3A_296 = tpu.memref_squeeze %dma_wait3A_295 : memref<1x128x32xf32, #tpu.memory_space<vmem>> -> memref<128x32xf32, #tpu.memory_space<vmem>>
        %dma_wait3A_297 = arith.constant 0 : i32
        %dma_wait3A_298 = arith.constant 0 : i32
        %dma_wait3A_299 = tpu.memref_slice %arg3[%dma_wait3A_297, %dma_wait3A_298] : memref<10240x32xf32, #tpu.memory_space<hbm>> -> memref<128x32xf32, #tpu.memory_space<hbm>>
        %dma_wait3A_300 = tpu.memref_slice %arg10[%rem3A_292] : memref<8x!tpu.dma_semaphore, #tpu.memory_space<semaphore_mem>> -> memref<1x!tpu.dma_semaphore, #tpu.memory_space<semaphore_mem>>
        %dma_wait3A_301 = tpu.memref_squeeze %dma_wait3A_300 : memref<1x!tpu.dma_semaphore, #tpu.memory_space<semaphore_mem>> -> memref<!tpu.dma_semaphore, #tpu.memory_space<semaphore_mem>>
        %dma_wait3A_302 = arith.constant 0 : i32
        %dma_wait3A_303 = arith.constant 0 : i32
        %dma_wait3A_304 = tpu.memref_slice %arg7[%rem3A_292, %dma_wait3A_302, %dma_wait3A_303] : memref<8x128x32xf32, #tpu.memory_space<vmem>> -> memref<1x128x32xf32, #tpu.memory_space<vmem>>
        %dma_wait3A_305 = tpu.memref_squeeze %dma_wait3A_304 : memref<1x128x32xf32, #tpu.memory_space<vmem>> -> memref<128x32xf32, #tpu.memory_space<vmem>>
        %dma_wait3A_306 = arith.constant 0 : i32
        %dma_wait3A_307 = arith.constant 0 : i32
        %dma_wait3A_308 = tpu.memref_slice %arg3[%dma_wait3A_306, %dma_wait3A_307] : memref<10240x32xf32, #tpu.memory_space<hbm>> -> memref<128x32xf32, #tpu.memory_space<hbm>>
        tpu.wait_dma2 semaphore(%dma_wait3A_301 : memref<!tpu.dma_semaphore, #tpu.memory_space<semaphore_mem>>) src(%dma_wait3A_308 : memref<128x32xf32, #tpu.memory_space<hbm>>) dst(%dma_wait3A_305 : memref<128x32xf32, #tpu.memory_space<vmem>>)
        %dma_start3A_309 = arith.constant 0 : i32
        %dma_start3A_310 = arith.constant 0 : i32
        %dma_start3A_311 = tpu.memref_slice %arg7[%rem3A_292, %dma_start3A_309, %dma_start3A_310] : memref<8x128x32xf32, #tpu.memory_space<vmem>> -> memref<1x128x32xf32, #tpu.memory_space<vmem>>
        %dma_start3A_312 = tpu.memref_squeeze %dma_start3A_311 : memref<1x128x32xf32, #tpu.memory_space<vmem>> -> memref<128x32xf32, #tpu.memory_space<vmem>>
        %dma_start3A_313 = arith.constant 0 : i32
        %dma_start3A_314 = tpu.memref_slice %arg6[%sub3A_290, %dma_start3A_313] : memref<79x128xi32, #tpu.memory_space<vmem>> -> memref<1x128xi32, #tpu.memory_space<vmem>>
        %dma_start3A_315 = tpu.memref_squeeze %dma_start3A_314 : memref<1x128xi32, #tpu.memory_space<vmem>> -> memref<128xi32, #tpu.memory_space<vmem>>
        %dma_start3A_316 = arith.constant 0 : i32
        %dma_start3A_317 = arith.constant 0 : i32
        %dma_start3A_318 = tpu.memref_slice %arg8[%dma_start3A_316, %dma_start3A_317] : memref<10240x32xf32, #tpu.memory_space<vmem_shared>> -> memref<10240x32xf32, #tpu.memory_space<vmem_shared>>
        %dma_start3A_319 = tpu.memref_slice %arg11[%rem3A_292] : memref<8x!tpu.dma_semaphore, #tpu.memory_space<semaphore_mem>> -> memref<1x!tpu.dma_semaphore, #tpu.memory_space<semaphore_mem>>
        %dma_start3A_320 = tpu.memref_squeeze %dma_start3A_319 : memref<1x!tpu.dma_semaphore, #tpu.memory_space<semaphore_mem>> -> memref<!tpu.dma_semaphore, #tpu.memory_space<semaphore_mem>>
        tpu.enqueue_indirect_dma source(%dma_start3A_312 : memref<128x32xf32, #tpu.memory_space<vmem>>) target(%dma_start3A_318 : memref<10240x32xf32, #tpu.memory_space<vmem_shared>>) offsets(%dma_start3A_315 : memref<128xi32, #tpu.memory_space<vmem>>) semaphore(%dma_start3A_320 : memref<!tpu.dma_semaphore, #tpu.memory_space<semaphore_mem>>) {add = true}
      } else {
      }
    }
    %while3A_110 = arith.constant 1 : i32
    scf.for %while3A_266 = %while3A_108 to %while3A_104 step %while3A_110  : i32 {
      %ge3A = arith.constant 8 : i32
      %ge3A_267 = arith.cmpi sge, %while3A_266, %ge3A : i32
      %convert_element_type3A_268 = arith.extui %ge3A_267 : i1 to i32
      %cond3A_269 = arith.constant 0 : i32
      %cond3A_270 = arith.cmpi ne, %convert_element_type3A_268, %cond3A_269 : i32
      scf.if %cond3A_270 {
        %rem3A_289 = arith.constant 8 : i32
        %rem3A_290 = arith.remsi %while3A_266, %rem3A_289 : i32
        %dma_wait3A_291 = arith.constant 0 : i32
        %dma_wait3A_292 = arith.constant 0 : i32
        %dma_wait3A_293 = tpu.memref_slice %arg7[%rem3A_290, %dma_wait3A_291, %dma_wait3A_292] : memref<8x128x32xf32, #tpu.memory_space<vmem>> -> memref<1x128x32xf32, #tpu.memory_space<vmem>>
        %dma_wait3A_294 = tpu.memref_squeeze %dma_wait3A_293 : memref<1x128x32xf32, #tpu.memory_space<vmem>> -> memref<128x32xf32, #tpu.memory_space<vmem>>
        %dma_wait3A_295 = arith.constant 0 : i32
        %dma_wait3A_296 = arith.constant 0 : i32
        %dma_wait3A_297 = tpu.memref_slice %arg3[%dma_wait3A_295, %dma_wait3A_296] : memref<10240x32xf32, #tpu.memory_space<hbm>> -> memref<128x32xf32, #tpu.memory_space<hbm>>
        %dma_wait3A_298 = tpu.memref_slice %arg11[%rem3A_290] : memref<8x!tpu.dma_semaphore, #tpu.memory_space<semaphore_mem>> -> memref<1x!tpu.dma_semaphore, #tpu.memory_space<semaphore_mem>>
        %dma_wait3A_299 = tpu.memref_squeeze %dma_wait3A_298 : memref<1x!tpu.dma_semaphore, #tpu.memory_space<semaphore_mem>> -> memref<!tpu.dma_semaphore, #tpu.memory_space<semaphore_mem>>
        %dma_wait3A_300 = arith.constant 0 : i32
        %dma_wait3A_301 = arith.constant 0 : i32
        %dma_wait3A_302 = tpu.memref_slice %arg7[%rem3A_290, %dma_wait3A_300, %dma_wait3A_301] : memref<8x128x32xf32, #tpu.memory_space<vmem>> -> memref<1x128x32xf32, #tpu.memory_space<vmem>>
        %dma_wait3A_303 = tpu.memref_squeeze %dma_wait3A_302 : memref<1x128x32xf32, #tpu.memory_space<vmem>> -> memref<128x32xf32, #tpu.memory_space<vmem>>
        %dma_wait3A_304 = arith.constant 0 : i32
        %dma_wait3A_305 = arith.constant 0 : i32
        %dma_wait3A_306 = tpu.memref_slice %arg3[%dma_wait3A_304, %dma_wait3A_305] : memref<10240x32xf32, #tpu.memory_space<hbm>> -> memref<128x32xf32, #tpu.memory_space<hbm>>
        tpu.wait_dma2 semaphore(%dma_wait3A_299 : memref<!tpu.dma_semaphore, #tpu.memory_space<semaphore_mem>>) src(%dma_wait3A_306 : memref<128x32xf32, #tpu.memory_space<hbm>>) dst(%dma_wait3A_303 : memref<128x32xf32, #tpu.memory_space<vmem>>)
      } else {
      }
      %rem3A = arith.constant 8 : i32
      %rem3A_271 = arith.remsi %while3A_266, %rem3A : i32
      %dma_start3A_272 = arith.constant 0 : i32
      %dma_start3A_273 = arith.constant 0 : i32
      %dma_start3A_274 = tpu.memref_slice %arg7[%rem3A_271, %dma_start3A_272, %dma_start3A_273] : memref<8x128x32xf32, #tpu.memory_space<vmem>> -> memref<1x128x32xf32, #tpu.memory_space<vmem>>
      %dma_start3A_275 = tpu.memref_squeeze %dma_start3A_274 : memref<1x128x32xf32, #tpu.memory_space<vmem>> -> memref<128x32xf32, #tpu.memory_space<vmem>>
      %dma_start3A_276 = arith.constant 0 : i32
      %dma_start3A_277 = tpu.memref_slice %arg5[%while3A_266, %dma_start3A_276] : memref<79x128xi32, #tpu.memory_space<vmem>> -> memref<1x128xi32, #tpu.memory_space<vmem>>
      %dma_start3A_278 = tpu.memref_squeeze %dma_start3A_277 : memref<1x128xi32, #tpu.memory_space<vmem>> -> memref<128xi32, #tpu.memory_space<vmem>>
      %dma_start3A_279 = arith.constant 0 : i32
      %dma_start3A_280 = arith.constant 0 : i32
      %dma_start3A_281 = tpu.memref_slice %arg9[%dma_start3A_279, %dma_start3A_280] : memref<10240x32xf32, #tpu.memory_space<vmem_shared>> -> memref<10240x32xf32, #tpu.memory_space<vmem_shared>>
      %dma_start3A_282 = tpu.memref_slice %arg10[%rem3A_271] : memref<8x!tpu.dma_semaphore, #tpu.memory_space<semaphore_mem>> -> memref<1x!tpu.dma_semaphore, #tpu.memory_space<semaphore_mem>>
      %dma_start3A_283 = tpu.memref_squeeze %dma_start3A_282 : memref<1x!tpu.dma_semaphore, #tpu.memory_space<semaphore_mem>> -> memref<!tpu.dma_semaphore, #tpu.memory_space<semaphore_mem>>
      tpu.enqueue_indirect_dma source(%dma_start3A_281 : memref<10240x32xf32, #tpu.memory_space<vmem_shared>>) target(%dma_start3A_275 : memref<128x32xf32, #tpu.memory_space<vmem>>) offsets(%dma_start3A_278 : memref<128xi32, #tpu.memory_space<vmem>>) semaphore(%dma_start3A_283 : memref<!tpu.dma_semaphore, #tpu.memory_space<semaphore_mem>>)
      %ge3A_284 = arith.constant 3 : i32
      %ge3A_285 = arith.cmpi sge, %while3A_266, %ge3A_284 : i32
      %convert_element_type3A_286 = arith.extui %ge3A_285 : i1 to i32
      %cond3A_287 = arith.constant 0 : i32
      %cond3A_288 = arith.cmpi ne, %convert_element_type3A_286, %cond3A_287 : i32
      scf.if %cond3A_288 {
        %sub3A_289 = arith.constant 3 : i32
        %sub3A_290 = arith.subi %while3A_266, %sub3A_289 : i32
        %rem3A_291 = arith.constant 8 : i32
        %rem3A_292 = arith.remsi %sub3A_290, %rem3A_291 : i32
        %dma_wait3A_293 = arith.constant 0 : i32
        %dma_wait3A_294 = arith.constant 0 : i32
        %dma_wait3A_295 = tpu.memref_slice %arg7[%rem3A_292, %dma_wait3A_293, %dma_wait3A_294] : memref<8x128x32xf32, #tpu.memory_space<vmem>> -> memref<1x128x32xf32, #tpu.memory_space<vmem>>
        %dma_wait3A_296 = tpu.memref_squeeze %dma_wait3A_295 : memref<1x128x32xf32, #tpu.memory_space<vmem>> -> memref<128x32xf32, #tpu.memory_space<vmem>>
        %dma_wait3A_297 = arith.constant 0 : i32
        %dma_wait3A_298 = arith.constant 0 : i32
        %dma_wait3A_299 = tpu.memref_slice %arg3[%dma_wait3A_297, %dma_wait3A_298] : memref<10240x32xf32, #tpu.memory_space<hbm>> -> memref<128x32xf32, #tpu.memory_space<hbm>>
        %dma_wait3A_300 = tpu.memref_slice %arg10[%rem3A_292] : memref<8x!tpu.dma_semaphore, #tpu.memory_space<semaphore_mem>> -> memref<1x!tpu.dma_semaphore, #tpu.memory_space<semaphore_mem>>
        %dma_wait3A_301 = tpu.memref_squeeze %dma_wait3A_300 : memref<1x!tpu.dma_semaphore, #tpu.memory_space<semaphore_mem>> -> memref<!tpu.dma_semaphore, #tpu.memory_space<semaphore_mem>>
        %dma_wait3A_302 = arith.constant 0 : i32
        %dma_wait3A_303 = arith.constant 0 : i32
        %dma_wait3A_304 = tpu.memref_slice %arg7[%rem3A_292, %dma_wait3A_302, %dma_wait3A_303] : memref<8x128x32xf32, #tpu.memory_space<vmem>> -> memref<1x128x32xf32, #tpu.memory_space<vmem>>
        %dma_wait3A_305 = tpu.memref_squeeze %dma_wait3A_304 : memref<1x128x32xf32, #tpu.memory_space<vmem>> -> memref<128x32xf32, #tpu.memory_space<vmem>>
        %dma_wait3A_306 = arith.constant 0 : i32
        %dma_wait3A_307 = arith.constant 0 : i32
        %dma_wait3A_308 = tpu.memref_slice %arg3[%dma_wait3A_306, %dma_wait3A_307] : memref<10240x32xf32, #tpu.memory_space<hbm>> -> memref<128x32xf32, #tpu.memory_space<hbm>>
        tpu.wait_dma2 semaphore(%dma_wait3A_301 : memref<!tpu.dma_semaphore, #tpu.memory_space<semaphore_mem>>) src(%dma_wait3A_308 : memref<128x32xf32, #tpu.memory_space<hbm>>) dst(%dma_wait3A_305 : memref<128x32xf32, #tpu.memory_space<vmem>>)
        %dma_start3A_309 = arith.constant 0 : i32
        %dma_start3A_310 = arith.constant 0 : i32
        %dma_start3A_311 = tpu.memref_slice %arg7[%rem3A_292, %dma_start3A_309, %dma_start3A_310] : memref<8x128x32xf32, #tpu.memory_space<vmem>> -> memref<1x128x32xf32, #tpu.memory_space<vmem>>
        %dma_start3A_312 = tpu.memref_squeeze %dma_start3A_311 : memref<1x128x32xf32, #tpu.memory_space<vmem>> -> memref<128x32xf32, #tpu.memory_space<vmem>>
        %dma_start3A_313 = arith.constant 0 : i32
        %dma_start3A_314 = tpu.memref_slice %arg6[%sub3A_290, %dma_start3A_313] : memref<79x128xi32, #tpu.memory_space<vmem>> -> memref<1x128xi32, #tpu.memory_space<vmem>>
        %dma_start3A_315 = tpu.memref_squeeze %dma_start3A_314 : memref<1x128xi32, #tpu.memory_space<vmem>> -> memref<128xi32, #tpu.memory_space<vmem>>
        %dma_start3A_316 = arith.constant 0 : i32
        %dma_start3A_317 = arith.constant 0 : i32
        %dma_start3A_318 = tpu.memref_slice %arg8[%dma_start3A_316, %dma_start3A_317] : memref<10240x32xf32, #tpu.memory_space<vmem_shared>> -> memref<10240x32xf32, #tpu.memory_space<vmem_shared>>
        %dma_start3A_319 = tpu.memref_slice %arg11[%rem3A_292] : memref<8x!tpu.dma_semaphore, #tpu.memory_space<semaphore_mem>> -> memref<1x!tpu.dma_semaphore, #tpu.memory_space<semaphore_mem>>
        %dma_start3A_320 = tpu.memref_squeeze %dma_start3A_319 : memref<1x!tpu.dma_semaphore, #tpu.memory_space<semaphore_mem>> -> memref<!tpu.dma_semaphore, #tpu.memory_space<semaphore_mem>>
        tpu.enqueue_indirect_dma source(%dma_start3A_312 : memref<128x32xf32, #tpu.memory_space<vmem>>) target(%dma_start3A_318 : memref<10240x32xf32, #tpu.memory_space<vmem_shared>>) offsets(%dma_start3A_315 : memref<128xi32, #tpu.memory_space<vmem>>) semaphore(%dma_start3A_320 : memref<!tpu.dma_semaphore, #tpu.memory_space<semaphore_mem>>) {add = true}
      } else {
      }
    }
    %sub3A = arith.constant 3 : i32
    %sub3A_111 = arith.subi %select_n3A, %sub3A : i32
    %while3A_112 = arith.constant 0 : i32
    %while3A_113 = arith.subi %select_n3A, %sub3A_111 : i32
    %while3A_114 = arith.addi %sub3A_111, %while3A_113 : i32
    %while3A_115 = arith.constant 1 : i32
    %while3A_116 = arith.divsi %while3A_113, %while3A_115 : i32
    %while3A_117 = arith.muli %while3A_116, %while3A_115 : i32
    %while3A_118 = arith.addi %sub3A_111, %while3A_117 : i32
    %while3A_119 = arith.constant 1 : i32
    scf.for %while3A_266 = %sub3A_111 to %while3A_118 step %while3A_119  : i32 {
      %rem3A = arith.constant 8 : i32
      %rem3A_267 = arith.remsi %while3A_266, %rem3A : i32
      %dma_wait3A_268 = arith.constant 0 : i32
      %dma_wait3A_269 = arith.constant 0 : i32
      %dma_wait3A_270 = tpu.memref_slice %arg7[%rem3A_267, %dma_wait3A_268, %dma_wait3A_269] : memref<8x128x32xf32, #tpu.memory_space<vmem>> -> memref<1x128x32xf32, #tpu.memory_space<vmem>>
      %dma_wait3A_271 = tpu.memref_squeeze %dma_wait3A_270 : memref<1x128x32xf32, #tpu.memory_space<vmem>> -> memref<128x32xf32, #tpu.memory_space<vmem>>
      %dma_wait3A_272 = arith.constant 0 : i32
      %dma_wait3A_273 = arith.constant 0 : i32
      %dma_wait3A_274 = tpu.memref_slice %arg3[%dma_wait3A_272, %dma_wait3A_273] : memref<10240x32xf32, #tpu.memory_space<hbm>> -> memref<128x32xf32, #tpu.memory_space<hbm>>
      %dma_wait3A_275 = tpu.memref_slice %arg10[%rem3A_267] : memref<8x!tpu.dma_semaphore, #tpu.memory_space<semaphore_mem>> -> memref<1x!tpu.dma_semaphore, #tpu.memory_space<semaphore_mem>>
      %dma_wait3A_276 = tpu.memref_squeeze %dma_wait3A_275 : memref<1x!tpu.dma_semaphore, #tpu.memory_space<semaphore_mem>> -> memref<!tpu.dma_semaphore, #tpu.memory_space<semaphore_mem>>
      %dma_wait3A_277 = arith.constant 0 : i32
      %dma_wait3A_278 = arith.constant 0 : i32
      %dma_wait3A_279 = tpu.memref_slice %arg7[%rem3A_267, %dma_wait3A_277, %dma_wait3A_278] : memref<8x128x32xf32, #tpu.memory_space<vmem>> -> memref<1x128x32xf32, #tpu.memory_space<vmem>>
      %dma_wait3A_280 = tpu.memref_squeeze %dma_wait3A_279 : memref<1x128x32xf32, #tpu.memory_space<vmem>> -> memref<128x32xf32, #tpu.memory_space<vmem>>
      %dma_wait3A_281 = arith.constant 0 : i32
      %dma_wait3A_282 = arith.constant 0 : i32
      %dma_wait3A_283 = tpu.memref_slice %arg3[%dma_wait3A_281, %dma_wait3A_282] : memref<10240x32xf32, #tpu.memory_space<hbm>> -> memref<128x32xf32, #tpu.memory_space<hbm>>
      tpu.wait_dma2 semaphore(%dma_wait3A_276 : memref<!tpu.dma_semaphore, #tpu.memory_space<semaphore_mem>>) src(%dma_wait3A_283 : memref<128x32xf32, #tpu.memory_space<hbm>>) dst(%dma_wait3A_280 : memref<128x32xf32, #tpu.memory_space<vmem>>)
      %dma_start3A_284 = arith.constant 0 : i32
      %dma_start3A_285 = arith.constant 0 : i32
      %dma_start3A_286 = tpu.memref_slice %arg7[%rem3A_267, %dma_start3A_284, %dma_start3A_285] : memref<8x128x32xf32, #tpu.memory_space<vmem>> -> memref<1x128x32xf32, #tpu.memory_space<vmem>>
      %dma_start3A_287 = tpu.memref_squeeze %dma_start3A_286 : memref<1x128x32xf32, #tpu.memory_space<vmem>> -> memref<128x32xf32, #tpu.memory_space<vmem>>
      %dma_start3A_288 = arith.constant 0 : i32
      %dma_start3A_289 = tpu.memref_slice %arg6[%while3A_266, %dma_start3A_288] : memref<79x128xi32, #tpu.memory_space<vmem>> -> memref<1x128xi32, #tpu.memory_space<vmem>>
      %dma_start3A_290 = tpu.memref_squeeze %dma_start3A_289 : memref<1x128xi32, #tpu.memory_space<vmem>> -> memref<128xi32, #tpu.memory_space<vmem>>
      %dma_start3A_291 = arith.constant 0 : i32
      %dma_start3A_292 = arith.constant 0 : i32
      %dma_start3A_293 = tpu.memref_slice %arg8[%dma_start3A_291, %dma_start3A_292] : memref<10240x32xf32, #tpu.memory_space<vmem_shared>> -> memref<10240x32xf32, #tpu.memory_space<vmem_shared>>
      %dma_start3A_294 = tpu.memref_slice %arg11[%rem3A_267] : memref<8x!tpu.dma_semaphore, #tpu.memory_space<semaphore_mem>> -> memref<1x!tpu.dma_semaphore, #tpu.memory_space<semaphore_mem>>
      %dma_start3A_295 = tpu.memref_squeeze %dma_start3A_294 : memref<1x!tpu.dma_semaphore, #tpu.memory_space<semaphore_mem>> -> memref<!tpu.dma_semaphore, #tpu.memory_space<semaphore_mem>>
      tpu.enqueue_indirect_dma source(%dma_start3A_287 : memref<128x32xf32, #tpu.memory_space<vmem>>) target(%dma_start3A_293 : memref<10240x32xf32, #tpu.memory_space<vmem_shared>>) offsets(%dma_start3A_290 : memref<128xi32, #tpu.memory_space<vmem>>) semaphore(%dma_start3A_295 : memref<!tpu.dma_semaphore, #tpu.memory_space<semaphore_mem>>) {add = true}
    }
    %while3A_120 = arith.constant 1 : i32
    scf.for %while3A_266 = %while3A_118 to %while3A_114 step %while3A_120  : i32 {
      %rem3A = arith.constant 8 : i32
      %rem3A_267 = arith.remsi %while3A_266, %rem3A : i32
      %dma_wait3A_268 = arith.constant 0 : i32
      %dma_wait3A_269 = arith.constant 0 : i32
      %dma_wait3A_270 = tpu.memref_slice %arg7[%rem3A_267, %dma_wait3A_268, %dma_wait3A_269] : memref<8x128x32xf32, #tpu.memory_space<vmem>> -> memref<1x128x32xf32, #tpu.memory_space<vmem>>
      %dma_wait3A_271 = tpu.memref_squeeze %dma_wait3A_270 : memref<1x128x32xf32, #tpu.memory_space<vmem>> -> memref<128x32xf32, #tpu.memory_space<vmem>>
      %dma_wait3A_272 = arith.constant 0 : i32
      %dma_wait3A_273 = arith.constant 0 : i32
      %dma_wait3A_274 = tpu.memref_slice %arg3[%dma_wait3A_272, %dma_wait3A_273] : memref<10240x32xf32, #tpu.memory_space<hbm>> -> memref<128x32xf32, #tpu.memory_space<hbm>>
      %dma_wait3A_275 = tpu.memref_slice %arg10[%rem3A_267] : memref<8x!tpu.dma_semaphore, #tpu.memory_space<semaphore_mem>> -> memref<1x!tpu.dma_semaphore, #tpu.memory_space<semaphore_mem>>
      %dma_wait3A_276 = tpu.memref_squeeze %dma_wait3A_275 : memref<1x!tpu.dma_semaphore, #tpu.memory_space<semaphore_mem>> -> memref<!tpu.dma_semaphore, #tpu.memory_space<semaphore_mem>>
      %dma_wait3A_277 = arith.constant 0 : i32
      %dma_wait3A_278 = arith.constant 0 : i32
      %dma_wait3A_279 = tpu.memref_slice %arg7[%rem3A_267, %dma_wait3A_277, %dma_wait3A_278] : memref<8x128x32xf32, #tpu.memory_space<vmem>> -> memref<1x128x32xf32, #tpu.memory_space<vmem>>
      %dma_wait3A_280 = tpu.memref_squeeze %dma_wait3A_279 : memref<1x128x32xf32, #tpu.memory_space<vmem>> -> memref<128x32xf32, #tpu.memory_space<vmem>>
      %dma_wait3A_281 = arith.constant 0 : i32
      %dma_wait3A_282 = arith.constant 0 : i32
      %dma_wait3A_283 = tpu.memref_slice %arg3[%dma_wait3A_281, %dma_wait3A_282] : memref<10240x32xf32, #tpu.memory_space<hbm>> -> memref<128x32xf32, #tpu.memory_space<hbm>>
      tpu.wait_dma2 semaphore(%dma_wait3A_276 : memref<!tpu.dma_semaphore, #tpu.memory_space<semaphore_mem>>) src(%dma_wait3A_283 : memref<128x32xf32, #tpu.memory_space<hbm>>) dst(%dma_wait3A_280 : memref<128x32xf32, #tpu.memory_space<vmem>>)
      %dma_start3A_284 = arith.constant 0 : i32
      %dma_start3A_285 = arith.constant 0 : i32
      %dma_start3A_286 = tpu.memref_slice %arg7[%rem3A_267, %dma_start3A_284, %dma_start3A_285] : memref<8x128x32xf32, #tpu.memory_space<vmem>> -> memref<1x128x32xf32, #tpu.memory_space<vmem>>
      %dma_start3A_287 = tpu.memref_squeeze %dma_start3A_286 : memref<1x128x32xf32, #tpu.memory_space<vmem>> -> memref<128x32xf32, #tpu.memory_space<vmem>>
      %dma_start3A_288 = arith.constant 0 : i32
      %dma_start3A_289 = tpu.memref_slice %arg6[%while3A_266, %dma_start3A_288] : memref<79x128xi32, #tpu.memory_space<vmem>> -> memref<1x128xi32, #tpu.memory_space<vmem>>
      %dma_start3A_290 = tpu.memref_squeeze %dma_start3A_289 : memref<1x128xi32, #tpu.memory_space<vmem>> -> memref<128xi32, #tpu.memory_space<vmem>>
      %dma_start3A_291 = arith.constant 0 : i32
      %dma_start3A_292 = arith.constant 0 : i32
      %dma_start3A_293 = tpu.memref_slice %arg8[%dma_start3A_291, %dma_start3A_292] : memref<10240x32xf32, #tpu.memory_space<vmem_shared>> -> memref<10240x32xf32, #tpu.memory_space<vmem_shared>>
      %dma_start3A_294 = tpu.memref_slice %arg11[%rem3A_267] : memref<8x!tpu.dma_semaphore, #tpu.memory_space<semaphore_mem>> -> memref<1x!tpu.dma_semaphore, #tpu.memory_space<semaphore_mem>>
      %dma_start3A_295 = tpu.memref_squeeze %dma_start3A_294 : memref<1x!tpu.dma_semaphore, #tpu.memory_space<semaphore_mem>> -> memref<!tpu.dma_semaphore, #tpu.memory_space<semaphore_mem>>
      tpu.enqueue_indirect_dma source(%dma_start3A_287 : memref<128x32xf32, #tpu.memory_space<vmem>>) target(%dma_start3A_293 : memref<10240x32xf32, #tpu.memory_space<vmem_shared>>) offsets(%dma_start3A_290 : memref<128xi32, #tpu.memory_space<vmem>>) semaphore(%dma_start3A_295 : memref<!tpu.dma_semaphore, #tpu.memory_space<semaphore_mem>>) {add = true}
    }
    %dma_wait3A_121 = arith.constant 0 : i32
    %dma_wait3A_122 = arith.constant 0 : i32
    %dma_wait3A_123 = arith.constant 0 : i32
    %dma_wait3A_124 = arith.constant 0 : i32
    %dma_wait3A_125 = tpu.memref_slice %arg7[%dma_wait3A_121, %dma_wait3A_123, %dma_wait3A_124] : memref<8x128x32xf32, #tpu.memory_space<vmem>> -> memref<1x128x32xf32, #tpu.memory_space<vmem>>
    %dma_wait3A_126 = tpu.memref_squeeze %dma_wait3A_125 : memref<1x128x32xf32, #tpu.memory_space<vmem>> -> memref<128x32xf32, #tpu.memory_space<vmem>>
    %dma_wait3A_127 = arith.constant 0 : i32
    %dma_wait3A_128 = arith.constant 0 : i32
    %dma_wait3A_129 = tpu.memref_slice %arg3[%dma_wait3A_127, %dma_wait3A_128] : memref<10240x32xf32, #tpu.memory_space<hbm>> -> memref<128x32xf32, #tpu.memory_space<hbm>>
    %dma_wait3A_130 = tpu.memref_slice %arg11[%dma_wait3A_122] : memref<8x!tpu.dma_semaphore, #tpu.memory_space<semaphore_mem>> -> memref<1x!tpu.dma_semaphore, #tpu.memory_space<semaphore_mem>>
    %dma_wait3A_131 = tpu.memref_squeeze %dma_wait3A_130 : memref<1x!tpu.dma_semaphore, #tpu.memory_space<semaphore_mem>> -> memref<!tpu.dma_semaphore, #tpu.memory_space<semaphore_mem>>
    %dma_wait3A_132 = arith.constant 0 : i32
    %dma_wait3A_133 = arith.constant 0 : i32
    %dma_wait3A_134 = tpu.memref_slice %arg7[%dma_wait3A_121, %dma_wait3A_132, %dma_wait3A_133] : memref<8x128x32xf32, #tpu.memory_space<vmem>> -> memref<1x128x32xf32, #tpu.memory_space<vmem>>
    %dma_wait3A_135 = tpu.memref_squeeze %dma_wait3A_134 : memref<1x128x32xf32, #tpu.memory_space<vmem>> -> memref<128x32xf32, #tpu.memory_space<vmem>>
    %dma_wait3A_136 = arith.constant 0 : i32
    %dma_wait3A_137 = arith.constant 0 : i32
    %dma_wait3A_138 = tpu.memref_slice %arg3[%dma_wait3A_136, %dma_wait3A_137] : memref<10240x32xf32, #tpu.memory_space<hbm>> -> memref<128x32xf32, #tpu.memory_space<hbm>>
    tpu.wait_dma2 semaphore(%dma_wait3A_131 : memref<!tpu.dma_semaphore, #tpu.memory_space<semaphore_mem>>) src(%dma_wait3A_138 : memref<128x32xf32, #tpu.memory_space<hbm>>) dst(%dma_wait3A_135 : memref<128x32xf32, #tpu.memory_space<vmem>>)
    %dma_wait3A_139 = arith.constant 1 : i32
    %dma_wait3A_140 = arith.constant 1 : i32
    %dma_wait3A_141 = arith.constant 0 : i32
    %dma_wait3A_142 = arith.constant 0 : i32
    %dma_wait3A_143 = tpu.memref_slice %arg7[%dma_wait3A_139, %dma_wait3A_141, %dma_wait3A_142] : memref<8x128x32xf32, #tpu.memory_space<vmem>> -> memref<1x128x32xf32, #tpu.memory_space<vmem>>
    %dma_wait3A_144 = tpu.memref_squeeze %dma_wait3A_143 : memref<1x128x32xf32, #tpu.memory_space<vmem>> -> memref<128x32xf32, #tpu.memory_space<vmem>>
    %dma_wait3A_145 = arith.constant 0 : i32
    %dma_wait3A_146 = arith.constant 0 : i32
    %dma_wait3A_147 = tpu.memref_slice %arg3[%dma_wait3A_145, %dma_wait3A_146] : memref<10240x32xf32, #tpu.memory_space<hbm>> -> memref<128x32xf32, #tpu.memory_space<hbm>>
    %dma_wait3A_148 = tpu.memref_slice %arg11[%dma_wait3A_140] : memref<8x!tpu.dma_semaphore, #tpu.memory_space<semaphore_mem>> -> memref<1x!tpu.dma_semaphore, #tpu.memory_space<semaphore_mem>>
    %dma_wait3A_149 = tpu.memref_squeeze %dma_wait3A_148 : memref<1x!tpu.dma_semaphore, #tpu.memory_space<semaphore_mem>> -> memref<!tpu.dma_semaphore, #tpu.memory_space<semaphore_mem>>
    %dma_wait3A_150 = arith.constant 0 : i32
    %dma_wait3A_151 = arith.constant 0 : i32
    %dma_wait3A_152 = tpu.memref_slice %arg7[%dma_wait3A_139, %dma_wait3A_150, %dma_wait3A_151] : memref<8x128x32xf32, #tpu.memory_space<vmem>> -> memref<1x128x32xf32, #tpu.memory_space<vmem>>
    %dma_wait3A_153 = tpu.memref_squeeze %dma_wait3A_152 : memref<1x128x32xf32, #tpu.memory_space<vmem>> -> memref<128x32xf32, #tpu.memory_space<vmem>>
    %dma_wait3A_154 = arith.constant 0 : i32
    %dma_wait3A_155 = arith.constant 0 : i32
    %dma_wait3A_156 = tpu.memref_slice %arg3[%dma_wait3A_154, %dma_wait3A_155] : memref<10240x32xf32, #tpu.memory_space<hbm>> -> memref<128x32xf32, #tpu.memory_space<hbm>>
    tpu.wait_dma2 semaphore(%dma_wait3A_149 : memref<!tpu.dma_semaphore, #tpu.memory_space<semaphore_mem>>) src(%dma_wait3A_156 : memref<128x32xf32, #tpu.memory_space<hbm>>) dst(%dma_wait3A_153 : memref<128x32xf32, #tpu.memory_space<vmem>>)
    %dma_wait3A_157 = arith.constant 2 : i32
    %dma_wait3A_158 = arith.constant 2 : i32
    %dma_wait3A_159 = arith.constant 0 : i32
    %dma_wait3A_160 = arith.constant 0 : i32
    %dma_wait3A_161 = tpu.memref_slice %arg7[%dma_wait3A_157, %dma_wait3A_159, %dma_wait3A_160] : memref<8x128x32xf32, #tpu.memory_space<vmem>> -> memref<1x128x32xf32, #tpu.memory_space<vmem>>
    %dma_wait3A_162 = tpu.memref_squeeze %dma_wait3A_161 : memref<1x128x32xf32, #tpu.memory_space<vmem>> -> memref<128x32xf32, #tpu.memory_space<vmem>>
    %dma_wait3A_163 = arith.constant 0 : i32
    %dma_wait3A_164 = arith.constant 0 : i32
    %dma_wait3A_165 = tpu.memref_slice %arg3[%dma_wait3A_163, %dma_wait3A_164] : memref<10240x32xf32, #tpu.memory_space<hbm>> -> memref<128x32xf32, #tpu.memory_space<hbm>>
    %dma_wait3A_166 = tpu.memref_slice %arg11[%dma_wait3A_158] : memref<8x!tpu.dma_semaphore, #tpu.memory_space<semaphore_mem>> -> memref<1x!tpu.dma_semaphore, #tpu.memory_space<semaphore_mem>>
    %dma_wait3A_167 = tpu.memref_squeeze %dma_wait3A_166 : memref<1x!tpu.dma_semaphore, #tpu.memory_space<semaphore_mem>> -> memref<!tpu.dma_semaphore, #tpu.memory_space<semaphore_mem>>
    %dma_wait3A_168 = arith.constant 0 : i32
    %dma_wait3A_169 = arith.constant 0 : i32
    %dma_wait3A_170 = tpu.memref_slice %arg7[%dma_wait3A_157, %dma_wait3A_168, %dma_wait3A_169] : memref<8x128x32xf32, #tpu.memory_space<vmem>> -> memref<1x128x32xf32, #tpu.memory_space<vmem>>
    %dma_wait3A_171 = tpu.memref_squeeze %dma_wait3A_170 : memref<1x128x32xf32, #tpu.memory_space<vmem>> -> memref<128x32xf32, #tpu.memory_space<vmem>>
    %dma_wait3A_172 = arith.constant 0 : i32
    %dma_wait3A_173 = arith.constant 0 : i32
    %dma_wait3A_174 = tpu.memref_slice %arg3[%dma_wait3A_172, %dma_wait3A_173] : memref<10240x32xf32, #tpu.memory_space<hbm>> -> memref<128x32xf32, #tpu.memory_space<hbm>>
    tpu.wait_dma2 semaphore(%dma_wait3A_167 : memref<!tpu.dma_semaphore, #tpu.memory_space<semaphore_mem>>) src(%dma_wait3A_174 : memref<128x32xf32, #tpu.memory_space<hbm>>) dst(%dma_wait3A_171 : memref<128x32xf32, #tpu.memory_space<vmem>>)
    %dma_wait3A_175 = arith.constant 3 : i32
    %dma_wait3A_176 = arith.constant 3 : i32
    %dma_wait3A_177 = arith.constant 0 : i32
    %dma_wait3A_178 = arith.constant 0 : i32
    %dma_wait3A_179 = tpu.memref_slice %arg7[%dma_wait3A_175, %dma_wait3A_177, %dma_wait3A_178] : memref<8x128x32xf32, #tpu.memory_space<vmem>> -> memref<1x128x32xf32, #tpu.memory_space<vmem>>
    %dma_wait3A_180 = tpu.memref_squeeze %dma_wait3A_179 : memref<1x128x32xf32, #tpu.memory_space<vmem>> -> memref<128x32xf32, #tpu.memory_space<vmem>>
    %dma_wait3A_181 = arith.constant 0 : i32
    %dma_wait3A_182 = arith.constant 0 : i32
    %dma_wait3A_183 = tpu.memref_slice %arg3[%dma_wait3A_181, %dma_wait3A_182] : memref<10240x32xf32, #tpu.memory_space<hbm>> -> memref<128x32xf32, #tpu.memory_space<hbm>>
    %dma_wait3A_184 = tpu.memref_slice %arg11[%dma_wait3A_176] : memref<8x!tpu.dma_semaphore, #tpu.memory_space<semaphore_mem>> -> memref<1x!tpu.dma_semaphore, #tpu.memory_space<semaphore_mem>>
    %dma_wait3A_185 = tpu.memref_squeeze %dma_wait3A_184 : memref<1x!tpu.dma_semaphore, #tpu.memory_space<semaphore_mem>> -> memref<!tpu.dma_semaphore, #tpu.memory_space<semaphore_mem>>
    %dma_wait3A_186 = arith.constant 0 : i32
    %dma_wait3A_187 = arith.constant 0 : i32
    %dma_wait3A_188 = tpu.memref_slice %arg7[%dma_wait3A_175, %dma_wait3A_186, %dma_wait3A_187] : memref<8x128x32xf32, #tpu.memory_space<vmem>> -> memref<1x128x32xf32, #tpu.memory_space<vmem>>
    %dma_wait3A_189 = tpu.memref_squeeze %dma_wait3A_188 : memref<1x128x32xf32, #tpu.memory_space<vmem>> -> memref<128x32xf32, #tpu.memory_space<vmem>>
    %dma_wait3A_190 = arith.constant 0 : i32
    %dma_wait3A_191 = arith.constant 0 : i32
    %dma_wait3A_192 = tpu.memref_slice %arg3[%dma_wait3A_190, %dma_wait3A_191] : memref<10240x32xf32, #tpu.memory_space<hbm>> -> memref<128x32xf32, #tpu.memory_space<hbm>>
    tpu.wait_dma2 semaphore(%dma_wait3A_185 : memref<!tpu.dma_semaphore, #tpu.memory_space<semaphore_mem>>) src(%dma_wait3A_192 : memref<128x32xf32, #tpu.memory_space<hbm>>) dst(%dma_wait3A_189 : memref<128x32xf32, #tpu.memory_space<vmem>>)
    %dma_wait3A_193 = arith.constant 4 : i32
    %dma_wait3A_194 = arith.constant 4 : i32
    %dma_wait3A_195 = arith.constant 0 : i32
    %dma_wait3A_196 = arith.constant 0 : i32
    %dma_wait3A_197 = tpu.memref_slice %arg7[%dma_wait3A_193, %dma_wait3A_195, %dma_wait3A_196] : memref<8x128x32xf32, #tpu.memory_space<vmem>> -> memref<1x128x32xf32, #tpu.memory_space<vmem>>
    %dma_wait3A_198 = tpu.memref_squeeze %dma_wait3A_197 : memref<1x128x32xf32, #tpu.memory_space<vmem>> -> memref<128x32xf32, #tpu.memory_space<vmem>>
    %dma_wait3A_199 = arith.constant 0 : i32
    %dma_wait3A_200 = arith.constant 0 : i32
    %dma_wait3A_201 = tpu.memref_slice %arg3[%dma_wait3A_199, %dma_wait3A_200] : memref<10240x32xf32, #tpu.memory_space<hbm>> -> memref<128x32xf32, #tpu.memory_space<hbm>>
    %dma_wait3A_202 = tpu.memref_slice %arg11[%dma_wait3A_194] : memref<8x!tpu.dma_semaphore, #tpu.memory_space<semaphore_mem>> -> memref<1x!tpu.dma_semaphore, #tpu.memory_space<semaphore_mem>>
    %dma_wait3A_203 = tpu.memref_squeeze %dma_wait3A_202 : memref<1x!tpu.dma_semaphore, #tpu.memory_space<semaphore_mem>> -> memref<!tpu.dma_semaphore, #tpu.memory_space<semaphore_mem>>
    %dma_wait3A_204 = arith.constant 0 : i32
    %dma_wait3A_205 = arith.constant 0 : i32
    %dma_wait3A_206 = tpu.memref_slice %arg7[%dma_wait3A_193, %dma_wait3A_204, %dma_wait3A_205] : memref<8x128x32xf32, #tpu.memory_space<vmem>> -> memref<1x128x32xf32, #tpu.memory_space<vmem>>
    %dma_wait3A_207 = tpu.memref_squeeze %dma_wait3A_206 : memref<1x128x32xf32, #tpu.memory_space<vmem>> -> memref<128x32xf32, #tpu.memory_space<vmem>>
    %dma_wait3A_208 = arith.constant 0 : i32
    %dma_wait3A_209 = arith.constant 0 : i32
    %dma_wait3A_210 = tpu.memref_slice %arg3[%dma_wait3A_208, %dma_wait3A_209] : memref<10240x32xf32, #tpu.memory_space<hbm>> -> memref<128x32xf32, #tpu.memory_space<hbm>>
    tpu.wait_dma2 semaphore(%dma_wait3A_203 : memref<!tpu.dma_semaphore, #tpu.memory_space<semaphore_mem>>) src(%dma_wait3A_210 : memref<128x32xf32, #tpu.memory_space<hbm>>) dst(%dma_wait3A_207 : memref<128x32xf32, #tpu.memory_space<vmem>>)
    %dma_wait3A_211 = arith.constant 5 : i32
    %dma_wait3A_212 = arith.constant 5 : i32
    %dma_wait3A_213 = arith.constant 0 : i32
    %dma_wait3A_214 = arith.constant 0 : i32
    %dma_wait3A_215 = tpu.memref_slice %arg7[%dma_wait3A_211, %dma_wait3A_213, %dma_wait3A_214] : memref<8x128x32xf32, #tpu.memory_space<vmem>> -> memref<1x128x32xf32, #tpu.memory_space<vmem>>
    %dma_wait3A_216 = tpu.memref_squeeze %dma_wait3A_215 : memref<1x128x32xf32, #tpu.memory_space<vmem>> -> memref<128x32xf32, #tpu.memory_space<vmem>>
    %dma_wait3A_217 = arith.constant 0 : i32
    %dma_wait3A_218 = arith.constant 0 : i32
    %dma_wait3A_219 = tpu.memref_slice %arg3[%dma_wait3A_217, %dma_wait3A_218] : memref<10240x32xf32, #tpu.memory_space<hbm>> -> memref<128x32xf32, #tpu.memory_space<hbm>>
    %dma_wait3A_220 = tpu.memref_slice %arg11[%dma_wait3A_212] : memref<8x!tpu.dma_semaphore, #tpu.memory_space<semaphore_mem>> -> memref<1x!tpu.dma_semaphore, #tpu.memory_space<semaphore_mem>>
    %dma_wait3A_221 = tpu.memref_squeeze %dma_wait3A_220 : memref<1x!tpu.dma_semaphore, #tpu.memory_space<semaphore_mem>> -> memref<!tpu.dma_semaphore, #tpu.memory_space<semaphore_mem>>
    %dma_wait3A_222 = arith.constant 0 : i32
    %dma_wait3A_223 = arith.constant 0 : i32
    %dma_wait3A_224 = tpu.memref_slice %arg7[%dma_wait3A_211, %dma_wait3A_222, %dma_wait3A_223] : memref<8x128x32xf32, #tpu.memory_space<vmem>> -> memref<1x128x32xf32, #tpu.memory_space<vmem>>
    %dma_wait3A_225 = tpu.memref_squeeze %dma_wait3A_224 : memref<1x128x32xf32, #tpu.memory_space<vmem>> -> memref<128x32xf32, #tpu.memory_space<vmem>>
    %dma_wait3A_226 = arith.constant 0 : i32
    %dma_wait3A_227 = arith.constant 0 : i32
    %dma_wait3A_228 = tpu.memref_slice %arg3[%dma_wait3A_226, %dma_wait3A_227] : memref<10240x32xf32, #tpu.memory_space<hbm>> -> memref<128x32xf32, #tpu.memory_space<hbm>>
    tpu.wait_dma2 semaphore(%dma_wait3A_221 : memref<!tpu.dma_semaphore, #tpu.memory_space<semaphore_mem>>) src(%dma_wait3A_228 : memref<128x32xf32, #tpu.memory_space<hbm>>) dst(%dma_wait3A_225 : memref<128x32xf32, #tpu.memory_space<vmem>>)
    %dma_wait3A_229 = arith.constant 6 : i32
    %dma_wait3A_230 = arith.constant 6 : i32
    %dma_wait3A_231 = arith.constant 0 : i32
    %dma_wait3A_232 = arith.constant 0 : i32
    %dma_wait3A_233 = tpu.memref_slice %arg7[%dma_wait3A_229, %dma_wait3A_231, %dma_wait3A_232] : memref<8x128x32xf32, #tpu.memory_space<vmem>> -> memref<1x128x32xf32, #tpu.memory_space<vmem>>
    %dma_wait3A_234 = tpu.memref_squeeze %dma_wait3A_233 : memref<1x128x32xf32, #tpu.memory_space<vmem>> -> memref<128x32xf32, #tpu.memory_space<vmem>>
    %dma_wait3A_235 = arith.constant 0 : i32
    %dma_wait3A_236 = arith.constant 0 : i32
    %dma_wait3A_237 = tpu.memref_slice %arg3[%dma_wait3A_235, %dma_wait3A_236] : memref<10240x32xf32, #tpu.memory_space<hbm>> -> memref<128x32xf32, #tpu.memory_space<hbm>>
    %dma_wait3A_238 = tpu.memref_slice %arg11[%dma_wait3A_230] : memref<8x!tpu.dma_semaphore, #tpu.memory_space<semaphore_mem>> -> memref<1x!tpu.dma_semaphore, #tpu.memory_space<semaphore_mem>>
    %dma_wait3A_239 = tpu.memref_squeeze %dma_wait3A_238 : memref<1x!tpu.dma_semaphore, #tpu.memory_space<semaphore_mem>> -> memref<!tpu.dma_semaphore, #tpu.memory_space<semaphore_mem>>
    %dma_wait3A_240 = arith.constant 0 : i32
    %dma_wait3A_241 = arith.constant 0 : i32
    %dma_wait3A_242 = tpu.memref_slice %arg7[%dma_wait3A_229, %dma_wait3A_240, %dma_wait3A_241] : memref<8x128x32xf32, #tpu.memory_space<vmem>> -> memref<1x128x32xf32, #tpu.memory_space<vmem>>
    %dma_wait3A_243 = tpu.memref_squeeze %dma_wait3A_242 : memref<1x128x32xf32, #tpu.memory_space<vmem>> -> memref<128x32xf32, #tpu.memory_space<vmem>>
    %dma_wait3A_244 = arith.constant 0 : i32
    %dma_wait3A_245 = arith.constant 0 : i32
    %dma_wait3A_246 = tpu.memref_slice %arg3[%dma_wait3A_244, %dma_wait3A_245] : memref<10240x32xf32, #tpu.memory_space<hbm>> -> memref<128x32xf32, #tpu.memory_space<hbm>>
    tpu.wait_dma2 semaphore(%dma_wait3A_239 : memref<!tpu.dma_semaphore, #tpu.memory_space<semaphore_mem>>) src(%dma_wait3A_246 : memref<128x32xf32, #tpu.memory_space<hbm>>) dst(%dma_wait3A_243 : memref<128x32xf32, #tpu.memory_space<vmem>>)
    %dma_wait3A_247 = arith.constant 7 : i32
    %dma_wait3A_248 = arith.constant 7 : i32
    %dma_wait3A_249 = arith.constant 0 : i32
    %dma_wait3A_250 = arith.constant 0 : i32
    %dma_wait3A_251 = tpu.memref_slice %arg7[%dma_wait3A_247, %dma_wait3A_249, %dma_wait3A_250] : memref<8x128x32xf32, #tpu.memory_space<vmem>> -> memref<1x128x32xf32, #tpu.memory_space<vmem>>
    %dma_wait3A_252 = tpu.memref_squeeze %dma_wait3A_251 : memref<1x128x32xf32, #tpu.memory_space<vmem>> -> memref<128x32xf32, #tpu.memory_space<vmem>>
    %dma_wait3A_253 = arith.constant 0 : i32
    %dma_wait3A_254 = arith.constant 0 : i32
    %dma_wait3A_255 = tpu.memref_slice %arg3[%dma_wait3A_253, %dma_wait3A_254] : memref<10240x32xf32, #tpu.memory_space<hbm>> -> memref<128x32xf32, #tpu.memory_space<hbm>>
    %dma_wait3A_256 = tpu.memref_slice %arg11[%dma_wait3A_248] : memref<8x!tpu.dma_semaphore, #tpu.memory_space<semaphore_mem>> -> memref<1x!tpu.dma_semaphore, #tpu.memory_space<semaphore_mem>>
    %dma_wait3A_257 = tpu.memref_squeeze %dma_wait3A_256 : memref<1x!tpu.dma_semaphore, #tpu.memory_space<semaphore_mem>> -> memref<!tpu.dma_semaphore, #tpu.memory_space<semaphore_mem>>
    %dma_wait3A_258 = arith.constant 0 : i32
    %dma_wait3A_259 = arith.constant 0 : i32
    %dma_wait3A_260 = tpu.memref_slice %arg7[%dma_wait3A_247, %dma_wait3A_258, %dma_wait3A_259] : memref<8x128x32xf32, #tpu.memory_space<vmem>> -> memref<1x128x32xf32, #tpu.memory_space<vmem>>
    %dma_wait3A_261 = tpu.memref_squeeze %dma_wait3A_260 : memref<1x128x32xf32, #tpu.memory_space<vmem>> -> memref<128x32xf32, #tpu.memory_space<vmem>>
    %dma_wait3A_262 = arith.constant 0 : i32
    %dma_wait3A_263 = arith.constant 0 : i32
    %dma_wait3A_264 = tpu.memref_slice %arg3[%dma_wait3A_262, %dma_wait3A_263] : memref<10240x32xf32, #tpu.memory_space<hbm>> -> memref<128x32xf32, #tpu.memory_space<hbm>>
    tpu.wait_dma2 semaphore(%dma_wait3A_257 : memref<!tpu.dma_semaphore, #tpu.memory_space<semaphore_mem>>) src(%dma_wait3A_264 : memref<128x32xf32, #tpu.memory_space<hbm>>) dst(%dma_wait3A_261 : memref<128x32xf32, #tpu.memory_space<vmem>>)
    %barrier3A_265 = arith.constant 0 : index
    tpu.barrier barrier_id(%barrier3A_265)
    "tpu.region"() ({
      %run_scoped3A = tpu.sem_alloc : memref<!tpu.dma_semaphore, #tpu.memory_space<semaphore_mem>>
      %dma_start3A_266 = arith.constant 0 : i32
      %dma_start3A_267 = tpu.memref_slice %arg4[%arg0, %mul3A_8, %dma_start3A_266] : memref<2x10240x32xf32, #tpu.memory_space<hbm>> -> memref<1x640x32xf32, #tpu.memory_space<hbm>>
      %dma_start3A_268 = tpu.memref_squeeze %dma_start3A_267 : memref<1x640x32xf32, #tpu.memory_space<hbm>> -> memref<640x32xf32, #tpu.memory_space<hbm>>
      %dma_start3A_269 = arith.constant 0 : i32
      %dma_start3A_270 = tpu.memref_slice %arg8[%mul3A_8, %dma_start3A_269] : memref<10240x32xf32, #tpu.memory_space<vmem_shared>> -> memref<640x32xf32, #tpu.memory_space<vmem_shared>>
      tpu.enqueue_dma source(%dma_start3A_270 : memref<640x32xf32, #tpu.memory_space<vmem_shared>>) target(%dma_start3A_268 : memref<640x32xf32, #tpu.memory_space<hbm>>) target_semaphore(%run_scoped3A : memref<!tpu.dma_semaphore, #tpu.memory_space<semaphore_mem>>)
      %dma_wait3A_271 = arith.constant 0 : i32
      %dma_wait3A_272 = tpu.memref_slice %arg4[%arg0, %mul3A_8, %dma_wait3A_271] : memref<2x10240x32xf32, #tpu.memory_space<hbm>> -> memref<1x640x32xf32, #tpu.memory_space<hbm>>
      %dma_wait3A_273 = tpu.memref_squeeze %dma_wait3A_272 : memref<1x640x32xf32, #tpu.memory_space<hbm>> -> memref<640x32xf32, #tpu.memory_space<hbm>>
      %dma_wait3A_274 = arith.constant 0 : i32
      %dma_wait3A_275 = tpu.memref_slice %arg8[%mul3A_8, %dma_wait3A_274] : memref<10240x32xf32, #tpu.memory_space<vmem_shared>> -> memref<640x32xf32, #tpu.memory_space<vmem_shared>>
      tpu.wait_dma2 semaphore(%run_scoped3A : memref<!tpu.dma_semaphore, #tpu.memory_space<semaphore_mem>>) src(%dma_wait3A_275 : memref<640x32xf32, #tpu.memory_space<vmem_shared>>) dst(%dma_wait3A_273 : memref<640x32xf32, #tpu.memory_space<hbm>>)
      tpu.yield
    }) : () -> ()
    return
  }
}

#map = affine_map<(d0, d1) -> (0, 0, 0)>
#map1 = affine_map<(d0, d1) -> (0, 0)>
module attributes {stable_mosaic.version = 14 : i64} {
  func.func @_prop_call(%arg0: i32, %arg1: i32, %arg2: memref<2x2500x128xi32, #tpu.memory_space<hbm>>, %arg3: memref<10240x32xf32, #tpu.memory_space<hbm>>, %arg4: memref<2x10240x32xf32, #tpu.memory_space<hbm>>, %arg5: memref<79x128xi32, #tpu.memory_space<vmem>>, %arg6: memref<79x128xi32, #tpu.memory_space<vmem>>, %arg7: memref<8x128x32xf32, #tpu.memory_space<vmem>>, %arg8: memref<10240x32xf32, #tpu.memory_space<vmem_shared>>, %arg9: memref<10240x32xf32, #tpu.memory_space<vmem_shared>>, %arg10: memref<8x!tpu.dma_semaphore, #tpu.memory_space<semaphore_mem>>, %arg11: memref<8x!tpu.dma_semaphore, #tpu.memory_space<semaphore_mem>>) attributes {dimension_semantics = [#tpu.dimension_semantics<core_parallel>, #tpu.dimension_semantics<subcore_parallel>], iteration_bounds = array<i64: 2, 16>, scalar_prefetch = 0 : i64, scratch_operands = 7 : i64, tpu.core_type = #tpu.core_type<sc_vector_subcore>, window_params = [{transform_indices = #map}, {transform_indices = #map1}, {transform_indices = #map}]} {
    %mul3A = arith.constant 2 : i32
    %mul3A_0 = arith.muli %arg1, %mul3A : i32
    %add3A = arith.addi %mul3A_0, %arg0 : i32
    %lt3A = arith.constant 4 : i32
    %lt3A_1 = arith.cmpi slt, %add3A, %lt3A : i32
    %jit3A = arith.constant 79 : i32
    %jit3A_2 = arith.constant 78 : i32
    %select_n3A = arith.select %lt3A_1, %jit3A, %jit3A_2 : i32
    %mul3A_3 = arith.constant 78 : i32
    %mul3A_4 = arith.muli %mul3A_3, %add3A : i32
    %min3A = arith.constant 4 : i32
    %min3A_5 = arith.minsi %add3A, %min3A : i32
    %add3A_6 = arith.addi %mul3A_4, %min3A_5 : i32
    %mul3A_7 = arith.constant 640 : i32
    %mul3A_8 = arith.muli %arg1, %mul3A_7 : i32
    %dma_start3A = arith.constant 0 : i32
    %dma_start3A_9 = tpu.memref_slice %arg10[%dma_start3A] : memref<8x!tpu.dma_semaphore, #tpu.memory_space<semaphore_mem>> -> memref<1x!tpu.dma_semaphore, #tpu.memory_space<semaphore_mem>>
    %dma_start3A_10 = tpu.memref_squeeze %dma_start3A_9 : memref<1x!tpu.dma_semaphore, #tpu.memory_space<semaphore_mem>> -> memref<!tpu.dma_semaphore, #tpu.memory_space<semaphore_mem>>
    %dma_start3A_11 = arith.constant 0 : i32
    %dma_start3A_12 = tpu.memref_slice %arg9[%mul3A_8, %dma_start3A_11] : memref<10240x32xf32, #tpu.memory_space<vmem_shared>> -> memref<640x32xf32, #tpu.memory_space<vmem_shared>>
    %dma_start3A_13 = arith.constant 0 : i32
    %dma_start3A_14 = tpu.memref_slice %arg3[%mul3A_8, %dma_start3A_13] : memref<10240x32xf32, #tpu.memory_space<hbm>> -> memref<640x32xf32, #tpu.memory_space<hbm>>
    tpu.enqueue_dma source(%dma_start3A_14 : memref<640x32xf32, #tpu.memory_space<hbm>>) target(%dma_start3A_12 : memref<640x32xf32, #tpu.memory_space<vmem_shared>>) target_semaphore(%dma_start3A_10 : memref<!tpu.dma_semaphore, #tpu.memory_space<semaphore_mem>>)
    %dma_start3A_15 = arith.constant 1 : i32
    %dma_start3A_16 = tpu.memref_slice %arg10[%dma_start3A_15] : memref<8x!tpu.dma_semaphore, #tpu.memory_space<semaphore_mem>> -> memref<1x!tpu.dma_semaphore, #tpu.memory_space<semaphore_mem>>
    %dma_start3A_17 = tpu.memref_squeeze %dma_start3A_16 : memref<1x!tpu.dma_semaphore, #tpu.memory_space<semaphore_mem>> -> memref<!tpu.dma_semaphore, #tpu.memory_space<semaphore_mem>>
    %dma_start3A_18 = arith.constant 0 : i32
    %dma_start3A_19 = tpu.memref_slice %arg8[%mul3A_8, %dma_start3A_18] : memref<10240x32xf32, #tpu.memory_space<vmem_shared>> -> memref<640x32xf32, #tpu.memory_space<vmem_shared>>
    %dma_start3A_20 = arith.constant 0 : i32
    %dma_start3A_21 = tpu.memref_slice %arg3[%mul3A_8, %dma_start3A_20] : memref<10240x32xf32, #tpu.memory_space<hbm>> -> memref<640x32xf32, #tpu.memory_space<hbm>>
    tpu.enqueue_dma source(%dma_start3A_21 : memref<640x32xf32, #tpu.memory_space<hbm>>) target(%dma_start3A_19 : memref<640x32xf32, #tpu.memory_space<vmem_shared>>) target_semaphore(%dma_start3A_17 : memref<!tpu.dma_semaphore, #tpu.memory_space<semaphore_mem>>)
    %dma_start3A_22 = arith.constant 0 : i32
    %dma_start3A_23 = arith.constant 2 : i32
    %dma_start3A_24 = arith.constant 0 : i32
    %dma_start3A_25 = arith.constant 0 : i32
    %dma_start3A_26 = tpu.memref_slice %arg5[%dma_start3A_24, %dma_start3A_25] : memref<79x128xi32, #tpu.memory_space<vmem>> -> memref<78x128xi32, #tpu.memory_space<vmem>>
    %dma_start3A_27 = arith.constant 0 : i32
    %dma_start3A_28 = tpu.memref_slice %arg2[%dma_start3A_22, %add3A_6, %dma_start3A_27] : memref<2x2500x128xi32, #tpu.memory_space<hbm>> -> memref<1x78x128xi32, #tpu.memory_space<hbm>>
    %dma_start3A_29 = tpu.memref_squeeze %dma_start3A_28 : memref<1x78x128xi32, #tpu.memory_space<hbm>> -> memref<78x128xi32, #tpu.memory_space<hbm>>
    %dma_start3A_30 = tpu.memref_slice %arg10[%dma_start3A_23] : memref<8x!tpu.dma_semaphore, #tpu.memory_space<semaphore_mem>> -> memref<1x!tpu.dma_semaphore, #tpu.memory_space<semaphore_mem>>
    %dma_start3A_31 = tpu.memref_squeeze %dma_start3A_30 : memref<1x!tpu.dma_semaphore, #tpu.memory_space<semaphore_mem>> -> memref<!tpu.dma_semaphore, #tpu.memory_space<semaphore_mem>>
    %dma_start3A_32 = arith.constant 0 : i32
    %dma_start3A_33 = arith.constant 0 : i32
    %dma_start3A_34 = tpu.memref_slice %arg5[%dma_start3A_32, %dma_start3A_33] : memref<79x128xi32, #tpu.memory_space<vmem>> -> memref<78x128xi32, #tpu.memory_space<vmem>>
    %dma_start3A_35 = arith.constant 0 : i32
    %dma_start3A_36 = tpu.memref_slice %arg2[%dma_start3A_22, %add3A_6, %dma_start3A_35] : memref<2x2500x128xi32, #tpu.memory_space<hbm>> -> memref<1x78x128xi32, #tpu.memory_space<hbm>>
    %dma_start3A_37 = tpu.memref_squeeze %dma_start3A_36 : memref<1x78x128xi32, #tpu.memory_space<hbm>> -> memref<78x128xi32, #tpu.memory_space<hbm>>
    tpu.enqueue_dma source(%dma_start3A_37 : memref<78x128xi32, #tpu.memory_space<hbm>>) target(%dma_start3A_34 : memref<78x128xi32, #tpu.memory_space<vmem>>) target_semaphore(%dma_start3A_31 : memref<!tpu.dma_semaphore, #tpu.memory_space<semaphore_mem>>)
    %dma_start3A_38 = arith.constant 1 : i32
    %dma_start3A_39 = arith.constant 3 : i32
    %dma_start3A_40 = arith.constant 0 : i32
    %dma_start3A_41 = arith.constant 0 : i32
    %dma_start3A_42 = tpu.memref_slice %arg6[%dma_start3A_40, %dma_start3A_41] : memref<79x128xi32, #tpu.memory_space<vmem>> -> memref<78x128xi32, #tpu.memory_space<vmem>>
    %dma_start3A_43 = arith.constant 0 : i32
    %dma_start3A_44 = tpu.memref_slice %arg2[%dma_start3A_38, %add3A_6, %dma_start3A_43] : memref<2x2500x128xi32, #tpu.memory_space<hbm>> -> memref<1x78x128xi32, #tpu.memory_space<hbm>>
    %dma_start3A_45 = tpu.memref_squeeze %dma_start3A_44 : memref<1x78x128xi32, #tpu.memory_space<hbm>> -> memref<78x128xi32, #tpu.memory_space<hbm>>
    %dma_start3A_46 = tpu.memref_slice %arg10[%dma_start3A_39] : memref<8x!tpu.dma_semaphore, #tpu.memory_space<semaphore_mem>> -> memref<1x!tpu.dma_semaphore, #tpu.memory_space<semaphore_mem>>
    %dma_start3A_47 = tpu.memref_squeeze %dma_start3A_46 : memref<1x!tpu.dma_semaphore, #tpu.memory_space<semaphore_mem>> -> memref<!tpu.dma_semaphore, #tpu.memory_space<semaphore_mem>>
    %dma_start3A_48 = arith.constant 0 : i32
    %dma_start3A_49 = arith.constant 0 : i32
    %dma_start3A_50 = tpu.memref_slice %arg6[%dma_start3A_48, %dma_start3A_49] : memref<79x128xi32, #tpu.memory_space<vmem>> -> memref<78x128xi32, #tpu.memory_space<vmem>>
    %dma_start3A_51 = arith.constant 0 : i32
    %dma_start3A_52 = tpu.memref_slice %arg2[%dma_start3A_38, %add3A_6, %dma_start3A_51] : memref<2x2500x128xi32, #tpu.memory_space<hbm>> -> memref<1x78x128xi32, #tpu.memory_space<hbm>>
    %dma_start3A_53 = tpu.memref_squeeze %dma_start3A_52 : memref<1x78x128xi32, #tpu.memory_space<hbm>> -> memref<78x128xi32, #tpu.memory_space<hbm>>
    tpu.enqueue_dma source(%dma_start3A_53 : memref<78x128xi32, #tpu.memory_space<hbm>>) target(%dma_start3A_50 : memref<78x128xi32, #tpu.memory_space<vmem>>) target_semaphore(%dma_start3A_47 : memref<!tpu.dma_semaphore, #tpu.memory_space<semaphore_mem>>)
    %lt3A_54 = arith.constant 4 : i32
    %lt3A_55 = arith.cmpi slt, %add3A, %lt3A_54 : i32
    %convert_element_type3A = arith.extui %lt3A_55 : i1 to i32
    %cond3A = arith.constant 0 : i32
    %cond3A_56 = arith.cmpi ne, %convert_element_type3A, %cond3A : i32
    scf.if %cond3A_56 {
      %add3A_266 = arith.constant 78 : i32
      %add3A_267 = arith.addi %add3A_6, %add3A_266 : i32
      %run_scoped3A = arith.constant 0 : i32
      "tpu.region"() ({
        %run_scoped3A_271 = tpu.sem_alloc : memref<!tpu.dma_semaphore, #tpu.memory_space<semaphore_mem>>
        %dma_start3A_272 = arith.constant 78 : i32
        %dma_start3A_273 = arith.constant 0 : i32
        %dma_start3A_274 = tpu.memref_slice %arg5[%dma_start3A_272, %dma_start3A_273] : memref<79x128xi32, #tpu.memory_space<vmem>> -> memref<1x128xi32, #tpu.memory_space<vmem>>
        %dma_start3A_275 = arith.constant 0 : i32
        %dma_start3A_276 = tpu.memref_slice %arg2[%run_scoped3A, %add3A_267, %dma_start3A_275] : memref<2x2500x128xi32, #tpu.memory_space<hbm>> -> memref<1x1x128xi32, #tpu.memory_space<hbm>>
        %dma_start3A_277 = tpu.memref_squeeze %dma_start3A_276 : memref<1x1x128xi32, #tpu.memory_space<hbm>> -> memref<1x128xi32, #tpu.memory_space<hbm>>
        %dma_start3A_278 = arith.constant 78 : i32
        %dma_start3A_279 = arith.constant 0 : i32
        %dma_start3A_280 = tpu.memref_slice %arg5[%dma_start3A_278, %dma_start3A_279] : memref<79x128xi32, #tpu.memory_space<vmem>> -> memref<1x128xi32, #tpu.memory_space<vmem>>
        %dma_start3A_281 = arith.constant 0 : i32
        %dma_start3A_282 = tpu.memref_slice %arg2[%run_scoped3A, %add3A_267, %dma_start3A_281] : memref<2x2500x128xi32, #tpu.memory_space<hbm>> -> memref<1x1x128xi32, #tpu.memory_space<hbm>>
        %dma_start3A_283 = tpu.memref_squeeze %dma_start3A_282 : memref<1x1x128xi32, #tpu.memory_space<hbm>> -> memref<1x128xi32, #tpu.memory_space<hbm>>
        tpu.enqueue_dma source(%dma_start3A_283 : memref<1x128xi32, #tpu.memory_space<hbm>>) target(%dma_start3A_280 : memref<1x128xi32, #tpu.memory_space<vmem>>) target_semaphore(%run_scoped3A_271 : memref<!tpu.dma_semaphore, #tpu.memory_space<semaphore_mem>>)
        %dma_wait3A_284 = arith.constant 78 : i32
        %dma_wait3A_285 = arith.constant 0 : i32
        %dma_wait3A_286 = tpu.memref_slice %arg5[%dma_wait3A_284, %dma_wait3A_285] : memref<79x128xi32, #tpu.memory_space<vmem>> -> memref<1x128xi32, #tpu.memory_space<vmem>>
        %dma_wait3A_287 = arith.constant 0 : i32
        %dma_wait3A_288 = tpu.memref_slice %arg2[%run_scoped3A, %add3A_267, %dma_wait3A_287] : memref<2x2500x128xi32, #tpu.memory_space<hbm>> -> memref<1x1x128xi32, #tpu.memory_space<hbm>>
        %dma_wait3A_289 = tpu.memref_squeeze %dma_wait3A_288 : memref<1x1x128xi32, #tpu.memory_space<hbm>> -> memref<1x128xi32, #tpu.memory_space<hbm>>
        %dma_wait3A_290 = arith.constant 78 : i32
        %dma_wait3A_291 = arith.constant 0 : i32
        %dma_wait3A_292 = tpu.memref_slice %arg5[%dma_wait3A_290, %dma_wait3A_291] : memref<79x128xi32, #tpu.memory_space<vmem>> -> memref<1x128xi32, #tpu.memory_space<vmem>>
        %dma_wait3A_293 = arith.constant 0 : i32
        %dma_wait3A_294 = tpu.memref_slice %arg2[%run_scoped3A, %add3A_267, %dma_wait3A_293] : memref<2x2500x128xi32, #tpu.memory_space<hbm>> -> memref<1x1x128xi32, #tpu.memory_space<hbm>>
        %dma_wait3A_295 = tpu.memref_squeeze %dma_wait3A_294 : memref<1x1x128xi32, #tpu.memory_space<hbm>> -> memref<1x128xi32, #tpu.memory_space<hbm>>
        tpu.wait_dma2 semaphore(%run_scoped3A_271 : memref<!tpu.dma_semaphore, #tpu.memory_space<semaphore_mem>>) src(%dma_wait3A_295 : memref<1x128xi32, #tpu.memory_space<hbm>>) dst(%dma_wait3A_292 : memref<1x128xi32, #tpu.memory_space<vmem>>)
        tpu.yield
      }) : () -> ()
      %add3A_268 = arith.constant 78 : i32
      %add3A_269 = arith.addi %add3A_6, %add3A_268 : i32
      %run_scoped3A_270 = arith.constant 1 : i32
      "tpu.region"() ({
        %run_scoped3A_271 = tpu.sem_alloc : memref<!tpu.dma_semaphore, #tpu.memory_space<semaphore_mem>>
        %dma_start3A_272 = arith.constant 78 : i32
        %dma_start3A_273 = arith.constant 0 : i32
        %dma_start3A_274 = tpu.memref_slice %arg6[%dma_start3A_272, %dma_start3A_273] : memref<79x128xi32, #tpu.memory_space<vmem>> -> memref<1x128xi32, #tpu.memory_space<vmem>>
        %dma_start3A_275 = arith.constant 0 : i32
        %dma_start3A_276 = tpu.memref_slice %arg2[%run_scoped3A_270, %add3A_269, %dma_start3A_275] : memref<2x2500x128xi32, #tpu.memory_space<hbm>> -> memref<1x1x128xi32, #tpu.memory_space<hbm>>
        %dma_start3A_277 = tpu.memref_squeeze %dma_start3A_276 : memref<1x1x128xi32, #tpu.memory_space<hbm>> -> memref<1x128xi32, #tpu.memory_space<hbm>>
        %dma_start3A_278 = arith.constant 78 : i32
        %dma_start3A_279 = arith.constant 0 : i32
        %dma_start3A_280 = tpu.memref_slice %arg6[%dma_start3A_278, %dma_start3A_279] : memref<79x128xi32, #tpu.memory_space<vmem>> -> memref<1x128xi32, #tpu.memory_space<vmem>>
        %dma_start3A_281 = arith.constant 0 : i32
        %dma_start3A_282 = tpu.memref_slice %arg2[%run_scoped3A_270, %add3A_269, %dma_start3A_281] : memref<2x2500x128xi32, #tpu.memory_space<hbm>> -> memref<1x1x128xi32, #tpu.memory_space<hbm>>
        %dma_start3A_283 = tpu.memref_squeeze %dma_start3A_282 : memref<1x1x128xi32, #tpu.memory_space<hbm>> -> memref<1x128xi32, #tpu.memory_space<hbm>>
        tpu.enqueue_dma source(%dma_start3A_283 : memref<1x128xi32, #tpu.memory_space<hbm>>) target(%dma_start3A_280 : memref<1x128xi32, #tpu.memory_space<vmem>>) target_semaphore(%run_scoped3A_271 : memref<!tpu.dma_semaphore, #tpu.memory_space<semaphore_mem>>)
        %dma_wait3A_284 = arith.constant 78 : i32
        %dma_wait3A_285 = arith.constant 0 : i32
        %dma_wait3A_286 = tpu.memref_slice %arg6[%dma_wait3A_284, %dma_wait3A_285] : memref<79x128xi32, #tpu.memory_space<vmem>> -> memref<1x128xi32, #tpu.memory_space<vmem>>
        %dma_wait3A_287 = arith.constant 0 : i32
        %dma_wait3A_288 = tpu.memref_slice %arg2[%run_scoped3A_270, %add3A_269, %dma_wait3A_287] : memref<2x2500x128xi32, #tpu.memory_space<hbm>> -> memref<1x1x128xi32, #tpu.memory_space<hbm>>
        %dma_wait3A_289 = tpu.memref_squeeze %dma_wait3A_288 : memref<1x1x128xi32, #tpu.memory_space<hbm>> -> memref<1x128xi32, #tpu.memory_space<hbm>>
        %dma_wait3A_290 = arith.constant 78 : i32
        %dma_wait3A_291 = arith.constant 0 : i32
        %dma_wait3A_292 = tpu.memref_slice %arg6[%dma_wait3A_290, %dma_wait3A_291] : memref<79x128xi32, #tpu.memory_space<vmem>> -> memref<1x128xi32, #tpu.memory_space<vmem>>
        %dma_wait3A_293 = arith.constant 0 : i32
        %dma_wait3A_294 = tpu.memref_slice %arg2[%run_scoped3A_270, %add3A_269, %dma_wait3A_293] : memref<2x2500x128xi32, #tpu.memory_space<hbm>> -> memref<1x1x128xi32, #tpu.memory_space<hbm>>
        %dma_wait3A_295 = tpu.memref_squeeze %dma_wait3A_294 : memref<1x1x128xi32, #tpu.memory_space<hbm>> -> memref<1x128xi32, #tpu.memory_space<hbm>>
        tpu.wait_dma2 semaphore(%run_scoped3A_271 : memref<!tpu.dma_semaphore, #tpu.memory_space<semaphore_mem>>) src(%dma_wait3A_295 : memref<1x128xi32, #tpu.memory_space<hbm>>) dst(%dma_wait3A_292 : memref<1x128xi32, #tpu.memory_space<vmem>>)
        tpu.yield
      }) : () -> ()
    } else {
    }
    %dma_wait3A = arith.constant 0 : i32
    %dma_wait3A_57 = tpu.memref_slice %arg10[%dma_wait3A] : memref<8x!tpu.dma_semaphore, #tpu.memory_space<semaphore_mem>> -> memref<1x!tpu.dma_semaphore, #tpu.memory_space<semaphore_mem>>
    %dma_wait3A_58 = tpu.memref_squeeze %dma_wait3A_57 : memref<1x!tpu.dma_semaphore, #tpu.memory_space<semaphore_mem>> -> memref<!tpu.dma_semaphore, #tpu.memory_space<semaphore_mem>>
    %dma_wait3A_59 = arith.constant 0 : i32
    %dma_wait3A_60 = tpu.memref_slice %arg9[%mul3A_8, %dma_wait3A_59] : memref<10240x32xf32, #tpu.memory_space<vmem_shared>> -> memref<640x32xf32, #tpu.memory_space<vmem_shared>>
    %dma_wait3A_61 = arith.constant 0 : i32
    %dma_wait3A_62 = tpu.memref_slice %arg3[%mul3A_8, %dma_wait3A_61] : memref<10240x32xf32, #tpu.memory_space<hbm>> -> memref<640x32xf32, #tpu.memory_space<hbm>>
    tpu.wait_dma2 semaphore(%dma_wait3A_58 : memref<!tpu.dma_semaphore, #tpu.memory_space<semaphore_mem>>) src(%dma_wait3A_62 : memref<640x32xf32, #tpu.memory_space<hbm>>) dst(%dma_wait3A_60 : memref<640x32xf32, #tpu.memory_space<vmem_shared>>)
    %dma_wait3A_63 = arith.constant 1 : i32
    %dma_wait3A_64 = tpu.memref_slice %arg10[%dma_wait3A_63] : memref<8x!tpu.dma_semaphore, #tpu.memory_space<semaphore_mem>> -> memref<1x!tpu.dma_semaphore, #tpu.memory_space<semaphore_mem>>
    %dma_wait3A_65 = tpu.memref_squeeze %dma_wait3A_64 : memref<1x!tpu.dma_semaphore, #tpu.memory_space<semaphore_mem>> -> memref<!tpu.dma_semaphore, #tpu.memory_space<semaphore_mem>>
    %dma_wait3A_66 = arith.constant 0 : i32
    %dma_wait3A_67 = tpu.memref_slice %arg8[%mul3A_8, %dma_wait3A_66] : memref<10240x32xf32, #tpu.memory_space<vmem_shared>> -> memref<640x32xf32, #tpu.memory_space<vmem_shared>>
    %dma_wait3A_68 = arith.constant 0 : i32
    %dma_wait3A_69 = tpu.memref_slice %arg3[%mul3A_8, %dma_wait3A_68] : memref<10240x32xf32, #tpu.memory_space<hbm>> -> memref<640x32xf32, #tpu.memory_space<hbm>>
    tpu.wait_dma2 semaphore(%dma_wait3A_65 : memref<!tpu.dma_semaphore, #tpu.memory_space<semaphore_mem>>) src(%dma_wait3A_69 : memref<640x32xf32, #tpu.memory_space<hbm>>) dst(%dma_wait3A_67 : memref<640x32xf32, #tpu.memory_space<vmem_shared>>)
    %dma_wait3A_70 = arith.constant 0 : i32
    %dma_wait3A_71 = arith.constant 2 : i32
    %dma_wait3A_72 = arith.constant 0 : i32
    %dma_wait3A_73 = arith.constant 0 : i32
    %dma_wait3A_74 = tpu.memref_slice %arg5[%dma_wait3A_72, %dma_wait3A_73] : memref<79x128xi32, #tpu.memory_space<vmem>> -> memref<78x128xi32, #tpu.memory_space<vmem>>
    %dma_wait3A_75 = arith.constant 0 : i32
    %dma_wait3A_76 = tpu.memref_slice %arg2[%dma_wait3A_70, %add3A_6, %dma_wait3A_75] : memref<2x2500x128xi32, #tpu.memory_space<hbm>> -> memref<1x78x128xi32, #tpu.memory_space<hbm>>
    %dma_wait3A_77 = tpu.memref_squeeze %dma_wait3A_76 : memref<1x78x128xi32, #tpu.memory_space<hbm>> -> memref<78x128xi32, #tpu.memory_space<hbm>>
    %dma_wait3A_78 = tpu.memref_slice %arg10[%dma_wait3A_71] : memref<8x!tpu.dma_semaphore, #tpu.memory_space<semaphore_mem>> -> memref<1x!tpu.dma_semaphore, #tpu.memory_space<semaphore_mem>>
    %dma_wait3A_79 = tpu.memref_squeeze %dma_wait3A_78 : memref<1x!tpu.dma_semaphore, #tpu.memory_space<semaphore_mem>> -> memref<!tpu.dma_semaphore, #tpu.memory_space<semaphore_mem>>
    %dma_wait3A_80 = arith.constant 0 : i32
    %dma_wait3A_81 = arith.constant 0 : i32
    %dma_wait3A_82 = tpu.memref_slice %arg5[%dma_wait3A_80, %dma_wait3A_81] : memref<79x128xi32, #tpu.memory_space<vmem>> -> memref<78x128xi32, #tpu.memory_space<vmem>>
    %dma_wait3A_83 = arith.constant 0 : i32
    %dma_wait3A_84 = tpu.memref_slice %arg2[%dma_wait3A_70, %add3A_6, %dma_wait3A_83] : memref<2x2500x128xi32, #tpu.memory_space<hbm>> -> memref<1x78x128xi32, #tpu.memory_space<hbm>>
    %dma_wait3A_85 = tpu.memref_squeeze %dma_wait3A_84 : memref<1x78x128xi32, #tpu.memory_space<hbm>> -> memref<78x128xi32, #tpu.memory_space<hbm>>
    tpu.wait_dma2 semaphore(%dma_wait3A_79 : memref<!tpu.dma_semaphore, #tpu.memory_space<semaphore_mem>>) src(%dma_wait3A_85 : memref<78x128xi32, #tpu.memory_space<hbm>>) dst(%dma_wait3A_82 : memref<78x128xi32, #tpu.memory_space<vmem>>)
    %dma_wait3A_86 = arith.constant 1 : i32
    %dma_wait3A_87 = arith.constant 3 : i32
    %dma_wait3A_88 = arith.constant 0 : i32
    %dma_wait3A_89 = arith.constant 0 : i32
    %dma_wait3A_90 = tpu.memref_slice %arg6[%dma_wait3A_88, %dma_wait3A_89] : memref<79x128xi32, #tpu.memory_space<vmem>> -> memref<78x128xi32, #tpu.memory_space<vmem>>
    %dma_wait3A_91 = arith.constant 0 : i32
    %dma_wait3A_92 = tpu.memref_slice %arg2[%dma_wait3A_86, %add3A_6, %dma_wait3A_91] : memref<2x2500x128xi32, #tpu.memory_space<hbm>> -> memref<1x78x128xi32, #tpu.memory_space<hbm>>
    %dma_wait3A_93 = tpu.memref_squeeze %dma_wait3A_92 : memref<1x78x128xi32, #tpu.memory_space<hbm>> -> memref<78x128xi32, #tpu.memory_space<hbm>>
    %dma_wait3A_94 = tpu.memref_slice %arg10[%dma_wait3A_87] : memref<8x!tpu.dma_semaphore, #tpu.memory_space<semaphore_mem>> -> memref<1x!tpu.dma_semaphore, #tpu.memory_space<semaphore_mem>>
    %dma_wait3A_95 = tpu.memref_squeeze %dma_wait3A_94 : memref<1x!tpu.dma_semaphore, #tpu.memory_space<semaphore_mem>> -> memref<!tpu.dma_semaphore, #tpu.memory_space<semaphore_mem>>
    %dma_wait3A_96 = arith.constant 0 : i32
    %dma_wait3A_97 = arith.constant 0 : i32
    %dma_wait3A_98 = tpu.memref_slice %arg6[%dma_wait3A_96, %dma_wait3A_97] : memref<79x128xi32, #tpu.memory_space<vmem>> -> memref<78x128xi32, #tpu.memory_space<vmem>>
    %dma_wait3A_99 = arith.constant 0 : i32
    %dma_wait3A_100 = tpu.memref_slice %arg2[%dma_wait3A_86, %add3A_6, %dma_wait3A_99] : memref<2x2500x128xi32, #tpu.memory_space<hbm>> -> memref<1x78x128xi32, #tpu.memory_space<hbm>>
    %dma_wait3A_101 = tpu.memref_squeeze %dma_wait3A_100 : memref<1x78x128xi32, #tpu.memory_space<hbm>> -> memref<78x128xi32, #tpu.memory_space<hbm>>
    tpu.wait_dma2 semaphore(%dma_wait3A_95 : memref<!tpu.dma_semaphore, #tpu.memory_space<semaphore_mem>>) src(%dma_wait3A_101 : memref<78x128xi32, #tpu.memory_space<hbm>>) dst(%dma_wait3A_98 : memref<78x128xi32, #tpu.memory_space<vmem>>)
    %barrier3A = arith.constant 0 : index
    tpu.barrier barrier_id(%barrier3A)
    %while3A = arith.constant 0 : i32
    %while3A_102 = arith.constant 0 : i32
    %while3A_103 = arith.subi %select_n3A, %while3A_102 : i32
    %while3A_104 = arith.addi %while3A_102, %while3A_103 : i32
    %while3A_105 = arith.constant 1 : i32
    %while3A_106 = arith.divsi %while3A_103, %while3A_105 : i32
    %while3A_107 = arith.muli %while3A_106, %while3A_105 : i32
    %while3A_108 = arith.addi %while3A_102, %while3A_107 : i32
    %while3A_109 = arith.constant 1 : i32
    scf.for %while3A_266 = %while3A_102 to %while3A_108 step %while3A_109  : i32 {
      %ge3A = arith.constant 8 : i32
      %ge3A_267 = arith.cmpi sge, %while3A_266, %ge3A : i32
      %convert_element_type3A_268 = arith.extui %ge3A_267 : i1 to i32
      %cond3A_269 = arith.constant 0 : i32
      %cond3A_270 = arith.cmpi ne, %convert_element_type3A_268, %cond3A_269 : i32
      scf.if %cond3A_270 {
        %rem3A_289 = arith.constant 8 : i32
        %rem3A_290 = arith.remsi %while3A_266, %rem3A_289 : i32
        %dma_wait3A_291 = arith.constant 0 : i32
        %dma_wait3A_292 = arith.constant 0 : i32
        %dma_wait3A_293 = tpu.memref_slice %arg7[%rem3A_290, %dma_wait3A_291, %dma_wait3A_292] : memref<8x128x32xf32, #tpu.memory_space<vmem>> -> memref<1x128x32xf32, #tpu.memory_space<vmem>>
        %dma_wait3A_294 = tpu.memref_squeeze %dma_wait3A_293 : memref<1x128x32xf32, #tpu.memory_space<vmem>> -> memref<128x32xf32, #tpu.memory_space<vmem>>
        %dma_wait3A_295 = arith.constant 0 : i32
        %dma_wait3A_296 = arith.constant 0 : i32
        %dma_wait3A_297 = tpu.memref_slice %arg3[%dma_wait3A_295, %dma_wait3A_296] : memref<10240x32xf32, #tpu.memory_space<hbm>> -> memref<128x32xf32, #tpu.memory_space<hbm>>
        %dma_wait3A_298 = tpu.memref_slice %arg11[%rem3A_290] : memref<8x!tpu.dma_semaphore, #tpu.memory_space<semaphore_mem>> -> memref<1x!tpu.dma_semaphore, #tpu.memory_space<semaphore_mem>>
        %dma_wait3A_299 = tpu.memref_squeeze %dma_wait3A_298 : memref<1x!tpu.dma_semaphore, #tpu.memory_space<semaphore_mem>> -> memref<!tpu.dma_semaphore, #tpu.memory_space<semaphore_mem>>
        %dma_wait3A_300 = arith.constant 0 : i32
        %dma_wait3A_301 = arith.constant 0 : i32
        %dma_wait3A_302 = tpu.memref_slice %arg7[%rem3A_290, %dma_wait3A_300, %dma_wait3A_301] : memref<8x128x32xf32, #tpu.memory_space<vmem>> -> memref<1x128x32xf32, #tpu.memory_space<vmem>>
        %dma_wait3A_303 = tpu.memref_squeeze %dma_wait3A_302 : memref<1x128x32xf32, #tpu.memory_space<vmem>> -> memref<128x32xf32, #tpu.memory_space<vmem>>
        %dma_wait3A_304 = arith.constant 0 : i32
        %dma_wait3A_305 = arith.constant 0 : i32
        %dma_wait3A_306 = tpu.memref_slice %arg3[%dma_wait3A_304, %dma_wait3A_305] : memref<10240x32xf32, #tpu.memory_space<hbm>> -> memref<128x32xf32, #tpu.memory_space<hbm>>
        tpu.wait_dma2 semaphore(%dma_wait3A_299 : memref<!tpu.dma_semaphore, #tpu.memory_space<semaphore_mem>>) src(%dma_wait3A_306 : memref<128x32xf32, #tpu.memory_space<hbm>>) dst(%dma_wait3A_303 : memref<128x32xf32, #tpu.memory_space<vmem>>)
      } else {
      }
      %rem3A = arith.constant 8 : i32
      %rem3A_271 = arith.remsi %while3A_266, %rem3A : i32
      %dma_start3A_272 = arith.constant 0 : i32
      %dma_start3A_273 = arith.constant 0 : i32
      %dma_start3A_274 = tpu.memref_slice %arg7[%rem3A_271, %dma_start3A_272, %dma_start3A_273] : memref<8x128x32xf32, #tpu.memory_space<vmem>> -> memref<1x128x32xf32, #tpu.memory_space<vmem>>
      %dma_start3A_275 = tpu.memref_squeeze %dma_start3A_274 : memref<1x128x32xf32, #tpu.memory_space<vmem>> -> memref<128x32xf32, #tpu.memory_space<vmem>>
      %dma_start3A_276 = arith.constant 0 : i32
      %dma_start3A_277 = tpu.memref_slice %arg5[%while3A_266, %dma_start3A_276] : memref<79x128xi32, #tpu.memory_space<vmem>> -> memref<1x128xi32, #tpu.memory_space<vmem>>
      %dma_start3A_278 = tpu.memref_squeeze %dma_start3A_277 : memref<1x128xi32, #tpu.memory_space<vmem>> -> memref<128xi32, #tpu.memory_space<vmem>>
      %dma_start3A_279 = arith.constant 0 : i32
      %dma_start3A_280 = arith.constant 0 : i32
      %dma_start3A_281 = tpu.memref_slice %arg9[%dma_start3A_279, %dma_start3A_280] : memref<10240x32xf32, #tpu.memory_space<vmem_shared>> -> memref<10240x32xf32, #tpu.memory_space<vmem_shared>>
      %dma_start3A_282 = tpu.memref_slice %arg10[%rem3A_271] : memref<8x!tpu.dma_semaphore, #tpu.memory_space<semaphore_mem>> -> memref<1x!tpu.dma_semaphore, #tpu.memory_space<semaphore_mem>>
      %dma_start3A_283 = tpu.memref_squeeze %dma_start3A_282 : memref<1x!tpu.dma_semaphore, #tpu.memory_space<semaphore_mem>> -> memref<!tpu.dma_semaphore, #tpu.memory_space<semaphore_mem>>
      tpu.enqueue_indirect_dma source(%dma_start3A_281 : memref<10240x32xf32, #tpu.memory_space<vmem_shared>>) target(%dma_start3A_275 : memref<128x32xf32, #tpu.memory_space<vmem>>) offsets(%dma_start3A_278 : memref<128xi32, #tpu.memory_space<vmem>>) semaphore(%dma_start3A_283 : memref<!tpu.dma_semaphore, #tpu.memory_space<semaphore_mem>>)
      %ge3A_284 = arith.constant 3 : i32
      %ge3A_285 = arith.cmpi sge, %while3A_266, %ge3A_284 : i32
      %convert_element_type3A_286 = arith.extui %ge3A_285 : i1 to i32
      %cond3A_287 = arith.constant 0 : i32
      %cond3A_288 = arith.cmpi ne, %convert_element_type3A_286, %cond3A_287 : i32
      scf.if %cond3A_288 {
        %sub3A_289 = arith.constant 3 : i32
        %sub3A_290 = arith.subi %while3A_266, %sub3A_289 : i32
        %rem3A_291 = arith.constant 8 : i32
        %rem3A_292 = arith.remsi %sub3A_290, %rem3A_291 : i32
        %dma_wait3A_293 = arith.constant 0 : i32
        %dma_wait3A_294 = arith.constant 0 : i32
        %dma_wait3A_295 = tpu.memref_slice %arg7[%rem3A_292, %dma_wait3A_293, %dma_wait3A_294] : memref<8x128x32xf32, #tpu.memory_space<vmem>> -> memref<1x128x32xf32, #tpu.memory_space<vmem>>
        %dma_wait3A_296 = tpu.memref_squeeze %dma_wait3A_295 : memref<1x128x32xf32, #tpu.memory_space<vmem>> -> memref<128x32xf32, #tpu.memory_space<vmem>>
        %dma_wait3A_297 = arith.constant 0 : i32
        %dma_wait3A_298 = arith.constant 0 : i32
        %dma_wait3A_299 = tpu.memref_slice %arg3[%dma_wait3A_297, %dma_wait3A_298] : memref<10240x32xf32, #tpu.memory_space<hbm>> -> memref<128x32xf32, #tpu.memory_space<hbm>>
        %dma_wait3A_300 = tpu.memref_slice %arg10[%rem3A_292] : memref<8x!tpu.dma_semaphore, #tpu.memory_space<semaphore_mem>> -> memref<1x!tpu.dma_semaphore, #tpu.memory_space<semaphore_mem>>
        %dma_wait3A_301 = tpu.memref_squeeze %dma_wait3A_300 : memref<1x!tpu.dma_semaphore, #tpu.memory_space<semaphore_mem>> -> memref<!tpu.dma_semaphore, #tpu.memory_space<semaphore_mem>>
        %dma_wait3A_302 = arith.constant 0 : i32
        %dma_wait3A_303 = arith.constant 0 : i32
        %dma_wait3A_304 = tpu.memref_slice %arg7[%rem3A_292, %dma_wait3A_302, %dma_wait3A_303] : memref<8x128x32xf32, #tpu.memory_space<vmem>> -> memref<1x128x32xf32, #tpu.memory_space<vmem>>
        %dma_wait3A_305 = tpu.memref_squeeze %dma_wait3A_304 : memref<1x128x32xf32, #tpu.memory_space<vmem>> -> memref<128x32xf32, #tpu.memory_space<vmem>>
        %dma_wait3A_306 = arith.constant 0 : i32
        %dma_wait3A_307 = arith.constant 0 : i32
        %dma_wait3A_308 = tpu.memref_slice %arg3[%dma_wait3A_306, %dma_wait3A_307] : memref<10240x32xf32, #tpu.memory_space<hbm>> -> memref<128x32xf32, #tpu.memory_space<hbm>>
        tpu.wait_dma2 semaphore(%dma_wait3A_301 : memref<!tpu.dma_semaphore, #tpu.memory_space<semaphore_mem>>) src(%dma_wait3A_308 : memref<128x32xf32, #tpu.memory_space<hbm>>) dst(%dma_wait3A_305 : memref<128x32xf32, #tpu.memory_space<vmem>>)
        %dma_start3A_309 = arith.constant 0 : i32
        %dma_start3A_310 = arith.constant 0 : i32
        %dma_start3A_311 = tpu.memref_slice %arg7[%rem3A_292, %dma_start3A_309, %dma_start3A_310] : memref<8x128x32xf32, #tpu.memory_space<vmem>> -> memref<1x128x32xf32, #tpu.memory_space<vmem>>
        %dma_start3A_312 = tpu.memref_squeeze %dma_start3A_311 : memref<1x128x32xf32, #tpu.memory_space<vmem>> -> memref<128x32xf32, #tpu.memory_space<vmem>>
        %dma_start3A_313 = arith.constant 0 : i32
        %dma_start3A_314 = tpu.memref_slice %arg6[%sub3A_290, %dma_start3A_313] : memref<79x128xi32, #tpu.memory_space<vmem>> -> memref<1x128xi32, #tpu.memory_space<vmem>>
        %dma_start3A_315 = tpu.memref_squeeze %dma_start3A_314 : memref<1x128xi32, #tpu.memory_space<vmem>> -> memref<128xi32, #tpu.memory_space<vmem>>
        %dma_start3A_316 = arith.constant 0 : i32
        %dma_start3A_317 = arith.constant 0 : i32
        %dma_start3A_318 = tpu.memref_slice %arg8[%dma_start3A_316, %dma_start3A_317] : memref<10240x32xf32, #tpu.memory_space<vmem_shared>> -> memref<10240x32xf32, #tpu.memory_space<vmem_shared>>
        %dma_start3A_319 = tpu.memref_slice %arg11[%rem3A_292] : memref<8x!tpu.dma_semaphore, #tpu.memory_space<semaphore_mem>> -> memref<1x!tpu.dma_semaphore, #tpu.memory_space<semaphore_mem>>
        %dma_start3A_320 = tpu.memref_squeeze %dma_start3A_319 : memref<1x!tpu.dma_semaphore, #tpu.memory_space<semaphore_mem>> -> memref<!tpu.dma_semaphore, #tpu.memory_space<semaphore_mem>>
        tpu.enqueue_indirect_dma source(%dma_start3A_312 : memref<128x32xf32, #tpu.memory_space<vmem>>) target(%dma_start3A_318 : memref<10240x32xf32, #tpu.memory_space<vmem_shared>>) offsets(%dma_start3A_315 : memref<128xi32, #tpu.memory_space<vmem>>) semaphore(%dma_start3A_320 : memref<!tpu.dma_semaphore, #tpu.memory_space<semaphore_mem>>) {add = true}
      } else {
      }
    }
    %while3A_110 = arith.constant 1 : i32
    scf.for %while3A_266 = %while3A_108 to %while3A_104 step %while3A_110  : i32 {
      %ge3A = arith.constant 8 : i32
      %ge3A_267 = arith.cmpi sge, %while3A_266, %ge3A : i32
      %convert_element_type3A_268 = arith.extui %ge3A_267 : i1 to i32
      %cond3A_269 = arith.constant 0 : i32
      %cond3A_270 = arith.cmpi ne, %convert_element_type3A_268, %cond3A_269 : i32
      scf.if %cond3A_270 {
        %rem3A_289 = arith.constant 8 : i32
        %rem3A_290 = arith.remsi %while3A_266, %rem3A_289 : i32
        %dma_wait3A_291 = arith.constant 0 : i32
        %dma_wait3A_292 = arith.constant 0 : i32
        %dma_wait3A_293 = tpu.memref_slice %arg7[%rem3A_290, %dma_wait3A_291, %dma_wait3A_292] : memref<8x128x32xf32, #tpu.memory_space<vmem>> -> memref<1x128x32xf32, #tpu.memory_space<vmem>>
        %dma_wait3A_294 = tpu.memref_squeeze %dma_wait3A_293 : memref<1x128x32xf32, #tpu.memory_space<vmem>> -> memref<128x32xf32, #tpu.memory_space<vmem>>
        %dma_wait3A_295 = arith.constant 0 : i32
        %dma_wait3A_296 = arith.constant 0 : i32
        %dma_wait3A_297 = tpu.memref_slice %arg3[%dma_wait3A_295, %dma_wait3A_296] : memref<10240x32xf32, #tpu.memory_space<hbm>> -> memref<128x32xf32, #tpu.memory_space<hbm>>
        %dma_wait3A_298 = tpu.memref_slice %arg11[%rem3A_290] : memref<8x!tpu.dma_semaphore, #tpu.memory_space<semaphore_mem>> -> memref<1x!tpu.dma_semaphore, #tpu.memory_space<semaphore_mem>>
        %dma_wait3A_299 = tpu.memref_squeeze %dma_wait3A_298 : memref<1x!tpu.dma_semaphore, #tpu.memory_space<semaphore_mem>> -> memref<!tpu.dma_semaphore, #tpu.memory_space<semaphore_mem>>
        %dma_wait3A_300 = arith.constant 0 : i32
        %dma_wait3A_301 = arith.constant 0 : i32
        %dma_wait3A_302 = tpu.memref_slice %arg7[%rem3A_290, %dma_wait3A_300, %dma_wait3A_301] : memref<8x128x32xf32, #tpu.memory_space<vmem>> -> memref<1x128x32xf32, #tpu.memory_space<vmem>>
        %dma_wait3A_303 = tpu.memref_squeeze %dma_wait3A_302 : memref<1x128x32xf32, #tpu.memory_space<vmem>> -> memref<128x32xf32, #tpu.memory_space<vmem>>
        %dma_wait3A_304 = arith.constant 0 : i32
        %dma_wait3A_305 = arith.constant 0 : i32
        %dma_wait3A_306 = tpu.memref_slice %arg3[%dma_wait3A_304, %dma_wait3A_305] : memref<10240x32xf32, #tpu.memory_space<hbm>> -> memref<128x32xf32, #tpu.memory_space<hbm>>
        tpu.wait_dma2 semaphore(%dma_wait3A_299 : memref<!tpu.dma_semaphore, #tpu.memory_space<semaphore_mem>>) src(%dma_wait3A_306 : memref<128x32xf32, #tpu.memory_space<hbm>>) dst(%dma_wait3A_303 : memref<128x32xf32, #tpu.memory_space<vmem>>)
      } else {
      }
      %rem3A = arith.constant 8 : i32
      %rem3A_271 = arith.remsi %while3A_266, %rem3A : i32
      %dma_start3A_272 = arith.constant 0 : i32
      %dma_start3A_273 = arith.constant 0 : i32
      %dma_start3A_274 = tpu.memref_slice %arg7[%rem3A_271, %dma_start3A_272, %dma_start3A_273] : memref<8x128x32xf32, #tpu.memory_space<vmem>> -> memref<1x128x32xf32, #tpu.memory_space<vmem>>
      %dma_start3A_275 = tpu.memref_squeeze %dma_start3A_274 : memref<1x128x32xf32, #tpu.memory_space<vmem>> -> memref<128x32xf32, #tpu.memory_space<vmem>>
      %dma_start3A_276 = arith.constant 0 : i32
      %dma_start3A_277 = tpu.memref_slice %arg5[%while3A_266, %dma_start3A_276] : memref<79x128xi32, #tpu.memory_space<vmem>> -> memref<1x128xi32, #tpu.memory_space<vmem>>
      %dma_start3A_278 = tpu.memref_squeeze %dma_start3A_277 : memref<1x128xi32, #tpu.memory_space<vmem>> -> memref<128xi32, #tpu.memory_space<vmem>>
      %dma_start3A_279 = arith.constant 0 : i32
      %dma_start3A_280 = arith.constant 0 : i32
      %dma_start3A_281 = tpu.memref_slice %arg9[%dma_start3A_279, %dma_start3A_280] : memref<10240x32xf32, #tpu.memory_space<vmem_shared>> -> memref<10240x32xf32, #tpu.memory_space<vmem_shared>>
      %dma_start3A_282 = tpu.memref_slice %arg10[%rem3A_271] : memref<8x!tpu.dma_semaphore, #tpu.memory_space<semaphore_mem>> -> memref<1x!tpu.dma_semaphore, #tpu.memory_space<semaphore_mem>>
      %dma_start3A_283 = tpu.memref_squeeze %dma_start3A_282 : memref<1x!tpu.dma_semaphore, #tpu.memory_space<semaphore_mem>> -> memref<!tpu.dma_semaphore, #tpu.memory_space<semaphore_mem>>
      tpu.enqueue_indirect_dma source(%dma_start3A_281 : memref<10240x32xf32, #tpu.memory_space<vmem_shared>>) target(%dma_start3A_275 : memref<128x32xf32, #tpu.memory_space<vmem>>) offsets(%dma_start3A_278 : memref<128xi32, #tpu.memory_space<vmem>>) semaphore(%dma_start3A_283 : memref<!tpu.dma_semaphore, #tpu.memory_space<semaphore_mem>>)
      %ge3A_284 = arith.constant 3 : i32
      %ge3A_285 = arith.cmpi sge, %while3A_266, %ge3A_284 : i32
      %convert_element_type3A_286 = arith.extui %ge3A_285 : i1 to i32
      %cond3A_287 = arith.constant 0 : i32
      %cond3A_288 = arith.cmpi ne, %convert_element_type3A_286, %cond3A_287 : i32
      scf.if %cond3A_288 {
        %sub3A_289 = arith.constant 3 : i32
        %sub3A_290 = arith.subi %while3A_266, %sub3A_289 : i32
        %rem3A_291 = arith.constant 8 : i32
        %rem3A_292 = arith.remsi %sub3A_290, %rem3A_291 : i32
        %dma_wait3A_293 = arith.constant 0 : i32
        %dma_wait3A_294 = arith.constant 0 : i32
        %dma_wait3A_295 = tpu.memref_slice %arg7[%rem3A_292, %dma_wait3A_293, %dma_wait3A_294] : memref<8x128x32xf32, #tpu.memory_space<vmem>> -> memref<1x128x32xf32, #tpu.memory_space<vmem>>
        %dma_wait3A_296 = tpu.memref_squeeze %dma_wait3A_295 : memref<1x128x32xf32, #tpu.memory_space<vmem>> -> memref<128x32xf32, #tpu.memory_space<vmem>>
        %dma_wait3A_297 = arith.constant 0 : i32
        %dma_wait3A_298 = arith.constant 0 : i32
        %dma_wait3A_299 = tpu.memref_slice %arg3[%dma_wait3A_297, %dma_wait3A_298] : memref<10240x32xf32, #tpu.memory_space<hbm>> -> memref<128x32xf32, #tpu.memory_space<hbm>>
        %dma_wait3A_300 = tpu.memref_slice %arg10[%rem3A_292] : memref<8x!tpu.dma_semaphore, #tpu.memory_space<semaphore_mem>> -> memref<1x!tpu.dma_semaphore, #tpu.memory_space<semaphore_mem>>
        %dma_wait3A_301 = tpu.memref_squeeze %dma_wait3A_300 : memref<1x!tpu.dma_semaphore, #tpu.memory_space<semaphore_mem>> -> memref<!tpu.dma_semaphore, #tpu.memory_space<semaphore_mem>>
        %dma_wait3A_302 = arith.constant 0 : i32
        %dma_wait3A_303 = arith.constant 0 : i32
        %dma_wait3A_304 = tpu.memref_slice %arg7[%rem3A_292, %dma_wait3A_302, %dma_wait3A_303] : memref<8x128x32xf32, #tpu.memory_space<vmem>> -> memref<1x128x32xf32, #tpu.memory_space<vmem>>
        %dma_wait3A_305 = tpu.memref_squeeze %dma_wait3A_304 : memref<1x128x32xf32, #tpu.memory_space<vmem>> -> memref<128x32xf32, #tpu.memory_space<vmem>>
        %dma_wait3A_306 = arith.constant 0 : i32
        %dma_wait3A_307 = arith.constant 0 : i32
        %dma_wait3A_308 = tpu.memref_slice %arg3[%dma_wait3A_306, %dma_wait3A_307] : memref<10240x32xf32, #tpu.memory_space<hbm>> -> memref<128x32xf32, #tpu.memory_space<hbm>>
        tpu.wait_dma2 semaphore(%dma_wait3A_301 : memref<!tpu.dma_semaphore, #tpu.memory_space<semaphore_mem>>) src(%dma_wait3A_308 : memref<128x32xf32, #tpu.memory_space<hbm>>) dst(%dma_wait3A_305 : memref<128x32xf32, #tpu.memory_space<vmem>>)
        %dma_start3A_309 = arith.constant 0 : i32
        %dma_start3A_310 = arith.constant 0 : i32
        %dma_start3A_311 = tpu.memref_slice %arg7[%rem3A_292, %dma_start3A_309, %dma_start3A_310] : memref<8x128x32xf32, #tpu.memory_space<vmem>> -> memref<1x128x32xf32, #tpu.memory_space<vmem>>
        %dma_start3A_312 = tpu.memref_squeeze %dma_start3A_311 : memref<1x128x32xf32, #tpu.memory_space<vmem>> -> memref<128x32xf32, #tpu.memory_space<vmem>>
        %dma_start3A_313 = arith.constant 0 : i32
        %dma_start3A_314 = tpu.memref_slice %arg6[%sub3A_290, %dma_start3A_313] : memref<79x128xi32, #tpu.memory_space<vmem>> -> memref<1x128xi32, #tpu.memory_space<vmem>>
        %dma_start3A_315 = tpu.memref_squeeze %dma_start3A_314 : memref<1x128xi32, #tpu.memory_space<vmem>> -> memref<128xi32, #tpu.memory_space<vmem>>
        %dma_start3A_316 = arith.constant 0 : i32
        %dma_start3A_317 = arith.constant 0 : i32
        %dma_start3A_318 = tpu.memref_slice %arg8[%dma_start3A_316, %dma_start3A_317] : memref<10240x32xf32, #tpu.memory_space<vmem_shared>> -> memref<10240x32xf32, #tpu.memory_space<vmem_shared>>
        %dma_start3A_319 = tpu.memref_slice %arg11[%rem3A_292] : memref<8x!tpu.dma_semaphore, #tpu.memory_space<semaphore_mem>> -> memref<1x!tpu.dma_semaphore, #tpu.memory_space<semaphore_mem>>
        %dma_start3A_320 = tpu.memref_squeeze %dma_start3A_319 : memref<1x!tpu.dma_semaphore, #tpu.memory_space<semaphore_mem>> -> memref<!tpu.dma_semaphore, #tpu.memory_space<semaphore_mem>>
        tpu.enqueue_indirect_dma source(%dma_start3A_312 : memref<128x32xf32, #tpu.memory_space<vmem>>) target(%dma_start3A_318 : memref<10240x32xf32, #tpu.memory_space<vmem_shared>>) offsets(%dma_start3A_315 : memref<128xi32, #tpu.memory_space<vmem>>) semaphore(%dma_start3A_320 : memref<!tpu.dma_semaphore, #tpu.memory_space<semaphore_mem>>) {add = true}
      } else {
      }
    }
    %sub3A = arith.constant 3 : i32
    %sub3A_111 = arith.subi %select_n3A, %sub3A : i32
    %while3A_112 = arith.constant 0 : i32
    %while3A_113 = arith.subi %select_n3A, %sub3A_111 : i32
    %while3A_114 = arith.addi %sub3A_111, %while3A_113 : i32
    %while3A_115 = arith.constant 1 : i32
    %while3A_116 = arith.divsi %while3A_113, %while3A_115 : i32
    %while3A_117 = arith.muli %while3A_116, %while3A_115 : i32
    %while3A_118 = arith.addi %sub3A_111, %while3A_117 : i32
    %while3A_119 = arith.constant 1 : i32
    scf.for %while3A_266 = %sub3A_111 to %while3A_118 step %while3A_119  : i32 {
      %rem3A = arith.constant 8 : i32
      %rem3A_267 = arith.remsi %while3A_266, %rem3A : i32
      %dma_wait3A_268 = arith.constant 0 : i32
      %dma_wait3A_269 = arith.constant 0 : i32
      %dma_wait3A_270 = tpu.memref_slice %arg7[%rem3A_267, %dma_wait3A_268, %dma_wait3A_269] : memref<8x128x32xf32, #tpu.memory_space<vmem>> -> memref<1x128x32xf32, #tpu.memory_space<vmem>>
      %dma_wait3A_271 = tpu.memref_squeeze %dma_wait3A_270 : memref<1x128x32xf32, #tpu.memory_space<vmem>> -> memref<128x32xf32, #tpu.memory_space<vmem>>
      %dma_wait3A_272 = arith.constant 0 : i32
      %dma_wait3A_273 = arith.constant 0 : i32
      %dma_wait3A_274 = tpu.memref_slice %arg3[%dma_wait3A_272, %dma_wait3A_273] : memref<10240x32xf32, #tpu.memory_space<hbm>> -> memref<128x32xf32, #tpu.memory_space<hbm>>
      %dma_wait3A_275 = tpu.memref_slice %arg10[%rem3A_267] : memref<8x!tpu.dma_semaphore, #tpu.memory_space<semaphore_mem>> -> memref<1x!tpu.dma_semaphore, #tpu.memory_space<semaphore_mem>>
      %dma_wait3A_276 = tpu.memref_squeeze %dma_wait3A_275 : memref<1x!tpu.dma_semaphore, #tpu.memory_space<semaphore_mem>> -> memref<!tpu.dma_semaphore, #tpu.memory_space<semaphore_mem>>
      %dma_wait3A_277 = arith.constant 0 : i32
      %dma_wait3A_278 = arith.constant 0 : i32
      %dma_wait3A_279 = tpu.memref_slice %arg7[%rem3A_267, %dma_wait3A_277, %dma_wait3A_278] : memref<8x128x32xf32, #tpu.memory_space<vmem>> -> memref<1x128x32xf32, #tpu.memory_space<vmem>>
      %dma_wait3A_280 = tpu.memref_squeeze %dma_wait3A_279 : memref<1x128x32xf32, #tpu.memory_space<vmem>> -> memref<128x32xf32, #tpu.memory_space<vmem>>
      %dma_wait3A_281 = arith.constant 0 : i32
      %dma_wait3A_282 = arith.constant 0 : i32
      %dma_wait3A_283 = tpu.memref_slice %arg3[%dma_wait3A_281, %dma_wait3A_282] : memref<10240x32xf32, #tpu.memory_space<hbm>> -> memref<128x32xf32, #tpu.memory_space<hbm>>
      tpu.wait_dma2 semaphore(%dma_wait3A_276 : memref<!tpu.dma_semaphore, #tpu.memory_space<semaphore_mem>>) src(%dma_wait3A_283 : memref<128x32xf32, #tpu.memory_space<hbm>>) dst(%dma_wait3A_280 : memref<128x32xf32, #tpu.memory_space<vmem>>)
      %dma_start3A_284 = arith.constant 0 : i32
      %dma_start3A_285 = arith.constant 0 : i32
      %dma_start3A_286 = tpu.memref_slice %arg7[%rem3A_267, %dma_start3A_284, %dma_start3A_285] : memref<8x128x32xf32, #tpu.memory_space<vmem>> -> memref<1x128x32xf32, #tpu.memory_space<vmem>>
      %dma_start3A_287 = tpu.memref_squeeze %dma_start3A_286 : memref<1x128x32xf32, #tpu.memory_space<vmem>> -> memref<128x32xf32, #tpu.memory_space<vmem>>
      %dma_start3A_288 = arith.constant 0 : i32
      %dma_start3A_289 = tpu.memref_slice %arg6[%while3A_266, %dma_start3A_288] : memref<79x128xi32, #tpu.memory_space<vmem>> -> memref<1x128xi32, #tpu.memory_space<vmem>>
      %dma_start3A_290 = tpu.memref_squeeze %dma_start3A_289 : memref<1x128xi32, #tpu.memory_space<vmem>> -> memref<128xi32, #tpu.memory_space<vmem>>
      %dma_start3A_291 = arith.constant 0 : i32
      %dma_start3A_292 = arith.constant 0 : i32
      %dma_start3A_293 = tpu.memref_slice %arg8[%dma_start3A_291, %dma_start3A_292] : memref<10240x32xf32, #tpu.memory_space<vmem_shared>> -> memref<10240x32xf32, #tpu.memory_space<vmem_shared>>
      %dma_start3A_294 = tpu.memref_slice %arg11[%rem3A_267] : memref<8x!tpu.dma_semaphore, #tpu.memory_space<semaphore_mem>> -> memref<1x!tpu.dma_semaphore, #tpu.memory_space<semaphore_mem>>
      %dma_start3A_295 = tpu.memref_squeeze %dma_start3A_294 : memref<1x!tpu.dma_semaphore, #tpu.memory_space<semaphore_mem>> -> memref<!tpu.dma_semaphore, #tpu.memory_space<semaphore_mem>>
      tpu.enqueue_indirect_dma source(%dma_start3A_287 : memref<128x32xf32, #tpu.memory_space<vmem>>) target(%dma_start3A_293 : memref<10240x32xf32, #tpu.memory_space<vmem_shared>>) offsets(%dma_start3A_290 : memref<128xi32, #tpu.memory_space<vmem>>) semaphore(%dma_start3A_295 : memref<!tpu.dma_semaphore, #tpu.memory_space<semaphore_mem>>) {add = true}
    }
    %while3A_120 = arith.constant 1 : i32
    scf.for %while3A_266 = %while3A_118 to %while3A_114 step %while3A_120  : i32 {
      %rem3A = arith.constant 8 : i32
      %rem3A_267 = arith.remsi %while3A_266, %rem3A : i32
      %dma_wait3A_268 = arith.constant 0 : i32
      %dma_wait3A_269 = arith.constant 0 : i32
      %dma_wait3A_270 = tpu.memref_slice %arg7[%rem3A_267, %dma_wait3A_268, %dma_wait3A_269] : memref<8x128x32xf32, #tpu.memory_space<vmem>> -> memref<1x128x32xf32, #tpu.memory_space<vmem>>
      %dma_wait3A_271 = tpu.memref_squeeze %dma_wait3A_270 : memref<1x128x32xf32, #tpu.memory_space<vmem>> -> memref<128x32xf32, #tpu.memory_space<vmem>>
      %dma_wait3A_272 = arith.constant 0 : i32
      %dma_wait3A_273 = arith.constant 0 : i32
      %dma_wait3A_274 = tpu.memref_slice %arg3[%dma_wait3A_272, %dma_wait3A_273] : memref<10240x32xf32, #tpu.memory_space<hbm>> -> memref<128x32xf32, #tpu.memory_space<hbm>>
      %dma_wait3A_275 = tpu.memref_slice %arg10[%rem3A_267] : memref<8x!tpu.dma_semaphore, #tpu.memory_space<semaphore_mem>> -> memref<1x!tpu.dma_semaphore, #tpu.memory_space<semaphore_mem>>
      %dma_wait3A_276 = tpu.memref_squeeze %dma_wait3A_275 : memref<1x!tpu.dma_semaphore, #tpu.memory_space<semaphore_mem>> -> memref<!tpu.dma_semaphore, #tpu.memory_space<semaphore_mem>>
      %dma_wait3A_277 = arith.constant 0 : i32
      %dma_wait3A_278 = arith.constant 0 : i32
      %dma_wait3A_279 = tpu.memref_slice %arg7[%rem3A_267, %dma_wait3A_277, %dma_wait3A_278] : memref<8x128x32xf32, #tpu.memory_space<vmem>> -> memref<1x128x32xf32, #tpu.memory_space<vmem>>
      %dma_wait3A_280 = tpu.memref_squeeze %dma_wait3A_279 : memref<1x128x32xf32, #tpu.memory_space<vmem>> -> memref<128x32xf32, #tpu.memory_space<vmem>>
      %dma_wait3A_281 = arith.constant 0 : i32
      %dma_wait3A_282 = arith.constant 0 : i32
      %dma_wait3A_283 = tpu.memref_slice %arg3[%dma_wait3A_281, %dma_wait3A_282] : memref<10240x32xf32, #tpu.memory_space<hbm>> -> memref<128x32xf32, #tpu.memory_space<hbm>>
      tpu.wait_dma2 semaphore(%dma_wait3A_276 : memref<!tpu.dma_semaphore, #tpu.memory_space<semaphore_mem>>) src(%dma_wait3A_283 : memref<128x32xf32, #tpu.memory_space<hbm>>) dst(%dma_wait3A_280 : memref<128x32xf32, #tpu.memory_space<vmem>>)
      %dma_start3A_284 = arith.constant 0 : i32
      %dma_start3A_285 = arith.constant 0 : i32
      %dma_start3A_286 = tpu.memref_slice %arg7[%rem3A_267, %dma_start3A_284, %dma_start3A_285] : memref<8x128x32xf32, #tpu.memory_space<vmem>> -> memref<1x128x32xf32, #tpu.memory_space<vmem>>
      %dma_start3A_287 = tpu.memref_squeeze %dma_start3A_286 : memref<1x128x32xf32, #tpu.memory_space<vmem>> -> memref<128x32xf32, #tpu.memory_space<vmem>>
      %dma_start3A_288 = arith.constant 0 : i32
      %dma_start3A_289 = tpu.memref_slice %arg6[%while3A_266, %dma_start3A_288] : memref<79x128xi32, #tpu.memory_space<vmem>> -> memref<1x128xi32, #tpu.memory_space<vmem>>
      %dma_start3A_290 = tpu.memref_squeeze %dma_start3A_289 : memref<1x128xi32, #tpu.memory_space<vmem>> -> memref<128xi32, #tpu.memory_space<vmem>>
      %dma_start3A_291 = arith.constant 0 : i32
      %dma_start3A_292 = arith.constant 0 : i32
      %dma_start3A_293 = tpu.memref_slice %arg8[%dma_start3A_291, %dma_start3A_292] : memref<10240x32xf32, #tpu.memory_space<vmem_shared>> -> memref<10240x32xf32, #tpu.memory_space<vmem_shared>>
      %dma_start3A_294 = tpu.memref_slice %arg11[%rem3A_267] : memref<8x!tpu.dma_semaphore, #tpu.memory_space<semaphore_mem>> -> memref<1x!tpu.dma_semaphore, #tpu.memory_space<semaphore_mem>>
      %dma_start3A_295 = tpu.memref_squeeze %dma_start3A_294 : memref<1x!tpu.dma_semaphore, #tpu.memory_space<semaphore_mem>> -> memref<!tpu.dma_semaphore, #tpu.memory_space<semaphore_mem>>
      tpu.enqueue_indirect_dma source(%dma_start3A_287 : memref<128x32xf32, #tpu.memory_space<vmem>>) target(%dma_start3A_293 : memref<10240x32xf32, #tpu.memory_space<vmem_shared>>) offsets(%dma_start3A_290 : memref<128xi32, #tpu.memory_space<vmem>>) semaphore(%dma_start3A_295 : memref<!tpu.dma_semaphore, #tpu.memory_space<semaphore_mem>>) {add = true}
    }
    %dma_wait3A_121 = arith.constant 0 : i32
    %dma_wait3A_122 = arith.constant 0 : i32
    %dma_wait3A_123 = arith.constant 0 : i32
    %dma_wait3A_124 = arith.constant 0 : i32
    %dma_wait3A_125 = tpu.memref_slice %arg7[%dma_wait3A_121, %dma_wait3A_123, %dma_wait3A_124] : memref<8x128x32xf32, #tpu.memory_space<vmem>> -> memref<1x128x32xf32, #tpu.memory_space<vmem>>
    %dma_wait3A_126 = tpu.memref_squeeze %dma_wait3A_125 : memref<1x128x32xf32, #tpu.memory_space<vmem>> -> memref<128x32xf32, #tpu.memory_space<vmem>>
    %dma_wait3A_127 = arith.constant 0 : i32
    %dma_wait3A_128 = arith.constant 0 : i32
    %dma_wait3A_129 = tpu.memref_slice %arg3[%dma_wait3A_127, %dma_wait3A_128] : memref<10240x32xf32, #tpu.memory_space<hbm>> -> memref<128x32xf32, #tpu.memory_space<hbm>>
    %dma_wait3A_130 = tpu.memref_slice %arg11[%dma_wait3A_122] : memref<8x!tpu.dma_semaphore, #tpu.memory_space<semaphore_mem>> -> memref<1x!tpu.dma_semaphore, #tpu.memory_space<semaphore_mem>>
    %dma_wait3A_131 = tpu.memref_squeeze %dma_wait3A_130 : memref<1x!tpu.dma_semaphore, #tpu.memory_space<semaphore_mem>> -> memref<!tpu.dma_semaphore, #tpu.memory_space<semaphore_mem>>
    %dma_wait3A_132 = arith.constant 0 : i32
    %dma_wait3A_133 = arith.constant 0 : i32
    %dma_wait3A_134 = tpu.memref_slice %arg7[%dma_wait3A_121, %dma_wait3A_132, %dma_wait3A_133] : memref<8x128x32xf32, #tpu.memory_space<vmem>> -> memref<1x128x32xf32, #tpu.memory_space<vmem>>
    %dma_wait3A_135 = tpu.memref_squeeze %dma_wait3A_134 : memref<1x128x32xf32, #tpu.memory_space<vmem>> -> memref<128x32xf32, #tpu.memory_space<vmem>>
    %dma_wait3A_136 = arith.constant 0 : i32
    %dma_wait3A_137 = arith.constant 0 : i32
    %dma_wait3A_138 = tpu.memref_slice %arg3[%dma_wait3A_136, %dma_wait3A_137] : memref<10240x32xf32, #tpu.memory_space<hbm>> -> memref<128x32xf32, #tpu.memory_space<hbm>>
    tpu.wait_dma2 semaphore(%dma_wait3A_131 : memref<!tpu.dma_semaphore, #tpu.memory_space<semaphore_mem>>) src(%dma_wait3A_138 : memref<128x32xf32, #tpu.memory_space<hbm>>) dst(%dma_wait3A_135 : memref<128x32xf32, #tpu.memory_space<vmem>>)
    %dma_wait3A_139 = arith.constant 1 : i32
    %dma_wait3A_140 = arith.constant 1 : i32
    %dma_wait3A_141 = arith.constant 0 : i32
    %dma_wait3A_142 = arith.constant 0 : i32
    %dma_wait3A_143 = tpu.memref_slice %arg7[%dma_wait3A_139, %dma_wait3A_141, %dma_wait3A_142] : memref<8x128x32xf32, #tpu.memory_space<vmem>> -> memref<1x128x32xf32, #tpu.memory_space<vmem>>
    %dma_wait3A_144 = tpu.memref_squeeze %dma_wait3A_143 : memref<1x128x32xf32, #tpu.memory_space<vmem>> -> memref<128x32xf32, #tpu.memory_space<vmem>>
    %dma_wait3A_145 = arith.constant 0 : i32
    %dma_wait3A_146 = arith.constant 0 : i32
    %dma_wait3A_147 = tpu.memref_slice %arg3[%dma_wait3A_145, %dma_wait3A_146] : memref<10240x32xf32, #tpu.memory_space<hbm>> -> memref<128x32xf32, #tpu.memory_space<hbm>>
    %dma_wait3A_148 = tpu.memref_slice %arg11[%dma_wait3A_140] : memref<8x!tpu.dma_semaphore, #tpu.memory_space<semaphore_mem>> -> memref<1x!tpu.dma_semaphore, #tpu.memory_space<semaphore_mem>>
    %dma_wait3A_149 = tpu.memref_squeeze %dma_wait3A_148 : memref<1x!tpu.dma_semaphore, #tpu.memory_space<semaphore_mem>> -> memref<!tpu.dma_semaphore, #tpu.memory_space<semaphore_mem>>
    %dma_wait3A_150 = arith.constant 0 : i32
    %dma_wait3A_151 = arith.constant 0 : i32
    %dma_wait3A_152 = tpu.memref_slice %arg7[%dma_wait3A_139, %dma_wait3A_150, %dma_wait3A_151] : memref<8x128x32xf32, #tpu.memory_space<vmem>> -> memref<1x128x32xf32, #tpu.memory_space<vmem>>
    %dma_wait3A_153 = tpu.memref_squeeze %dma_wait3A_152 : memref<1x128x32xf32, #tpu.memory_space<vmem>> -> memref<128x32xf32, #tpu.memory_space<vmem>>
    %dma_wait3A_154 = arith.constant 0 : i32
    %dma_wait3A_155 = arith.constant 0 : i32
    %dma_wait3A_156 = tpu.memref_slice %arg3[%dma_wait3A_154, %dma_wait3A_155] : memref<10240x32xf32, #tpu.memory_space<hbm>> -> memref<128x32xf32, #tpu.memory_space<hbm>>
    tpu.wait_dma2 semaphore(%dma_wait3A_149 : memref<!tpu.dma_semaphore, #tpu.memory_space<semaphore_mem>>) src(%dma_wait3A_156 : memref<128x32xf32, #tpu.memory_space<hbm>>) dst(%dma_wait3A_153 : memref<128x32xf32, #tpu.memory_space<vmem>>)
    %dma_wait3A_157 = arith.constant 2 : i32
    %dma_wait3A_158 = arith.constant 2 : i32
    %dma_wait3A_159 = arith.constant 0 : i32
    %dma_wait3A_160 = arith.constant 0 : i32
    %dma_wait3A_161 = tpu.memref_slice %arg7[%dma_wait3A_157, %dma_wait3A_159, %dma_wait3A_160] : memref<8x128x32xf32, #tpu.memory_space<vmem>> -> memref<1x128x32xf32, #tpu.memory_space<vmem>>
    %dma_wait3A_162 = tpu.memref_squeeze %dma_wait3A_161 : memref<1x128x32xf32, #tpu.memory_space<vmem>> -> memref<128x32xf32, #tpu.memory_space<vmem>>
    %dma_wait3A_163 = arith.constant 0 : i32
    %dma_wait3A_164 = arith.constant 0 : i32
    %dma_wait3A_165 = tpu.memref_slice %arg3[%dma_wait3A_163, %dma_wait3A_164] : memref<10240x32xf32, #tpu.memory_space<hbm>> -> memref<128x32xf32, #tpu.memory_space<hbm>>
    %dma_wait3A_166 = tpu.memref_slice %arg11[%dma_wait3A_158] : memref<8x!tpu.dma_semaphore, #tpu.memory_space<semaphore_mem>> -> memref<1x!tpu.dma_semaphore, #tpu.memory_space<semaphore_mem>>
    %dma_wait3A_167 = tpu.memref_squeeze %dma_wait3A_166 : memref<1x!tpu.dma_semaphore, #tpu.memory_space<semaphore_mem>> -> memref<!tpu.dma_semaphore, #tpu.memory_space<semaphore_mem>>
    %dma_wait3A_168 = arith.constant 0 : i32
    %dma_wait3A_169 = arith.constant 0 : i32
    %dma_wait3A_170 = tpu.memref_slice %arg7[%dma_wait3A_157, %dma_wait3A_168, %dma_wait3A_169] : memref<8x128x32xf32, #tpu.memory_space<vmem>> -> memref<1x128x32xf32, #tpu.memory_space<vmem>>
    %dma_wait3A_171 = tpu.memref_squeeze %dma_wait3A_170 : memref<1x128x32xf32, #tpu.memory_space<vmem>> -> memref<128x32xf32, #tpu.memory_space<vmem>>
    %dma_wait3A_172 = arith.constant 0 : i32
    %dma_wait3A_173 = arith.constant 0 : i32
    %dma_wait3A_174 = tpu.memref_slice %arg3[%dma_wait3A_172, %dma_wait3A_173] : memref<10240x32xf32, #tpu.memory_space<hbm>> -> memref<128x32xf32, #tpu.memory_space<hbm>>
    tpu.wait_dma2 semaphore(%dma_wait3A_167 : memref<!tpu.dma_semaphore, #tpu.memory_space<semaphore_mem>>) src(%dma_wait3A_174 : memref<128x32xf32, #tpu.memory_space<hbm>>) dst(%dma_wait3A_171 : memref<128x32xf32, #tpu.memory_space<vmem>>)
    %dma_wait3A_175 = arith.constant 3 : i32
    %dma_wait3A_176 = arith.constant 3 : i32
    %dma_wait3A_177 = arith.constant 0 : i32
    %dma_wait3A_178 = arith.constant 0 : i32
    %dma_wait3A_179 = tpu.memref_slice %arg7[%dma_wait3A_175, %dma_wait3A_177, %dma_wait3A_178] : memref<8x128x32xf32, #tpu.memory_space<vmem>> -> memref<1x128x32xf32, #tpu.memory_space<vmem>>
    %dma_wait3A_180 = tpu.memref_squeeze %dma_wait3A_179 : memref<1x128x32xf32, #tpu.memory_space<vmem>> -> memref<128x32xf32, #tpu.memory_space<vmem>>
    %dma_wait3A_181 = arith.constant 0 : i32
    %dma_wait3A_182 = arith.constant 0 : i32
    %dma_wait3A_183 = tpu.memref_slice %arg3[%dma_wait3A_181, %dma_wait3A_182] : memref<10240x32xf32, #tpu.memory_space<hbm>> -> memref<128x32xf32, #tpu.memory_space<hbm>>
    %dma_wait3A_184 = tpu.memref_slice %arg11[%dma_wait3A_176] : memref<8x!tpu.dma_semaphore, #tpu.memory_space<semaphore_mem>> -> memref<1x!tpu.dma_semaphore, #tpu.memory_space<semaphore_mem>>
    %dma_wait3A_185 = tpu.memref_squeeze %dma_wait3A_184 : memref<1x!tpu.dma_semaphore, #tpu.memory_space<semaphore_mem>> -> memref<!tpu.dma_semaphore, #tpu.memory_space<semaphore_mem>>
    %dma_wait3A_186 = arith.constant 0 : i32
    %dma_wait3A_187 = arith.constant 0 : i32
    %dma_wait3A_188 = tpu.memref_slice %arg7[%dma_wait3A_175, %dma_wait3A_186, %dma_wait3A_187] : memref<8x128x32xf32, #tpu.memory_space<vmem>> -> memref<1x128x32xf32, #tpu.memory_space<vmem>>
    %dma_wait3A_189 = tpu.memref_squeeze %dma_wait3A_188 : memref<1x128x32xf32, #tpu.memory_space<vmem>> -> memref<128x32xf32, #tpu.memory_space<vmem>>
    %dma_wait3A_190 = arith.constant 0 : i32
    %dma_wait3A_191 = arith.constant 0 : i32
    %dma_wait3A_192 = tpu.memref_slice %arg3[%dma_wait3A_190, %dma_wait3A_191] : memref<10240x32xf32, #tpu.memory_space<hbm>> -> memref<128x32xf32, #tpu.memory_space<hbm>>
    tpu.wait_dma2 semaphore(%dma_wait3A_185 : memref<!tpu.dma_semaphore, #tpu.memory_space<semaphore_mem>>) src(%dma_wait3A_192 : memref<128x32xf32, #tpu.memory_space<hbm>>) dst(%dma_wait3A_189 : memref<128x32xf32, #tpu.memory_space<vmem>>)
    %dma_wait3A_193 = arith.constant 4 : i32
    %dma_wait3A_194 = arith.constant 4 : i32
    %dma_wait3A_195 = arith.constant 0 : i32
    %dma_wait3A_196 = arith.constant 0 : i32
    %dma_wait3A_197 = tpu.memref_slice %arg7[%dma_wait3A_193, %dma_wait3A_195, %dma_wait3A_196] : memref<8x128x32xf32, #tpu.memory_space<vmem>> -> memref<1x128x32xf32, #tpu.memory_space<vmem>>
    %dma_wait3A_198 = tpu.memref_squeeze %dma_wait3A_197 : memref<1x128x32xf32, #tpu.memory_space<vmem>> -> memref<128x32xf32, #tpu.memory_space<vmem>>
    %dma_wait3A_199 = arith.constant 0 : i32
    %dma_wait3A_200 = arith.constant 0 : i32
    %dma_wait3A_201 = tpu.memref_slice %arg3[%dma_wait3A_199, %dma_wait3A_200] : memref<10240x32xf32, #tpu.memory_space<hbm>> -> memref<128x32xf32, #tpu.memory_space<hbm>>
    %dma_wait3A_202 = tpu.memref_slice %arg11[%dma_wait3A_194] : memref<8x!tpu.dma_semaphore, #tpu.memory_space<semaphore_mem>> -> memref<1x!tpu.dma_semaphore, #tpu.memory_space<semaphore_mem>>
    %dma_wait3A_203 = tpu.memref_squeeze %dma_wait3A_202 : memref<1x!tpu.dma_semaphore, #tpu.memory_space<semaphore_mem>> -> memref<!tpu.dma_semaphore, #tpu.memory_space<semaphore_mem>>
    %dma_wait3A_204 = arith.constant 0 : i32
    %dma_wait3A_205 = arith.constant 0 : i32
    %dma_wait3A_206 = tpu.memref_slice %arg7[%dma_wait3A_193, %dma_wait3A_204, %dma_wait3A_205] : memref<8x128x32xf32, #tpu.memory_space<vmem>> -> memref<1x128x32xf32, #tpu.memory_space<vmem>>
    %dma_wait3A_207 = tpu.memref_squeeze %dma_wait3A_206 : memref<1x128x32xf32, #tpu.memory_space<vmem>> -> memref<128x32xf32, #tpu.memory_space<vmem>>
    %dma_wait3A_208 = arith.constant 0 : i32
    %dma_wait3A_209 = arith.constant 0 : i32
    %dma_wait3A_210 = tpu.memref_slice %arg3[%dma_wait3A_208, %dma_wait3A_209] : memref<10240x32xf32, #tpu.memory_space<hbm>> -> memref<128x32xf32, #tpu.memory_space<hbm>>
    tpu.wait_dma2 semaphore(%dma_wait3A_203 : memref<!tpu.dma_semaphore, #tpu.memory_space<semaphore_mem>>) src(%dma_wait3A_210 : memref<128x32xf32, #tpu.memory_space<hbm>>) dst(%dma_wait3A_207 : memref<128x32xf32, #tpu.memory_space<vmem>>)
    %dma_wait3A_211 = arith.constant 5 : i32
    %dma_wait3A_212 = arith.constant 5 : i32
    %dma_wait3A_213 = arith.constant 0 : i32
    %dma_wait3A_214 = arith.constant 0 : i32
    %dma_wait3A_215 = tpu.memref_slice %arg7[%dma_wait3A_211, %dma_wait3A_213, %dma_wait3A_214] : memref<8x128x32xf32, #tpu.memory_space<vmem>> -> memref<1x128x32xf32, #tpu.memory_space<vmem>>
    %dma_wait3A_216 = tpu.memref_squeeze %dma_wait3A_215 : memref<1x128x32xf32, #tpu.memory_space<vmem>> -> memref<128x32xf32, #tpu.memory_space<vmem>>
    %dma_wait3A_217 = arith.constant 0 : i32
    %dma_wait3A_218 = arith.constant 0 : i32
    %dma_wait3A_219 = tpu.memref_slice %arg3[%dma_wait3A_217, %dma_wait3A_218] : memref<10240x32xf32, #tpu.memory_space<hbm>> -> memref<128x32xf32, #tpu.memory_space<hbm>>
    %dma_wait3A_220 = tpu.memref_slice %arg11[%dma_wait3A_212] : memref<8x!tpu.dma_semaphore, #tpu.memory_space<semaphore_mem>> -> memref<1x!tpu.dma_semaphore, #tpu.memory_space<semaphore_mem>>
    %dma_wait3A_221 = tpu.memref_squeeze %dma_wait3A_220 : memref<1x!tpu.dma_semaphore, #tpu.memory_space<semaphore_mem>> -> memref<!tpu.dma_semaphore, #tpu.memory_space<semaphore_mem>>
    %dma_wait3A_222 = arith.constant 0 : i32
    %dma_wait3A_223 = arith.constant 0 : i32
    %dma_wait3A_224 = tpu.memref_slice %arg7[%dma_wait3A_211, %dma_wait3A_222, %dma_wait3A_223] : memref<8x128x32xf32, #tpu.memory_space<vmem>> -> memref<1x128x32xf32, #tpu.memory_space<vmem>>
    %dma_wait3A_225 = tpu.memref_squeeze %dma_wait3A_224 : memref<1x128x32xf32, #tpu.memory_space<vmem>> -> memref<128x32xf32, #tpu.memory_space<vmem>>
    %dma_wait3A_226 = arith.constant 0 : i32
    %dma_wait3A_227 = arith.constant 0 : i32
    %dma_wait3A_228 = tpu.memref_slice %arg3[%dma_wait3A_226, %dma_wait3A_227] : memref<10240x32xf32, #tpu.memory_space<hbm>> -> memref<128x32xf32, #tpu.memory_space<hbm>>
    tpu.wait_dma2 semaphore(%dma_wait3A_221 : memref<!tpu.dma_semaphore, #tpu.memory_space<semaphore_mem>>) src(%dma_wait3A_228 : memref<128x32xf32, #tpu.memory_space<hbm>>) dst(%dma_wait3A_225 : memref<128x32xf32, #tpu.memory_space<vmem>>)
    %dma_wait3A_229 = arith.constant 6 : i32
    %dma_wait3A_230 = arith.constant 6 : i32
    %dma_wait3A_231 = arith.constant 0 : i32
    %dma_wait3A_232 = arith.constant 0 : i32
    %dma_wait3A_233 = tpu.memref_slice %arg7[%dma_wait3A_229, %dma_wait3A_231, %dma_wait3A_232] : memref<8x128x32xf32, #tpu.memory_space<vmem>> -> memref<1x128x32xf32, #tpu.memory_space<vmem>>
    %dma_wait3A_234 = tpu.memref_squeeze %dma_wait3A_233 : memref<1x128x32xf32, #tpu.memory_space<vmem>> -> memref<128x32xf32, #tpu.memory_space<vmem>>
    %dma_wait3A_235 = arith.constant 0 : i32
    %dma_wait3A_236 = arith.constant 0 : i32
    %dma_wait3A_237 = tpu.memref_slice %arg3[%dma_wait3A_235, %dma_wait3A_236] : memref<10240x32xf32, #tpu.memory_space<hbm>> -> memref<128x32xf32, #tpu.memory_space<hbm>>
    %dma_wait3A_238 = tpu.memref_slice %arg11[%dma_wait3A_230] : memref<8x!tpu.dma_semaphore, #tpu.memory_space<semaphore_mem>> -> memref<1x!tpu.dma_semaphore, #tpu.memory_space<semaphore_mem>>
    %dma_wait3A_239 = tpu.memref_squeeze %dma_wait3A_238 : memref<1x!tpu.dma_semaphore, #tpu.memory_space<semaphore_mem>> -> memref<!tpu.dma_semaphore, #tpu.memory_space<semaphore_mem>>
    %dma_wait3A_240 = arith.constant 0 : i32
    %dma_wait3A_241 = arith.constant 0 : i32
    %dma_wait3A_242 = tpu.memref_slice %arg7[%dma_wait3A_229, %dma_wait3A_240, %dma_wait3A_241] : memref<8x128x32xf32, #tpu.memory_space<vmem>> -> memref<1x128x32xf32, #tpu.memory_space<vmem>>
    %dma_wait3A_243 = tpu.memref_squeeze %dma_wait3A_242 : memref<1x128x32xf32, #tpu.memory_space<vmem>> -> memref<128x32xf32, #tpu.memory_space<vmem>>
    %dma_wait3A_244 = arith.constant 0 : i32
    %dma_wait3A_245 = arith.constant 0 : i32
    %dma_wait3A_246 = tpu.memref_slice %arg3[%dma_wait3A_244, %dma_wait3A_245] : memref<10240x32xf32, #tpu.memory_space<hbm>> -> memref<128x32xf32, #tpu.memory_space<hbm>>
    tpu.wait_dma2 semaphore(%dma_wait3A_239 : memref<!tpu.dma_semaphore, #tpu.memory_space<semaphore_mem>>) src(%dma_wait3A_246 : memref<128x32xf32, #tpu.memory_space<hbm>>) dst(%dma_wait3A_243 : memref<128x32xf32, #tpu.memory_space<vmem>>)
    %dma_wait3A_247 = arith.constant 7 : i32
    %dma_wait3A_248 = arith.constant 7 : i32
    %dma_wait3A_249 = arith.constant 0 : i32
    %dma_wait3A_250 = arith.constant 0 : i32
    %dma_wait3A_251 = tpu.memref_slice %arg7[%dma_wait3A_247, %dma_wait3A_249, %dma_wait3A_250] : memref<8x128x32xf32, #tpu.memory_space<vmem>> -> memref<1x128x32xf32, #tpu.memory_space<vmem>>
    %dma_wait3A_252 = tpu.memref_squeeze %dma_wait3A_251 : memref<1x128x32xf32, #tpu.memory_space<vmem>> -> memref<128x32xf32, #tpu.memory_space<vmem>>
    %dma_wait3A_253 = arith.constant 0 : i32
    %dma_wait3A_254 = arith.constant 0 : i32
    %dma_wait3A_255 = tpu.memref_slice %arg3[%dma_wait3A_253, %dma_wait3A_254] : memref<10240x32xf32, #tpu.memory_space<hbm>> -> memref<128x32xf32, #tpu.memory_space<hbm>>
    %dma_wait3A_256 = tpu.memref_slice %arg11[%dma_wait3A_248] : memref<8x!tpu.dma_semaphore, #tpu.memory_space<semaphore_mem>> -> memref<1x!tpu.dma_semaphore, #tpu.memory_space<semaphore_mem>>
    %dma_wait3A_257 = tpu.memref_squeeze %dma_wait3A_256 : memref<1x!tpu.dma_semaphore, #tpu.memory_space<semaphore_mem>> -> memref<!tpu.dma_semaphore, #tpu.memory_space<semaphore_mem>>
    %dma_wait3A_258 = arith.constant 0 : i32
    %dma_wait3A_259 = arith.constant 0 : i32
    %dma_wait3A_260 = tpu.memref_slice %arg7[%dma_wait3A_247, %dma_wait3A_258, %dma_wait3A_259] : memref<8x128x32xf32, #tpu.memory_space<vmem>> -> memref<1x128x32xf32, #tpu.memory_space<vmem>>
    %dma_wait3A_261 = tpu.memref_squeeze %dma_wait3A_260 : memref<1x128x32xf32, #tpu.memory_space<vmem>> -> memref<128x32xf32, #tpu.memory_space<vmem>>
    %dma_wait3A_262 = arith.constant 0 : i32
    %dma_wait3A_263 = arith.constant 0 : i32
    %dma_wait3A_264 = tpu.memref_slice %arg3[%dma_wait3A_262, %dma_wait3A_263] : memref<10240x32xf32, #tpu.memory_space<hbm>> -> memref<128x32xf32, #tpu.memory_space<hbm>>
    tpu.wait_dma2 semaphore(%dma_wait3A_257 : memref<!tpu.dma_semaphore, #tpu.memory_space<semaphore_mem>>) src(%dma_wait3A_264 : memref<128x32xf32, #tpu.memory_space<hbm>>) dst(%dma_wait3A_261 : memref<128x32xf32, #tpu.memory_space<vmem>>)
    %barrier3A_265 = arith.constant 0 : index
    tpu.barrier barrier_id(%barrier3A_265)
    "tpu.region"() ({
      %run_scoped3A = tpu.sem_alloc : memref<!tpu.dma_semaphore, #tpu.memory_space<semaphore_mem>>
      %dma_start3A_266 = arith.constant 0 : i32
      %dma_start3A_267 = tpu.memref_slice %arg4[%arg0, %mul3A_8, %dma_start3A_266] : memref<2x10240x32xf32, #tpu.memory_space<hbm>> -> memref<1x640x32xf32, #tpu.memory_space<hbm>>
      %dma_start3A_268 = tpu.memref_squeeze %dma_start3A_267 : memref<1x640x32xf32, #tpu.memory_space<hbm>> -> memref<640x32xf32, #tpu.memory_space<hbm>>
      %dma_start3A_269 = arith.constant 0 : i32
      %dma_start3A_270 = tpu.memref_slice %arg8[%mul3A_8, %dma_start3A_269] : memref<10240x32xf32, #tpu.memory_space<vmem_shared>> -> memref<640x32xf32, #tpu.memory_space<vmem_shared>>
      tpu.enqueue_dma source(%dma_start3A_270 : memref<640x32xf32, #tpu.memory_space<vmem_shared>>) target(%dma_start3A_268 : memref<640x32xf32, #tpu.memory_space<hbm>>) target_semaphore(%run_scoped3A : memref<!tpu.dma_semaphore, #tpu.memory_space<semaphore_mem>>)
      %dma_wait3A_271 = arith.constant 0 : i32
      %dma_wait3A_272 = tpu.memref_slice %arg4[%arg0, %mul3A_8, %dma_wait3A_271] : memref<2x10240x32xf32, #tpu.memory_space<hbm>> -> memref<1x640x32xf32, #tpu.memory_space<hbm>>
      %dma_wait3A_273 = tpu.memref_squeeze %dma_wait3A_272 : memref<1x640x32xf32, #tpu.memory_space<hbm>> -> memref<640x32xf32, #tpu.memory_space<hbm>>
      %dma_wait3A_274 = arith.constant 0 : i32
      %dma_wait3A_275 = tpu.memref_slice %arg8[%mul3A_8, %dma_wait3A_274] : memref<10240x32xf32, #tpu.memory_space<vmem_shared>> -> memref<640x32xf32, #tpu.memory_space<vmem_shared>>
      tpu.wait_dma2 semaphore(%run_scoped3A : memref<!tpu.dma_semaphore, #tpu.memory_space<semaphore_mem>>) src(%dma_wait3A_275 : memref<640x32xf32, #tpu.memory_space<vmem_shared>>) dst(%dma_wait3A_273 : memref<640x32xf32, #tpu.memory_space<hbm>>)
      tpu.yield
    }) : () -> ()
    return
  }
}

module attributes {stable_mosaic.version = 14 : i64} {
  func.func @_k0_body(%arg0: memref<2500x512xf32, #tpu.memory_space<vmem>>, %arg1: memref<512x128xf32, #tpu.memory_space<vmem>>, %arg2: memref<1x128xf32, #tpu.memory_space<vmem>>, %arg3: memref<2x2560x128xf32, #tpu.memory_space<vmem>>, %arg4: memref<2560x128xf32, #tpu.memory_space<vmem>>, %arg5: memref<2560x128xf32, #tpu.memory_space<vmem>>) attributes {dimension_semantics = [], scalar_prefetch = 0 : i64, scratch_operands = 0 : i64, tpu.core_type = #tpu.core_type<tc>} {
    %get3A = arith.constant 0 : index
    %get3A_0 = arith.constant 0 : index
    %get3A_1 = arith.constant 0 : index
    %get3A_2 = vector.load %arg3[%get3A, %get3A_0, %get3A_1] : memref<2x2560x128xf32, #tpu.memory_space<vmem>>, vector<1x2560x128xf32>
    %get3A_3 = vector.shape_cast %get3A_2 : vector<1x2560x128xf32> to vector<2560x128xf32>
    %get3A_4 = arith.constant 1 : index
    %get3A_5 = arith.constant 0 : index
    %get3A_6 = arith.constant 0 : index
    %get3A_7 = vector.load %arg3[%get3A_4, %get3A_5, %get3A_6] : memref<2x2560x128xf32, #tpu.memory_space<vmem>>, vector<1x2560x128xf32>
    %get3A_8 = vector.shape_cast %get3A_7 : vector<1x2560x128xf32> to vector<2560x128xf32>
    %add3A = arith.addf %get3A_3, %get3A_8 : vector<2560x128xf32>
    %sub3A = arith.constant 1.000000e+00 : f32
    %sub3A_9 = vector.broadcast %sub3A : f32 to vector<2560x128xf32>
    %sub3A_10 = arith.subf %add3A, %sub3A_9 : vector<2560x128xf32>
    %rsqrt3A = math.rsqrt %sub3A_10 : vector<2560x128xf32>
    %swap3A = arith.constant 0 : index
    %swap3A_11 = arith.constant 0 : index
    %swap3A_12 = vector.load %arg5[%swap3A, %swap3A_11] : memref<2560x128xf32, #tpu.memory_space<vmem>>, vector<2560x128xf32>
    tpu.vector_store %arg5[%swap3A, %swap3A_11], %rsqrt3A {strides = array<i32>} : memref<2560x128xf32, #tpu.memory_space<vmem>>, vector<2560x128xf32>,
    %get3A_13 = arith.constant 0 : index
    %get3A_14 = arith.constant 0 : index
    %get3A_15 = vector.load %arg0[%get3A_13, %get3A_14] : memref<2500x512xf32, #tpu.memory_space<vmem>>, vector<2500x512xf32>
    %get3A_16 = arith.constant 0 : index
    %get3A_17 = arith.constant 0 : index
    %get3A_18 = vector.load %arg1[%get3A_16, %get3A_17] : memref<512x128xf32, #tpu.memory_space<vmem>>, vector<512x128xf32>
    %dot_general3A = arith.constant dense<0.000000e+00> : vector<2500x128xf32>
    %dot_general3A_19 = tpu.matmul %get3A_15, %get3A_18, %dot_general3A {dimension_numbers = #tpu.dot_dimension_numbers<[1], [0], [0], [1], [0, 0, 1, 1], [], []>, transpose_lhs_hint = false} : vector<2500x512xf32>, vector<512x128xf32>, vector<2500x128xf32> -> vector<2500x128xf32>
    %get3A_20 = arith.constant 0 : index
    %get3A_21 = arith.constant 0 : index
    %get3A_22 = vector.load %arg2[%get3A_20, %get3A_21] : memref<1x128xf32, #tpu.memory_space<vmem>>, vector<1x128xf32>
    %add3A_23 = vector.broadcast %get3A_22 : vector<1x128xf32> to vector<2500x128xf32>
    %add3A_24 = arith.addf %dot_general3A_19, %add3A_23 : vector<2500x128xf32>
    %slice3A = vector.extract_strided_slice %rsqrt3A {offsets = [0, 0], sizes = [2500, 128], strides = [1, 1]} : vector<2560x128xf32> to vector<2500x128xf32>
    %mul3A = arith.mulf %add3A_24, %slice3A : vector<2500x128xf32>
    %swap3A_25 = arith.constant 0 : index
    %swap3A_26 = arith.constant 0 : index
    %swap3A_27 = vector.load %arg4[%swap3A_25, %swap3A_26] : memref<2560x128xf32, #tpu.memory_space<vmem>>, vector<2500x128xf32>
    tpu.vector_store %arg4[%swap3A_25, %swap3A_26], %mul3A {strides = array<i32>} : memref<2560x128xf32, #tpu.memory_space<vmem>>, vector<2500x128xf32>,
    %broadcast_in_dim3A = arith.constant 0.000000e+00 : f32
    %broadcast_in_dim3A_28 = vector.broadcast %broadcast_in_dim3A : f32 to vector<60x128xf32>
    %swap3A_29 = arith.constant 2500 : index
    %swap3A_30 = arith.constant 0 : index
    %swap3A_31 = vector.load %arg4[%swap3A_29, %swap3A_30] : memref<2560x128xf32, #tpu.memory_space<vmem>>, vector<60x128xf32>
    tpu.vector_store %arg4[%swap3A_29, %swap3A_30], %broadcast_in_dim3A_28 {strides = array<i32>} : memref<2560x128xf32, #tpu.memory_space<vmem>>, vector<60x128xf32>,
    return
  }
}

module attributes {stable_mosaic.version = 14 : i64} {
  func.func @_kmid_body(%arg0: memref<2x2560x128xf32, #tpu.memory_space<vmem>>, %arg1: memref<2560x128xf32, #tpu.memory_space<vmem>>, %arg2: memref<2560x128xf32, #tpu.memory_space<vmem>>, %arg3: memref<128x128xf32, #tpu.memory_space<vmem>>, %arg4: memref<1x128xf32, #tpu.memory_space<vmem>>, %arg5: memref<2560x128xf32, #tpu.memory_space<vmem>>) attributes {dimension_semantics = [], scalar_prefetch = 0 : i64, scratch_operands = 0 : i64, tpu.core_type = #tpu.core_type<tc>} {
    %get3A = arith.constant 0 : index
    %get3A_0 = arith.constant 0 : index
    %get3A_1 = vector.load %arg2[%get3A, %get3A_0] : memref<2560x128xf32, #tpu.memory_space<vmem>>, vector<2560x128xf32>
    %get3A_2 = arith.constant 0 : index
    %get3A_3 = arith.constant 0 : index
    %get3A_4 = arith.constant 0 : index
    %get3A_5 = vector.load %arg0[%get3A_2, %get3A_3, %get3A_4] : memref<2x2560x128xf32, #tpu.memory_space<vmem>>, vector<1x2560x128xf32>
    %get3A_6 = vector.shape_cast %get3A_5 : vector<1x2560x128xf32> to vector<2560x128xf32>
    %get3A_7 = arith.constant 1 : index
    %get3A_8 = arith.constant 0 : index
    %get3A_9 = arith.constant 0 : index
    %get3A_10 = vector.load %arg0[%get3A_7, %get3A_8, %get3A_9] : memref<2x2560x128xf32, #tpu.memory_space<vmem>>, vector<1x2560x128xf32>
    %get3A_11 = vector.shape_cast %get3A_10 : vector<1x2560x128xf32> to vector<2560x128xf32>
    %add3A = arith.addf %get3A_6, %get3A_11 : vector<2560x128xf32>
    %get3A_12 = arith.constant 0 : index
    %get3A_13 = arith.constant 0 : index
    %get3A_14 = vector.load %arg1[%get3A_12, %get3A_13] : memref<2560x128xf32, #tpu.memory_space<vmem>>, vector<2560x128xf32>
    %sub3A = arith.subf %add3A, %get3A_14 : vector<2560x128xf32>
    %mul3A = arith.mulf %sub3A, %get3A_1 : vector<2560x128xf32>
    %get3A_15 = arith.constant 0 : index
    %get3A_16 = arith.constant 0 : index
    %get3A_17 = vector.load %arg3[%get3A_15, %get3A_16] : memref<128x128xf32, #tpu.memory_space<vmem>>, vector<128x128xf32>
    %dot_general3A = arith.constant dense<0.000000e+00> : vector<2560x128xf32>
    %dot_general3A_18 = tpu.matmul %mul3A, %get3A_17, %dot_general3A {dimension_numbers = #tpu.dot_dimension_numbers<[1], [0], [0], [1], [0, 0, 1, 1], [], []>, transpose_lhs_hint = false} : vector<2560x128xf32>, vector<128x128xf32>, vector<2560x128xf32> -> vector<2560x128xf32>
    %get3A_19 = arith.constant 0 : index
    %get3A_20 = arith.constant 0 : index
    %get3A_21 = vector.load %arg4[%get3A_19, %get3A_20] : memref<1x128xf32, #tpu.memory_space<vmem>>, vector<1x128xf32>
    %add3A_22 = vector.broadcast %get3A_21 : vector<1x128xf32> to vector<2560x128xf32>
    %add3A_23 = arith.addf %dot_general3A_18, %add3A_22 : vector<2560x128xf32>
    %max3A = arith.constant 0.000000e+00 : f32
    %max3A_24 = vector.broadcast %max3A : f32 to vector<2560x128xf32>
    %max3A_25 = arith.maximumf %add3A_23, %max3A_24 : vector<2560x128xf32>
    %mul3A_26 = arith.mulf %max3A_25, %get3A_1 : vector<2560x128xf32>
    %swap3A = arith.constant 0 : index
    %swap3A_27 = arith.constant 0 : index
    %swap3A_28 = vector.load %arg5[%swap3A, %swap3A_27] : memref<2560x128xf32, #tpu.memory_space<vmem>>, vector<2560x128xf32>
    tpu.vector_store %arg5[%swap3A, %swap3A_27], %mul3A_26 {strides = array<i32>} : memref<2560x128xf32, #tpu.memory_space<vmem>>, vector<2560x128xf32>,
    return
  }
}

module attributes {stable_mosaic.version = 14 : i64} {
  func.func @_k3_body(%arg0: memref<2x2560x128xf32, #tpu.memory_space<vmem>>, %arg1: memref<2560x128xf32, #tpu.memory_space<vmem>>, %arg2: memref<2560x128xf32, #tpu.memory_space<vmem>>, %arg3: memref<128x128xf32, #tpu.memory_space<vmem>>, %arg4: memref<1x128xf32, #tpu.memory_space<vmem>>, %arg5: memref<128x512xf32, #tpu.memory_space<vmem>>, %arg6: memref<1x512xf32, #tpu.memory_space<vmem>>, %arg7: memref<2500x512xf32, #tpu.memory_space<vmem>>) attributes {dimension_semantics = [], scalar_prefetch = 0 : i64, scratch_operands = 0 : i64, tpu.core_type = #tpu.core_type<tc>} {
    %get3A = arith.constant 0 : index
    %get3A_0 = arith.constant 0 : index
    %get3A_1 = arith.constant 0 : index
    %get3A_2 = vector.load %arg0[%get3A, %get3A_0, %get3A_1] : memref<2x2560x128xf32, #tpu.memory_space<vmem>>, vector<1x2560x128xf32>
    %get3A_3 = vector.shape_cast %get3A_2 : vector<1x2560x128xf32> to vector<2560x128xf32>
    %get3A_4 = arith.constant 1 : index
    %get3A_5 = arith.constant 0 : index
    %get3A_6 = arith.constant 0 : index
    %get3A_7 = vector.load %arg0[%get3A_4, %get3A_5, %get3A_6] : memref<2x2560x128xf32, #tpu.memory_space<vmem>>, vector<1x2560x128xf32>
    %get3A_8 = vector.shape_cast %get3A_7 : vector<1x2560x128xf32> to vector<2560x128xf32>
    %add3A = arith.addf %get3A_3, %get3A_8 : vector<2560x128xf32>
    %get3A_9 = arith.constant 0 : index
    %get3A_10 = arith.constant 0 : index
    %get3A_11 = vector.load %arg1[%get3A_9, %get3A_10] : memref<2560x128xf32, #tpu.memory_space<vmem>>, vector<2560x128xf32>
    %sub3A = arith.subf %add3A, %get3A_11 : vector<2560x128xf32>
    %get3A_12 = arith.constant 0 : index
    %get3A_13 = arith.constant 0 : index
    %get3A_14 = vector.load %arg2[%get3A_12, %get3A_13] : memref<2560x128xf32, #tpu.memory_space<vmem>>, vector<2560x128xf32>
    %mul3A = arith.mulf %sub3A, %get3A_14 : vector<2560x128xf32>
    %get3A_15 = arith.constant 0 : index
    %get3A_16 = arith.constant 0 : index
    %get3A_17 = vector.load %arg3[%get3A_15, %get3A_16] : memref<128x128xf32, #tpu.memory_space<vmem>>, vector<128x128xf32>
    %dot_general3A = arith.constant dense<0.000000e+00> : vector<2560x128xf32>
    %dot_general3A_18 = tpu.matmul %mul3A, %get3A_17, %dot_general3A {dimension_numbers = #tpu.dot_dimension_numbers<[1], [0], [0], [1], [0, 0, 1, 1], [], []>, transpose_lhs_hint = false} : vector<2560x128xf32>, vector<128x128xf32>, vector<2560x128xf32> -> vector<2560x128xf32>
    %get3A_19 = arith.constant 0 : index
    %get3A_20 = arith.constant 0 : index
    %get3A_21 = vector.load %arg4[%get3A_19, %get3A_20] : memref<1x128xf32, #tpu.memory_space<vmem>>, vector<1x128xf32>
    %add3A_22 = vector.broadcast %get3A_21 : vector<1x128xf32> to vector<2560x128xf32>
    %add3A_23 = arith.addf %dot_general3A_18, %add3A_22 : vector<2560x128xf32>
    %max3A = arith.constant 0.000000e+00 : f32
    %max3A_24 = vector.broadcast %max3A : f32 to vector<2560x128xf32>
    %max3A_25 = arith.maximumf %add3A_23, %max3A_24 : vector<2560x128xf32>
    %slice3A = vector.extract_strided_slice %max3A_25 {offsets = [0, 0], sizes = [2500, 128], strides = [1, 1]} : vector<2560x128xf32> to vector<2500x128xf32>
    %get3A_26 = arith.constant 0 : index
    %get3A_27 = arith.constant 0 : index
    %get3A_28 = vector.load %arg5[%get3A_26, %get3A_27] : memref<128x512xf32, #tpu.memory_space<vmem>>, vector<128x512xf32>
    %dot_general3A_29 = arith.constant dense<0.000000e+00> : vector<2500x512xf32>
    %dot_general3A_30 = tpu.matmul %slice3A, %get3A_28, %dot_general3A_29 {dimension_numbers = #tpu.dot_dimension_numbers<[1], [0], [0], [1], [0, 0, 1, 1], [], []>, transpose_lhs_hint = false} : vector<2500x128xf32>, vector<128x512xf32>, vector<2500x512xf32> -> vector<2500x512xf32>
    %get3A_31 = arith.constant 0 : index
    %get3A_32 = arith.constant 0 : index
    %get3A_33 = vector.load %arg6[%get3A_31, %get3A_32] : memref<1x512xf32, #tpu.memory_space<vmem>>, vector<1x512xf32>
    %add3A_34 = vector.broadcast %get3A_33 : vector<1x512xf32> to vector<2500x512xf32>
    %add3A_35 = arith.addf %dot_general3A_30, %add3A_34 : vector<2500x512xf32>
    %swap3A = arith.constant 0 : index
    %swap3A_36 = arith.constant 0 : index
    %swap3A_37 = vector.load %arg7[%swap3A, %swap3A_36] : memref<2500x512xf32, #tpu.memory_space<vmem>>, vector<2500x512xf32>
    tpu.vector_store %arg7[%swap3A, %swap3A_36], %add3A_35 {strides = array<i32>} : memref<2500x512xf32, #tpu.memory_space<vmem>>, vector<2500x512xf32>,
    return
  }
}

</mosaic_0001>

<sc_bundles>
// kernel: kernel.10.cloned.1.call-start
scs
__scs_entry_jumppad:
0x0: {  	(pc) =	sbr.rel $0x88, $3  }
0x1: {  	(tag) =	ssettag $0x0;
	lr =	simm.s32 $0x1  }
0x2: {  	[smem:$0x3F95] =	sst lr;
	_ =	strace $0xD0000000  }
0x3: {  	_ = 	snop  }
0x4: {  	_ = 	snop  }
0x5: {  	_ = 	snop  }
0x6: {  	_ = 	snop  }
0x7: {  	_ = 	snop  }
__scs_overlays_trampoline_lowered:
0x8: {  	[smem:$0x3FA4] =	sst s0  }
0x9: {  	[smem:$0x3FA5] =	sst s1  }
0xa: {  	[smem:$0x3FA6] =	sst s2  }
0xb: {  	[smem:$0x3FA7] =	sst s3  }
0xc: {  	[smem:$0x3FA8] =	sst s4  }
0xd: {  	[smem:$0x3FA9] =	sst s5  }
0xe: {  	[smem:$0x3FAA] =	sst s6  }
0xf: {  	[smem:$0x3FAB] =	sst s7  }
0x10: {  	[smem:$0x3FAC] =	sst s8  }
0x11: {  	[smem:$0x3FAD] =	sst s9;
	s0 =	simm.s32 @!p0 $0x0  }
0x12: {  	s1 =	sld [smem:$0x3F93];
	s0 =	simm.s32 @p0 $0x1  }
0x13: {  	[smem:$0x3FAE] =	sst s0;
	s0 =	simm.s32 @!p1 $0x0  }
0x14: {  	s2 =	sld [smem:$0x3F92];
	s0 =	simm.s32 @p1 $0x1  }
0x15: {  	[smem:$0x3FAF] =	sst s0;
	s0 =	simm.s32 @!p2 $0x0  }
0x16: {  	s3 =	sld [smem:$0x3FDB];
	s0 =	simm.s32 @p2 $0x1  }
0x17: {  	s4 =	simm.s32 $0x1BF5;
	[smem:$0x3FB1] =	sst s0  }
0x18: {  	s0 =	sld [smem:$0x3F94];
	_ =	swait.ge [sflag:s4], $0x0  }
0x19: {  	s7 =	sld [smem:$0x3F95]  }
0x1a: {  	s8 =	sadd.s32 $0xFFFFE003, lr  }
0x1b: {  	s9 =	sadd.s32 $0xFFFFFEF7, lr;
	s5 =	simm.s32 $0xFFFFFFFF;
	p2 =	slt.u32 s8, $0xFFFFF086  }
0x1c: {  	p1 =	slt.u32 s9, $0xF7A;
	s5 =	simm.s32 @!p2 $0x0  }
0x1d: {  	s5 =	simm.s32 @p1 $0x1;
	p0 =	seq.s32 s7, s2  }
0x1e: {  	s7 =	smul.u32 @!p0 $0xF7A, s2;
	p2 =	seq.s32 @!p0 s5, $0x0  }
0x1f: {  	s9 =	smul.u32 $0xF7A, s1;
	s8 =	simm.s32 @!p0 $0x1BF5;
	p2 =	por !p2, p0  }
0x20: {  	[sflag:s8] =	ssyncset.s32 @!p0 $0xFFFFF086;
	s6 =	sadd.s32 @!p0 s3, s7;
	s7 =	simm.s32 @!p0 $0x108  }
0x21: {  	s3 =	sadd.s32 s3, s9;
	s6 =	sadd.s32 @!p0 $0x88, s6;
	s7 =	simm.s32 @p2 $0x1082  }
0x22: {  	[simem:s7], [sflag:s8] =	dma.local @!p0 [hbm:s6], $0xF7A  }
0x23: {  	s9 =	sor.u32 $0xD0000000, s2;
	s6 =	simm.s32 $0x108;
	_ =	swait.ge @!p0 [sflag:s8], $0x0  }
0x24: {  	s3 =	sadd.s32 $0x88, s3;
	s6 =	simm.s32 @!p1 $0x1082;
	[sflag:s4] =	ssyncset.s32 $0xFFFFF086  }
0x25: {  	[simem:s6], [sflag:s4] =	dma.local [hbm:s3], $0xF7A  }
0x26: {  	[smem:$0x3F95] =	sst s1;
	(tag) =	ssettag s2;
	_ =	strace s9  }
0x27: {  	s1 =	sld [smem:$0x3FA5]  }
0x28: {  	s2 =	sld [smem:$0x3FA6]  }
0x29: {  	s4 =	sld [smem:$0x3FA8]  }
0x2a: {  	p0 =	seq.s32 s5, $0x0;
	s5 =	sld [smem:$0x3FA9]  }
0x2b: {  	s6 =	sld [smem:$0x3FAA]  }
0x2c: {  	s7 =	sld [smem:$0x3FAB]  }
0x2d: {  	s3 =	simm.s32 $0x108;
	s8 =	sld [smem:$0x3FAC]  }
0x2e: {  	s3 =	simm.s32 @!p0 $0x1082;
	s9 =	sld [smem:$0x3FAD]  }
0x2f: {  	lr =	sadd.s32 s0, s3;
	s0 =	sld [smem:$0x3FA4]  }
0x30: {  	s3 =	sld [smem:$0x3FA7]  }
0x31: {  	[smem:$0x3FB0] =	sst s10  }
0x32: {  	s10 =	sld [smem:$0x3FAE];
	_ =	sdelay $0x3  }
0x33: {  	p0 =	seq.s32 s10, $0x1;
	s10 =	sld [smem:$0x3FB0];
	_ =	sdelay $0x3  }
0x34: {  	[smem:$0x3FB0] =	sst s10  }
0x35: {  	s10 =	sld [smem:$0x3FAF];
	_ =	sdelay $0x3  }
0x36: {  	p1 =	seq.s32 s10, $0x1;
	s10 =	sld [smem:$0x3FB0];
	_ =	sdelay $0x3  }
0x37: {  	[smem:$0x3FB0] =	sst s10  }
0x38: {  	s10 =	sld [smem:$0x3FB1]  }
0x39: {  	_ = 	snop;
	(pc) =	sbr.ind lr, $3  }
0x3a: {  	_ = 	snop  }
0x3b: {  	_ = 	snop  }
0x3c: {  	p2 =	seq.s32 s10, $0x1;
	s10 =	sld [smem:$0x3FB0]  }
0x3d: {  	_ =	shalt  }
0x3e: {  	_ =	shalt  }
0x3f: {  	_ =	shalt  }
0x40: {  	_ =	shalt  }
0x41: {  	_ =	shalt  }
0x42: {  	_ =	shalt  }
0x43: {  	_ =	shalt  }
0x44: {  	_ =	shalt  }
0x45: {  	_ =	shalt  }
0x46: {  	_ =	shalt  }
0x47: {  	_ =	shalt  }
0x48: {  	_ =	shalt  }
0x49: {  	_ =	shalt  }
0x4a: {  	_ =	shalt  }
0x4b: {  	_ =	shalt  }
0x4c: {  	_ =	shalt  }
0x4d: {  	_ =	shalt  }
0x4e: {  	_ =	shalt  }
0x4f: {  	_ =	shalt  }
0x50: {  	_ =	shalt  }
0x51: {  	_ =	shalt  }
0x52: {  	_ =	shalt  }
0x53: {  	_ =	shalt  }
0x54: {  	_ =	shalt  }
0x55: {  	_ =	shalt  }
0x56: {  	_ =	shalt  }
0x57: {  	_ =	shalt  }
0x58: {  	_ =	shalt  }
0x59: {  	_ =	shalt  }
0x5a: {  	_ =	shalt  }
0x5b: {  	_ =	shalt  }
0x5c: {  	_ =	shalt  }
0x5d: {  	_ =	shalt  }
0x5e: {  	_ =	shalt  }
0x5f: {  	_ =	shalt  }
0x60: {  	_ =	shalt  }
0x61: {  	_ =	shalt  }
0x62: {  	_ =	shalt  }
0x63: {  	_ =	shalt  }
0x64: {  	_ =	shalt  }
0x65: {  	_ =	shalt  }
0x66: {  	_ =	shalt  }
0x67: {  	_ =	shalt  }
0x68: {  	_ =	shalt  }
0x69: {  	_ =	shalt  }
0x6a: {  	_ =	shalt  }
0x6b: {  	_ =	shalt  }
0x6c: {  	_ =	shalt  }
0x6d: {  	_ =	shalt  }
0x6e: {  	_ =	shalt  }
0x6f: {  	_ =	shalt  }
0x70: {  	_ =	shalt  }
0x71: {  	_ =	shalt  }
0x72: {  	_ =	shalt  }
0x73: {  	_ =	shalt  }
0x74: {  	_ =	shalt  }
0x75: {  	_ =	shalt  }
0x76: {  	_ =	shalt  }
0x77: {  	_ =	shalt  }
0x78: {  	_ =	shalt  }
0x79: {  	_ =	shalt  }
0x7a: {  	_ =	shalt  }
0x7b: {  	_ =	shalt  }
0x7c: {  	_ =	shalt  }
0x7d: {  	_ =	shalt  }
0x7e: {  	_ =	shalt  }
0x7f: {  	_ =	shalt  }
0x80: {  	_ =	shalt  }
0x81: {  	_ =	shalt  }
0x82: {  	_ =	shalt  }
0x83: {  	_ =	shalt  }
0x84: {  	_ =	shalt  }
0x85: {  	_ =	shalt  }
0x86: {  	_ =	shalt  }
0x87: {  	_ =	shalt  }
.Lfunc_end0:
.L_simem_size_0:
called_computation_lowered:
.L_overlay_start_0:
0x88: {  	s2 =	sld [smem:$0x3FD9]  }
0x89: {  	s3 =	sld [smem:$0x3FFE];
	_ =	sdelay $0x1  }
0x8a: {  	s1 =	srdreg.scid  }
0x8b: {  	s0 =	sand.u32 $0x1, s1  }
0x8c: {  	s17 =	sshll.u32 s0, $0xA;
	s2 =	sadd.s32 s3, s2  }
0x8d: {  	s2 =	sadd.s32 s2, s17  }
0x8e: {  	[smem:$0x3FBC] =	sst s2  }
0x8f: {  	_ = 	snop  }
0x90: {  	s2 =	sld [smem:$0x3FD0];
	(tm) =	ssettm $0x1  }
0x91: {  	s18 =	sld [smem:$0x3FFB];
	_ =	sdelay $0x3  }
0x92: {  	_ =	strace s18  }
0x93: {  	s3 =	sld [smem:$0x3FFC];
	_ =	sdelay $0x3  }
0x94: {  	_ =	strace s3  }
0x95: {  	s3 =	sld [smem:$0x3FFD];
	_ =	sdelay $0x3  }
0x96: {  	_ =	strace s3  }
0x97: {  	_ =	strace $0x8FFFFFFF  }
0x98: {  	s19 =	sld [smem:$0x3FDB];
	_ =	sdelay $0x1  }
0x99: {  	s4 =	simm.s32 $_scs_section_size  }
0x9a: {  	s5 =	simm.s32 $_size__tile_overlayer_lowered;
	s6 =	simm.s32 $_tile_overlayer_lowered  }
0x9b: {  	s22 =	simm.s32 $0x1BFF;
	s21 =	sshll.u32 s6, $0x1;
	s3 =	sadd.s32 s4, s19  }
0x9c: {  	s7 =	simm.s32 $0x0;
	s20 =	sshll.u32 s5, $0x1;
	s5 =	sadd.s32 s21, s3  }
0x9d: {  	[timem:s7], [sflag:s22] =	dma.local [hbm:s5], s20  }
0x9e: {  	_ =	swait.ge [sflag:s22], s20  }
0x9f: {  	s4 =	ssub.s32 $0x0, s20;
	[sflag:s22] =	ssyncset.done $0x0  }
0xa0: {  	[sflag:s22] =	ssyncadd.s32 s4;
	_ =	sdelay $0x1  }
0xa1: {  	s23 =	simm.s32 $0x1B8B  }
0xa2: {  	_ =	swait.ge [sflag:s23], $0x1  }
0xa3: {  	[sflag:s23] =	ssyncset.done $0x0  }
0xa4: {  	s25 =	simm.s32 $0x1B8E;
	s24 =	sld [smem:$0x3FFE];
	[sflag:s23] =	ssyncadd.s32 $0xFFFFFFFF  }
0xa5: {  	s26 =	simm.s32 $execute0_lowered;
	[smem:$0x3FD2] =	sst s25  }
0xa6: {  	s5 =	sshll.u32 s26, $0x1;
	_ =	strace $0x80000046;
	[dreg:$0x1] =	wrdreg $0xFFFFFFFF  }
0xa7: {  	s28 =	simm.s32 $_size_execute0_lowered;
	s3 =	sadd.s32 s3, s5;
	[dreg:$0x0] =	wrdreg $0x0  }
0xa8: {  	s5 =	sshll.u32 s28, $0x1;
	[dreg:$0x2] =	wrdreg s3  }
0xa9: {  	[dreg:$0x3] =	wrdreg s5  }
0xaa: {  	[dreg:$0x4] =	wrdreg $0xC0  }
0xab: {  	_ =	task [dreg:s7], $0x5FFFF  }
0xac: {  	[dreg:$0x1] =	wrdreg $0xFFFFFFFF  }
0xad: {  	[dreg:$0x0] =	wrdreg $0x60  }
0xae: {  	[dreg:$0x2] =	wrdreg s24  }
0xaf: {  	[dreg:$0x3] =	wrdreg s2  }
0xb0: {  	[dreg:$0x4] =	wrdreg $0x7A800  }
0xb1: {  	[dreg:$0x5] =	wrdreg $0x9  }
0xb2: {  	_ =	task.clear_ibuf [dreg:s7], $0x6FFFF;
	_ =	strace $0x90000046  }
0xb3: {  	s29 =	simm.s32 $0x9;
	_ =	strace $0x80000048  }
0xb4: {  	_ =	swait.ge [sflag:s29], $0x1  }
0xb5: {  	[sflag:s29] =	ssyncadd.s32 $0xFFFFFFFF  }
0xb6: {  	_ =	strace $0x90000048  }
0xb7: {  	_ =	sfence  }
0xb8: {  	s30 =	sld [smem:$0x0];
	_ =	sdelay $0x2  }
0xb9: {  	s31 =	sshll.u32 s1, $0xD;
	s1 =	sshrl.u32 s1, $0x2  }
0xba: {  	s3 =	sand.u32 $0x4000, s31;
	s1 =	sadd.s32 s1, s30  }
0xbb: {  	s0 =	sor.u32 s3, s0;
	s1 =	sshll.u32 s1, $0x11  }
0xbc: {  	s0 =	sor.u32 s1, s0  }
0xbd: {  	s0 =	sadd.s32 $0x8F2B, s0  }
0xbe: {  	[sflag:s0] =	ssyncadd.remote.s32 $0x1  }
0xbf: {  	_ =	sfence.sel $0xFFFF  }
0xc0: {  	[dreg:$0x0] =	wrdreg $0xFFFFFFFF;
	(pc) =	sbr.abs _section_cstart, $3  }
0xc1: {  	[dreg:$0x1] =	wrdreg $0xFFFFFFFF  }
0xc2: {  	_ =	task.clear_ibuf [dreg:s7], $0x2FFFF;
	_ =	strace $0x9FFFFFFF  }
0xc3: {  	(tm) =	ssettm $0x7FFFFFFF  }
tec
execute0_lowered:
.L_overlay_start_1:
0x0: {  	(tag) =	ssettag $0x1  }
0x1: {  	s4 =	rddreg [dreg:$0x0]  }
0x2: {  	s8 =	rddreg [dreg:$0x1];
	s1 =	srdreg.scid  }
0x3: {  	s0 =	stileid.u32;
	s2 =	rddreg [dreg:$0x2];
	s3 =	simm.s32 $0x0  }
0x4: {  	s13 =	simm.s32 $0x2780;
	s14 =	simm.s32 $0x1;
	s15 =	simm.s32 $0x2A80  }
0x5: {  	s16 =	simm.s32 $0x0;
	s5 =	sand.u32 $0x1, s1;
	s1 =	rddreg [dreg:$0x3]  }
0x6: {  	s6 =	sshll.u32 s0, $0x1;
	[smem:$0x7FF] =	sst s3;
	s9 =	smul.u32 $0xA00, s0  }
0x7: {  	s11 =	smul.u32 $0x5000, s0;
	p0 =	slt.u32 s0, $0x2;
	s6 =	sor.u32 s5, s6  }
0x8: {  	_ =	strace $0x80000047;
	s28 =	ssub.s32 $0x2, s5;
	s5 =	smul.u32 $0x50000, s5  }
0x9: {  	s7 =	smul.u32 $0x4E, s6;
	s6 =	smin.u32 s6, $0x4;
	s10 =	sshrl.u32 s28, $0x1  }
0xa: {  	s29 =	sshrl.u32 s9, $0x2;
	s10 =	ssub.s32 s28, s10;
	s30 =	sadd.s32 s11, s5  }
0xb: {  	s5 =	sadd.s32 s29, s2;
	s11 =	simm.s32 $0x2;
	s6 =	sadd.s32 s6, s7  }
0xc: {  	s31 =	sshrl.u32 s30, $0x3;
	s9 =	smax.u32 s10, $0x1;
	s6 =	sshll.u32 s6, $0x4  }
0xd: {  	s10 =	simm.s32 $0x2800;
	s12 =	sadd.s32 s6, s4;
	s4 =	simm.s32 $0x4F  }
0xe: {  	s8 =	sadd.s32 s8, s31;
	s4 =	simm.s32 @!p0 $0x4E;
	s6 =	sadd.s32 $0xE040, s12  }
0xf: {  	v0 =	vimm.f32 $1.000000000e+00;
	s7 =	sadd.s32 $0xE520, s12;
	p0 =	sgt.u32 s0, $0x1;
	s12 =	simm.s32 $0x80  }
.LBB2_1:
0x10: {  	[tilespmem:$0x2780] =	vst v0  }
0x11: {  	[tilespmem:$0x2790] =	vst v0  }
0x12: {  	[tilespmem:$0x27A0] =	vst v0  }
0x13: {  	[tilespmem:$0x27B0] =	vst v0  }
0x14: {  	[tilespmem:$0x27C0] =	vst v0  }
0x15: {  	[tilespmem:$0x27D0] =	vst v0  }
0x16: {  	[tilespmem:$0x27E0] =	vst v0  }
0x17: {  	[tilespmem:$0x27F0] =	vst v0  }
0x18: {  	[tilespmem:$0x2800] =	vst v0  }
0x19: {  	[tilespmem:$0x2810] =	vst v0  }
0x1a: {  	[tilespmem:$0x2820] =	vst v0  }
0x1b: {  	[tilespmem:$0x2830] =	vst v0  }
0x1c: {  	[tilespmem:$0x2840] =	vst v0  }
0x1d: {  	[tilespmem:$0x2850] =	vst v0  }
0x1e: {  	[tilespmem:$0x2860] =	vst v0  }
0x1f: {  	[tilespmem:$0x2870] =	vst v0  }
0x20: {  	[tilespmem:$0x2880] =	vst v0  }
0x21: {  	[tilespmem:$0x2890] =	vst v0  }
0x22: {  	[tilespmem:$0x28A0] =	vst v0  }
0x23: {  	[tilespmem:$0x28B0] =	vst v0  }
0x24: {  	[tilespmem:$0x28C0] =	vst v0  }
0x25: {  	[tilespmem:$0x28D0] =	vst v0  }
0x26: {  	[tilespmem:$0x28E0] =	vst v0  }
0x27: {  	[tilespmem:$0x28F0] =	vst v0  }
0x28: {  	[tilespmem:$0x2900] =	vst v0  }
0x29: {  	[tilespmem:$0x2910] =	vst v0  }
0x2a: {  	[tilespmem:$0x2920] =	vst v0  }
0x2b: {  	[tilespmem:$0x2930] =	vst v0  }
0x2c: {  	[tilespmem:$0x2940] =	vst v0  }
0x2d: {  	[tilespmem:$0x2950] =	vst v0  }
0x2e: {  	[tilespmem:$0x2960] =	vst v0  }
0x2f: {  	[tilespmem:$0x2970] =	vst v0  }
0x30: {  	[tilespmem:$0x2980] =	vst v0  }
0x31: {  	[tilespmem:$0x2990] =	vst v0  }
0x32: {  	[tilespmem:$0x29A0] =	vst v0  }
0x33: {  	[tilespmem:$0x29B0] =	vst v0  }
0x34: {  	[tilespmem:$0x29C0] =	vst v0  }
0x35: {  	[tilespmem:$0x29D0] =	vst v0  }
0x36: {  	[tilespmem:$0x29E0] =	vst v0  }
0x37: {  	[tilespmem:$0x29F0] =	vst v0  }
0x38: {  	[tilespmem:$0x2A00] =	vst v0  }
0x39: {  	[tilespmem:$0x2A10] =	vst v0  }
0x3a: {  	[tilespmem:$0x2A20] =	vst v0  }
0x3b: {  	[tilespmem:$0x2A30] =	vst v0  }
0x3c: {  	[tilespmem:$0x2A40] =	vst v0  }
0x3d: {  	[tilespmem:$0x2A50] =	vst v0  }
0x3e: {  	[tilespmem:$0x2A60] =	vst v0  }
0x3f: {  	[tilespmem:$0x2A70] =	vst v0  }
0x40: {  	[spmem:s5] =	stream.linear.scatter [tilespmem:s10], [sflag:$0x2], $0x280, $0x38;
	[tilespmem:$0x7D00] =	vst v63  }
0x41: {  	_ =	swait.ge [sflag:s11], $0x280  }
0x42: {  	[sflag:s11] =	ssyncset.done $0x0  }
0x43: {  	[sflag:s11] =	ssyncadd.s32 $0xFFFFFD80  }
0x44: {  	[tilespmem:s3], [sflag:$0x2] =	stream.linear.gather [hbm4b:s6+s3], $0x2700, $0x38;
	[tilespmem:$0x7D00] =	vst v63  }
0x45: {  	_ =	swait.ge [sflag:s11], $0x2700  }
0x46: {  	[sflag:s11] =	ssyncset.done $0x0  }
0x47: {  	s17 =	simm.s32 @!p0 $0x0;
	s18 =	simm.s32 @!p0 $0x2700;
	[sflag:s11] =	ssyncadd.s32 $0xFFFFD900  }
0x48: {  	[tilespmem:s18], [sflag:$0x2] =	stream.linear.gather @!p0 [hbm4b:s7+s17], $0x80, $0x38;
	[tilespmem:$0x7D00] =	vst v63  }
0x49: {  	p1 =	sne.s32 s4, $0x1;
	s17 =	simm.s32 @!p0 $0x2  }
.Ltmp0:
0x4a: {  	_ =	swait.ge @!p0 [sflag:s17], $0x80;
	(pc) =	sbr.rel @!p1 .LBB2_3-.Ltmp0, $4  }
0x4b: {  	[sflag:s17] =	ssyncset.done @!p0 $0x0  }
0x4c: {  	[sflag:s17] =	ssyncadd.s32 @!p0 $0xFFFFFF80  }
0x4d: {  	s18 =	simm.s32 $0x0;
	s17 =	sadd.s32 $0xFFFFFFFF, s4;
	[bflag:$0x0] =	sbarrier.arrive $0xFFFF  }
0x4e: {  	[spmem:s2] =	stream.indirect.scatter.add.f32 [tilespmem:s13], [sflag:$0x1], $0x1, s3, s12, $0xb8;
	[tilespmem:$0x7D00] =	vst v63  }
.LBB2_2:
0x4f: {  	p2 =	sne.s32 s17, $0x1  }
.Ltmp1:
0x50: {  	_ = 	snop;
	(pc) =	sbr.rel @p2 .LBB2_2-.Ltmp1, $3  }
0x51: {  	_ = 	snop  }
0x52: {  	s17 =	sadd.s32 $0xFFFFFFFF, s17;
	s18 =	sadd.s32 $0x80, s18;
	_ =	sdelay $0x1  }
0x53: {  	[spmem:s2] =	stream.indirect.scatter.add.f32 [tilespmem:s13], [sflag:$0x1], $0x1, s18, s12, $0xb8;
	[tilespmem:$0x7D00] =	vst v63  }
.LBB2_3:
.Ltmp2:
0x54: {  	(pc) =	sbr.rel @!p1 .LBB2_5-.Ltmp2, $3  }
0x55: {  	_ =	sdelay $0x1  }
0x56: {  	_ =	swait.ge [sflag:s14], $0x80  }
0x57: {  	s17 =	sadd.s32 $0xFFFFFFFF, s4;
	[sflag:s14] =	ssyncset.done $0x0  }
.LBB2_4:
0x58: {  	p1 =	sne.s32 s17, $0x1;
	s17 =	sadd.s32 $0xFFFFFFFF, s17;
	[sflag:s14] =	ssyncadd.s32 $0xFFFFFF80  }
.Ltmp3:
0x59: {  	(pc) =	sbr.rel @p1 .LBB2_4-.Ltmp3, $3  }
0x5a: {  	_ =	sdelay $0x1  }
0x5b: {  	_ =	swait.ge [sflag:s14], $0x80  }
0x5c: {  	[sflag:s14] =	ssyncset.done $0x0  }
.LBB2_5:
0x5d: {  	[sflag:s14] =	ssyncadd.s32 $0xFFFFFF80;
	s17 =	simm.s32 $0x0  }
0x5e: {  	[bflag:$0x0] =	sbarrier.arrive $0xFFFF;
	v1 =	vmov s17  }
0x5f: {  	[tilespmem:s10], [sflag:$0x2] =	stream.linear.gather [spmem:s5], $0x280, $0x38;
	[tilespmem:$0x7D00] =	vst v63  }
0x60: {  	_ =	swait.ge [sflag:s11], $0x280  }
0x61: {  	[sflag:s11] =	ssyncset.done $0x0  }
0x62: {  	[sflag:s11] =	ssyncadd.s32 $0xFFFFFD80  }
0x63: {  	v1 =	vld.idx.msk [tilespmem:v1+s10+$0x0], $0xffff  }
0x64: {  	s31 =	simm.s32 $0x1  }
0x65: {  	v2 =	vmov s31;
	_ =	sdelay $0x1  }
0x66: {  	s17 =	simm.s32 $0x2A90  }
0x67: {  	[tilespmem:s17+$0xFFFFFFF0] =	vst v1  }
0x68: {  	[tilespmem:s17+$0x0] =	vst v1  }
0x69: {  	v1 =	vld.idx.msk [tilespmem:v2+s10+$0x0], $0xffff  }
0x6a: {  	s18 =	simm.s32 $0x2  }
0x6b: {  	v2 =	vmov s18;
	s18 =	simm.s32 $0x3  }
.LBB2_6:
0x6c: {  	p1 =	sne.s32 s18, $0x27F  }
0x6d: {  	s17 =	sadd.s32 $0x20, s17  }
0x6e: {  	[tilespmem:s17+$0xFFFFFFF0] =	vst v1  }
.Ltmp4:
0x6f: {  	[tilespmem:s17+$0x0] =	vst v1;
	(pc) =	sbr.rel @p1 .LBB2_6-.Ltmp4, $2  }
0x70: {  	v1 =	vld.idx.msk [tilespmem:v2+s10+$0x0], $0xffff;
	_ =	sdelay $0x2  }
0x71: {  	v2 =	vmov s18;
	s18 =	sadd.s32 $0x1, s18  }
0x72: {  	_ = 	snop  }
0x73: {  	s17 =	sadd.s32 $0x20, s17  }
0x74: {  	[tilespmem:s17+$0xFFFFFFF0] =	vst v1  }
0x75: {  	[tilespmem:s17+$0x0] =	vst v1  }
0x76: {  	v1 =	vld.idx.msk [tilespmem:v2+s10+$0x0], $0xffff;
	_ =	sdelay $0x3  }
0x77: {  	s16 =	sadd.s32 $0x1, s16;
	s17 =	sadd.s32 $0x20, s17  }
0x78: {  	p1 =	sne.s32 s16, s9;
	[tilespmem:s17+$0xFFFFFFF0] =	vst v1  }
.Ltmp5:
0x79: {  	[tilespmem:s17+$0x0] =	vst v1;
	(pc) =	sbr.rel @p1 .LBB2_1-.Ltmp5, $4  }
0x7a: {  	[hbm4b:s8+s3] =	stream.linear.scatter [tilespmem:s15], [sflag:$0x2], $0x5000, $0x38;
	[tilespmem:$0x7D00] =	vst v63  }
0x7b: {  	_ =	swait.ge [sflag:s11], $0x5000  }
0x7c: {  	[sflag:s11] =	ssyncset.done $0x0  }
0x7d: {  	[sflag:s11] =	ssyncadd.s32 $0xFFFFB000  }
0x7e: {  	_ =	sfence.sel $0x180000  }
0x7f: {  	[bflag:$0x0] =	sbarrier.arrive $0xFFFF  }
0x80: {  	p0 =	sne.s32 s0, $0x0;
	_ =	strace $0x90000047  }
0x81: {  	s0 =	sadd.s32 @!p0 $0x100000, s1;
	[bflag:$0x2] =	sbarrier.arrive $0xFFFF  }
0x82: {  	[sflag:s0] =	ssyncadd.tile.s32 @!p0 $0x1;
	_ =	shalt  }
.Lfunc_end2:
_tile_overlayer_lowered:
.L_overlay_start_2:
0x83: {  	(tag) =	ssettag $0x2  }
0x84: {  	s0 =	rddreg [dreg:$0x0];
	s2 =	stileid.u32  }
0x85: {  	s1 =	rddreg [dreg:$0x1];
	p0 =	sne.s32 s2, $0x0  }
0x86: {  	s3 =	rddreg [dreg:$0x2];
	[bflag:$0x3] =	sbarrier.arrive $0xFFFF;
	s2 =	simm.s32 @!p0 $0x1C02  }
0x87: {  	[timem:s3], [sflag:s2] =	dma.local @!p0 [hbm:s0], s1  }
0x88: {  	s0 =	simm.s32 @!p0 $0x2  }
0x89: {  	_ =	swait.ge @!p0 [sflag:s0], s1  }
0x8a: {  	s1 =	ssub.s32 @!p0 $0x0, s1;
	[sflag:s0] =	ssyncset.done @!p0 $0x0  }
0x8b: {  	[sflag:s0] =	ssyncadd.s32 @!p0 s1  }
0x8c: {  	[bflag:$0x3] =	sbarrier.arrive $0xFFFF  }
0x8d: {  	_ =	shalt  }

// kernel: kernel.13.cloned.1.call-start
scs
__scs_entry_jumppad:
0x0: {  	(pc) =	sbr.rel $0x88, $3  }
0x1: {  	(tag) =	ssettag $0x0;
	lr =	simm.s32 $0x1  }
0x2: {  	[smem:$0x3F95] =	sst lr;
	_ =	strace $0xD0000000  }
0x3: {  	_ = 	snop  }
0x4: {  	_ = 	snop  }
0x5: {  	_ = 	snop  }
0x6: {  	_ = 	snop  }
0x7: {  	_ = 	snop  }
__scs_overlays_trampoline_lowered:
0x8: {  	[smem:$0x3FA4] =	sst s0  }
0x9: {  	[smem:$0x3FA5] =	sst s1  }
0xa: {  	[smem:$0x3FA6] =	sst s2  }
0xb: {  	[smem:$0x3FA7] =	sst s3  }
0xc: {  	[smem:$0x3FA8] =	sst s4  }
0xd: {  	[smem:$0x3FA9] =	sst s5  }
0xe: {  	[smem:$0x3FAA] =	sst s6  }
0xf: {  	[smem:$0x3FAB] =	sst s7  }
0x10: {  	[smem:$0x3FAC] =	sst s8  }
0x11: {  	[smem:$0x3FAD] =	sst s9;
	s0 =	simm.s32 @!p0 $0x0  }
0x12: {  	s1 =	sld [smem:$0x3F93];
	s0 =	simm.s32 @p0 $0x1  }
0x13: {  	[smem:$0x3FAE] =	sst s0;
	s0 =	simm.s32 @!p1 $0x0  }
0x14: {  	s2 =	sld [smem:$0x3F92];
	s0 =	simm.s32 @p1 $0x1  }
0x15: {  	[smem:$0x3FAF] =	sst s0;
	s0 =	simm.s32 @!p2 $0x0  }
0x16: {  	s3 =	sld [smem:$0x3FDB];
	s0 =	simm.s32 @p2 $0x1  }
0x17: {  	s4 =	simm.s32 $0x1BF5;
	[smem:$0x3FB1] =	sst s0  }
0x18: {  	s0 =	sld [smem:$0x3F94];
	_ =	swait.ge [sflag:s4], $0x0  }
0x19: {  	s7 =	sld [smem:$0x3F95]  }
0x1a: {  	s8 =	sadd.s32 $0xFFFFE003, lr  }
0x1b: {  	s9 =	sadd.s32 $0xFFFFFEF7, lr;
	s5 =	simm.s32 $0xFFFFFFFF;
	p2 =	slt.u32 s8, $0xFFFFF086  }
0x1c: {  	p1 =	slt.u32 s9, $0xF7A;
	s5 =	simm.s32 @!p2 $0x0  }
0x1d: {  	s5 =	simm.s32 @p1 $0x1;
	p0 =	seq.s32 s7, s2  }
0x1e: {  	s7 =	smul.u32 @!p0 $0xF7A, s2;
	p2 =	seq.s32 @!p0 s5, $0x0  }
0x1f: {  	s9 =	smul.u32 $0xF7A, s1;
	s8 =	simm.s32 @!p0 $0x1BF5;
	p2 =	por !p2, p0  }
0x20: {  	[sflag:s8] =	ssyncset.s32 @!p0 $0xFFFFF086;
	s6 =	sadd.s32 @!p0 s3, s7;
	s7 =	simm.s32 @!p0 $0x108  }
0x21: {  	s3 =	sadd.s32 s3, s9;
	s6 =	sadd.s32 @!p0 $0x88, s6;
	s7 =	simm.s32 @p2 $0x1082  }
0x22: {  	[simem:s7], [sflag:s8] =	dma.local @!p0 [hbm:s6], $0xF7A  }
0x23: {  	s9 =	sor.u32 $0xD0000000, s2;
	s6 =	simm.s32 $0x108;
	_ =	swait.ge @!p0 [sflag:s8], $0x0  }
0x24: {  	s3 =	sadd.s32 $0x88, s3;
	s6 =	simm.s32 @!p1 $0x1082;
	[sflag:s4] =	ssyncset.s32 $0xFFFFF086  }
0x25: {  	[simem:s6], [sflag:s4] =	dma.local [hbm:s3], $0xF7A  }
0x26: {  	[smem:$0x3F95] =	sst s1;
	(tag) =	ssettag s2;
	_ =	strace s9  }
0x27: {  	s1 =	sld [smem:$0x3FA5]  }
0x28: {  	s2 =	sld [smem:$0x3FA6]  }
0x29: {  	s4 =	sld [smem:$0x3FA8]  }
0x2a: {  	p0 =	seq.s32 s5, $0x0;
	s5 =	sld [smem:$0x3FA9]  }
0x2b: {  	s6 =	sld [smem:$0x3FAA]  }
0x2c: {  	s7 =	sld [smem:$0x3FAB]  }
0x2d: {  	s3 =	simm.s32 $0x108;
	s8 =	sld [smem:$0x3FAC]  }
0x2e: {  	s3 =	simm.s32 @!p0 $0x1082;
	s9 =	sld [smem:$0x3FAD]  }
0x2f: {  	lr =	sadd.s32 s0, s3;
	s0 =	sld [smem:$0x3FA4]  }
0x30: {  	s3 =	sld [smem:$0x3FA7]  }
0x31: {  	[smem:$0x3FB0] =	sst s10  }
0x32: {  	s10 =	sld [smem:$0x3FAE];
	_ =	sdelay $0x3  }
0x33: {  	p0 =	seq.s32 s10, $0x1;
	s10 =	sld [smem:$0x3FB0];
	_ =	sdelay $0x3  }
0x34: {  	[smem:$0x3FB0] =	sst s10  }
0x35: {  	s10 =	sld [smem:$0x3FAF];
	_ =	sdelay $0x3  }
0x36: {  	p1 =	seq.s32 s10, $0x1;
	s10 =	sld [smem:$0x3FB0];
	_ =	sdelay $0x3  }
0x37: {  	[smem:$0x3FB0] =	sst s10  }
0x38: {  	s10 =	sld [smem:$0x3FB1]  }
0x39: {  	_ = 	snop;
	(pc) =	sbr.ind lr, $3  }
0x3a: {  	_ = 	snop  }
0x3b: {  	_ = 	snop  }
0x3c: {  	p2 =	seq.s32 s10, $0x1;
	s10 =	sld [smem:$0x3FB0]  }
0x3d: {  	_ =	shalt  }
0x3e: {  	_ =	shalt  }
0x3f: {  	_ =	shalt  }
0x40: {  	_ =	shalt  }
0x41: {  	_ =	shalt  }
0x42: {  	_ =	shalt  }
0x43: {  	_ =	shalt  }
0x44: {  	_ =	shalt  }
0x45: {  	_ =	shalt  }
0x46: {  	_ =	shalt  }
0x47: {  	_ =	shalt  }
0x48: {  	_ =	shalt  }
0x49: {  	_ =	shalt  }
0x4a: {  	_ =	shalt  }
0x4b: {  	_ =	shalt  }
0x4c: {  	_ =	shalt  }
0x4d: {  	_ =	shalt  }
0x4e: {  	_ =	shalt  }
0x4f: {  	_ =	shalt  }
0x50: {  	_ =	shalt  }
0x51: {  	_ =	shalt  }
0x52: {  	_ =	shalt  }
0x53: {  	_ =	shalt  }
0x54: {  	_ =	shalt  }
0x55: {  	_ =	shalt  }
0x56: {  	_ =	shalt  }
0x57: {  	_ =	shalt  }
0x58: {  	_ =	shalt  }
0x59: {  	_ =	shalt  }
0x5a: {  	_ =	shalt  }
0x5b: {  	_ =	shalt  }
0x5c: {  	_ =	shalt  }
0x5d: {  	_ =	shalt  }
0x5e: {  	_ =	shalt  }
0x5f: {  	_ =	shalt  }
0x60: {  	_ =	shalt  }
0x61: {  	_ =	shalt  }
0x62: {  	_ =	shalt  }
0x63: {  	_ =	shalt  }
0x64: {  	_ =	shalt  }
0x65: {  	_ =	shalt  }
0x66: {  	_ =	shalt  }
0x67: {  	_ =	shalt  }
0x68: {  	_ =	shalt  }
0x69: {  	_ =	shalt  }
0x6a: {  	_ =	shalt  }
0x6b: {  	_ =	shalt  }
0x6c: {  	_ =	shalt  }
0x6d: {  	_ =	shalt  }
0x6e: {  	_ =	shalt  }
0x6f: {  	_ =	shalt  }
0x70: {  	_ =	shalt  }
0x71: {  	_ =	shalt  }
0x72: {  	_ =	shalt  }
0x73: {  	_ =	shalt  }
0x74: {  	_ =	shalt  }
0x75: {  	_ =	shalt  }
0x76: {  	_ =	shalt  }
0x77: {  	_ =	shalt  }
0x78: {  	_ =	shalt  }
0x79: {  	_ =	shalt  }
0x7a: {  	_ =	shalt  }
0x7b: {  	_ =	shalt  }
0x7c: {  	_ =	shalt  }
0x7d: {  	_ =	shalt  }
0x7e: {  	_ =	shalt  }
0x7f: {  	_ =	shalt  }
0x80: {  	_ =	shalt  }
0x81: {  	_ =	shalt  }
0x82: {  	_ =	shalt  }
0x83: {  	_ =	shalt  }
0x84: {  	_ =	shalt  }
0x85: {  	_ =	shalt  }
0x86: {  	_ =	shalt  }
0x87: {  	_ =	shalt  }
.Lfunc_end0:
.L_simem_size_0:
called_computation.1_lowered:
.L_overlay_start_0:
0x88: {  	s2 =	sld [smem:$0x3FD9]  }
0x89: {  	s3 =	sld [smem:$0x3FFE];
	_ =	sdelay $0x1  }
0x8a: {  	s1 =	srdreg.scid  }
0x8b: {  	s0 =	sand.u32 $0x1, s1  }
0x8c: {  	s17 =	sshll.u32 s0, $0xA;
	s2 =	sadd.s32 s3, s2  }
0x8d: {  	s2 =	sadd.s32 s2, s17  }
0x8e: {  	[smem:$0x3FBC] =	sst s2  }
0x8f: {  	_ = 	snop  }
0x90: {  	s2 =	sld [smem:$0x3FD0];
	(tm) =	ssettm $0x1  }
0x91: {  	s18 =	sld [smem:$0x3FFB];
	_ =	sdelay $0x3  }
0x92: {  	_ =	strace s18  }
0x93: {  	s3 =	sld [smem:$0x3FFC];
	_ =	sdelay $0x3  }
0x94: {  	_ =	strace s3  }
0x95: {  	s3 =	sld [smem:$0x3FFD];
	_ =	sdelay $0x3  }
0x96: {  	_ =	strace s3  }
0x97: {  	_ =	strace $0x8FFFFFFF  }
0x98: {  	s19 =	sld [smem:$0x3FDB];
	_ =	sdelay $0x1  }
0x99: {  	s4 =	simm.s32 $_scs_section_size  }
0x9a: {  	s5 =	simm.s32 $_size__tile_overlayer_lowered;
	s6 =	simm.s32 $_tile_overlayer_lowered  }
0x9b: {  	s22 =	simm.s32 $0x1BFF;
	s21 =	sshll.u32 s6, $0x1;
	s3 =	sadd.s32 s4, s19  }
0x9c: {  	s7 =	simm.s32 $0x0;
	s20 =	sshll.u32 s5, $0x1;
	s5 =	sadd.s32 s21, s3  }
0x9d: {  	[timem:s7], [sflag:s22] =	dma.local [hbm:s5], s20  }
0x9e: {  	_ =	swait.ge [sflag:s22], s20  }
0x9f: {  	s4 =	ssub.s32 $0x0, s20;
	[sflag:s22] =	ssyncset.done $0x0  }
0xa0: {  	[sflag:s22] =	ssyncadd.s32 s4;
	_ =	sdelay $0x1  }
0xa1: {  	s23 =	simm.s32 $0x1B8B  }
0xa2: {  	_ =	swait.ge [sflag:s23], $0x1  }
0xa3: {  	[sflag:s23] =	ssyncset.done $0x0  }
0xa4: {  	s25 =	simm.s32 $0x1B8E;
	s24 =	sld [smem:$0x3FFE];
	[sflag:s23] =	ssyncadd.s32 $0xFFFFFFFF  }
0xa5: {  	s26 =	simm.s32 $execute0_lowered;
	[smem:$0x3FD2] =	sst s25  }
0xa6: {  	s5 =	sshll.u32 s26, $0x1;
	_ =	strace $0x80000049;
	[dreg:$0x1] =	wrdreg $0xFFFFFFFF  }
0xa7: {  	s28 =	simm.s32 $_size_execute0_lowered;
	s3 =	sadd.s32 s3, s5;
	[dreg:$0x0] =	wrdreg $0x0  }
0xa8: {  	s5 =	sshll.u32 s28, $0x1;
	[dreg:$0x2] =	wrdreg s3  }
0xa9: {  	[dreg:$0x3] =	wrdreg s5  }
0xaa: {  	[dreg:$0x4] =	wrdreg $0xC0  }
0xab: {  	_ =	task [dreg:s7], $0x5FFFF  }
0xac: {  	[dreg:$0x1] =	wrdreg $0xFFFFFFFF  }
0xad: {  	[dreg:$0x0] =	wrdreg $0x60  }
0xae: {  	[dreg:$0x2] =	wrdreg s24  }
0xaf: {  	[dreg:$0x3] =	wrdreg s2  }
0xb0: {  	[dreg:$0x4] =	wrdreg $0x11F000  }
0xb1: {  	[dreg:$0x5] =	wrdreg $0xCF000  }
0xb2: {  	[dreg:$0x6] =	wrdreg $0x9  }
0xb3: {  	_ =	task.clear_ibuf [dreg:s7], $0x7FFFF;
	_ =	strace $0x90000049  }
0xb4: {  	s29 =	simm.s32 $0x9;
	_ =	strace $0x8000004B  }
0xb5: {  	_ =	swait.ge [sflag:s29], $0x1  }
0xb6: {  	[sflag:s29] =	ssyncadd.s32 $0xFFFFFFFF  }
0xb7: {  	_ =	strace $0x9000004B  }
0xb8: {  	_ =	sfence  }
0xb9: {  	s30 =	sld [smem:$0x0];
	_ =	sdelay $0x2  }
0xba: {  	s31 =	sshll.u32 s1, $0xD;
	s1 =	sshrl.u32 s1, $0x2  }
0xbb: {  	s3 =	sand.u32 $0x4000, s31;
	s1 =	sadd.s32 s1, s30  }
0xbc: {  	s0 =	sor.u32 s3, s0;
	s1 =	sshll.u32 s1, $0x11  }
0xbd: {  	s0 =	sor.u32 s1, s0  }
0xbe: {  	s0 =	sadd.s32 $0x8F2B, s0  }
0xbf: {  	[sflag:s0] =	ssyncadd.remote.s32 $0x1  }
0xc0: {  	_ =	sfence.sel $0xFFFF  }
0xc1: {  	[dreg:$0x0] =	wrdreg $0xFFFFFFFF;
	(pc) =	sbr.abs _section_cstart, $3  }
0xc2: {  	[dreg:$0x1] =	wrdreg $0xFFFFFFFF  }
0xc3: {  	_ =	task.clear_ibuf [dreg:s7], $0x2FFFF;
	_ =	strace $0x9FFFFFFF  }
0xc4: {  	(tm) =	ssettm $0x7FFFFFFF  }
0xc5: {  	_ =	shalt  }
tec
execute0_lowered:
.L_overlay_start_1:
0x0: {  	(tag) =	ssettag $0x1  }
0x1: {  	s0 =	rddreg [dreg:$0x0]  }
0x2: {  	s1 =	rddreg [dreg:$0x1];
	s3 =	srdreg.scid  }
0x3: {  	s12 =	stileid.u32;
	s2 =	rddreg [dreg:$0x2]  }
0x4: {  	s19 =	simm.s32 $0x0;
	s31 =	simm.s32 $0x1;
	s30 =	simm.s32 $0x80  }
0x5: {  	s6 =	sand.u32 $0x1, s3;
	s4 =	sshll.u32 s12, $0x1;
	s3 =	rddreg [dreg:$0x3]  }
0x6: {  	[smem:$0x7FF] =	sst s19;
	s8 =	smul.u32 $0x5000, s12;
	p0 =	slt.u32 s12, $0x2  }
0x7: {  	s5 =	sor.u32 s6, s4;
	_ =	strace $0x8000004A;
	s11 =	smul.u32 $0x50000, s6  }
0x8: {  	s9 =	ssub.s32 $0x2, s6;
	s7 =	smul.u32 $0x4E, s5;
	s5 =	smin.u32 s5, $0x4  }
0x9: {  	s20 =	sshrl.u32 s8, $0x3;
	s21 =	sshrl.u32 s9, $0x1;
	s23 =	sadd.s32 s8, s3  }
0xa: {  	s22 =	ssub.s32 s9, s21;
	s9 =	sadd.s32 s8, s2;
	s5 =	sadd.s32 s5, s7  }
0xb: {  	[dreg:$0x5] =	wrdreg s23;
	s28 =	sadd.s32 s8, s11;
	s5 =	sshll.u32 s5, $0x4  }
0xc: {  	s8 =	simm.s32 $0xA;
	s10 =	sadd.s32 s5, s0;
	s5 =	simm.s32 $0x4F  }
0xd: {  	s0 =	sadd.s32 s20, s0;
	s5 =	simm.s32 @!p0 $0x4E;
	s24 =	sadd.s32 $0x4400, s10  }
0xe: {  	s6 =	sadd.s32 $0x17E00, s0;
	s25 =	sadd.s32 $0xE040, s10;
	[dreg:$0x6] =	wrdreg s24  }
0xf: {  	s26 =	sadd.s32 $0x48E0, s10;
	s29 =	sadd.s32 $0xE520, s10;
	[dreg:$0x7] =	wrdreg s25  }
0x10: {  	s0 =	sshrl.u32 s28, $0x3;
	s10 =	smax.u32 s22, $0x1;
	[dreg:$0x8] =	wrdreg s26  }
0x11: {  	p0 =	sgt.u32 s12, $0x1;
	s28 =	sshrl.u32 s9, $0x3;
	[dreg:$0x9] =	wrdreg s29  }
0x12: {  	s9 =	simm.s32 $0xB;
	s4 =	sadd.s32 $0xFFFFFFFD, s5;
	[dreg:$0xb] =	wrdreg s10  }
0x13: {  	s0 =	sadd.s32 s1, s0;
	s15 =	sadd.s32 $0xFFFFFFFE, s5;
	[dreg:$0x15] =	wrdreg s28  }
0x14: {  	s21 =	sadd.s32 $0xFFFFFFFF, s5;
	s10 =	simm.s32 $0xC;
	[dreg:$0xa] =	wrdreg s0  }
0x15: {  	s11 =	sand.u32 $0x7, s4;
	s16 =	sshll.u32 s4, $0x7;
	s17 =	sand.u32 $0x5, s15  }
0x16: {  	s20 =	sshll.u32 s15, $0x7;
	s23 =	sand.u32 $0x7, s21;
	s7 =	sshll.u32 s21, $0x7  }
0x17: {  	s15 =	simm.s32 $0x10;
	s14 =	sadd.s32 $0x1, s11;
	s13 =	sshll.u32 s11, $0xC  }
0x18: {  	s0 =	sadd.s32 $0x9, s11;
	s18 =	sadd.s32 $0x1, s17;
	s19 =	sshll.u32 s17, $0xC  }
0x19: {  	s22 =	sadd.s32 $0x2780, s20;
	s24 =	sadd.s32 $0x9, s17;
	[dreg:$0xe] =	wrdreg s0  }
0x1a: {  	s25 =	sshll.u32 s23, $0xC;
	s26 =	sadd.s32 $0x2780, s7;
	[dreg:$0x10] =	wrdreg s22  }
0x1b: {  	s7 =	simm.s32 $0x9;
	s11 =	simm.s32 $0xD;
	[dreg:$0x11] =	wrdreg s24  }
0x1c: {  	s17 =	simm.s32 $0x0;
	s1 =	sadd.s32 $0x4F00, s13;
	[dreg:$0x13] =	wrdreg s26  }
0x1d: {  	s0 =	sadd.s32 $0x4F00, s19;
	s24 =	sadd.s32 $0x1, s23;
	[dreg:$0xc] =	wrdreg s1  }
0x1e: {  	s26 =	sshll.u32 s12, $0x6;
	s1 =	sadd.s32 $0x2780, s16;
	[dreg:$0xf] =	wrdreg s0  }
0x1f: {  	s12 =	simm.s32 $0xE;
	s0 =	sadd.s32 $0x9, s23;
	[dreg:$0xd] =	wrdreg s1  }
0x20: {  	s13 =	simm.s32 $0xF;
	s29 =	sor.u32 $0x1C01, s26;
	[dreg:$0x14] =	wrdreg s0  }
0x21: {  	s16 =	simm.s32 $0x11;
	s1 =	sadd.s32 $0x4F00, s25;
	[dreg:$0x16] =	wrdreg s29  }
0x22: {  	s0 =	simm.s32 $0x4;
	[dreg:$0x12] =	wrdreg s1;
	s1 =	simm.s32 $0x2  }
.LBB2_1:
0x23: {  	s4 =	rddreg [dreg:$0x15]  }
0x24: {  	s19 =	rddreg [dreg:$0x16]  }
0x25: {  	[spmem:s4], [sflag:s19] =	dma.local [hbm:s6], $0xA00  }
0x26: {  	s4 =	rddreg [dreg:$0x5]  }
0x27: {  	s20 =	sor.u32 $0x1C02, s26;
	s19 =	sshrl.u32 s4, $0x3  }
0x28: {  	[spmem:s19], [sflag:s20] =	dma.local [hbm:s6], $0xA00  }
0x29: {  	s4 =	simm.s32 $0x0;
	s20 =	rddreg [dreg:$0x6]  }
0x2a: {  	[tilespmem:s4], [sflag:$0x3] =	stream.linear.gather [hbm4b:s20+s4], $0x2700, $0x38;
	[tilespmem:$0x16F00] =	vst v63  }
0x2b: {  	s21 =	simm.s32 $0x2780;
	s23 =	rddreg [dreg:$0x7]  }
0x2c: {  	[tilespmem:s21], [sflag:$0x4] =	stream.linear.gather [hbm4b:s23+s4], $0x2700, $0x38;
	[tilespmem:$0x16F00] =	vst v63  }
0x2d: {  	s22 =	rddreg [dreg:$0x8];
	s20 =	simm.s32 @!p0 $0x0;
	s21 =	simm.s32 @!p0 $0x2700  }
0x2e: {  	[tilespmem:s21], [sflag:$0x11] =	stream.linear.gather @!p0 [hbm4b:s22+s20], $0x80, $0x38;
	[tilespmem:$0x16F00] =	vst v63  }
0x2f: {  	s21 =	simm.s32 @!p0 $0x11  }
0x30: {  	_ =	swait.ge @!p0 [sflag:s21], $0x80  }
0x31: {  	[sflag:s21] =	ssyncset.done @!p0 $0x0  }
0x32: {  	s22 =	simm.s32 @!p0 $0x4E80;
	s23 =	rddreg [dreg:$0x9];
	[sflag:s21] =	ssyncadd.s32 @!p0 $0xFFFFFF80  }
0x33: {  	[tilespmem:s22], [sflag:$0x11] =	stream.linear.gather @!p0 [hbm4b:s23+s20], $0x80, $0x38;
	[tilespmem:$0x16F00] =	vst v63  }
0x34: {  	_ =	swait.ge @!p0 [sflag:s21], $0x80  }
0x35: {  	[sflag:s21] =	ssyncset.done @!p0 $0x0  }
0x36: {  	[sflag:s21] =	ssyncadd.s32 @!p0 $0xFFFFFF80  }
0x37: {  	_ =	swait.ge [sflag:s31], $0xA00  }
0x38: {  	[sflag:s31] =	ssyncset.done $0x0  }
0x39: {  	[sflag:s31] =	ssyncadd.s32 $0xFFFFF600  }
0x3a: {  	_ =	swait.ge [sflag:s1], $0xA00  }
0x3b: {  	[sflag:s1] =	ssyncset.done $0x0  }
0x3c: {  	s22 =	simm.s32 $0x3;
	[sflag:s1] =	ssyncadd.s32 $0xFFFFF600  }
0x3d: {  	_ =	swait.ge [sflag:s22], $0x2700  }
0x3e: {  	[sflag:s22] =	ssyncset.done $0x0  }
0x3f: {  	[sflag:s22] =	ssyncadd.s32 $0xFFFFD900  }
0x40: {  	_ =	swait.ge [sflag:s0], $0x2700  }
0x41: {  	[sflag:s0] =	ssyncset.done $0x0  }
0x42: {  	[sflag:s0] =	ssyncadd.s32 $0xFFFFD900  }
0x43: {  	s25 =	simm.s32 $0x4F00;
	[bflag:$0x0] =	sbarrier.arrive $0xFFFF  }
0x44: {  	[tilespmem:s25], [sflag:$0x1] =	stream.indirect.gather [spmem:s2], $0x20, s4, s30, $0xb8;
	[tilespmem:$0x16F00] =	vst v63  }
0x45: {  	s21 =	simm.s32 $0x5F00  }
0x46: {  	[tilespmem:s21], [sflag:$0x2] =	stream.indirect.gather [spmem:s2], $0x20, s30, s30, $0xb8;
	[tilespmem:$0x16F00] =	vst v63  }
0x47: {  	p1 =	por $0x1, $0x1;
	s23 =	simm.s32 $0x100;
	s25 =	simm.s32 $0x6F00  }
0x48: {  	[tilespmem:s25], [sflag:$0x3] =	stream.indirect.gather [spmem:s2], $0x20, s23, s30, $0xb8;
	[tilespmem:$0x16F00] =	vst v63  }
0x49: {  	s23 =	sand.u32 @!p1 $0x7, s22  }
0x4a: {  	s28 =	simm.s32 $0x0;
	s25 =	sadd.s32 @!p1 $0x9, s23  }
0x4b: {  	s29 =	sand.u32 $0x7, s28;
	s20 =	simm.s32 $0x180;
	_ =	swait.ge @!p1 [sflag:s25], $0x1000  }
0x4c: {  	s4 =	sshll.u32 s29, $0xC;
	s23 =	smov.u32 @p1 s22;
	[sflag:s25] =	ssyncset.done @!p1 $0x0  }
0x4d: {  	s22 =	sshll.u32 s23, $0xC;
	[sflag:s25] =	ssyncadd.s32 @!p1 $0xFFFFF000;
	p1 =	sne.s32 s5, $0x4  }
.Ltmp0:
0x4e: {  	s28 =	sadd.s32 $0x4F00, s4;
	s22 =	sand.u32 $0x3FFFF000, s22;
	(pc) =	sbr.rel @!p1 .LBB2_3-.Ltmp0, $4  }
0x4f: {  	s23 =	sadd.s32 $0x1, s23;
	s22 =	sadd.s32 $0x4F00, s22;
	s25 =	sadd.s32 $0x1, s29  }
0x50: {  	[tilespmem:s22], [sflag:s23] =	stream.indirect.gather [spmem:s2], $0x20, s20, s30, $0xb8;
	[tilespmem:$0x16F00] =	vst v63  }
0x51: {  	s21 =	simm.s32 $0x4;
	s29 =	sadd.s32 $0x9, s29;
	_ =	swait.ge [sflag:s25], $0x1000  }
0x52: {  	s22 =	simm.s32 $0x2800;
	s23 =	simm.s32 $0x2780;
	[sflag:s25] =	ssyncset.done $0x0  }
.LBB2_2:
0x53: {  	[sflag:s25] =	ssyncadd.s32 $0xFFFFF000  }
0x54: {  	s20 =	sadd.s32 $0x80, s20;
	s25 =	smov.u32 s21;
	s21 =	sadd.s32 $0x1, s21  }
0x55: {  	[spmem:s3] =	stream.indirect.scatter.add.f32 [tilespmem:s28], [sflag:s29], $0x20, s23, s30, $0xb8;
	[tilespmem:$0x16F00] =	vst v63  }
0x56: {  	p2 =	slt.u32 s25, $0x8  }
0x57: {  	p1 =	sne.s32 s5, s21;
	s23 =	smov.u32 s22;
	s28 =	sand.u32 @!p2 $0x7, s25  }
0x58: {  	s29 =	sadd.s32 @!p2 $0x9, s28;
	s28 =	smov.u32 @p2 s25  }
0x59: {  	s4 =	sshll.u32 s28, $0xC  }
0x5a: {  	s28 =	sadd.s32 $0x1, s28;
	_ =	swait.ge @!p2 [sflag:s29], $0x1000;
	s4 =	sand.u32 $0x3FFFF000, s4  }
0x5b: {  	s25 =	sadd.s32 $0xFFFFFFFD, s25;
	[sflag:s29] =	ssyncset.done @!p2 $0x0;
	s4 =	sadd.s32 $0x4F00, s4  }
.Ltmp1:
0x5c: {  	[sflag:s29] =	ssyncadd.s32 @!p2 $0xFFFFF000;
	s29 =	sand.u32 $0x7, s25;
	(pc) =	sbr.rel @p1 .LBB2_2-.Ltmp1, $4  }
0x5d: {  	[tilespmem:s4], [sflag:s28] =	stream.indirect.gather [spmem:s2], $0x20, s20, s30, $0xb8;
	[tilespmem:$0x16F00] =	vst v63  }
0x5e: {  	s25 =	sadd.s32 $0x1, s29;
	s4 =	sshll.u32 s29, $0xC  }
0x5f: {  	s22 =	sadd.s32 $0x80, s22;
	_ =	swait.ge [sflag:s25], $0x1000  }
0x60: {  	s29 =	sadd.s32 $0x9, s29;
	s28 =	sadd.s32 $0x4F00, s4;
	[sflag:s25] =	ssyncset.done $0x0  }
.LBB2_3:
0x61: {  	[sflag:s25] =	ssyncadd.s32 $0xFFFFF000  }
0x62: {  	[spmem:s3] =	stream.indirect.scatter.add.f32 [tilespmem:s28], [sflag:s29], $0x20, s23, s30, $0xb8;
	[tilespmem:$0x16F00] =	vst v63  }
0x63: {  	_ =	swait.ge [sflag:s14], $0x1000  }
0x64: {  	s4 =	rddreg [dreg:$0xc]  }
0x65: {  	[sflag:s14] =	ssyncset.done $0x0;
	s20 =	rddreg [dreg:$0xd]  }
0x66: {  	s21 =	rddreg [dreg:$0xe];
	[sflag:s14] =	ssyncadd.s32 $0xFFFFF000  }
0x67: {  	[spmem:s3] =	stream.indirect.scatter.add.f32 [tilespmem:s4], [sflag:s21], $0x20, s20, s30, $0xb8;
	[tilespmem:$0x16F00] =	vst v63  }
0x68: {  	_ =	swait.ge [sflag:s18], $0x1000  }
0x69: {  	s25 =	rddreg [dreg:$0xf]  }
0x6a: {  	[sflag:s18] =	ssyncset.done $0x0;
	s28 =	rddreg [dreg:$0x10]  }
0x6b: {  	s29 =	rddreg [dreg:$0x11];
	[sflag:s18] =	ssyncadd.s32 $0xFFFFF000  }
0x6c: {  	[spmem:s3] =	stream.indirect.scatter.add.f32 [tilespmem:s25], [sflag:s29], $0x20, s28, s30, $0xb8;
	[tilespmem:$0x16F00] =	vst v63  }
0x6d: {  	_ =	swait.ge [sflag:s24], $0x1000  }
0x6e: {  	s21 =	rddreg [dreg:$0x12]  }
0x6f: {  	[sflag:s24] =	ssyncset.done $0x0;
	s22 =	rddreg [dreg:$0x13]  }
0x70: {  	s23 =	rddreg [dreg:$0x14];
	[sflag:s24] =	ssyncadd.s32 $0xFFFFF000  }
0x71: {  	[spmem:s3] =	stream.indirect.scatter.add.f32 [tilespmem:s21], [sflag:s23], $0x20, s22, s30, $0xb8;
	[tilespmem:$0x16F00] =	vst v63  }
0x72: {  	_ =	swait.ge [sflag:s7], $0x1000  }
0x73: {  	[sflag:s7] =	ssyncset.done $0x0  }
0x74: {  	[sflag:s7] =	ssyncadd.s32 $0xFFFFF000  }
0x75: {  	_ =	swait.ge [sflag:s8], $0x1000  }
0x76: {  	[sflag:s8] =	ssyncset.done $0x0  }
0x77: {  	[sflag:s8] =	ssyncadd.s32 $0xFFFFF000  }
0x78: {  	_ =	swait.ge [sflag:s9], $0x1000  }
0x79: {  	[sflag:s9] =	ssyncset.done $0x0  }
0x7a: {  	[sflag:s9] =	ssyncadd.s32 $0xFFFFF000  }
0x7b: {  	_ =	swait.ge [sflag:s10], $0x1000  }
0x7c: {  	[sflag:s10] =	ssyncset.done $0x0  }
0x7d: {  	[sflag:s10] =	ssyncadd.s32 $0xFFFFF000  }
0x7e: {  	_ =	swait.ge [sflag:s11], $0x1000  }
0x7f: {  	[sflag:s11] =	ssyncset.done $0x0  }
0x80: {  	[sflag:s11] =	ssyncadd.s32 $0xFFFFF000  }
0x81: {  	_ =	swait.ge [sflag:s12], $0x1000  }
0x82: {  	[sflag:s12] =	ssyncset.done $0x0  }
0x83: {  	[sflag:s12] =	ssyncadd.s32 $0xFFFFF000  }
0x84: {  	_ =	swait.ge [sflag:s13], $0x1000  }
0x85: {  	[sflag:s13] =	ssyncset.done $0x0  }
0x86: {  	[sflag:s13] =	ssyncadd.s32 $0xFFFFF000  }
0x87: {  	_ =	swait.ge [sflag:s15], $0x1000  }
0x88: {  	[sflag:s15] =	ssyncset.done $0x0  }
0x89: {  	[sflag:s15] =	ssyncadd.s32 $0xFFFFF000  }
0x8a: {  	[bflag:$0x0] =	sbarrier.arrive $0xFFFF  }
0x8b: {  	s25 =	sor.u32 $0x1C11, s26;
	s28 =	rddreg [dreg:$0xa]  }
0x8c: {  	[hbm:s28], [sflag:s25] =	dma.local [spmem:s19], $0xA00  }
0x8d: {  	_ =	swait.ge [sflag:s16], $0xA00  }
0x8e: {  	s17 =	sadd.s32 $0x1, s17;
	s29 =	rddreg [dreg:$0xb]  }
0x8f: {  	p1 =	sne.s32 s17, s29  }
.Ltmp2:
0x90: {  	_ = 	snop;
	(pc) =	sbr.rel @p1 .LBB2_1-.Ltmp2, $3  }
0x91: {  	_ =	sdelay $0x1  }
0x92: {  	[sflag:s16] =	ssyncset.done $0x0  }
0x93: {  	[sflag:s16] =	ssyncadd.s32 $0xFFFFF600  }
0x94: {  	_ =	sfence.sel $0x180000  }
0x95: {  	[bflag:$0x0] =	sbarrier.arrive $0xFFFF  }
0x96: {  	_ =	strace $0x9000004A  }
0x97: {  	s0 =	stileid.u32;
	[bflag:$0x2] =	sbarrier.arrive $0xFFFF  }
0x98: {  	p0 =	sne.s32 s0, $0x0;
	s0 =	rddreg [dreg:$0x4]  }
0x99: {  	s0 =	sadd.s32 @!p0 $0x100000, s0  }
0x9a: {  	[sflag:s0] =	ssyncadd.tile.s32 @!p0 $0x1;
	_ =	shalt  }
.Lfunc_end2:
_tile_overlayer_lowered:
.L_overlay_start_2:
0x9b: {  	(tag) =	ssettag $0x2  }
0x9c: {  	s0 =	rddreg [dreg:$0x0];
	s2 =	stileid.u32  }
0x9d: {  	s1 =	rddreg [dreg:$0x1];
	p0 =	sne.s32 s2, $0x0  }
0x9e: {  	s3 =	rddreg [dreg:$0x2];
	[bflag:$0x3] =	sbarrier.arrive $0xFFFF;
	s2 =	simm.s32 @!p0 $0x1C11  }
0x9f: {  	[timem:s3], [sflag:s2] =	dma.local @!p0 [hbm:s0], s1  }
0xa0: {  	s0 =	simm.s32 @!p0 $0x11  }
0xa1: {  	_ =	swait.ge @!p0 [sflag:s0], s1  }
0xa2: {  	s1 =	ssub.s32 @!p0 $0x0, s1;
	[sflag:s0] =	ssyncset.done @!p0 $0x0  }
0xa3: {  	[sflag:s0] =	ssyncadd.s32 @!p0 s1  }
0xa4: {  	[bflag:$0x3] =	sbarrier.arrive $0xFFFF  }
0xa5: {  	_ =	shalt  }

// kernel: kernel.16.cloned.1.call-start
scs
__scs_entry_jumppad:
0x0: {  	(pc) =	sbr.rel $0x88, $3  }
0x1: {  	(tag) =	ssettag $0x0;
	lr =	simm.s32 $0x1  }
0x2: {  	[smem:$0x3F95] =	sst lr;
	_ =	strace $0xD0000000  }
0x3: {  	_ = 	snop  }
0x4: {  	_ = 	snop  }
0x5: {  	_ = 	snop  }
0x6: {  	_ = 	snop  }
0x7: {  	_ = 	snop  }
__scs_overlays_trampoline_lowered:
0x8: {  	[smem:$0x3FA4] =	sst s0  }
0x9: {  	[smem:$0x3FA5] =	sst s1  }
0xa: {  	[smem:$0x3FA6] =	sst s2  }
0xb: {  	[smem:$0x3FA7] =	sst s3  }
0xc: {  	[smem:$0x3FA8] =	sst s4  }
0xd: {  	[smem:$0x3FA9] =	sst s5  }
0xe: {  	[smem:$0x3FAA] =	sst s6  }
0xf: {  	[smem:$0x3FAB] =	sst s7  }
0x10: {  	[smem:$0x3FAC] =	sst s8  }
0x11: {  	[smem:$0x3FAD] =	sst s9;
	s0 =	simm.s32 @!p0 $0x0  }
0x12: {  	s1 =	sld [smem:$0x3F93];
	s0 =	simm.s32 @p0 $0x1  }
0x13: {  	[smem:$0x3FAE] =	sst s0;
	s0 =	simm.s32 @!p1 $0x0  }
0x14: {  	s2 =	sld [smem:$0x3F92];
	s0 =	simm.s32 @p1 $0x1  }
0x15: {  	[smem:$0x3FAF] =	sst s0;
	s0 =	simm.s32 @!p2 $0x0  }
0x16: {  	s3 =	sld [smem:$0x3FDB];
	s0 =	simm.s32 @p2 $0x1  }
0x17: {  	s4 =	simm.s32 $0x1BF5;
	[smem:$0x3FB1] =	sst s0  }
0x18: {  	s0 =	sld [smem:$0x3F94];
	_ =	swait.ge [sflag:s4], $0x0  }
0x19: {  	s7 =	sld [smem:$0x3F95]  }
0x1a: {  	s8 =	sadd.s32 $0xFFFFE003, lr  }
0x1b: {  	s9 =	sadd.s32 $0xFFFFFEF7, lr;
	s5 =	simm.s32 $0xFFFFFFFF;
	p2 =	slt.u32 s8, $0xFFFFF086  }
0x1c: {  	p1 =	slt.u32 s9, $0xF7A;
	s5 =	simm.s32 @!p2 $0x0  }
0x1d: {  	s5 =	simm.s32 @p1 $0x1;
	p0 =	seq.s32 s7, s2  }
0x1e: {  	s7 =	smul.u32 @!p0 $0xF7A, s2;
	p2 =	seq.s32 @!p0 s5, $0x0  }
0x1f: {  	s9 =	smul.u32 $0xF7A, s1;
	s8 =	simm.s32 @!p0 $0x1BF5;
	p2 =	por !p2, p0  }
0x20: {  	[sflag:s8] =	ssyncset.s32 @!p0 $0xFFFFF086;
	s6 =	sadd.s32 @!p0 s3, s7;
	s7 =	simm.s32 @!p0 $0x108  }
0x21: {  	s3 =	sadd.s32 s3, s9;
	s6 =	sadd.s32 @!p0 $0x88, s6;
	s7 =	simm.s32 @p2 $0x1082  }
0x22: {  	[simem:s7], [sflag:s8] =	dma.local @!p0 [hbm:s6], $0xF7A  }
0x23: {  	s9 =	sor.u32 $0xD0000000, s2;
	s6 =	simm.s32 $0x108;
	_ =	swait.ge @!p0 [sflag:s8], $0x0  }
0x24: {  	s3 =	sadd.s32 $0x88, s3;
	s6 =	simm.s32 @!p1 $0x1082;
	[sflag:s4] =	ssyncset.s32 $0xFFFFF086  }
0x25: {  	[simem:s6], [sflag:s4] =	dma.local [hbm:s3], $0xF7A  }
0x26: {  	[smem:$0x3F95] =	sst s1;
	(tag) =	ssettag s2;
	_ =	strace s9  }
0x27: {  	s1 =	sld [smem:$0x3FA5]  }
0x28: {  	s2 =	sld [smem:$0x3FA6]  }
0x29: {  	s4 =	sld [smem:$0x3FA8]  }
0x2a: {  	p0 =	seq.s32 s5, $0x0;
	s5 =	sld [smem:$0x3FA9]  }
0x2b: {  	s6 =	sld [smem:$0x3FAA]  }
0x2c: {  	s7 =	sld [smem:$0x3FAB]  }
0x2d: {  	s3 =	simm.s32 $0x108;
	s8 =	sld [smem:$0x3FAC]  }
0x2e: {  	s3 =	simm.s32 @!p0 $0x1082;
	s9 =	sld [smem:$0x3FAD]  }
0x2f: {  	lr =	sadd.s32 s0, s3;
	s0 =	sld [smem:$0x3FA4]  }
0x30: {  	s3 =	sld [smem:$0x3FA7]  }
0x31: {  	[smem:$0x3FB0] =	sst s10  }
0x32: {  	s10 =	sld [smem:$0x3FAE];
	_ =	sdelay $0x3  }
0x33: {  	p0 =	seq.s32 s10, $0x1;
	s10 =	sld [smem:$0x3FB0];
	_ =	sdelay $0x3  }
0x34: {  	[smem:$0x3FB0] =	sst s10  }
0x35: {  	s10 =	sld [smem:$0x3FAF];
	_ =	sdelay $0x3  }
0x36: {  	p1 =	seq.s32 s10, $0x1;
	s10 =	sld [smem:$0x3FB0];
	_ =	sdelay $0x3  }
0x37: {  	[smem:$0x3FB0] =	sst s10  }
0x38: {  	s10 =	sld [smem:$0x3FB1]  }
0x39: {  	_ = 	snop;
	(pc) =	sbr.ind lr, $3  }
0x3a: {  	_ = 	snop  }
0x3b: {  	_ = 	snop  }
0x3c: {  	p2 =	seq.s32 s10, $0x1;
	s10 =	sld [smem:$0x3FB0]  }
0x3d: {  	_ =	shalt  }
0x3e: {  	_ =	shalt  }
0x3f: {  	_ =	shalt  }
0x40: {  	_ =	shalt  }
0x41: {  	_ =	shalt  }
0x42: {  	_ =	shalt  }
0x43: {  	_ =	shalt  }
0x44: {  	_ =	shalt  }
0x45: {  	_ =	shalt  }
0x46: {  	_ =	shalt  }
0x47: {  	_ =	shalt  }
0x48: {  	_ =	shalt  }
0x49: {  	_ =	shalt  }
0x4a: {  	_ =	shalt  }
0x4b: {  	_ =	shalt  }
0x4c: {  	_ =	shalt  }
0x4d: {  	_ =	shalt  }
0x4e: {  	_ =	shalt  }
0x4f: {  	_ =	shalt  }
0x50: {  	_ =	shalt  }
0x51: {  	_ =	shalt  }
0x52: {  	_ =	shalt  }
0x53: {  	_ =	shalt  }
0x54: {  	_ =	shalt  }
0x55: {  	_ =	shalt  }
0x56: {  	_ =	shalt  }
0x57: {  	_ =	shalt  }
0x58: {  	_ =	shalt  }
0x59: {  	_ =	shalt  }
0x5a: {  	_ =	shalt  }
0x5b: {  	_ =	shalt  }
0x5c: {  	_ =	shalt  }
0x5d: {  	_ =	shalt  }
0x5e: {  	_ =	shalt  }
0x5f: {  	_ =	shalt  }
0x60: {  	_ =	shalt  }
0x61: {  	_ =	shalt  }
0x62: {  	_ =	shalt  }
0x63: {  	_ =	shalt  }
0x64: {  	_ =	shalt  }
0x65: {  	_ =	shalt  }
0x66: {  	_ =	shalt  }
0x67: {  	_ =	shalt  }
0x68: {  	_ =	shalt  }
0x69: {  	_ =	shalt  }
0x6a: {  	_ =	shalt  }
0x6b: {  	_ =	shalt  }
0x6c: {  	_ =	shalt  }
0x6d: {  	_ =	shalt  }
0x6e: {  	_ =	shalt  }
0x6f: {  	_ =	shalt  }
0x70: {  	_ =	shalt  }
0x71: {  	_ =	shalt  }
0x72: {  	_ =	shalt  }
0x73: {  	_ =	shalt  }
0x74: {  	_ =	shalt  }
0x75: {  	_ =	shalt  }
0x76: {  	_ =	shalt  }
0x77: {  	_ =	shalt  }
0x78: {  	_ =	shalt  }
0x79: {  	_ =	shalt  }
0x7a: {  	_ =	shalt  }
0x7b: {  	_ =	shalt  }
0x7c: {  	_ =	shalt  }
0x7d: {  	_ =	shalt  }
0x7e: {  	_ =	shalt  }
0x7f: {  	_ =	shalt  }
0x80: {  	_ =	shalt  }
0x81: {  	_ =	shalt  }
0x82: {  	_ =	shalt  }
0x83: {  	_ =	shalt  }
0x84: {  	_ =	shalt  }
0x85: {  	_ =	shalt  }
0x86: {  	_ =	shalt  }
0x87: {  	_ =	shalt  }
.Lfunc_end0:
.L_simem_size_0:
called_computation.2_lowered:
.L_overlay_start_0:
0x88: {  	s2 =	sld [smem:$0x3FD9]  }
0x89: {  	s3 =	sld [smem:$0x3FFE];
	_ =	sdelay $0x1  }
0x8a: {  	s1 =	srdreg.scid  }
0x8b: {  	s0 =	sand.u32 $0x1, s1  }
0x8c: {  	s17 =	sshll.u32 s0, $0xA;
	s2 =	sadd.s32 s3, s2  }
0x8d: {  	s2 =	sadd.s32 s2, s17  }
0x8e: {  	[smem:$0x3FBC] =	sst s2  }
0x8f: {  	_ = 	snop  }
0x90: {  	s2 =	sld [smem:$0x3FD0];
	(tm) =	ssettm $0x1  }
0x91: {  	s18 =	sld [smem:$0x3FFB];
	_ =	sdelay $0x3  }
0x92: {  	_ =	strace s18  }
0x93: {  	s3 =	sld [smem:$0x3FFC];
	_ =	sdelay $0x3  }
0x94: {  	_ =	strace s3  }
0x95: {  	s3 =	sld [smem:$0x3FFD];
	_ =	sdelay $0x3  }
0x96: {  	_ =	strace s3  }
0x97: {  	_ =	strace $0x8FFFFFFF  }
0x98: {  	s19 =	sld [smem:$0x3FDB];
	_ =	sdelay $0x1  }
0x99: {  	s4 =	simm.s32 $_scs_section_size  }
0x9a: {  	s5 =	simm.s32 $_size__tile_overlayer_lowered;
	s6 =	simm.s32 $_tile_overlayer_lowered  }
0x9b: {  	s22 =	simm.s32 $0x1BFF;
	s21 =	sshll.u32 s6, $0x1;
	s3 =	sadd.s32 s4, s19  }
0x9c: {  	s7 =	simm.s32 $0x0;
	s20 =	sshll.u32 s5, $0x1;
	s5 =	sadd.s32 s21, s3  }
0x9d: {  	[timem:s7], [sflag:s22] =	dma.local [hbm:s5], s20  }
0x9e: {  	_ =	swait.ge [sflag:s22], s20  }
0x9f: {  	s4 =	ssub.s32 $0x0, s20;
	[sflag:s22] =	ssyncset.done $0x0  }
0xa0: {  	[sflag:s22] =	ssyncadd.s32 s4;
	_ =	sdelay $0x1  }
0xa1: {  	s23 =	simm.s32 $0x1B8B  }
0xa2: {  	_ =	swait.ge [sflag:s23], $0x1  }
0xa3: {  	[sflag:s23] =	ssyncset.done $0x0  }
0xa4: {  	s25 =	simm.s32 $0x1B8E;
	s24 =	sld [smem:$0x3FFE];
	[sflag:s23] =	ssyncadd.s32 $0xFFFFFFFF  }
0xa5: {  	s26 =	simm.s32 $execute0_lowered;
	[smem:$0x3FD2] =	sst s25  }
0xa6: {  	s5 =	sshll.u32 s26, $0x1;
	_ =	strace $0x8000004C;
	[dreg:$0x1] =	wrdreg $0xFFFFFFFF  }
0xa7: {  	s28 =	simm.s32 $_size_execute0_lowered;
	s3 =	sadd.s32 s3, s5;
	[dreg:$0x0] =	wrdreg $0x0  }
0xa8: {  	s5 =	sshll.u32 s28, $0x1;
	[dreg:$0x2] =	wrdreg s3  }
0xa9: {  	[dreg:$0x3] =	wrdreg s5  }
0xaa: {  	[dreg:$0x4] =	wrdreg $0xC0  }
0xab: {  	_ =	task [dreg:s7], $0x5FFFF  }
0xac: {  	[dreg:$0x1] =	wrdreg $0xFFFFFFFF  }
0xad: {  	[dreg:$0x0] =	wrdreg $0x60  }
0xae: {  	[dreg:$0x2] =	wrdreg s24  }
0xaf: {  	[dreg:$0x3] =	wrdreg s2  }
0xb0: {  	[dreg:$0x4] =	wrdreg $0x11F000  }
0xb1: {  	[dreg:$0x5] =	wrdreg $0xCF000  }
0xb2: {  	[dreg:$0x6] =	wrdreg $0x9  }
0xb3: {  	_ =	task.clear_ibuf [dreg:s7], $0x7FFFF;
	_ =	strace $0x9000004C  }
0xb4: {  	s29 =	simm.s32 $0x9;
	_ =	strace $0x8000004E  }
0xb5: {  	_ =	swait.ge [sflag:s29], $0x1  }
0xb6: {  	[sflag:s29] =	ssyncadd.s32 $0xFFFFFFFF  }
0xb7: {  	_ =	strace $0x9000004E  }
0xb8: {  	_ =	sfence  }
0xb9: {  	s30 =	sld [smem:$0x0];
	_ =	sdelay $0x2  }
0xba: {  	s31 =	sshll.u32 s1, $0xD;
	s1 =	sshrl.u32 s1, $0x2  }
0xbb: {  	s3 =	sand.u32 $0x4000, s31;
	s1 =	sadd.s32 s1, s30  }
0xbc: {  	s0 =	sor.u32 s3, s0;
	s1 =	sshll.u32 s1, $0x11  }
0xbd: {  	s0 =	sor.u32 s1, s0  }
0xbe: {  	s0 =	sadd.s32 $0x8F2B, s0  }
0xbf: {  	[sflag:s0] =	ssyncadd.remote.s32 $0x1  }
0xc0: {  	_ =	sfence.sel $0xFFFF  }
0xc1: {  	[dreg:$0x0] =	wrdreg $0xFFFFFFFF;
	(pc) =	sbr.abs _section_cstart, $3  }
0xc2: {  	[dreg:$0x1] =	wrdreg $0xFFFFFFFF  }
0xc3: {  	_ =	task.clear_ibuf [dreg:s7], $0x2FFFF;
	_ =	strace $0x9FFFFFFF  }
0xc4: {  	(tm) =	ssettm $0x7FFFFFFF  }
0xc5: {  	_ =	shalt  }
tec
execute0_lowered:
.L_overlay_start_1:
0x0: {  	(tag) =	ssettag $0x1  }
0x1: {  	s0 =	rddreg [dreg:$0x0]  }
0x2: {  	s1 =	rddreg [dreg:$0x1];
	s3 =	srdreg.scid  }
0x3: {  	s12 =	stileid.u32;
	s2 =	rddreg [dreg:$0x2]  }
0x4: {  	s19 =	simm.s32 $0x0;
	s31 =	simm.s32 $0x1;
	s30 =	simm.s32 $0x80  }
0x5: {  	s6 =	sand.u32 $0x1, s3;
	s4 =	sshll.u32 s12, $0x1;
	s3 =	rddreg [dreg:$0x3]  }
0x6: {  	[smem:$0x7FF] =	sst s19;
	s8 =	smul.u32 $0x5000, s12;
	p0 =	slt.u32 s12, $0x2  }
0x7: {  	s5 =	sor.u32 s6, s4;
	_ =	strace $0x8000004D;
	s11 =	smul.u32 $0x50000, s6  }
0x8: {  	s9 =	ssub.s32 $0x2, s6;
	s7 =	smul.u32 $0x4E, s5;
	s5 =	smin.u32 s5, $0x4  }
0x9: {  	s20 =	sshrl.u32 s8, $0x3;
	s21 =	sshrl.u32 s9, $0x1;
	s23 =	sadd.s32 s8, s3  }
0xa: {  	s22 =	ssub.s32 s9, s21;
	s9 =	sadd.s32 s8, s2;
	s5 =	sadd.s32 s5, s7  }
0xb: {  	[dreg:$0x5] =	wrdreg s23;
	s28 =	sadd.s32 s8, s11;
	s5 =	sshll.u32 s5, $0x4  }
0xc: {  	s8 =	simm.s32 $0xA;
	s10 =	sadd.s32 s5, s0;
	s5 =	simm.s32 $0x4F  }
0xd: {  	s0 =	sadd.s32 s20, s0;
	s5 =	simm.s32 @!p0 $0x4E;
	s24 =	sadd.s32 $0x4400, s10  }
0xe: {  	s6 =	sadd.s32 $0x17E00, s0;
	s25 =	sadd.s32 $0xE040, s10;
	[dreg:$0x6] =	wrdreg s24  }
0xf: {  	s26 =	sadd.s32 $0x48E0, s10;
	s29 =	sadd.s32 $0xE520, s10;
	[dreg:$0x7] =	wrdreg s25  }
0x10: {  	s0 =	sshrl.u32 s28, $0x3;
	s10 =	smax.u32 s22, $0x1;
	[dreg:$0x8] =	wrdreg s26  }
0x11: {  	p0 =	sgt.u32 s12, $0x1;
	s28 =	sshrl.u32 s9, $0x3;
	[dreg:$0x9] =	wrdreg s29  }
0x12: {  	s9 =	simm.s32 $0xB;
	s4 =	sadd.s32 $0xFFFFFFFD, s5;
	[dreg:$0xb] =	wrdreg s10  }
0x13: {  	s0 =	sadd.s32 s1, s0;
	s15 =	sadd.s32 $0xFFFFFFFE, s5;
	[dreg:$0x15] =	wrdreg s28  }
0x14: {  	s21 =	sadd.s32 $0xFFFFFFFF, s5;
	s10 =	simm.s32 $0xC;
	[dreg:$0xa] =	wrdreg s0  }
0x15: {  	s11 =	sand.u32 $0x7, s4;
	s16 =	sshll.u32 s4, $0x7;
	s17 =	sand.u32 $0x5, s15  }
0x16: {  	s20 =	sshll.u32 s15, $0x7;
	s23 =	sand.u32 $0x7, s21;
	s7 =	sshll.u32 s21, $0x7  }
0x17: {  	s15 =	simm.s32 $0x10;
	s14 =	sadd.s32 $0x1, s11;
	s13 =	sshll.u32 s11, $0xC  }
0x18: {  	s0 =	sadd.s32 $0x9, s11;
	s18 =	sadd.s32 $0x1, s17;
	s19 =	sshll.u32 s17, $0xC  }
0x19: {  	s22 =	sadd.s32 $0x2780, s20;
	s24 =	sadd.s32 $0x9, s17;
	[dreg:$0xe] =	wrdreg s0  }
0x1a: {  	s25 =	sshll.u32 s23, $0xC;
	s26 =	sadd.s32 $0x2780, s7;
	[dreg:$0x10] =	wrdreg s22  }
0x1b: {  	s7 =	simm.s32 $0x9;
	s11 =	simm.s32 $0xD;
	[dreg:$0x11] =	wrdreg s24  }
0x1c: {  	s17 =	simm.s32 $0x0;
	s1 =	sadd.s32 $0x4F00, s13;
	[dreg:$0x13] =	wrdreg s26  }
0x1d: {  	s0 =	sadd.s32 $0x4F00, s19;
	s24 =	sadd.s32 $0x1, s23;
	[dreg:$0xc] =	wrdreg s1  }
0x1e: {  	s26 =	sshll.u32 s12, $0x6;
	s1 =	sadd.s32 $0x2780, s16;
	[dreg:$0xf] =	wrdreg s0  }
0x1f: {  	s12 =	simm.s32 $0xE;
	s0 =	sadd.s32 $0x9, s23;
	[dreg:$0xd] =	wrdreg s1  }
0x20: {  	s13 =	simm.s32 $0xF;
	s29 =	sor.u32 $0x1C01, s26;
	[dreg:$0x14] =	wrdreg s0  }
0x21: {  	s16 =	simm.s32 $0x11;
	s1 =	sadd.s32 $0x4F00, s25;
	[dreg:$0x16] =	wrdreg s29  }
0x22: {  	s0 =	simm.s32 $0x4;
	[dreg:$0x12] =	wrdreg s1;
	s1 =	simm.s32 $0x2  }
.LBB2_1:
0x23: {  	s4 =	rddreg [dreg:$0x15]  }
0x24: {  	s19 =	rddreg [dreg:$0x16]  }
0x25: {  	[spmem:s4], [sflag:s19] =	dma.local [hbm:s6], $0xA00  }
0x26: {  	s4 =	rddreg [dreg:$0x5]  }
0x27: {  	s20 =	sor.u32 $0x1C02, s26;
	s19 =	sshrl.u32 s4, $0x3  }
0x28: {  	[spmem:s19], [sflag:s20] =	dma.local [hbm:s6], $0xA00  }
0x29: {  	s4 =	simm.s32 $0x0;
	s20 =	rddreg [dreg:$0x6]  }
0x2a: {  	[tilespmem:s4], [sflag:$0x3] =	stream.linear.gather [hbm4b:s20+s4], $0x2700, $0x38;
	[tilespmem:$0x16F00] =	vst v63  }
0x2b: {  	s21 =	simm.s32 $0x2780;
	s23 =	rddreg [dreg:$0x7]  }
0x2c: {  	[tilespmem:s21], [sflag:$0x4] =	stream.linear.gather [hbm4b:s23+s4], $0x2700, $0x38;
	[tilespmem:$0x16F00] =	vst v63  }
0x2d: {  	s22 =	rddreg [dreg:$0x8];
	s20 =	simm.s32 @!p0 $0x0;
	s21 =	simm.s32 @!p0 $0x2700  }
0x2e: {  	[tilespmem:s21], [sflag:$0x11] =	stream.linear.gather @!p0 [hbm4b:s22+s20], $0x80, $0x38;
	[tilespmem:$0x16F00] =	vst v63  }
0x2f: {  	s21 =	simm.s32 @!p0 $0x11  }
0x30: {  	_ =	swait.ge @!p0 [sflag:s21], $0x80  }
0x31: {  	[sflag:s21] =	ssyncset.done @!p0 $0x0  }
0x32: {  	s22 =	simm.s32 @!p0 $0x4E80;
	s23 =	rddreg [dreg:$0x9];
	[sflag:s21] =	ssyncadd.s32 @!p0 $0xFFFFFF80  }
0x33: {  	[tilespmem:s22], [sflag:$0x11] =	stream.linear.gather @!p0 [hbm4b:s23+s20], $0x80, $0x38;
	[tilespmem:$0x16F00] =	vst v63  }
0x34: {  	_ =	swait.ge @!p0 [sflag:s21], $0x80  }
0x35: {  	[sflag:s21] =	ssyncset.done @!p0 $0x0  }
0x36: {  	[sflag:s21] =	ssyncadd.s32 @!p0 $0xFFFFFF80  }
0x37: {  	_ =	swait.ge [sflag:s31], $0xA00  }
0x38: {  	[sflag:s31] =	ssyncset.done $0x0  }
0x39: {  	[sflag:s31] =	ssyncadd.s32 $0xFFFFF600  }
0x3a: {  	_ =	swait.ge [sflag:s1], $0xA00  }
0x3b: {  	[sflag:s1] =	ssyncset.done $0x0  }
0x3c: {  	s22 =	simm.s32 $0x3;
	[sflag:s1] =	ssyncadd.s32 $0xFFFFF600  }
0x3d: {  	_ =	swait.ge [sflag:s22], $0x2700  }
0x3e: {  	[sflag:s22] =	ssyncset.done $0x0  }
0x3f: {  	[sflag:s22] =	ssyncadd.s32 $0xFFFFD900  }
0x40: {  	_ =	swait.ge [sflag:s0], $0x2700  }
0x41: {  	[sflag:s0] =	ssyncset.done $0x0  }
0x42: {  	[sflag:s0] =	ssyncadd.s32 $0xFFFFD900  }
0x43: {  	s25 =	simm.s32 $0x4F00;
	[bflag:$0x0] =	sbarrier.arrive $0xFFFF  }
0x44: {  	[tilespmem:s25], [sflag:$0x1] =	stream.indirect.gather [spmem:s2], $0x20, s4, s30, $0xb8;
	[tilespmem:$0x16F00] =	vst v63  }
0x45: {  	s21 =	simm.s32 $0x5F00  }
0x46: {  	[tilespmem:s21], [sflag:$0x2] =	stream.indirect.gather [spmem:s2], $0x20, s30, s30, $0xb8;
	[tilespmem:$0x16F00] =	vst v63  }
0x47: {  	p1 =	por $0x1, $0x1;
	s23 =	simm.s32 $0x100;
	s25 =	simm.s32 $0x6F00  }
0x48: {  	[tilespmem:s25], [sflag:$0x3] =	stream.indirect.gather [spmem:s2], $0x20, s23, s30, $0xb8;
	[tilespmem:$0x16F00] =	vst v63  }
0x49: {  	s23 =	sand.u32 @!p1 $0x7, s22  }
0x4a: {  	s28 =	simm.s32 $0x0;
	s25 =	sadd.s32 @!p1 $0x9, s23  }
0x4b: {  	s29 =	sand.u32 $0x7, s28;
	s20 =	simm.s32 $0x180;
	_ =	swait.ge @!p1 [sflag:s25], $0x1000  }
0x4c: {  	s4 =	sshll.u32 s29, $0xC;
	s23 =	smov.u32 @p1 s22;
	[sflag:s25] =	ssyncset.done @!p1 $0x0  }
0x4d: {  	s22 =	sshll.u32 s23, $0xC;
	[sflag:s25] =	ssyncadd.s32 @!p1 $0xFFFFF000;
	p1 =	sne.s32 s5, $0x4  }
.Ltmp0:
0x4e: {  	s28 =	sadd.s32 $0x4F00, s4;
	s22 =	sand.u32 $0x3FFFF000, s22;
	(pc) =	sbr.rel @!p1 .LBB2_3-.Ltmp0, $4  }
0x4f: {  	s23 =	sadd.s32 $0x1, s23;
	s22 =	sadd.s32 $0x4F00, s22;
	s25 =	sadd.s32 $0x1, s29  }
0x50: {  	[tilespmem:s22], [sflag:s23] =	stream.indirect.gather [spmem:s2], $0x20, s20, s30, $0xb8;
	[tilespmem:$0x16F00] =	vst v63  }
0x51: {  	s21 =	simm.s32 $0x4;
	s29 =	sadd.s32 $0x9, s29;
	_ =	swait.ge [sflag:s25], $0x1000  }
0x52: {  	s22 =	simm.s32 $0x2800;
	s23 =	simm.s32 $0x2780;
	[sflag:s25] =	ssyncset.done $0x0  }
.LBB2_2:
0x53: {  	[sflag:s25] =	ssyncadd.s32 $0xFFFFF000  }
0x54: {  	s20 =	sadd.s32 $0x80, s20;
	s25 =	smov.u32 s21;
	s21 =	sadd.s32 $0x1, s21  }
0x55: {  	[spmem:s3] =	stream.indirect.scatter.add.f32 [tilespmem:s28], [sflag:s29], $0x20, s23, s30, $0xb8;
	[tilespmem:$0x16F00] =	vst v63  }
0x56: {  	p2 =	slt.u32 s25, $0x8  }
0x57: {  	p1 =	sne.s32 s5, s21;
	s23 =	smov.u32 s22;
	s28 =	sand.u32 @!p2 $0x7, s25  }
0x58: {  	s29 =	sadd.s32 @!p2 $0x9, s28;
	s28 =	smov.u32 @p2 s25  }
0x59: {  	s4 =	sshll.u32 s28, $0xC  }
0x5a: {  	s28 =	sadd.s32 $0x1, s28;
	_ =	swait.ge @!p2 [sflag:s29], $0x1000;
	s4 =	sand.u32 $0x3FFFF000, s4  }
0x5b: {  	s25 =	sadd.s32 $0xFFFFFFFD, s25;
	[sflag:s29] =	ssyncset.done @!p2 $0x0;
	s4 =	sadd.s32 $0x4F00, s4  }
.Ltmp1:
0x5c: {  	[sflag:s29] =	ssyncadd.s32 @!p2 $0xFFFFF000;
	s29 =	sand.u32 $0x7, s25;
	(pc) =	sbr.rel @p1 .LBB2_2-.Ltmp1, $4  }
0x5d: {  	[tilespmem:s4], [sflag:s28] =	stream.indirect.gather [spmem:s2], $0x20, s20, s30, $0xb8;
	[tilespmem:$0x16F00] =	vst v63  }
0x5e: {  	s25 =	sadd.s32 $0x1, s29;
	s4 =	sshll.u32 s29, $0xC  }
0x5f: {  	s22 =	sadd.s32 $0x80, s22;
	_ =	swait.ge [sflag:s25], $0x1000  }
0x60: {  	s29 =	sadd.s32 $0x9, s29;
	s28 =	sadd.s32 $0x4F00, s4;
	[sflag:s25] =	ssyncset.done $0x0  }
.LBB2_3:
0x61: {  	[sflag:s25] =	ssyncadd.s32 $0xFFFFF000  }
0x62: {  	[spmem:s3] =	stream.indirect.scatter.add.f32 [tilespmem:s28], [sflag:s29], $0x20, s23, s30, $0xb8;
	[tilespmem:$0x16F00] =	vst v63  }
0x63: {  	_ =	swait.ge [sflag:s14], $0x1000  }
0x64: {  	s4 =	rddreg [dreg:$0xc]  }
0x65: {  	[sflag:s14] =	ssyncset.done $0x0;
	s20 =	rddreg [dreg:$0xd]  }
0x66: {  	s21 =	rddreg [dreg:$0xe];
	[sflag:s14] =	ssyncadd.s32 $0xFFFFF000  }
0x67: {  	[spmem:s3] =	stream.indirect.scatter.add.f32 [tilespmem:s4], [sflag:s21], $0x20, s20, s30, $0xb8;
	[tilespmem:$0x16F00] =	vst v63  }
0x68: {  	_ =	swait.ge [sflag:s18], $0x1000  }
0x69: {  	s25 =	rddreg [dreg:$0xf]  }
0x6a: {  	[sflag:s18] =	ssyncset.done $0x0;
	s28 =	rddreg [dreg:$0x10]  }
0x6b: {  	s29 =	rddreg [dreg:$0x11];
	[sflag:s18] =	ssyncadd.s32 $0xFFFFF000  }
0x6c: {  	[spmem:s3] =	stream.indirect.scatter.add.f32 [tilespmem:s25], [sflag:s29], $0x20, s28, s30, $0xb8;
	[tilespmem:$0x16F00] =	vst v63  }
0x6d: {  	_ =	swait.ge [sflag:s24], $0x1000  }
0x6e: {  	s21 =	rddreg [dreg:$0x12]  }
0x6f: {  	[sflag:s24] =	ssyncset.done $0x0;
	s22 =	rddreg [dreg:$0x13]  }
0x70: {  	s23 =	rddreg [dreg:$0x14];
	[sflag:s24] =	ssyncadd.s32 $0xFFFFF000  }
0x71: {  	[spmem:s3] =	stream.indirect.scatter.add.f32 [tilespmem:s21], [sflag:s23], $0x20, s22, s30, $0xb8;
	[tilespmem:$0x16F00] =	vst v63  }
0x72: {  	_ =	swait.ge [sflag:s7], $0x1000  }
0x73: {  	[sflag:s7] =	ssyncset.done $0x0  }
0x74: {  	[sflag:s7] =	ssyncadd.s32 $0xFFFFF000  }
0x75: {  	_ =	swait.ge [sflag:s8], $0x1000  }
0x76: {  	[sflag:s8] =	ssyncset.done $0x0  }
0x77: {  	[sflag:s8] =	ssyncadd.s32 $0xFFFFF000  }
0x78: {  	_ =	swait.ge [sflag:s9], $0x1000  }
0x79: {  	[sflag:s9] =	ssyncset.done $0x0  }
0x7a: {  	[sflag:s9] =	ssyncadd.s32 $0xFFFFF000  }
0x7b: {  	_ =	swait.ge [sflag:s10], $0x1000  }
0x7c: {  	[sflag:s10] =	ssyncset.done $0x0  }
0x7d: {  	[sflag:s10] =	ssyncadd.s32 $0xFFFFF000  }
0x7e: {  	_ =	swait.ge [sflag:s11], $0x1000  }
0x7f: {  	[sflag:s11] =	ssyncset.done $0x0  }
0x80: {  	[sflag:s11] =	ssyncadd.s32 $0xFFFFF000  }
0x81: {  	_ =	swait.ge [sflag:s12], $0x1000  }
0x82: {  	[sflag:s12] =	ssyncset.done $0x0  }
0x83: {  	[sflag:s12] =	ssyncadd.s32 $0xFFFFF000  }
0x84: {  	_ =	swait.ge [sflag:s13], $0x1000  }
0x85: {  	[sflag:s13] =	ssyncset.done $0x0  }
0x86: {  	[sflag:s13] =	ssyncadd.s32 $0xFFFFF000  }
0x87: {  	_ =	swait.ge [sflag:s15], $0x1000  }
0x88: {  	[sflag:s15] =	ssyncset.done $0x0  }
0x89: {  	[sflag:s15] =	ssyncadd.s32 $0xFFFFF000  }
0x8a: {  	[bflag:$0x0] =	sbarrier.arrive $0xFFFF  }
0x8b: {  	s25 =	sor.u32 $0x1C11, s26;
	s28 =	rddreg [dreg:$0xa]  }
0x8c: {  	[hbm:s28], [sflag:s25] =	dma.local [spmem:s19], $0xA00  }
0x8d: {  	_ =	swait.ge [sflag:s16], $0xA00  }
0x8e: {  	s17 =	sadd.s32 $0x1, s17;
	s29 =	rddreg [dreg:$0xb]  }
0x8f: {  	p1 =	sne.s32 s17, s29  }
.Ltmp2:
0x90: {  	_ = 	snop;
	(pc) =	sbr.rel @p1 .LBB2_1-.Ltmp2, $3  }
0x91: {  	_ =	sdelay $0x1  }
0x92: {  	[sflag:s16] =	ssyncset.done $0x0  }
0x93: {  	[sflag:s16] =	ssyncadd.s32 $0xFFFFF600  }
0x94: {  	_ =	sfence.sel $0x180000  }
0x95: {  	[bflag:$0x0] =	sbarrier.arrive $0xFFFF  }
0x96: {  	_ =	strace $0x9000004D  }
0x97: {  	s0 =	stileid.u32;
	[bflag:$0x2] =	sbarrier.arrive $0xFFFF  }
0x98: {  	p0 =	sne.s32 s0, $0x0;
	s0 =	rddreg [dreg:$0x4]  }
0x99: {  	s0 =	sadd.s32 @!p0 $0x100000, s0  }
0x9a: {  	[sflag:s0] =	ssyncadd.tile.s32 @!p0 $0x1;
	_ =	shalt  }
.Lfunc_end2:
_tile_overlayer_lowered:
.L_overlay_start_2:
0x9b: {  	(tag) =	ssettag $0x2  }
0x9c: {  	s0 =	rddreg [dreg:$0x0];
	s2 =	stileid.u32  }
0x9d: {  	s1 =	rddreg [dreg:$0x1];
	p0 =	sne.s32 s2, $0x0  }
0x9e: {  	s3 =	rddreg [dreg:$0x2];
	[bflag:$0x3] =	sbarrier.arrive $0xFFFF;
	s2 =	simm.s32 @!p0 $0x1C11  }
0x9f: {  	[timem:s3], [sflag:s2] =	dma.local @!p0 [hbm:s0], s1  }
0xa0: {  	s0 =	simm.s32 @!p0 $0x11  }
0xa1: {  	_ =	swait.ge @!p0 [sflag:s0], s1  }
0xa2: {  	s1 =	ssub.s32 @!p0 $0x0, s1;
	[sflag:s0] =	ssyncset.done @!p0 $0x0  }
0xa3: {  	[sflag:s0] =	ssyncadd.s32 @!p0 s1  }
0xa4: {  	[bflag:$0x3] =	sbarrier.arrive $0xFFFF  }
0xa5: {  	_ =	shalt  }

// kernel: kernel.19.cloned.1.call-start
scs
__scs_entry_jumppad:
0x0: {  	(pc) =	sbr.rel $0x88, $3  }
0x1: {  	(tag) =	ssettag $0x0;
	lr =	simm.s32 $0x1  }
0x2: {  	[smem:$0x3F95] =	sst lr;
	_ =	strace $0xD0000000  }
0x3: {  	_ = 	snop  }
0x4: {  	_ = 	snop  }
0x5: {  	_ = 	snop  }
0x6: {  	_ = 	snop  }
0x7: {  	_ = 	snop  }
__scs_overlays_trampoline_lowered:
0x8: {  	[smem:$0x3FA4] =	sst s0  }
0x9: {  	[smem:$0x3FA5] =	sst s1  }
0xa: {  	[smem:$0x3FA6] =	sst s2  }
0xb: {  	[smem:$0x3FA7] =	sst s3  }
0xc: {  	[smem:$0x3FA8] =	sst s4  }
0xd: {  	[smem:$0x3FA9] =	sst s5  }
0xe: {  	[smem:$0x3FAA] =	sst s6  }
0xf: {  	[smem:$0x3FAB] =	sst s7  }
0x10: {  	[smem:$0x3FAC] =	sst s8  }
0x11: {  	[smem:$0x3FAD] =	sst s9;
	s0 =	simm.s32 @!p0 $0x0  }
0x12: {  	s1 =	sld [smem:$0x3F93];
	s0 =	simm.s32 @p0 $0x1  }
0x13: {  	[smem:$0x3FAE] =	sst s0;
	s0 =	simm.s32 @!p1 $0x0  }
0x14: {  	s2 =	sld [smem:$0x3F92];
	s0 =	simm.s32 @p1 $0x1  }
0x15: {  	[smem:$0x3FAF] =	sst s0;
	s0 =	simm.s32 @!p2 $0x0  }
0x16: {  	s3 =	sld [smem:$0x3FDB];
	s0 =	simm.s32 @p2 $0x1  }
0x17: {  	s4 =	simm.s32 $0x1BF5;
	[smem:$0x3FB1] =	sst s0  }
0x18: {  	s0 =	sld [smem:$0x3F94];
	_ =	swait.ge [sflag:s4], $0x0  }
0x19: {  	s7 =	sld [smem:$0x3F95]  }
0x1a: {  	s8 =	sadd.s32 $0xFFFFE003, lr  }
0x1b: {  	s9 =	sadd.s32 $0xFFFFFEF7, lr;
	s5 =	simm.s32 $0xFFFFFFFF;
	p2 =	slt.u32 s8, $0xFFFFF086  }
0x1c: {  	p1 =	slt.u32 s9, $0xF7A;
	s5 =	simm.s32 @!p2 $0x0  }
0x1d: {  	s5 =	simm.s32 @p1 $0x1;
	p0 =	seq.s32 s7, s2  }
0x1e: {  	s7 =	smul.u32 @!p0 $0xF7A, s2;
	p2 =	seq.s32 @!p0 s5, $0x0  }
0x1f: {  	s9 =	smul.u32 $0xF7A, s1;
	s8 =	simm.s32 @!p0 $0x1BF5;
	p2 =	por !p2, p0  }
0x20: {  	[sflag:s8] =	ssyncset.s32 @!p0 $0xFFFFF086;
	s6 =	sadd.s32 @!p0 s3, s7;
	s7 =	simm.s32 @!p0 $0x108  }
0x21: {  	s3 =	sadd.s32 s3, s9;
	s6 =	sadd.s32 @!p0 $0x88, s6;
	s7 =	simm.s32 @p2 $0x1082  }
0x22: {  	[simem:s7], [sflag:s8] =	dma.local @!p0 [hbm:s6], $0xF7A  }
0x23: {  	s9 =	sor.u32 $0xD0000000, s2;
	s6 =	simm.s32 $0x108;
	_ =	swait.ge @!p0 [sflag:s8], $0x0  }
0x24: {  	s3 =	sadd.s32 $0x88, s3;
	s6 =	simm.s32 @!p1 $0x1082;
	[sflag:s4] =	ssyncset.s32 $0xFFFFF086  }
0x25: {  	[simem:s6], [sflag:s4] =	dma.local [hbm:s3], $0xF7A  }
0x26: {  	[smem:$0x3F95] =	sst s1;
	(tag) =	ssettag s2;
	_ =	strace s9  }
0x27: {  	s1 =	sld [smem:$0x3FA5]  }
0x28: {  	s2 =	sld [smem:$0x3FA6]  }
0x29: {  	s4 =	sld [smem:$0x3FA8]  }
0x2a: {  	p0 =	seq.s32 s5, $0x0;
	s5 =	sld [smem:$0x3FA9]  }
0x2b: {  	s6 =	sld [smem:$0x3FAA]  }
0x2c: {  	s7 =	sld [smem:$0x3FAB]  }
0x2d: {  	s3 =	simm.s32 $0x108;
	s8 =	sld [smem:$0x3FAC]  }
0x2e: {  	s3 =	simm.s32 @!p0 $0x1082;
	s9 =	sld [smem:$0x3FAD]  }
0x2f: {  	lr =	sadd.s32 s0, s3;
	s0 =	sld [smem:$0x3FA4]  }
0x30: {  	s3 =	sld [smem:$0x3FA7]  }
0x31: {  	[smem:$0x3FB0] =	sst s10  }
0x32: {  	s10 =	sld [smem:$0x3FAE];
	_ =	sdelay $0x3  }
0x33: {  	p0 =	seq.s32 s10, $0x1;
	s10 =	sld [smem:$0x3FB0];
	_ =	sdelay $0x3  }
0x34: {  	[smem:$0x3FB0] =	sst s10  }
0x35: {  	s10 =	sld [smem:$0x3FAF];
	_ =	sdelay $0x3  }
0x36: {  	p1 =	seq.s32 s10, $0x1;
	s10 =	sld [smem:$0x3FB0];
	_ =	sdelay $0x3  }
0x37: {  	[smem:$0x3FB0] =	sst s10  }
0x38: {  	s10 =	sld [smem:$0x3FB1]  }
0x39: {  	_ = 	snop;
	(pc) =	sbr.ind lr, $3  }
0x3a: {  	_ = 	snop  }
0x3b: {  	_ = 	snop  }
0x3c: {  	p2 =	seq.s32 s10, $0x1;
	s10 =	sld [smem:$0x3FB0]  }
0x3d: {  	_ =	shalt  }
0x3e: {  	_ =	shalt  }
0x3f: {  	_ =	shalt  }
0x40: {  	_ =	shalt  }
0x41: {  	_ =	shalt  }
0x42: {  	_ =	shalt  }
0x43: {  	_ =	shalt  }
0x44: {  	_ =	shalt  }
0x45: {  	_ =	shalt  }
0x46: {  	_ =	shalt  }
0x47: {  	_ =	shalt  }
0x48: {  	_ =	shalt  }
0x49: {  	_ =	shalt  }
0x4a: {  	_ =	shalt  }
0x4b: {  	_ =	shalt  }
0x4c: {  	_ =	shalt  }
0x4d: {  	_ =	shalt  }
0x4e: {  	_ =	shalt  }
0x4f: {  	_ =	shalt  }
0x50: {  	_ =	shalt  }
0x51: {  	_ =	shalt  }
0x52: {  	_ =	shalt  }
0x53: {  	_ =	shalt  }
0x54: {  	_ =	shalt  }
0x55: {  	_ =	shalt  }
0x56: {  	_ =	shalt  }
0x57: {  	_ =	shalt  }
0x58: {  	_ =	shalt  }
0x59: {  	_ =	shalt  }
0x5a: {  	_ =	shalt  }
0x5b: {  	_ =	shalt  }
0x5c: {  	_ =	shalt  }
0x5d: {  	_ =	shalt  }
0x5e: {  	_ =	shalt  }
0x5f: {  	_ =	shalt  }
0x60: {  	_ =	shalt  }
0x61: {  	_ =	shalt  }
0x62: {  	_ =	shalt  }
0x63: {  	_ =	shalt  }
0x64: {  	_ =	shalt  }
0x65: {  	_ =	shalt  }
0x66: {  	_ =	shalt  }
0x67: {  	_ =	shalt  }
0x68: {  	_ =	shalt  }
0x69: {  	_ =	shalt  }
0x6a: {  	_ =	shalt  }
0x6b: {  	_ =	shalt  }
0x6c: {  	_ =	shalt  }
0x6d: {  	_ =	shalt  }
0x6e: {  	_ =	shalt  }
0x6f: {  	_ =	shalt  }
0x70: {  	_ =	shalt  }
0x71: {  	_ =	shalt  }
0x72: {  	_ =	shalt  }
0x73: {  	_ =	shalt  }
0x74: {  	_ =	shalt  }
0x75: {  	_ =	shalt  }
0x76: {  	_ =	shalt  }
0x77: {  	_ =	shalt  }
0x78: {  	_ =	shalt  }
0x79: {  	_ =	shalt  }
0x7a: {  	_ =	shalt  }
0x7b: {  	_ =	shalt  }
0x7c: {  	_ =	shalt  }
0x7d: {  	_ =	shalt  }
0x7e: {  	_ =	shalt  }
0x7f: {  	_ =	shalt  }
0x80: {  	_ =	shalt  }
0x81: {  	_ =	shalt  }
0x82: {  	_ =	shalt  }
0x83: {  	_ =	shalt  }
0x84: {  	_ =	shalt  }
0x85: {  	_ =	shalt  }
0x86: {  	_ =	shalt  }
0x87: {  	_ =	shalt  }
.Lfunc_end0:
.L_simem_size_0:
called_computation.3_lowered:
.L_overlay_start_0:
0x88: {  	s2 =	sld [smem:$0x3FD9]  }
0x89: {  	s3 =	sld [smem:$0x3FFE];
	_ =	sdelay $0x1  }
0x8a: {  	s1 =	srdreg.scid  }
0x8b: {  	s0 =	sand.u32 $0x1, s1  }
0x8c: {  	s17 =	sshll.u32 s0, $0xA;
	s2 =	sadd.s32 s3, s2  }
0x8d: {  	s2 =	sadd.s32 s2, s17  }
0x8e: {  	[smem:$0x3FBC] =	sst s2  }
0x8f: {  	_ = 	snop  }
0x90: {  	s2 =	sld [smem:$0x3FD0];
	(tm) =	ssettm $0x1  }
0x91: {  	s18 =	sld [smem:$0x3FFB];
	_ =	sdelay $0x3  }
0x92: {  	_ =	strace s18  }
0x93: {  	s3 =	sld [smem:$0x3FFC];
	_ =	sdelay $0x3  }
0x94: {  	_ =	strace s3  }
0x95: {  	s3 =	sld [smem:$0x3FFD];
	_ =	sdelay $0x3  }
0x96: {  	_ =	strace s3  }
0x97: {  	_ =	strace $0x8FFFFFFF  }
0x98: {  	s19 =	sld [smem:$0x3FDB];
	_ =	sdelay $0x1  }
0x99: {  	s4 =	simm.s32 $_scs_section_size  }
0x9a: {  	s5 =	simm.s32 $_size__tile_overlayer_lowered;
	s6 =	simm.s32 $_tile_overlayer_lowered  }
0x9b: {  	s22 =	simm.s32 $0x1BFF;
	s21 =	sshll.u32 s6, $0x1;
	s3 =	sadd.s32 s4, s19  }
0x9c: {  	s7 =	simm.s32 $0x0;
	s20 =	sshll.u32 s5, $0x1;
	s5 =	sadd.s32 s21, s3  }
0x9d: {  	[timem:s7], [sflag:s22] =	dma.local [hbm:s5], s20  }
0x9e: {  	_ =	swait.ge [sflag:s22], s20  }
0x9f: {  	s4 =	ssub.s32 $0x0, s20;
	[sflag:s22] =	ssyncset.done $0x0  }
0xa0: {  	[sflag:s22] =	ssyncadd.s32 s4;
	_ =	sdelay $0x1  }
0xa1: {  	s23 =	simm.s32 $0x1B8B  }
0xa2: {  	_ =	swait.ge [sflag:s23], $0x1  }
0xa3: {  	[sflag:s23] =	ssyncset.done $0x0  }
0xa4: {  	s25 =	simm.s32 $0x1B8E;
	s24 =	sld [smem:$0x3FFE];
	[sflag:s23] =	ssyncadd.s32 $0xFFFFFFFF  }
0xa5: {  	s26 =	simm.s32 $execute0_lowered;
	[smem:$0x3FD2] =	sst s25  }
0xa6: {  	s5 =	sshll.u32 s26, $0x1;
	_ =	strace $0x8000004F;
	[dreg:$0x1] =	wrdreg $0xFFFFFFFF  }
0xa7: {  	s28 =	simm.s32 $_size_execute0_lowered;
	s3 =	sadd.s32 s3, s5;
	[dreg:$0x0] =	wrdreg $0x0  }
0xa8: {  	s5 =	sshll.u32 s28, $0x1;
	[dreg:$0x2] =	wrdreg s3  }
0xa9: {  	[dreg:$0x3] =	wrdreg s5  }
0xaa: {  	[dreg:$0x4] =	wrdreg $0xC0  }
0xab: {  	_ =	task [dreg:s7], $0x5FFFF  }
0xac: {  	[dreg:$0x1] =	wrdreg $0xFFFFFFFF  }
0xad: {  	[dreg:$0x0] =	wrdreg $0x60  }
0xae: {  	[dreg:$0x2] =	wrdreg s24  }
0xaf: {  	[dreg:$0x3] =	wrdreg s2  }
0xb0: {  	[dreg:$0x4] =	wrdreg $0x11F000  }
0xb1: {  	[dreg:$0x5] =	wrdreg $0xCF000  }
0xb2: {  	[dreg:$0x6] =	wrdreg $0x9  }
0xb3: {  	_ =	task.clear_ibuf [dreg:s7], $0x7FFFF;
	_ =	strace $0x9000004F  }
0xb4: {  	s29 =	simm.s32 $0x9;
	_ =	strace $0x80000051  }
0xb5: {  	_ =	swait.ge [sflag:s29], $0x1  }
0xb6: {  	[sflag:s29] =	ssyncadd.s32 $0xFFFFFFFF  }
0xb7: {  	_ =	strace $0x90000051  }
0xb8: {  	_ =	sfence  }
0xb9: {  	s30 =	sld [smem:$0x0];
	_ =	sdelay $0x2  }
0xba: {  	s31 =	sshll.u32 s1, $0xD;
	s1 =	sshrl.u32 s1, $0x2  }
0xbb: {  	s3 =	sand.u32 $0x4000, s31;
	s1 =	sadd.s32 s1, s30  }
0xbc: {  	s0 =	sor.u32 s3, s0;
	s1 =	sshll.u32 s1, $0x11  }
0xbd: {  	s0 =	sor.u32 s1, s0  }
0xbe: {  	s0 =	sadd.s32 $0x8F2B, s0  }
0xbf: {  	[sflag:s0] =	ssyncadd.remote.s32 $0x1  }
0xc0: {  	_ =	sfence.sel $0xFFFF  }
0xc1: {  	[dreg:$0x0] =	wrdreg $0xFFFFFFFF;
	(pc) =	sbr.abs _section_cstart, $3  }
0xc2: {  	[dreg:$0x1] =	wrdreg $0xFFFFFFFF  }
0xc3: {  	_ =	task.clear_ibuf [dreg:s7], $0x2FFFF;
	_ =	strace $0x9FFFFFFF  }
0xc4: {  	(tm) =	ssettm $0x7FFFFFFF  }
0xc5: {  	_ =	shalt  }
tec
execute0_lowered:
.L_overlay_start_1:
0x0: {  	(tag) =	ssettag $0x1  }
0x1: {  	s0 =	rddreg [dreg:$0x0]  }
0x2: {  	s1 =	rddreg [dreg:$0x1];
	s3 =	srdreg.scid  }
0x3: {  	s12 =	stileid.u32;
	s2 =	rddreg [dreg:$0x2]  }
0x4: {  	s19 =	simm.s32 $0x0;
	s31 =	simm.s32 $0x1;
	s30 =	simm.s32 $0x80  }
0x5: {  	s6 =	sand.u32 $0x1, s3;
	s4 =	sshll.u32 s12, $0x1;
	s3 =	rddreg [dreg:$0x3]  }
0x6: {  	[smem:$0x7FF] =	sst s19;
	s8 =	smul.u32 $0x5000, s12;
	p0 =	slt.u32 s12, $0x2  }
0x7: {  	s5 =	sor.u32 s6, s4;
	_ =	strace $0x80000050;
	s11 =	smul.u32 $0x50000, s6  }
0x8: {  	s9 =	ssub.s32 $0x2, s6;
	s7 =	smul.u32 $0x4E, s5;
	s5 =	smin.u32 s5, $0x4  }
0x9: {  	s20 =	sshrl.u32 s8, $0x3;
	s21 =	sshrl.u32 s9, $0x1;
	s23 =	sadd.s32 s8, s3  }
0xa: {  	s22 =	ssub.s32 s9, s21;
	s9 =	sadd.s32 s8, s2;
	s5 =	sadd.s32 s5, s7  }
0xb: {  	[dreg:$0x5] =	wrdreg s23;
	s28 =	sadd.s32 s8, s11;
	s5 =	sshll.u32 s5, $0x4  }
0xc: {  	s8 =	simm.s32 $0xA;
	s10 =	sadd.s32 s5, s0;
	s5 =	simm.s32 $0x4F  }
0xd: {  	s0 =	sadd.s32 s20, s0;
	s5 =	simm.s32 @!p0 $0x4E;
	s24 =	sadd.s32 $0x4400, s10  }
0xe: {  	s6 =	sadd.s32 $0x17E00, s0;
	s25 =	sadd.s32 $0xE040, s10;
	[dreg:$0x6] =	wrdreg s24  }
0xf: {  	s26 =	sadd.s32 $0x48E0, s10;
	s29 =	sadd.s32 $0xE520, s10;
	[dreg:$0x7] =	wrdreg s25  }
0x10: {  	s0 =	sshrl.u32 s28, $0x3;
	s10 =	smax.u32 s22, $0x1;
	[dreg:$0x8] =	wrdreg s26  }
0x11: {  	p0 =	sgt.u32 s12, $0x1;
	s28 =	sshrl.u32 s9, $0x3;
	[dreg:$0x9] =	wrdreg s29  }
0x12: {  	s9 =	simm.s32 $0xB;
	s4 =	sadd.s32 $0xFFFFFFFD, s5;
	[dreg:$0xb] =	wrdreg s10  }
0x13: {  	s0 =	sadd.s32 s1, s0;
	s15 =	sadd.s32 $0xFFFFFFFE, s5;
	[dreg:$0x15] =	wrdreg s28  }
0x14: {  	s21 =	sadd.s32 $0xFFFFFFFF, s5;
	s10 =	simm.s32 $0xC;
	[dreg:$0xa] =	wrdreg s0  }
0x15: {  	s11 =	sand.u32 $0x7, s4;
	s16 =	sshll.u32 s4, $0x7;
	s17 =	sand.u32 $0x5, s15  }
0x16: {  	s20 =	sshll.u32 s15, $0x7;
	s23 =	sand.u32 $0x7, s21;
	s7 =	sshll.u32 s21, $0x7  }
0x17: {  	s15 =	simm.s32 $0x10;
	s14 =	sadd.s32 $0x1, s11;
	s13 =	sshll.u32 s11, $0xC  }
0x18: {  	s0 =	sadd.s32 $0x9, s11;
	s18 =	sadd.s32 $0x1, s17;
	s19 =	sshll.u32 s17, $0xC  }
0x19: {  	s22 =	sadd.s32 $0x2780, s20;
	s24 =	sadd.s32 $0x9, s17;
	[dreg:$0xe] =	wrdreg s0  }
0x1a: {  	s25 =	sshll.u32 s23, $0xC;
	s26 =	sadd.s32 $0x2780, s7;
	[dreg:$0x10] =	wrdreg s22  }
0x1b: {  	s7 =	simm.s32 $0x9;
	s11 =	simm.s32 $0xD;
	[dreg:$0x11] =	wrdreg s24  }
0x1c: {  	s17 =	simm.s32 $0x0;
	s1 =	sadd.s32 $0x4F00, s13;
	[dreg:$0x13] =	wrdreg s26  }
0x1d: {  	s0 =	sadd.s32 $0x4F00, s19;
	s24 =	sadd.s32 $0x1, s23;
	[dreg:$0xc] =	wrdreg s1  }
0x1e: {  	s26 =	sshll.u32 s12, $0x6;
	s1 =	sadd.s32 $0x2780, s16;
	[dreg:$0xf] =	wrdreg s0  }
0x1f: {  	s12 =	simm.s32 $0xE;
	s0 =	sadd.s32 $0x9, s23;
	[dreg:$0xd] =	wrdreg s1  }
0x20: {  	s13 =	simm.s32 $0xF;
	s29 =	sor.u32 $0x1C01, s26;
	[dreg:$0x14] =	wrdreg s0  }
0x21: {  	s16 =	simm.s32 $0x11;
	s1 =	sadd.s32 $0x4F00, s25;
	[dreg:$0x16] =	wrdreg s29  }
0x22: {  	s0 =	simm.s32 $0x4;
	[dreg:$0x12] =	wrdreg s1;
	s1 =	simm.s32 $0x2  }
.LBB2_1:
0x23: {  	s4 =	rddreg [dreg:$0x15]  }
0x24: {  	s19 =	rddreg [dreg:$0x16]  }
0x25: {  	[spmem:s4], [sflag:s19] =	dma.local [hbm:s6], $0xA00  }
0x26: {  	s4 =	rddreg [dreg:$0x5]  }
0x27: {  	s20 =	sor.u32 $0x1C02, s26;
	s19 =	sshrl.u32 s4, $0x3  }
0x28: {  	[spmem:s19], [sflag:s20] =	dma.local [hbm:s6], $0xA00  }
0x29: {  	s4 =	simm.s32 $0x0;
	s20 =	rddreg [dreg:$0x6]  }
0x2a: {  	[tilespmem:s4], [sflag:$0x3] =	stream.linear.gather [hbm4b:s20+s4], $0x2700, $0x38;
	[tilespmem:$0x16F00] =	vst v63  }
0x2b: {  	s21 =	simm.s32 $0x2780;
	s23 =	rddreg [dreg:$0x7]  }
0x2c: {  	[tilespmem:s21], [sflag:$0x4] =	stream.linear.gather [hbm4b:s23+s4], $0x2700, $0x38;
	[tilespmem:$0x16F00] =	vst v63  }
0x2d: {  	s22 =	rddreg [dreg:$0x8];
	s20 =	simm.s32 @!p0 $0x0;
	s21 =	simm.s32 @!p0 $0x2700  }
0x2e: {  	[tilespmem:s21], [sflag:$0x11] =	stream.linear.gather @!p0 [hbm4b:s22+s20], $0x80, $0x38;
	[tilespmem:$0x16F00] =	vst v63  }
0x2f: {  	s21 =	simm.s32 @!p0 $0x11  }
0x30: {  	_ =	swait.ge @!p0 [sflag:s21], $0x80  }
0x31: {  	[sflag:s21] =	ssyncset.done @!p0 $0x0  }
0x32: {  	s22 =	simm.s32 @!p0 $0x4E80;
	s23 =	rddreg [dreg:$0x9];
	[sflag:s21] =	ssyncadd.s32 @!p0 $0xFFFFFF80  }
0x33: {  	[tilespmem:s22], [sflag:$0x11] =	stream.linear.gather @!p0 [hbm4b:s23+s20], $0x80, $0x38;
	[tilespmem:$0x16F00] =	vst v63  }
0x34: {  	_ =	swait.ge @!p0 [sflag:s21], $0x80  }
0x35: {  	[sflag:s21] =	ssyncset.done @!p0 $0x0  }
0x36: {  	[sflag:s21] =	ssyncadd.s32 @!p0 $0xFFFFFF80  }
0x37: {  	_ =	swait.ge [sflag:s31], $0xA00  }
0x38: {  	[sflag:s31] =	ssyncset.done $0x0  }
0x39: {  	[sflag:s31] =	ssyncadd.s32 $0xFFFFF600  }
0x3a: {  	_ =	swait.ge [sflag:s1], $0xA00  }
0x3b: {  	[sflag:s1] =	ssyncset.done $0x0  }
0x3c: {  	s22 =	simm.s32 $0x3;
	[sflag:s1] =	ssyncadd.s32 $0xFFFFF600  }
0x3d: {  	_ =	swait.ge [sflag:s22], $0x2700  }
0x3e: {  	[sflag:s22] =	ssyncset.done $0x0  }
0x3f: {  	[sflag:s22] =	ssyncadd.s32 $0xFFFFD900  }
0x40: {  	_ =	swait.ge [sflag:s0], $0x2700  }
0x41: {  	[sflag:s0] =	ssyncset.done $0x0  }
0x42: {  	[sflag:s0] =	ssyncadd.s32 $0xFFFFD900  }
0x43: {  	s25 =	simm.s32 $0x4F00;
	[bflag:$0x0] =	sbarrier.arrive $0xFFFF  }
0x44: {  	[tilespmem:s25], [sflag:$0x1] =	stream.indirect.gather [spmem:s2], $0x20, s4, s30, $0xb8;
	[tilespmem:$0x16F00] =	vst v63  }
0x45: {  	s21 =	simm.s32 $0x5F00  }
0x46: {  	[tilespmem:s21], [sflag:$0x2] =	stream.indirect.gather [spmem:s2], $0x20, s30, s30, $0xb8;
	[tilespmem:$0x16F00] =	vst v63  }
0x47: {  	p1 =	por $0x1, $0x1;
	s23 =	simm.s32 $0x100;
	s25 =	simm.s32 $0x6F00  }
0x48: {  	[tilespmem:s25], [sflag:$0x3] =	stream.indirect.gather [spmem:s2], $0x20, s23, s30, $0xb8;
	[tilespmem:$0x16F00] =	vst v63  }
0x49: {  	s23 =	sand.u32 @!p1 $0x7, s22  }
0x4a: {  	s28 =	simm.s32 $0x0;
	s25 =	sadd.s32 @!p1 $0x9, s23  }
0x4b: {  	s29 =	sand.u32 $0x7, s28;
	s20 =	simm.s32 $0x180;
	_ =	swait.ge @!p1 [sflag:s25], $0x1000  }
0x4c: {  	s4 =	sshll.u32 s29, $0xC;
	s23 =	smov.u32 @p1 s22;
	[sflag:s25] =	ssyncset.done @!p1 $0x0  }
0x4d: {  	s22 =	sshll.u32 s23, $0xC;
	[sflag:s25] =	ssyncadd.s32 @!p1 $0xFFFFF000;
	p1 =	sne.s32 s5, $0x4  }
.Ltmp0:
0x4e: {  	s28 =	sadd.s32 $0x4F00, s4;
	s22 =	sand.u32 $0x3FFFF000, s22;
	(pc) =	sbr.rel @!p1 .LBB2_3-.Ltmp0, $4  }
0x4f: {  	s23 =	sadd.s32 $0x1, s23;
	s22 =	sadd.s32 $0x4F00, s22;
	s25 =	sadd.s32 $0x1, s29  }
0x50: {  	[tilespmem:s22], [sflag:s23] =	stream.indirect.gather [spmem:s2], $0x20, s20, s30, $0xb8;
	[tilespmem:$0x16F00] =	vst v63  }
0x51: {  	s21 =	simm.s32 $0x4;
	s29 =	sadd.s32 $0x9, s29;
	_ =	swait.ge [sflag:s25], $0x1000  }
0x52: {  	s22 =	simm.s32 $0x2800;
	s23 =	simm.s32 $0x2780;
	[sflag:s25] =	ssyncset.done $0x0  }
.LBB2_2:
0x53: {  	[sflag:s25] =	ssyncadd.s32 $0xFFFFF000  }
0x54: {  	s20 =	sadd.s32 $0x80, s20;
	s25 =	smov.u32 s21;
	s21 =	sadd.s32 $0x1, s21  }
0x55: {  	[spmem:s3] =	stream.indirect.scatter.add.f32 [tilespmem:s28], [sflag:s29], $0x20, s23, s30, $0xb8;
	[tilespmem:$0x16F00] =	vst v63  }
0x56: {  	p2 =	slt.u32 s25, $0x8  }
0x57: {  	p1 =	sne.s32 s5, s21;
	s23 =	smov.u32 s22;
	s28 =	sand.u32 @!p2 $0x7, s25  }
0x58: {  	s29 =	sadd.s32 @!p2 $0x9, s28;
	s28 =	smov.u32 @p2 s25  }
0x59: {  	s4 =	sshll.u32 s28, $0xC  }
0x5a: {  	s28 =	sadd.s32 $0x1, s28;
	_ =	swait.ge @!p2 [sflag:s29], $0x1000;
	s4 =	sand.u32 $0x3FFFF000, s4  }
0x5b: {  	s25 =	sadd.s32 $0xFFFFFFFD, s25;
	[sflag:s29] =	ssyncset.done @!p2 $0x0;
	s4 =	sadd.s32 $0x4F00, s4  }
.Ltmp1:
0x5c: {  	[sflag:s29] =	ssyncadd.s32 @!p2 $0xFFFFF000;
	s29 =	sand.u32 $0x7, s25;
	(pc) =	sbr.rel @p1 .LBB2_2-.Ltmp1, $4  }
0x5d: {  	[tilespmem:s4], [sflag:s28] =	stream.indirect.gather [spmem:s2], $0x20, s20, s30, $0xb8;
	[tilespmem:$0x16F00] =	vst v63  }
0x5e: {  	s25 =	sadd.s32 $0x1, s29;
	s4 =	sshll.u32 s29, $0xC  }
0x5f: {  	s22 =	sadd.s32 $0x80, s22;
	_ =	swait.ge [sflag:s25], $0x1000  }
0x60: {  	s29 =	sadd.s32 $0x9, s29;
	s28 =	sadd.s32 $0x4F00, s4;
	[sflag:s25] =	ssyncset.done $0x0  }
.LBB2_3:
0x61: {  	[sflag:s25] =	ssyncadd.s32 $0xFFFFF000  }
0x62: {  	[spmem:s3] =	stream.indirect.scatter.add.f32 [tilespmem:s28], [sflag:s29], $0x20, s23, s30, $0xb8;
	[tilespmem:$0x16F00] =	vst v63  }
0x63: {  	_ =	swait.ge [sflag:s14], $0x1000  }
0x64: {  	s4 =	rddreg [dreg:$0xc]  }
0x65: {  	[sflag:s14] =	ssyncset.done $0x0;
	s20 =	rddreg [dreg:$0xd]  }
0x66: {  	s21 =	rddreg [dreg:$0xe];
	[sflag:s14] =	ssyncadd.s32 $0xFFFFF000  }
0x67: {  	[spmem:s3] =	stream.indirect.scatter.add.f32 [tilespmem:s4], [sflag:s21], $0x20, s20, s30, $0xb8;
	[tilespmem:$0x16F00] =	vst v63  }
0x68: {  	_ =	swait.ge [sflag:s18], $0x1000  }
0x69: {  	s25 =	rddreg [dreg:$0xf]  }
0x6a: {  	[sflag:s18] =	ssyncset.done $0x0;
	s28 =	rddreg [dreg:$0x10]  }
0x6b: {  	s29 =	rddreg [dreg:$0x11];
	[sflag:s18] =	ssyncadd.s32 $0xFFFFF000  }
0x6c: {  	[spmem:s3] =	stream.indirect.scatter.add.f32 [tilespmem:s25], [sflag:s29], $0x20, s28, s30, $0xb8;
	[tilespmem:$0x16F00] =	vst v63  }
0x6d: {  	_ =	swait.ge [sflag:s24], $0x1000  }
0x6e: {  	s21 =	rddreg [dreg:$0x12]  }
0x6f: {  	[sflag:s24] =	ssyncset.done $0x0;
	s22 =	rddreg [dreg:$0x13]  }
0x70: {  	s23 =	rddreg [dreg:$0x14];
	[sflag:s24] =	ssyncadd.s32 $0xFFFFF000  }
0x71: {  	[spmem:s3] =	stream.indirect.scatter.add.f32 [tilespmem:s21], [sflag:s23], $0x20, s22, s30, $0xb8;
	[tilespmem:$0x16F00] =	vst v63  }
0x72: {  	_ =	swait.ge [sflag:s7], $0x1000  }
0x73: {  	[sflag:s7] =	ssyncset.done $0x0  }
0x74: {  	[sflag:s7] =	ssyncadd.s32 $0xFFFFF000  }
0x75: {  	_ =	swait.ge [sflag:s8], $0x1000  }
0x76: {  	[sflag:s8] =	ssyncset.done $0x0  }
0x77: {  	[sflag:s8] =	ssyncadd.s32 $0xFFFFF000  }
0x78: {  	_ =	swait.ge [sflag:s9], $0x1000  }
0x79: {  	[sflag:s9] =	ssyncset.done $0x0  }
0x7a: {  	[sflag:s9] =	ssyncadd.s32 $0xFFFFF000  }
0x7b: {  	_ =	swait.ge [sflag:s10], $0x1000  }
0x7c: {  	[sflag:s10] =	ssyncset.done $0x0  }
0x7d: {  	[sflag:s10] =	ssyncadd.s32 $0xFFFFF000  }
0x7e: {  	_ =	swait.ge [sflag:s11], $0x1000  }
0x7f: {  	[sflag:s11] =	ssyncset.done $0x0  }
0x80: {  	[sflag:s11] =	ssyncadd.s32 $0xFFFFF000  }
0x81: {  	_ =	swait.ge [sflag:s12], $0x1000  }
0x82: {  	[sflag:s12] =	ssyncset.done $0x0  }
0x83: {  	[sflag:s12] =	ssyncadd.s32 $0xFFFFF000  }
0x84: {  	_ =	swait.ge [sflag:s13], $0x1000  }
0x85: {  	[sflag:s13] =	ssyncset.done $0x0  }
0x86: {  	[sflag:s13] =	ssyncadd.s32 $0xFFFFF000  }
0x87: {  	_ =	swait.ge [sflag:s15], $0x1000  }
0x88: {  	[sflag:s15] =	ssyncset.done $0x0  }
0x89: {  	[sflag:s15] =	ssyncadd.s32 $0xFFFFF000  }
0x8a: {  	[bflag:$0x0] =	sbarrier.arrive $0xFFFF  }
0x8b: {  	s25 =	sor.u32 $0x1C11, s26;
	s28 =	rddreg [dreg:$0xa]  }
0x8c: {  	[hbm:s28], [sflag:s25] =	dma.local [spmem:s19], $0xA00  }
0x8d: {  	_ =	swait.ge [sflag:s16], $0xA00  }
0x8e: {  	s17 =	sadd.s32 $0x1, s17;
	s29 =	rddreg [dreg:$0xb]  }
0x8f: {  	p1 =	sne.s32 s17, s29  }
.Ltmp2:
0x90: {  	_ = 	snop;
	(pc) =	sbr.rel @p1 .LBB2_1-.Ltmp2, $3  }
0x91: {  	_ =	sdelay $0x1  }
0x92: {  	[sflag:s16] =	ssyncset.done $0x0  }
0x93: {  	[sflag:s16] =	ssyncadd.s32 $0xFFFFF600  }
0x94: {  	_ =	sfence.sel $0x180000  }
0x95: {  	[bflag:$0x0] =	sbarrier.arrive $0xFFFF  }
0x96: {  	_ =	strace $0x90000050  }
0x97: {  	s0 =	stileid.u32;
	[bflag:$0x2] =	sbarrier.arrive $0xFFFF  }
0x98: {  	p0 =	sne.s32 s0, $0x0;
	s0 =	rddreg [dreg:$0x4]  }
0x99: {  	s0 =	sadd.s32 @!p0 $0x100000, s0  }
0x9a: {  	[sflag:s0] =	ssyncadd.tile.s32 @!p0 $0x1;
	_ =	shalt  }
.Lfunc_end2:
_tile_overlayer_lowered:
.L_overlay_start_2:
0x9b: {  	(tag) =	ssettag $0x2  }
0x9c: {  	s0 =	rddreg [dreg:$0x0];
	s2 =	stileid.u32  }
0x9d: {  	s1 =	rddreg [dreg:$0x1];
	p0 =	sne.s32 s2, $0x0  }
0x9e: {  	s3 =	rddreg [dreg:$0x2];
	[bflag:$0x3] =	sbarrier.arrive $0xFFFF;
	s2 =	simm.s32 @!p0 $0x1C11  }
0x9f: {  	[timem:s3], [sflag:s2] =	dma.local @!p0 [hbm:s0], s1  }
0xa0: {  	s0 =	simm.s32 @!p0 $0x11  }
0xa1: {  	_ =	swait.ge @!p0 [sflag:s0], s1  }
0xa2: {  	s1 =	ssub.s32 @!p0 $0x0, s1;
	[sflag:s0] =	ssyncset.done @!p0 $0x0  }
0xa3: {  	[sflag:s0] =	ssyncadd.s32 @!p0 s1  }
0xa4: {  	[bflag:$0x3] =	sbarrier.arrive $0xFFFF  }
0xa5: {  	_ =	shalt  }

</sc_bundles>
